<compile_context>
chip_gen: v7x
topology: tpu7x:2x2x1
jax: 0.10.2.dev20260603
libtpu: 0.0.44.dev20260713+nightly
codegen_flags: <defaults>
</compile_context>

<pallas_src>
import functools

import jax
import jax.numpy as jnp
from jax import lax
from jax.experimental import pallas as pl
from jax.experimental.pallas import tpu as pltpu
from jax.experimental.pallas import tpu_sc as plsc

N = 10000
D = 128
G = 128
NC = 2
NS = 16
NW = NC * NS
N_PAD = 10240
RPT = N_PAD // NS
CHUNK = 64
CH = 160
GC = 40
NBUF = 4
CHUNKH = 128
CHH = 80
WD = 8
E_PAD = NW * CH * CHUNK


def _sc_mesh():
    return plsc.VectorSubcoreMesh(core_axis_name="c", subcore_axis_name="s",
                                  num_cores=NC, num_subcores=NS)



def _hist(sidx, didx, ones1, zero1):
    @functools.partial(
        pl.kernel,
        out_type=jax.ShapeDtypeStruct((2, NC, N_PAD), jnp.float32),
        mesh=_sc_mesh(),
        scratch_types=[
            pltpu.VMEM_SHARED((N_PAD,), jnp.float32),
            pltpu.VMEM_SHARED((N_PAD,), jnp.float32),
            pltpu.VMEM((CHUNKH,), jnp.float32),
            pltpu.VMEM((CHH, CHUNKH), jnp.int32),
            pltpu.VMEM((CHH, CHUNKH), jnp.int32),
        ],
    )
    def k(sidx_hbm, didx_hbm, ones_hbm, z_hbm, out_hbm, acc_o, acc_i, ones_v, sv, dv):
        c = lax.axis_index("c")
        s = lax.axis_index("s")
        w = s * NC + c
        row0 = s * RPT
        pltpu.sync_copy(z_hbm, acc_o.at[pl.ds(row0, RPT)])
        pltpu.sync_copy(z_hbm, acc_i.at[pl.ds(row0, RPT)])
        pltpu.sync_copy(ones_hbm, ones_v)
        pltpu.sync_copy(sidx_hbm.at[w], sv)
        pltpu.sync_copy(didx_hbm.at[w], dv)
        plsc.subcore_barrier()

        def body(j, carry):
            pltpu.sync_copy(ones_v, acc_o.at[sv.at[j]], add=True)
            pltpu.sync_copy(ones_v, acc_i.at[dv.at[j]], add=True)
            return carry

        lax.fori_loop(0, CHH, body, 0)
        plsc.subcore_barrier()
        pltpu.sync_copy(acc_o.at[pl.ds(row0, RPT)], out_hbm.at[0, c, pl.ds(row0, RPT)])
        pltpu.sync_copy(acc_i.at[pl.ds(row0, RPT)], out_hbm.at[1, c, pl.ds(row0, RPT)])

    return k(sidx, didx, ones1, zero1)



def _agg(h, sidx, didx, zrows):
    @functools.partial(
        pl.kernel,
        out_type=jax.ShapeDtypeStruct((NC, N_PAD, D), jnp.float32),
        mesh=_sc_mesh(),
        scratch_types=[
            pltpu.VMEM_SHARED((N_PAD, D), jnp.float32),
            pltpu.VMEM((GC, CHUNK), jnp.int32),
            pltpu.VMEM((GC, CHUNK), jnp.int32),
        ] + [pltpu.VMEM((CHUNK, D), jnp.float32)] * NBUF
          + [pltpu.SemaphoreType.DMA] * (2 * NBUF),
    )
    def k(h_hbm, sidx_hbm, didx_hbm, z_hbm, out_hbm, acc, sv, dv, *bufs):
        rows = bufs[:NBUF]
        gsem = bufs[NBUF:2 * NBUF]
        ssem = bufs[2 * NBUF:]
        c = lax.axis_index("c")
        s = lax.axis_index("s")
        w = s * NC + c
        row0 = s * RPT
        pltpu.sync_copy(z_hbm, acc.at[pl.ds(row0, RPT)])
        plsc.subcore_barrier()

        def group(g, carry):
            pltpu.sync_copy(sidx_hbm.at[w, pl.ds(g * GC, GC)], sv)
            pltpu.sync_copy(didx_hbm.at[w, pl.ds(g * GC, GC)], dv)
            for b in range(NBUF):
                pltpu.async_copy(h_hbm.at[sv.at[b]], rows[b], gsem[b])

            def body(jj, carry2):
                j0 = jj * NBUF
                for b in range(NBUF):
                    pltpu.make_async_copy(h_hbm.at[sv.at[0]], rows[b], gsem[b]).wait()
                    pltpu.async_copy(rows[b], acc.at[dv.at[j0 + b]], ssem[b], add=True)
                for b in range(NBUF):
                    pltpu.make_async_copy(rows[b], acc.at[dv.at[0]], ssem[b]).wait()
                    jn = jnp.minimum(j0 + NBUF + b, GC - 1)
                    pltpu.async_copy(h_hbm.at[sv.at[jn]], rows[b], gsem[b])
                return carry2

            lax.fori_loop(0, GC // NBUF, body, 0)
            for b in range(NBUF):
                pltpu.make_async_copy(h_hbm.at[sv.at[0]], rows[b], gsem[b]).wait()
            return carry

        lax.fori_loop(0, CH // GC, group, 0)
        plsc.subcore_barrier()
        pltpu.sync_copy(acc.at[pl.ds(row0, RPT)], out_hbm.at[c, pl.ds(row0, RPT)])

    return k(h, sidx, didx, zrows)




GP = G + 8


def _scpool(h2, ids_pad, zrows):
    ROWS = N_PAD // NW

    @functools.partial(
        pl.kernel,
        out_type=jax.ShapeDtypeStruct((NW, G, D), jnp.float32),
        mesh=_sc_mesh(),
        scratch_types=[
            pltpu.VMEM((ROWS, D), jnp.float32),
            pltpu.VMEM((ROWS,), jnp.int32),
            pltpu.VMEM((GP, D), jnp.float32),
        ],
        compiler_params=pltpu.CompilerParams(needs_layout_passes=False),
    )
    def k(h_hbm, ids_hbm, z_hbm, out_hbm, hv, iv, res):
        c = lax.axis_index("c")
        s = lax.axis_index("s")
        w = s * NC + c
        base = w * ROWS
        pltpu.sync_copy(h_hbm.at[pl.ds(base, ROWS)], hv)
        pltpu.sync_copy(ids_hbm.at[pl.ds(base, ROWS)], iv)
        pltpu.sync_copy(z_hbm.at[pl.ds(0, GP)], res)
        lanes = lax.broadcasted_iota(jnp.int32, (16,), 0)

        def outer(q, carry):
            base_r = q * 16
            for j in range(16):
                r = base_r + j
                gv = plsc.load_gather(iv, [jnp.full((16,), r, jnp.int32)])
                gv = jnp.where(gv < 0, G, gv)
                for cc in range(8):
                    col = lanes + cc * 16
                    cur = plsc.load_gather(res, [gv, col])
                    vals = hv[r, pl.ds(cc * 16, 16)]
                    plsc.store_scatter(res, [gv, col], jnp.maximum(cur, vals))
            return carry

        lax.fori_loop(0, ROWS // 16, outer, 0)
        pltpu.sync_copy(res.at[pl.ds(0, G)], out_hbm.at[w])

    return k(h2, ids_pad, zrows)



def _prep(x_pad, deg4t):
    BN = 1024

    def body(x_ref, d_ref, h0_ref, ns8_ref, nd8_ref):
        d = d_ref[...]
        od = d[:, 0:1] + d[:, 1:2]
        idg = d[:, 2:3] + d[:, 3:4]
        ns = jnp.where(od > 0, 1.0 / jnp.sqrt(jnp.maximum(od, 1.0)), 0.0)
        nd = jnp.where(idg > 0, 1.0 / jnp.sqrt(jnp.maximum(idg, 1.0)), 0.0)
        ns8_ref[...] = jnp.broadcast_to(ns, ns8_ref.shape)
        nd8_ref[...] = jnp.broadcast_to(nd, nd8_ref.shape)
        h0_ref[...] = x_ref[...] * ns

    return pl.pallas_call(
        body,
        grid=(N_PAD // BN,),
        in_specs=[
            pl.BlockSpec((BN, D), lambda i: (i, 0)),
            pl.BlockSpec((BN, 4), lambda i: (i, 0)),
        ],
        out_specs=[
            pl.BlockSpec((BN, D), lambda i: (i, 0)),
            pl.BlockSpec((BN, WD), lambda i: (i, 0)),
            pl.BlockSpec((BN, WD), lambda i: (i, 0)),
        ],
        out_shape=[
            jax.ShapeDtypeStruct((N_PAD, D), jnp.float32),
            jax.ShapeDtypeStruct((N_PAD, WD), jnp.float32),
            jax.ShapeDtypeStruct((N_PAD, WD), jnp.float32),
        ],
    )(x_pad, deg4t)



def _post(parts, nd8, W, b, g_ln, b_ln, ns8):
    BN = 512
    scale = ns8 is not None

    def body(p_ref, nd_ref, W_ref, b_ref, g_ref, bl_ref, *rest):
        if scale:
            ns_ref, o_ref = rest
        else:
            (o_ref,) = rest
        p = p_ref[...]
        y = (p[0] + p[1]) * nd_ref[...][:, 0:1]
        z = jnp.dot(y, W_ref[...], preferred_element_type=jnp.float32) + b_ref[...]
        m = jnp.mean(z, axis=1, keepdims=True)
        v = jnp.mean((z - m) ** 2, axis=1, keepdims=True)
        h = jnp.maximum((z - m) / jnp.sqrt(v + 1e-5) * g_ref[...] + bl_ref[...], 0.0)
        if scale:
            h = h * ns_ref[...][:, 0:1]
        o_ref[...] = h

    in_specs = [
        pl.BlockSpec((NC, BN, D), lambda i: (0, i, 0)),
        pl.BlockSpec((BN, WD), lambda i: (i, 0)),
        pl.BlockSpec((D, D), lambda i: (0, 0)),
        pl.BlockSpec((1, D), lambda i: (0, 0)),
        pl.BlockSpec((1, D), lambda i: (0, 0)),
        pl.BlockSpec((1, D), lambda i: (0, 0)),
    ]
    args = [parts, nd8, W, b, g_ln, b_ln]
    if scale:
        in_specs.append(pl.BlockSpec((BN, WD), lambda i: (i, 0)))
        args.append(ns8)
    return pl.pallas_call(
        body,
        grid=(N_PAD // BN,),
        in_specs=in_specs,
        out_specs=pl.BlockSpec((BN, D), lambda i: (i, 0)),
        out_shape=jax.ShapeDtypeStruct((N_PAD, D), jnp.float32),
    )(*args)



def _post2pool(parts, nd8, W, b, g_ln, b_ln, ids2d):
    BN = 1024

    def body(p_ref, nd_ref, W_ref, b_ref, g_ref, bl_ref, id_ref,
             o_ref, cnt_ref, sum_ref):
        i = pl.program_id(0)

        @pl.when(i == 0)
        def _():
            cnt_ref[...] = jnp.zeros_like(cnt_ref)
            sum_ref[...] = jnp.zeros_like(sum_ref)

        p = p_ref[...]
        y = (p[0] + p[1]) * nd_ref[...][:, 0:1]
        z = jnp.dot(y, W_ref[...], preferred_element_type=jnp.float32) + b_ref[...]
        m = jnp.mean(z, axis=1, keepdims=True)
        v = jnp.mean((z - m) ** 2, axis=1, keepdims=True)
        h = jnp.maximum((z - m) / jnp.sqrt(v + 1e-5) * g_ref[...] + bl_ref[...], 0.0)
        o_ref[...] = h
        ids = id_ref[...]
        gids = lax.broadcasted_iota(jnp.int32, (1, G), 1)
        onehot = (ids == gids).astype(jnp.float32)
        ones = jnp.ones((BN, 1), jnp.float32)
        cnt_ref[...] += lax.dot_general(
            onehot, ones, (((0,), (0,)), ((), ())), preferred_element_type=jnp.float32)
        sum_ref[...] += lax.dot_general(
            onehot, h, (((0,), (0,)), ((), ())), preferred_element_type=jnp.float32)

    return pl.pallas_call(
        body,
        grid=(N_PAD // BN,),
        in_specs=[
            pl.BlockSpec((NC, BN, D), lambda i: (0, i, 0)),
            pl.BlockSpec((BN, WD), lambda i: (i, 0)),
            pl.BlockSpec((D, D), lambda i: (0, 0)),
            pl.BlockSpec((1, D), lambda i: (0, 0)),
            pl.BlockSpec((1, D), lambda i: (0, 0)),
            pl.BlockSpec((1, D), lambda i: (0, 0)),
            pl.BlockSpec((BN, 1), lambda i: (i, 0)),
        ],
        out_specs=[
            pl.BlockSpec((BN, D), lambda i: (i, 0)),
            pl.BlockSpec((G, 1), lambda i: (0, 0)),
            pl.BlockSpec((G, D), lambda i: (0, 0)),
        ],
        out_shape=[
            jax.ShapeDtypeStruct((N_PAD, D), jnp.float32),
            jax.ShapeDtypeStruct((G, 1), jnp.float32),
            jax.ShapeDtypeStruct((G, D), jnp.float32),
        ],
    )(parts, nd8, W, b, g_ln, b_ln, ids2d)



def _head(cnt, hsum, hmax, cW1, cb1, g3, b3, cW2, cb2, g4, b4, cW3, cb3):
    def body(cnt_ref, sum_ref, max_ref, W1_ref, b1_ref, g3_ref, b3_ref,
             W2_ref, b2_ref, g4_ref, b4_ref, W3_ref, b3c_ref, o_ref):
        cnt_v = cnt_ref[...]
        hg_mean = sum_ref[...] / jnp.maximum(cnt_v, 1.0)
        hg_max = jnp.max(max_ref[...], axis=0)

        def l2(xv):
            n = jnp.sqrt(jnp.sum(xv * xv, axis=1, keepdims=True))
            return xv / jnp.maximum(n, 1e-12)

        hg = jnp.concatenate([l2(hg_mean), l2(hg_max)], axis=1)

        def lnr(z, gv, bv):
            m = jnp.mean(z, axis=1, keepdims=True)
            v = jnp.mean((z - m) ** 2, axis=1, keepdims=True)
            return jnp.maximum((z - m) / jnp.sqrt(v + 1e-5) * gv + bv, 0.0)

        o = lnr(jnp.dot(hg, W1_ref[...], preferred_element_type=jnp.float32)
                + b1_ref[...], g3_ref[...], b3_ref[...])
        o = lnr(jnp.dot(o, W2_ref[...], preferred_element_type=jnp.float32)
                + b2_ref[...], g4_ref[...], b4_ref[...])
        o_ref[...] = (jnp.dot(o, W3_ref[...], preferred_element_type=jnp.float32)
                      + b3c_ref[...])

    return pl.pallas_call(
        body,
        out_shape=jax.ShapeDtypeStruct((G, 1), jnp.float32),
    )(cnt, hsum, hmax, cW1, cb1, g3, b3, cW2, cb2, g4, b4, cW3, cb3)



def kernel(x, edge_index, node_graph_ids, W1, b1, W2, b2, g_ln1, b_ln1,
           g_ln2, b_ln2, g_ln3, b_ln3, g_ln4, b_ln4, cW1, cb1, cW2, cb2,
           cW3, cb3):
    f32 = jnp.float32
    src = edge_index[0]
    dst = edge_index[1]
    e = src.shape[0]
    dummy = N + jnp.arange(E_PAD - e, dtype=jnp.int32) % (N_PAD - N)
    src_pad = jnp.concatenate([src, dummy])
    dst_pad = jnp.concatenate([dst, dummy])
    sidx = src_pad.reshape(NW, CH, CHUNK)
    didx = dst_pad.reshape(NW, CH, CHUNK)
    sidxh = src_pad.reshape(NW, CHH, CHUNKH)
    didxh = dst_pad.reshape(NW, CHH, CHUNKH)
    x_pad = jnp.pad(x, ((0, N_PAD - N), (0, 0)))
    ids2d = jnp.pad(node_graph_ids, (0, N_PAD - N),
                    constant_values=-1).reshape(N_PAD, 1)
    ones1 = jnp.ones((CHUNKH,), f32)
    zero1 = jnp.zeros((RPT,), f32)
    zrows = jnp.zeros((RPT, D), f32)
    r1 = lambda v: v.reshape(1, -1)

    deg = _hist(sidxh, didxh, ones1, zero1)
    deg4t = deg.reshape(2 * NC, N_PAD).T
    h0, ns8, nd8 = _prep(x_pad, deg4t)
    p1 = _agg(h0, sidx, didx, zrows)
    h1s = _post(p1, nd8, W1, r1(b1), r1(g_ln1), r1(b_ln1), ns8)
    p2 = _agg(h1s, sidx, didx, zrows)
    h2, cnt, hsum = _post2pool(p2, nd8, W2, r1(b2), r1(g_ln2), r1(b_ln2), ids2d)
    hmax = _scpool(h2, ids2d.reshape(N_PAD), zrows)
    return _head(cnt, hsum, hmax, cW1, r1(cb1), r1(g_ln3), r1(b_ln3),
                 cW2, r1(cb2), r1(g_ln4), r1(b_ln4), cW3, cb3.reshape(1, 1))

# --- scband reference (transcript-rebuilt; emitter-appended) ---
"""Pipeline reference for scband-gcnreg-15152644620458 (READ-ONLY COPY).

The authoritative reference and input builder live on the scoring server;
editing this copy changes nothing except your own understanding.
"""

import jax, jax.numpy as jnp
import numpy as np

N_NODES = 10000
N_EDGES = 320000
IN_DIM = 128
HID = 128
N_GRAPHS = 128
N_CLASSES = 1


def _layer_norm(x, g, b):
    m = jnp.mean(x, axis=-1, keepdims=True)
    v = jnp.var(x, axis=-1, keepdims=True)
    return (x - m) / jnp.sqrt(v + 1e-5) * g + b


def _l2norm(x):
    n = jnp.sqrt(jnp.sum(x * x, axis=1, keepdims=True))
    return x / jnp.maximum(n, 1e-12)


def _graph_conv(x, src, dst, W, b):
    # DGL GraphConv with norm='both': D^{-1/2} A D^{-1/2} X W + b
    n = x.shape[0]
    ones = jnp.ones(src.shape[0], dtype=x.dtype)
    out_deg = jax.ops.segment_sum(ones, src, num_segments=n)
    in_deg = jax.ops.segment_sum(ones, dst, num_segments=n)
    ns = jnp.where(out_deg > 0, 1.0 / jnp.sqrt(jnp.maximum(out_deg, 1.0)), 0.0)
    nd = jnp.where(in_deg > 0, 1.0 / jnp.sqrt(jnp.maximum(in_deg, 1.0)), 0.0)
    h = x * ns[:, None]
    agg = jax.ops.segment_sum(h[src], dst, num_segments=n)
    agg = agg * nd[:, None]
    return agg @ W + b


def setup_inputs(seed: int = 0) -> dict:
    key = jax.random.key(seed)
    ks = jax.random.split(key, 12)
    s1 = 1.0 / np.sqrt(IN_DIM)
    s2 = 1.0 / np.sqrt(HID)
    s3 = 1.0 / np.sqrt(2 * HID)
    inp = {}
    inp["x"] = jax.random.normal(ks[0], (N_NODES, IN_DIM), dtype=jnp.float32)
    inp["edge_index"] = jax.random.randint(ks[1], (2, N_EDGES), 0, N_NODES, dtype=jnp.int32)
    inp["node_graph_ids"] = jnp.sort(jax.random.randint(ks[2], (N_NODES,), 0, N_GRAPHS, dtype=jnp.int32))
    inp["W1"] = jax.random.normal(ks[3], (IN_DIM, HID), dtype=jnp.float32) * s1
    inp["b1"] = jnp.zeros((HID,), dtype=jnp.float32)
    inp["W2"] = jax.random.normal(ks[4], (HID, HID), dtype=jnp.float32) * s2
    inp["b2"] = jnp.zeros((HID,), dtype=jnp.float32)
    inp["g_ln1"] = jnp.ones((HID,), dtype=jnp.float32)
    inp["b_ln1"] = jnp.zeros((HID,), dtype=jnp.float32)
    inp["g_ln2"] = jnp.ones((HID,), dtype=jnp.float32)
    inp["b_ln2"] = jnp.zeros((HID,), dtype=jnp.float32)
    inp["g_ln3"] = jnp.ones((HID,), dtype=jnp.float32)
    inp["b_ln3"] = jnp.zeros((HID,), dtype=jnp.float32)
    inp["g_ln4"] = jnp.ones((HID,), dtype=jnp.float32)
    inp["b_ln4"] = jnp.zeros((HID,), dtype=jnp.float32)
    inp["cW1"] = jax.random.normal(ks[5], (2 * HID, HID), dtype=jnp.float32) * s3
    inp["cb1"] = jnp.zeros((HID,), dtype=jnp.float32)
    inp["cW2"] = jax.random.normal(ks[6], (HID, HID), dtype=jnp.float32) * s2
    inp["cb2"] = jnp.zeros((HID,), dtype=jnp.float32)
    inp["cW3"] = jax.random.normal(ks[7], (HID, N_CLASSES), dtype=jnp.float32) * s2
    inp["cb3"] = jnp.zeros((N_CLASSES,), dtype=jnp.float32)
    return inp


def reference(x, edge_index, node_graph_ids, W1, b1, W2, b2, g_ln1, b_ln1, g_ln2, b_ln2, g_ln3, b_ln3, g_ln4, b_ln4, cW1, cb1, cW2, cb2, cW3, cb3):
    src = edge_index[0]
    dst = edge_index[1]
    h1 = jax.nn.relu(_layer_norm(_graph_conv(x, src, dst, W1, b1), g_ln1, b_ln1))
    h1 = jax.nn.relu(_layer_norm(_graph_conv(h1, src, dst, W2, b2), g_ln2, b_ln2))
    ones = jnp.ones((h1.shape[0], 1), dtype=h1.dtype)
    cnt = jax.ops.segment_sum(ones, node_graph_ids, num_segments=N_GRAPHS)
    hg_sum = jax.ops.segment_sum(h1, node_graph_ids, num_segments=N_GRAPHS)
    hg_mean = hg_sum / jnp.maximum(cnt, 1.0)
    hg_max = jax.ops.segment_max(h1, node_graph_ids, num_segments=N_GRAPHS)
    hg_max = jnp.where(jnp.isneginf(hg_max), 0.0, hg_max)
    hg = jnp.concatenate([_l2norm(hg_mean), _l2norm(hg_max)], axis=1)
    out = jax.nn.relu(_layer_norm(hg @ cW1 + cb1, g_ln3, b_ln3))
    out = jax.nn.relu(_layer_norm(out @ cW2 + cb2, g_ln4, b_ln4))
    out = out @ cW3 + cb3
    return out

if __name__ == "__main__":
    import jax
    _d = setup_inputs()
    print(jax.jit(kernel)(*tuple(_d.values())))

</pallas_src>

<mosaic_0001>
#map = affine_map<(d0, d1) -> (0, 0)>
#map1 = affine_map<(d0, d1) -> (0, 0, 0)>
module attributes {stable_mosaic.version = 14 : i64} {
  func.func @k(%arg0: i32, %arg1: i32, %arg2: memref<10240x128xf32, #tpu.memory_space<hbm>>, %arg3: memref<32x160x64xi32, #tpu.memory_space<hbm>>, %arg4: memref<32x160x64xi32, #tpu.memory_space<hbm>>, %arg5: memref<640x128xf32, #tpu.memory_space<hbm>>, %arg6: memref<2x10240x128xf32, #tpu.memory_space<hbm>>, %arg7: memref<10240x128xf32, #tpu.memory_space<vmem_shared>>, %arg8: memref<40x64xi32, #tpu.memory_space<vmem>>, %arg9: memref<40x64xi32, #tpu.memory_space<vmem>>, %arg10: memref<64x128xf32, #tpu.memory_space<vmem>>, %arg11: memref<64x128xf32, #tpu.memory_space<vmem>>, %arg12: memref<64x128xf32, #tpu.memory_space<vmem>>, %arg13: memref<64x128xf32, #tpu.memory_space<vmem>>, %arg14: memref<!tpu.dma_semaphore, #tpu.memory_space<semaphore_mem>>, %arg15: memref<!tpu.dma_semaphore, #tpu.memory_space<semaphore_mem>>, %arg16: memref<!tpu.dma_semaphore, #tpu.memory_space<semaphore_mem>>, %arg17: memref<!tpu.dma_semaphore, #tpu.memory_space<semaphore_mem>>, %arg18: memref<!tpu.dma_semaphore, #tpu.memory_space<semaphore_mem>>, %arg19: memref<!tpu.dma_semaphore, #tpu.memory_space<semaphore_mem>>, %arg20: memref<!tpu.dma_semaphore, #tpu.memory_space<semaphore_mem>>, %arg21: memref<!tpu.dma_semaphore, #tpu.memory_space<semaphore_mem>>) attributes {dimension_semantics = [#tpu.dimension_semantics<core_parallel>, #tpu.dimension_semantics<subcore_parallel>], iteration_bounds = array<i64: 2, 16>, scalar_prefetch = 0 : i64, scratch_operands = 15 : i64, tpu.core_type = #tpu.core_type<sc_vector_subcore>, window_params = [{transform_indices = #map}, {transform_indices = #map1}, {transform_indices = #map1}, {transform_indices = #map}, {transform_indices = #map1}]} {
    %mul3A = arith.constant 2 : i32
    %mul3A_0 = arith.muli %arg1, %mul3A : i32
    %add3A = arith.addi %mul3A_0, %arg0 : i32
    %mul3A_1 = arith.constant 640 : i32
    %mul3A_2 = arith.muli %arg1, %mul3A_1 : i32
    "tpu.region"() ({
      %run_scoped3A = tpu.sem_alloc : memref<!tpu.dma_semaphore, #tpu.memory_space<semaphore_mem>>
      %dma_start3A = arith.constant 0 : i32
      %dma_start3A_9 = tpu.memref_slice %arg7[%mul3A_2, %dma_start3A] : memref<10240x128xf32, #tpu.memory_space<vmem_shared>> -> memref<640x128xf32, #tpu.memory_space<vmem_shared>>
      tpu.enqueue_dma source(%arg5 : memref<640x128xf32, #tpu.memory_space<hbm>>) target(%dma_start3A_9 : memref<640x128xf32, #tpu.memory_space<vmem_shared>>) target_semaphore(%run_scoped3A : memref<!tpu.dma_semaphore, #tpu.memory_space<semaphore_mem>>)
      %dma_wait3A = arith.constant 0 : i32
      %dma_wait3A_10 = tpu.memref_slice %arg7[%mul3A_2, %dma_wait3A] : memref<10240x128xf32, #tpu.memory_space<vmem_shared>> -> memref<640x128xf32, #tpu.memory_space<vmem_shared>>
      tpu.wait_dma2 semaphore(%run_scoped3A : memref<!tpu.dma_semaphore, #tpu.memory_space<semaphore_mem>>) src(%arg5 : memref<640x128xf32, #tpu.memory_space<hbm>>) dst(%dma_wait3A_10 : memref<640x128xf32, #tpu.memory_space<vmem_shared>>)
      tpu.yield
    }) : () -> ()
    %barrier3A = arith.constant 0 : index
    tpu.barrier barrier_id(%barrier3A)
    %scan3A = arith.constant 0 : i32
    %scan3A_3 = arith.constant 0 : i32
    %scan3A_4 = arith.constant 4 : i32
    %scan3A_5 = arith.addi %scan3A_3, %scan3A_4 : i32
    %scan3A_6 = arith.constant 1 : i32
    scf.for %scan3A_9 = %scan3A_3 to %scan3A_5 step %scan3A_6  : i32 {
      %mul3A_10 = arith.constant 40 : i32
      %mul3A_11 = arith.muli %scan3A_9, %mul3A_10 : i32
      "tpu.region"() ({
        %run_scoped3A = tpu.sem_alloc : memref<!tpu.dma_semaphore, #tpu.memory_space<semaphore_mem>>
        %dma_start3A_74 = arith.constant 0 : i32
        %dma_start3A_75 = tpu.memref_slice %arg3[%add3A, %mul3A_11, %dma_start3A_74] : memref<32x160x64xi32, #tpu.memory_space<hbm>> -> memref<1x40x64xi32, #tpu.memory_space<hbm>>
        %dma_start3A_76 = tpu.memref_squeeze %dma_start3A_75 : memref<1x40x64xi32, #tpu.memory_space<hbm>> -> memref<40x64xi32, #tpu.memory_space<hbm>>
        %dma_start3A_77 = arith.constant 0 : i32
        %dma_start3A_78 = tpu.memref_slice %arg3[%add3A, %mul3A_11, %dma_start3A_77] : memref<32x160x64xi32, #tpu.memory_space<hbm>> -> memref<1x40x64xi32, #tpu.memory_space<hbm>>
        %dma_start3A_79 = tpu.memref_squeeze %dma_start3A_78 : memref<1x40x64xi32, #tpu.memory_space<hbm>> -> memref<40x64xi32, #tpu.memory_space<hbm>>
        tpu.enqueue_dma source(%dma_start3A_79 : memref<40x64xi32, #tpu.memory_space<hbm>>) target(%arg8 : memref<40x64xi32, #tpu.memory_space<vmem>>) target_semaphore(%run_scoped3A : memref<!tpu.dma_semaphore, #tpu.memory_space<semaphore_mem>>)
        %dma_wait3A_80 = arith.constant 0 : i32
        %dma_wait3A_81 = tpu.memref_slice %arg3[%add3A, %mul3A_11, %dma_wait3A_80] : memref<32x160x64xi32, #tpu.memory_space<hbm>> -> memref<1x40x64xi32, #tpu.memory_space<hbm>>
        %dma_wait3A_82 = tpu.memref_squeeze %dma_wait3A_81 : memref<1x40x64xi32, #tpu.memory_space<hbm>> -> memref<40x64xi32, #tpu.memory_space<hbm>>
        %dma_wait3A_83 = arith.constant 0 : i32
        %dma_wait3A_84 = tpu.memref_slice %arg3[%add3A, %mul3A_11, %dma_wait3A_83] : memref<32x160x64xi32, #tpu.memory_space<hbm>> -> memref<1x40x64xi32, #tpu.memory_space<hbm>>
        %dma_wait3A_85 = tpu.memref_squeeze %dma_wait3A_84 : memref<1x40x64xi32, #tpu.memory_space<hbm>> -> memref<40x64xi32, #tpu.memory_space<hbm>>
        tpu.wait_dma2 semaphore(%run_scoped3A : memref<!tpu.dma_semaphore, #tpu.memory_space<semaphore_mem>>) src(%dma_wait3A_85 : memref<40x64xi32, #tpu.memory_space<hbm>>) dst(%arg8 : memref<40x64xi32, #tpu.memory_space<vmem>>)
        tpu.yield
      }) : () -> ()
      %mul3A_12 = arith.constant 40 : i32
      %mul3A_13 = arith.muli %scan3A_9, %mul3A_12 : i32
      "tpu.region"() ({
        %run_scoped3A = tpu.sem_alloc : memref<!tpu.dma_semaphore, #tpu.memory_space<semaphore_mem>>
        %dma_start3A_74 = arith.constant 0 : i32
        %dma_start3A_75 = tpu.memref_slice %arg4[%add3A, %mul3A_13, %dma_start3A_74] : memref<32x160x64xi32, #tpu.memory_space<hbm>> -> memref<1x40x64xi32, #tpu.memory_space<hbm>>
        %dma_start3A_76 = tpu.memref_squeeze %dma_start3A_75 : memref<1x40x64xi32, #tpu.memory_space<hbm>> -> memref<40x64xi32, #tpu.memory_space<hbm>>
        %dma_start3A_77 = arith.constant 0 : i32
        %dma_start3A_78 = tpu.memref_slice %arg4[%add3A, %mul3A_13, %dma_start3A_77] : memref<32x160x64xi32, #tpu.memory_space<hbm>> -> memref<1x40x64xi32, #tpu.memory_space<hbm>>
        %dma_start3A_79 = tpu.memref_squeeze %dma_start3A_78 : memref<1x40x64xi32, #tpu.memory_space<hbm>> -> memref<40x64xi32, #tpu.memory_space<hbm>>
        tpu.enqueue_dma source(%dma_start3A_79 : memref<40x64xi32, #tpu.memory_space<hbm>>) target(%arg9 : memref<40x64xi32, #tpu.memory_space<vmem>>) target_semaphore(%run_scoped3A : memref<!tpu.dma_semaphore, #tpu.memory_space<semaphore_mem>>)
        %dma_wait3A_80 = arith.constant 0 : i32
        %dma_wait3A_81 = tpu.memref_slice %arg4[%add3A, %mul3A_13, %dma_wait3A_80] : memref<32x160x64xi32, #tpu.memory_space<hbm>> -> memref<1x40x64xi32, #tpu.memory_space<hbm>>
        %dma_wait3A_82 = tpu.memref_squeeze %dma_wait3A_81 : memref<1x40x64xi32, #tpu.memory_space<hbm>> -> memref<40x64xi32, #tpu.memory_space<hbm>>
        %dma_wait3A_83 = arith.constant 0 : i32
        %dma_wait3A_84 = tpu.memref_slice %arg4[%add3A, %mul3A_13, %dma_wait3A_83] : memref<32x160x64xi32, #tpu.memory_space<hbm>> -> memref<1x40x64xi32, #tpu.memory_space<hbm>>
        %dma_wait3A_85 = tpu.memref_squeeze %dma_wait3A_84 : memref<1x40x64xi32, #tpu.memory_space<hbm>> -> memref<40x64xi32, #tpu.memory_space<hbm>>
        tpu.wait_dma2 semaphore(%run_scoped3A : memref<!tpu.dma_semaphore, #tpu.memory_space<semaphore_mem>>) src(%dma_wait3A_85 : memref<40x64xi32, #tpu.memory_space<hbm>>) dst(%arg9 : memref<40x64xi32, #tpu.memory_space<vmem>>)
        tpu.yield
      }) : () -> ()
      %dma_start3A = arith.constant 0 : i32
      %dma_start3A_14 = arith.constant 0 : i32
      %dma_start3A_15 = tpu.memref_slice %arg8[%dma_start3A, %dma_start3A_14] : memref<40x64xi32, #tpu.memory_space<vmem>> -> memref<1x64xi32, #tpu.memory_space<vmem>>
      %dma_start3A_16 = tpu.memref_squeeze %dma_start3A_15 : memref<1x64xi32, #tpu.memory_space<vmem>> -> memref<64xi32, #tpu.memory_space<vmem>>
      %dma_start3A_17 = arith.constant 0 : i32
      %dma_start3A_18 = arith.constant 0 : i32
      %dma_start3A_19 = tpu.memref_slice %arg2[%dma_start3A_17, %dma_start3A_18] : memref<10240x128xf32, #tpu.memory_space<hbm>> -> memref<10240x128xf32, #tpu.memory_space<hbm>>
      tpu.enqueue_indirect_dma source(%dma_start3A_19 : memref<10240x128xf32, #tpu.memory_space<hbm>>) target(%arg10 : memref<64x128xf32, #tpu.memory_space<vmem>>) offsets(%dma_start3A_16 : memref<64xi32, #tpu.memory_space<vmem>>) semaphore(%arg14 : memref<!tpu.dma_semaphore, #tpu.memory_space<semaphore_mem>>)
      %dma_start3A_20 = arith.constant 1 : i32
      %dma_start3A_21 = arith.constant 0 : i32
      %dma_start3A_22 = tpu.memref_slice %arg8[%dma_start3A_20, %dma_start3A_21] : memref<40x64xi32, #tpu.memory_space<vmem>> -> memref<1x64xi32, #tpu.memory_space<vmem>>
      %dma_start3A_23 = tpu.memref_squeeze %dma_start3A_22 : memref<1x64xi32, #tpu.memory_space<vmem>> -> memref<64xi32, #tpu.memory_space<vmem>>
      %dma_start3A_24 = arith.constant 0 : i32
      %dma_start3A_25 = arith.constant 0 : i32
      %dma_start3A_26 = tpu.memref_slice %arg2[%dma_start3A_24, %dma_start3A_25] : memref<10240x128xf32, #tpu.memory_space<hbm>> -> memref<10240x128xf32, #tpu.memory_space<hbm>>
      tpu.enqueue_indirect_dma source(%dma_start3A_26 : memref<10240x128xf32, #tpu.memory_space<hbm>>) target(%arg11 : memref<64x128xf32, #tpu.memory_space<vmem>>) offsets(%dma_start3A_23 : memref<64xi32, #tpu.memory_space<vmem>>) semaphore(%arg15 : memref<!tpu.dma_semaphore, #tpu.memory_space<semaphore_mem>>)
      %dma_start3A_27 = arith.constant 2 : i32
      %dma_start3A_28 = arith.constant 0 : i32
      %dma_start3A_29 = tpu.memref_slice %arg8[%dma_start3A_27, %dma_start3A_28] : memref<40x64xi32, #tpu.memory_space<vmem>> -> memref<1x64xi32, #tpu.memory_space<vmem>>
      %dma_start3A_30 = tpu.memref_squeeze %dma_start3A_29 : memref<1x64xi32, #tpu.memory_space<vmem>> -> memref<64xi32, #tpu.memory_space<vmem>>
      %dma_start3A_31 = arith.constant 0 : i32
      %dma_start3A_32 = arith.constant 0 : i32
      %dma_start3A_33 = tpu.memref_slice %arg2[%dma_start3A_31, %dma_start3A_32] : memref<10240x128xf32, #tpu.memory_space<hbm>> -> memref<10240x128xf32, #tpu.memory_space<hbm>>
      tpu.enqueue_indirect_dma source(%dma_start3A_33 : memref<10240x128xf32, #tpu.memory_space<hbm>>) target(%arg12 : memref<64x128xf32, #tpu.memory_space<vmem>>) offsets(%dma_start3A_30 : memref<64xi32, #tpu.memory_space<vmem>>) semaphore(%arg16 : memref<!tpu.dma_semaphore, #tpu.memory_space<semaphore_mem>>)
      %dma_start3A_34 = arith.constant 3 : i32
      %dma_start3A_35 = arith.constant 0 : i32
      %dma_start3A_36 = tpu.memref_slice %arg8[%dma_start3A_34, %dma_start3A_35] : memref<40x64xi32, #tpu.memory_space<vmem>> -> memref<1x64xi32, #tpu.memory_space<vmem>>
      %dma_start3A_37 = tpu.memref_squeeze %dma_start3A_36 : memref<1x64xi32, #tpu.memory_space<vmem>> -> memref<64xi32, #tpu.memory_space<vmem>>
      %dma_start3A_38 = arith.constant 0 : i32
      %dma_start3A_39 = arith.constant 0 : i32
      %dma_start3A_40 = tpu.memref_slice %arg2[%dma_start3A_38, %dma_start3A_39] : memref<10240x128xf32, #tpu.memory_space<hbm>> -> memref<10240x128xf32, #tpu.memory_space<hbm>>
      tpu.enqueue_indirect_dma source(%dma_start3A_40 : memref<10240x128xf32, #tpu.memory_space<hbm>>) target(%arg13 : memref<64x128xf32, #tpu.memory_space<vmem>>) offsets(%dma_start3A_37 : memref<64xi32, #tpu.memory_space<vmem>>) semaphore(%arg17 : memref<!tpu.dma_semaphore, #tpu.memory_space<semaphore_mem>>)
      %scan3A_41 = arith.constant 0 : i32
      %scan3A_42 = arith.constant 0 : i32
      %scan3A_43 = arith.constant 10 : i32
      %scan3A_44 = arith.addi %scan3A_42, %scan3A_43 : i32
      %scan3A_45 = arith.constant 1 : i32
      scf.for %scan3A_74 = %scan3A_42 to %scan3A_44 step %scan3A_45  : i32 {
        %mul3A_75 = arith.constant 4 : i32
        %mul3A_76 = arith.muli %scan3A_74, %mul3A_75 : i32
        %dma_wait3A_77 = arith.constant 0 : i32
        %dma_wait3A_78 = arith.constant 0 : i32
        %dma_wait3A_79 = tpu.memref_slice %arg8[%dma_wait3A_77, %dma_wait3A_78] : memref<40x64xi32, #tpu.memory_space<vmem>> -> memref<1x64xi32, #tpu.memory_space<vmem>>
        %dma_wait3A_80 = tpu.memref_squeeze %dma_wait3A_79 : memref<1x64xi32, #tpu.memory_space<vmem>> -> memref<64xi32, #tpu.memory_space<vmem>>
        %dma_wait3A_81 = arith.constant 0 : i32
        %dma_wait3A_82 = arith.constant 0 : i32
        %dma_wait3A_83 = tpu.memref_slice %arg2[%dma_wait3A_81, %dma_wait3A_82] : memref<10240x128xf32, #tpu.memory_space<hbm>> -> memref<10240x128xf32, #tpu.memory_space<hbm>>
        tpu.wait_indirect_dma semaphore(%arg14 : memref<!tpu.dma_semaphore, #tpu.memory_space<semaphore_mem>>) src(%dma_wait3A_83 : memref<10240x128xf32, #tpu.memory_space<hbm>>) dst(%arg10 : memref<64x128xf32, #tpu.memory_space<vmem>>)
        %add3A_84 = arith.constant 0 : i32
        %add3A_85 = arith.addi %mul3A_76, %add3A_84 : i32
        %dma_start3A_86 = arith.constant 0 : i32
        %dma_start3A_87 = tpu.memref_slice %arg9[%add3A_85, %dma_start3A_86] : memref<40x64xi32, #tpu.memory_space<vmem>> -> memref<1x64xi32, #tpu.memory_space<vmem>>
        %dma_start3A_88 = tpu.memref_squeeze %dma_start3A_87 : memref<1x64xi32, #tpu.memory_space<vmem>> -> memref<64xi32, #tpu.memory_space<vmem>>
        %dma_start3A_89 = arith.constant 0 : i32
        %dma_start3A_90 = arith.constant 0 : i32
        %dma_start3A_91 = tpu.memref_slice %arg7[%dma_start3A_89, %dma_start3A_90] : memref<10240x128xf32, #tpu.memory_space<vmem_shared>> -> memref<10240x128xf32, #tpu.memory_space<vmem_shared>>
        tpu.enqueue_indirect_dma source(%arg10 : memref<64x128xf32, #tpu.memory_space<vmem>>) target(%dma_start3A_91 : memref<10240x128xf32, #tpu.memory_space<vmem_shared>>) offsets(%dma_start3A_88 : memref<64xi32, #tpu.memory_space<vmem>>) semaphore(%arg18 : memref<!tpu.dma_semaphore, #tpu.memory_space<semaphore_mem>>) {add = true}
        %dma_wait3A_92 = arith.constant 0 : i32
        %dma_wait3A_93 = arith.constant 0 : i32
        %dma_wait3A_94 = tpu.memref_slice %arg8[%dma_wait3A_92, %dma_wait3A_93] : memref<40x64xi32, #tpu.memory_space<vmem>> -> memref<1x64xi32, #tpu.memory_space<vmem>>
        %dma_wait3A_95 = tpu.memref_squeeze %dma_wait3A_94 : memref<1x64xi32, #tpu.memory_space<vmem>> -> memref<64xi32, #tpu.memory_space<vmem>>
        %dma_wait3A_96 = arith.constant 0 : i32
        %dma_wait3A_97 = arith.constant 0 : i32
        %dma_wait3A_98 = tpu.memref_slice %arg2[%dma_wait3A_96, %dma_wait3A_97] : memref<10240x128xf32, #tpu.memory_space<hbm>> -> memref<10240x128xf32, #tpu.memory_space<hbm>>
        tpu.wait_indirect_dma semaphore(%arg15 : memref<!tpu.dma_semaphore, #tpu.memory_space<semaphore_mem>>) src(%dma_wait3A_98 : memref<10240x128xf32, #tpu.memory_space<hbm>>) dst(%arg11 : memref<64x128xf32, #tpu.memory_space<vmem>>)
        %add3A_99 = arith.constant 1 : i32
        %add3A_100 = arith.addi %mul3A_76, %add3A_99 : i32
        %dma_start3A_101 = arith.constant 0 : i32
        %dma_start3A_102 = tpu.memref_slice %arg9[%add3A_100, %dma_start3A_101] : memref<40x64xi32, #tpu.memory_space<vmem>> -> memref<1x64xi32, #tpu.memory_space<vmem>>
        %dma_start3A_103 = tpu.memref_squeeze %dma_start3A_102 : memref<1x64xi32, #tpu.memory_space<vmem>> -> memref<64xi32, #tpu.memory_space<vmem>>
        %dma_start3A_104 = arith.constant 0 : i32
        %dma_start3A_105 = arith.constant 0 : i32
        %dma_start3A_106 = tpu.memref_slice %arg7[%dma_start3A_104, %dma_start3A_105] : memref<10240x128xf32, #tpu.memory_space<vmem_shared>> -> memref<10240x128xf32, #tpu.memory_space<vmem_shared>>
        tpu.enqueue_indirect_dma source(%arg11 : memref<64x128xf32, #tpu.memory_space<vmem>>) target(%dma_start3A_106 : memref<10240x128xf32, #tpu.memory_space<vmem_shared>>) offsets(%dma_start3A_103 : memref<64xi32, #tpu.memory_space<vmem>>) semaphore(%arg19 : memref<!tpu.dma_semaphore, #tpu.memory_space<semaphore_mem>>) {add = true}
        %dma_wait3A_107 = arith.constant 0 : i32
        %dma_wait3A_108 = arith.constant 0 : i32
        %dma_wait3A_109 = tpu.memref_slice %arg8[%dma_wait3A_107, %dma_wait3A_108] : memref<40x64xi32, #tpu.memory_space<vmem>> -> memref<1x64xi32, #tpu.memory_space<vmem>>
        %dma_wait3A_110 = tpu.memref_squeeze %dma_wait3A_109 : memref<1x64xi32, #tpu.memory_space<vmem>> -> memref<64xi32, #tpu.memory_space<vmem>>
        %dma_wait3A_111 = arith.constant 0 : i32
        %dma_wait3A_112 = arith.constant 0 : i32
        %dma_wait3A_113 = tpu.memref_slice %arg2[%dma_wait3A_111, %dma_wait3A_112] : memref<10240x128xf32, #tpu.memory_space<hbm>> -> memref<10240x128xf32, #tpu.memory_space<hbm>>
        tpu.wait_indirect_dma semaphore(%arg16 : memref<!tpu.dma_semaphore, #tpu.memory_space<semaphore_mem>>) src(%dma_wait3A_113 : memref<10240x128xf32, #tpu.memory_space<hbm>>) dst(%arg12 : memref<64x128xf32, #tpu.memory_space<vmem>>)
        %add3A_114 = arith.constant 2 : i32
        %add3A_115 = arith.addi %mul3A_76, %add3A_114 : i32
        %dma_start3A_116 = arith.constant 0 : i32
        %dma_start3A_117 = tpu.memref_slice %arg9[%add3A_115, %dma_start3A_116] : memref<40x64xi32, #tpu.memory_space<vmem>> -> memref<1x64xi32, #tpu.memory_space<vmem>>
        %dma_start3A_118 = tpu.memref_squeeze %dma_start3A_117 : memref<1x64xi32, #tpu.memory_space<vmem>> -> memref<64xi32, #tpu.memory_space<vmem>>
        %dma_start3A_119 = arith.constant 0 : i32
        %dma_start3A_120 = arith.constant 0 : i32
        %dma_start3A_121 = tpu.memref_slice %arg7[%dma_start3A_119, %dma_start3A_120] : memref<10240x128xf32, #tpu.memory_space<vmem_shared>> -> memref<10240x128xf32, #tpu.memory_space<vmem_shared>>
        tpu.enqueue_indirect_dma source(%arg12 : memref<64x128xf32, #tpu.memory_space<vmem>>) target(%dma_start3A_121 : memref<10240x128xf32, #tpu.memory_space<vmem_shared>>) offsets(%dma_start3A_118 : memref<64xi32, #tpu.memory_space<vmem>>) semaphore(%arg20 : memref<!tpu.dma_semaphore, #tpu.memory_space<semaphore_mem>>) {add = true}
        %dma_wait3A_122 = arith.constant 0 : i32
        %dma_wait3A_123 = arith.constant 0 : i32
        %dma_wait3A_124 = tpu.memref_slice %arg8[%dma_wait3A_122, %dma_wait3A_123] : memref<40x64xi32, #tpu.memory_space<vmem>> -> memref<1x64xi32, #tpu.memory_space<vmem>>
        %dma_wait3A_125 = tpu.memref_squeeze %dma_wait3A_124 : memref<1x64xi32, #tpu.memory_space<vmem>> -> memref<64xi32, #tpu.memory_space<vmem>>
        %dma_wait3A_126 = arith.constant 0 : i32
        %dma_wait3A_127 = arith.constant 0 : i32
        %dma_wait3A_128 = tpu.memref_slice %arg2[%dma_wait3A_126, %dma_wait3A_127] : memref<10240x128xf32, #tpu.memory_space<hbm>> -> memref<10240x128xf32, #tpu.memory_space<hbm>>
        tpu.wait_indirect_dma semaphore(%arg17 : memref<!tpu.dma_semaphore, #tpu.memory_space<semaphore_mem>>) src(%dma_wait3A_128 : memref<10240x128xf32, #tpu.memory_space<hbm>>) dst(%arg13 : memref<64x128xf32, #tpu.memory_space<vmem>>)
        %add3A_129 = arith.constant 3 : i32
        %add3A_130 = arith.addi %mul3A_76, %add3A_129 : i32
        %dma_start3A_131 = arith.constant 0 : i32
        %dma_start3A_132 = tpu.memref_slice %arg9[%add3A_130, %dma_start3A_131] : memref<40x64xi32, #tpu.memory_space<vmem>> -> memref<1x64xi32, #tpu.memory_space<vmem>>
        %dma_start3A_133 = tpu.memref_squeeze %dma_start3A_132 : memref<1x64xi32, #tpu.memory_space<vmem>> -> memref<64xi32, #tpu.memory_space<vmem>>
        %dma_start3A_134 = arith.constant 0 : i32
        %dma_start3A_135 = arith.constant 0 : i32
        %dma_start3A_136 = tpu.memref_slice %arg7[%dma_start3A_134, %dma_start3A_135] : memref<10240x128xf32, #tpu.memory_space<vmem_shared>> -> memref<10240x128xf32, #tpu.memory_space<vmem_shared>>
        tpu.enqueue_indirect_dma source(%arg13 : memref<64x128xf32, #tpu.memory_space<vmem>>) target(%dma_start3A_136 : memref<10240x128xf32, #tpu.memory_space<vmem_shared>>) offsets(%dma_start3A_133 : memref<64xi32, #tpu.memory_space<vmem>>) semaphore(%arg21 : memref<!tpu.dma_semaphore, #tpu.memory_space<semaphore_mem>>) {add = true}
        %dma_wait3A_137 = arith.constant 0 : i32
        %dma_wait3A_138 = arith.constant 0 : i32
        %dma_wait3A_139 = tpu.memref_slice %arg9[%dma_wait3A_137, %dma_wait3A_138] : memref<40x64xi32, #tpu.memory_space<vmem>> -> memref<1x64xi32, #tpu.memory_space<vmem>>
        %dma_wait3A_140 = tpu.memref_squeeze %dma_wait3A_139 : memref<1x64xi32, #tpu.memory_space<vmem>> -> memref<64xi32, #tpu.memory_space<vmem>>
        %dma_wait3A_141 = arith.constant 0 : i32
        %dma_wait3A_142 = arith.constant 0 : i32
        %dma_wait3A_143 = tpu.memref_slice %arg7[%dma_wait3A_141, %dma_wait3A_142] : memref<10240x128xf32, #tpu.memory_space<vmem_shared>> -> memref<10240x128xf32, #tpu.memory_space<vmem_shared>>
        tpu.wait_indirect_dma semaphore(%arg18 : memref<!tpu.dma_semaphore, #tpu.memory_space<semaphore_mem>>) src(%arg10 : memref<64x128xf32, #tpu.memory_space<vmem>>) dst(%dma_wait3A_143 : memref<10240x128xf32, #tpu.memory_space<vmem_shared>>)
        %add3A_144 = arith.constant 4 : i32
        %add3A_145 = arith.addi %mul3A_76, %add3A_144 : i32
        %add3A_146 = arith.constant 0 : i32
        %add3A_147 = arith.addi %add3A_145, %add3A_146 : i32
        %min3A = arith.constant 39 : i32
        %min3A_148 = arith.minsi %add3A_147, %min3A : i32
        %dma_start3A_149 = arith.constant 0 : i32
        %dma_start3A_150 = tpu.memref_slice %arg8[%min3A_148, %dma_start3A_149] : memref<40x64xi32, #tpu.memory_space<vmem>> -> memref<1x64xi32, #tpu.memory_space<vmem>>
        %dma_start3A_151 = tpu.memref_squeeze %dma_start3A_150 : memref<1x64xi32, #tpu.memory_space<vmem>> -> memref<64xi32, #tpu.memory_space<vmem>>
        %dma_start3A_152 = arith.constant 0 : i32
        %dma_start3A_153 = arith.constant 0 : i32
        %dma_start3A_154 = tpu.memref_slice %arg2[%dma_start3A_152, %dma_start3A_153] : memref<10240x128xf32, #tpu.memory_space<hbm>> -> memref<10240x128xf32, #tpu.memory_space<hbm>>
        tpu.enqueue_indirect_dma source(%dma_start3A_154 : memref<10240x128xf32, #tpu.memory_space<hbm>>) target(%arg10 : memref<64x128xf32, #tpu.memory_space<vmem>>) offsets(%dma_start3A_151 : memref<64xi32, #tpu.memory_space<vmem>>) semaphore(%arg14 : memref<!tpu.dma_semaphore, #tpu.memory_space<semaphore_mem>>)
        %dma_wait3A_155 = arith.constant 0 : i32
        %dma_wait3A_156 = arith.constant 0 : i32
        %dma_wait3A_157 = tpu.memref_slice %arg9[%dma_wait3A_155, %dma_wait3A_156] : memref<40x64xi32, #tpu.memory_space<vmem>> -> memref<1x64xi32, #tpu.memory_space<vmem>>
        %dma_wait3A_158 = tpu.memref_squeeze %dma_wait3A_157 : memref<1x64xi32, #tpu.memory_space<vmem>> -> memref<64xi32, #tpu.memory_space<vmem>>
        %dma_wait3A_159 = arith.constant 0 : i32
        %dma_wait3A_160 = arith.constant 0 : i32
        %dma_wait3A_161 = tpu.memref_slice %arg7[%dma_wait3A_159, %dma_wait3A_160] : memref<10240x128xf32, #tpu.memory_space<vmem_shared>> -> memref<10240x128xf32, #tpu.memory_space<vmem_shared>>
        tpu.wait_indirect_dma semaphore(%arg19 : memref<!tpu.dma_semaphore, #tpu.memory_space<semaphore_mem>>) src(%arg11 : memref<64x128xf32, #tpu.memory_space<vmem>>) dst(%dma_wait3A_161 : memref<10240x128xf32, #tpu.memory_space<vmem_shared>>)
        %add3A_162 = arith.constant 4 : i32
        %add3A_163 = arith.addi %mul3A_76, %add3A_162 : i32
        %add3A_164 = arith.constant 1 : i32
        %add3A_165 = arith.addi %add3A_163, %add3A_164 : i32
        %min3A_166 = arith.constant 39 : i32
        %min3A_167 = arith.minsi %add3A_165, %min3A_166 : i32
        %dma_start3A_168 = arith.constant 0 : i32
        %dma_start3A_169 = tpu.memref_slice %arg8[%min3A_167, %dma_start3A_168] : memref<40x64xi32, #tpu.memory_space<vmem>> -> memref<1x64xi32, #tpu.memory_space<vmem>>
        %dma_start3A_170 = tpu.memref_squeeze %dma_start3A_169 : memref<1x64xi32, #tpu.memory_space<vmem>> -> memref<64xi32, #tpu.memory_space<vmem>>
        %dma_start3A_171 = arith.constant 0 : i32
        %dma_start3A_172 = arith.constant 0 : i32
        %dma_start3A_173 = tpu.memref_slice %arg2[%dma_start3A_171, %dma_start3A_172] : memref<10240x128xf32, #tpu.memory_space<hbm>> -> memref<10240x128xf32, #tpu.memory_space<hbm>>
        tpu.enqueue_indirect_dma source(%dma_start3A_173 : memref<10240x128xf32, #tpu.memory_space<hbm>>) target(%arg11 : memref<64x128xf32, #tpu.memory_space<vmem>>) offsets(%dma_start3A_170 : memref<64xi32, #tpu.memory_space<vmem>>) semaphore(%arg15 : memref<!tpu.dma_semaphore, #tpu.memory_space<semaphore_mem>>)
        %dma_wait3A_174 = arith.constant 0 : i32
        %dma_wait3A_175 = arith.constant 0 : i32
        %dma_wait3A_176 = tpu.memref_slice %arg9[%dma_wait3A_174, %dma_wait3A_175] : memref<40x64xi32, #tpu.memory_space<vmem>> -> memref<1x64xi32, #tpu.memory_space<vmem>>
        %dma_wait3A_177 = tpu.memref_squeeze %dma_wait3A_176 : memref<1x64xi32, #tpu.memory_space<vmem>> -> memref<64xi32, #tpu.memory_space<vmem>>
        %dma_wait3A_178 = arith.constant 0 : i32
        %dma_wait3A_179 = arith.constant 0 : i32
        %dma_wait3A_180 = tpu.memref_slice %arg7[%dma_wait3A_178, %dma_wait3A_179] : memref<10240x128xf32, #tpu.memory_space<vmem_shared>> -> memref<10240x128xf32, #tpu.memory_space<vmem_shared>>
        tpu.wait_indirect_dma semaphore(%arg20 : memref<!tpu.dma_semaphore, #tpu.memory_space<semaphore_mem>>) src(%arg12 : memref<64x128xf32, #tpu.memory_space<vmem>>) dst(%dma_wait3A_180 : memref<10240x128xf32, #tpu.memory_space<vmem_shared>>)
        %add3A_181 = arith.constant 4 : i32
        %add3A_182 = arith.addi %mul3A_76, %add3A_181 : i32
        %add3A_183 = arith.constant 2 : i32
        %add3A_184 = arith.addi %add3A_182, %add3A_183 : i32
        %min3A_185 = arith.constant 39 : i32
        %min3A_186 = arith.minsi %add3A_184, %min3A_185 : i32
        %dma_start3A_187 = arith.constant 0 : i32
        %dma_start3A_188 = tpu.memref_slice %arg8[%min3A_186, %dma_start3A_187] : memref<40x64xi32, #tpu.memory_space<vmem>> -> memref<1x64xi32, #tpu.memory_space<vmem>>
        %dma_start3A_189 = tpu.memref_squeeze %dma_start3A_188 : memref<1x64xi32, #tpu.memory_space<vmem>> -> memref<64xi32, #tpu.memory_space<vmem>>
        %dma_start3A_190 = arith.constant 0 : i32
        %dma_start3A_191 = arith.constant 0 : i32
        %dma_start3A_192 = tpu.memref_slice %arg2[%dma_start3A_190, %dma_start3A_191] : memref<10240x128xf32, #tpu.memory_space<hbm>> -> memref<10240x128xf32, #tpu.memory_space<hbm>>
        tpu.enqueue_indirect_dma source(%dma_start3A_192 : memref<10240x128xf32, #tpu.memory_space<hbm>>) target(%arg12 : memref<64x128xf32, #tpu.memory_space<vmem>>) offsets(%dma_start3A_189 : memref<64xi32, #tpu.memory_space<vmem>>) semaphore(%arg16 : memref<!tpu.dma_semaphore, #tpu.memory_space<semaphore_mem>>)
        %dma_wait3A_193 = arith.constant 0 : i32
        %dma_wait3A_194 = arith.constant 0 : i32
        %dma_wait3A_195 = tpu.memref_slice %arg9[%dma_wait3A_193, %dma_wait3A_194] : memref<40x64xi32, #tpu.memory_space<vmem>> -> memref<1x64xi32, #tpu.memory_space<vmem>>
        %dma_wait3A_196 = tpu.memref_squeeze %dma_wait3A_195 : memref<1x64xi32, #tpu.memory_space<vmem>> -> memref<64xi32, #tpu.memory_space<vmem>>
        %dma_wait3A_197 = arith.constant 0 : i32
        %dma_wait3A_198 = arith.constant 0 : i32
        %dma_wait3A_199 = tpu.memref_slice %arg7[%dma_wait3A_197, %dma_wait3A_198] : memref<10240x128xf32, #tpu.memory_space<vmem_shared>> -> memref<10240x128xf32, #tpu.memory_space<vmem_shared>>
        tpu.wait_indirect_dma semaphore(%arg21 : memref<!tpu.dma_semaphore, #tpu.memory_space<semaphore_mem>>) src(%arg13 : memref<64x128xf32, #tpu.memory_space<vmem>>) dst(%dma_wait3A_199 : memref<10240x128xf32, #tpu.memory_space<vmem_shared>>)
        %add3A_200 = arith.constant 4 : i32
        %add3A_201 = arith.addi %mul3A_76, %add3A_200 : i32
        %add3A_202 = arith.constant 3 : i32
        %add3A_203 = arith.addi %add3A_201, %add3A_202 : i32
        %min3A_204 = arith.constant 39 : i32
        %min3A_205 = arith.minsi %add3A_203, %min3A_204 : i32
        %dma_start3A_206 = arith.constant 0 : i32
        %dma_start3A_207 = tpu.memref_slice %arg8[%min3A_205, %dma_start3A_206] : memref<40x64xi32, #tpu.memory_space<vmem>> -> memref<1x64xi32, #tpu.memory_space<vmem>>
        %dma_start3A_208 = tpu.memref_squeeze %dma_start3A_207 : memref<1x64xi32, #tpu.memory_space<vmem>> -> memref<64xi32, #tpu.memory_space<vmem>>
        %dma_start3A_209 = arith.constant 0 : i32
        %dma_start3A_210 = arith.constant 0 : i32
        %dma_start3A_211 = tpu.memref_slice %arg2[%dma_start3A_209, %dma_start3A_210] : memref<10240x128xf32, #tpu.memory_space<hbm>> -> memref<10240x128xf32, #tpu.memory_space<hbm>>
        tpu.enqueue_indirect_dma source(%dma_start3A_211 : memref<10240x128xf32, #tpu.memory_space<hbm>>) target(%arg13 : memref<64x128xf32, #tpu.memory_space<vmem>>) offsets(%dma_start3A_208 : memref<64xi32, #tpu.memory_space<vmem>>) semaphore(%arg17 : memref<!tpu.dma_semaphore, #tpu.memory_space<semaphore_mem>>)
      }
      %scan3A_46 = arith.constant 10 : i32
      %dma_wait3A = arith.constant 0 : i32
      %dma_wait3A_47 = arith.constant 0 : i32
      %dma_wait3A_48 = tpu.memref_slice %arg8[%dma_wait3A, %dma_wait3A_47] : memref<40x64xi32, #tpu.memory_space<vmem>> -> memref<1x64xi32, #tpu.memory_space<vmem>>
      %dma_wait3A_49 = tpu.memref_squeeze %dma_wait3A_48 : memref<1x64xi32, #tpu.memory_space<vmem>> -> memref<64xi32, #tpu.memory_space<vmem>>
      %dma_wait3A_50 = arith.constant 0 : i32
      %dma_wait3A_51 = arith.constant 0 : i32
      %dma_wait3A_52 = tpu.memref_slice %arg2[%dma_wait3A_50, %dma_wait3A_51] : memref<10240x128xf32, #tpu.memory_space<hbm>> -> memref<10240x128xf32, #tpu.memory_space<hbm>>
      tpu.wait_indirect_dma semaphore(%arg14 : memref<!tpu.dma_semaphore, #tpu.memory_space<semaphore_mem>>) src(%dma_wait3A_52 : memref<10240x128xf32, #tpu.memory_space<hbm>>) dst(%arg10 : memref<64x128xf32, #tpu.memory_space<vmem>>)
      %dma_wait3A_53 = arith.constant 0 : i32
      %dma_wait3A_54 = arith.constant 0 : i32
      %dma_wait3A_55 = tpu.memref_slice %arg8[%dma_wait3A_53, %dma_wait3A_54] : memref<40x64xi32, #tpu.memory_space<vmem>> -> memref<1x64xi32, #tpu.memory_space<vmem>>
      %dma_wait3A_56 = tpu.memref_squeeze %dma_wait3A_55 : memref<1x64xi32, #tpu.memory_space<vmem>> -> memref<64xi32, #tpu.memory_space<vmem>>
      %dma_wait3A_57 = arith.constant 0 : i32
      %dma_wait3A_58 = arith.constant 0 : i32
      %dma_wait3A_59 = tpu.memref_slice %arg2[%dma_wait3A_57, %dma_wait3A_58] : memref<10240x128xf32, #tpu.memory_space<hbm>> -> memref<10240x128xf32, #tpu.memory_space<hbm>>
      tpu.wait_indirect_dma semaphore(%arg15 : memref<!tpu.dma_semaphore, #tpu.memory_space<semaphore_mem>>) src(%dma_wait3A_59 : memref<10240x128xf32, #tpu.memory_space<hbm>>) dst(%arg11 : memref<64x128xf32, #tpu.memory_space<vmem>>)
      %dma_wait3A_60 = arith.constant 0 : i32
      %dma_wait3A_61 = arith.constant 0 : i32
      %dma_wait3A_62 = tpu.memref_slice %arg8[%dma_wait3A_60, %dma_wait3A_61] : memref<40x64xi32, #tpu.memory_space<vmem>> -> memref<1x64xi32, #tpu.memory_space<vmem>>
      %dma_wait3A_63 = tpu.memref_squeeze %dma_wait3A_62 : memref<1x64xi32, #tpu.memory_space<vmem>> -> memref<64xi32, #tpu.memory_space<vmem>>
      %dma_wait3A_64 = arith.constant 0 : i32
      %dma_wait3A_65 = arith.constant 0 : i32
      %dma_wait3A_66 = tpu.memref_slice %arg2[%dma_wait3A_64, %dma_wait3A_65] : memref<10240x128xf32, #tpu.memory_space<hbm>> -> memref<10240x128xf32, #tpu.memory_space<hbm>>
      tpu.wait_indirect_dma semaphore(%arg16 : memref<!tpu.dma_semaphore, #tpu.memory_space<semaphore_mem>>) src(%dma_wait3A_66 : memref<10240x128xf32, #tpu.memory_space<hbm>>) dst(%arg12 : memref<64x128xf32, #tpu.memory_space<vmem>>)
      %dma_wait3A_67 = arith.constant 0 : i32
      %dma_wait3A_68 = arith.constant 0 : i32
      %dma_wait3A_69 = tpu.memref_slice %arg8[%dma_wait3A_67, %dma_wait3A_68] : memref<40x64xi32, #tpu.memory_space<vmem>> -> memref<1x64xi32, #tpu.memory_space<vmem>>
      %dma_wait3A_70 = tpu.memref_squeeze %dma_wait3A_69 : memref<1x64xi32, #tpu.memory_space<vmem>> -> memref<64xi32, #tpu.memory_space<vmem>>
      %dma_wait3A_71 = arith.constant 0 : i32
      %dma_wait3A_72 = arith.constant 0 : i32
      %dma_wait3A_73 = tpu.memref_slice %arg2[%dma_wait3A_71, %dma_wait3A_72] : memref<10240x128xf32, #tpu.memory_space<hbm>> -> memref<10240x128xf32, #tpu.memory_space<hbm>>
      tpu.wait_indirect_dma semaphore(%arg17 : memref<!tpu.dma_semaphore, #tpu.memory_space<semaphore_mem>>) src(%dma_wait3A_73 : memref<10240x128xf32, #tpu.memory_space<hbm>>) dst(%arg13 : memref<64x128xf32, #tpu.memory_space<vmem>>)
    }
    %scan3A_7 = arith.constant 4 : i32
    %barrier3A_8 = arith.constant 0 : index
    tpu.barrier barrier_id(%barrier3A_8)
    "tpu.region"() ({
      %run_scoped3A = tpu.sem_alloc : memref<!tpu.dma_semaphore, #tpu.memory_space<semaphore_mem>>
      %dma_start3A = arith.constant 0 : i32
      %dma_start3A_9 = tpu.memref_slice %arg6[%arg0, %mul3A_2, %dma_start3A] : memref<2x10240x128xf32, #tpu.memory_space<hbm>> -> memref<1x640x128xf32, #tpu.memory_space<hbm>>
      %dma_start3A_10 = tpu.memref_squeeze %dma_start3A_9 : memref<1x640x128xf32, #tpu.memory_space<hbm>> -> memref<640x128xf32, #tpu.memory_space<hbm>>
      %dma_start3A_11 = arith.constant 0 : i32
      %dma_start3A_12 = tpu.memref_slice %arg7[%mul3A_2, %dma_start3A_11] : memref<10240x128xf32, #tpu.memory_space<vmem_shared>> -> memref<640x128xf32, #tpu.memory_space<vmem_shared>>
      tpu.enqueue_dma source(%dma_start3A_12 : memref<640x128xf32, #tpu.memory_space<vmem_shared>>) target(%dma_start3A_10 : memref<640x128xf32, #tpu.memory_space<hbm>>) target_semaphore(%run_scoped3A : memref<!tpu.dma_semaphore, #tpu.memory_space<semaphore_mem>>)
      %dma_wait3A = arith.constant 0 : i32
      %dma_wait3A_13 = tpu.memref_slice %arg6[%arg0, %mul3A_2, %dma_wait3A] : memref<2x10240x128xf32, #tpu.memory_space<hbm>> -> memref<1x640x128xf32, #tpu.memory_space<hbm>>
      %dma_wait3A_14 = tpu.memref_squeeze %dma_wait3A_13 : memref<1x640x128xf32, #tpu.memory_space<hbm>> -> memref<640x128xf32, #tpu.memory_space<hbm>>
      %dma_wait3A_15 = arith.constant 0 : i32
      %dma_wait3A_16 = tpu.memref_slice %arg7[%mul3A_2, %dma_wait3A_15] : memref<10240x128xf32, #tpu.memory_space<vmem_shared>> -> memref<640x128xf32, #tpu.memory_space<vmem_shared>>
      tpu.wait_dma2 semaphore(%run_scoped3A : memref<!tpu.dma_semaphore, #tpu.memory_space<semaphore_mem>>) src(%dma_wait3A_16 : memref<640x128xf32, #tpu.memory_space<vmem_shared>>) dst(%dma_wait3A_14 : memref<640x128xf32, #tpu.memory_space<hbm>>)
      tpu.yield
    }) : () -> ()
    return
  }
}

#map = affine_map<(d0, d1) -> (0, 0)>
#map1 = affine_map<(d0, d1) -> (0)>
#map2 = affine_map<(d0, d1) -> (0, 0, 0)>
module attributes {stable_mosaic.version = 14 : i64} {
  func.func @k(%arg0: i32, %arg1: i32, %arg2: memref<10240x128xf32, #tpu.memory_space<hbm>>, %arg3: memref<10240xi32, #tpu.memory_space<hbm>>, %arg4: memref<640x128xf32, #tpu.memory_space<hbm>>, %arg5: memref<32x128x128xf32, #tpu.memory_space<hbm>>, %arg6: memref<320x128xf32, #tpu.memory_space<vmem>>, %arg7: memref<320xi32, #tpu.memory_space<vmem>>, %arg8: memref<136x128xf32, #tpu.memory_space<vmem>>) attributes {dimension_semantics = [#tpu.dimension_semantics<core_parallel>, #tpu.dimension_semantics<subcore_parallel>], iteration_bounds = array<i64: 2, 16>, scalar_prefetch = 0 : i64, scratch_operands = 3 : i64, tpu.core_type = #tpu.core_type<sc_vector_subcore>, window_params = [{transform_indices = #map}, {transform_indices = #map1}, {transform_indices = #map}, {transform_indices = #map2}]} {
    %mul3A = arith.constant 2 : i32
    %mul3A_0 = arith.muli %arg1, %mul3A : i32
    %add3A = arith.addi %mul3A_0, %arg0 : i32
    %mul3A_1 = arith.constant 320 : i32
    %mul3A_2 = arith.muli %add3A, %mul3A_1 : i32
    "tpu.region"() ({
      %run_scoped3A = tpu.sem_alloc : memref<!tpu.dma_semaphore, #tpu.memory_space<semaphore_mem>>
      %dma_start3A = arith.constant 0 : i32
      %dma_start3A_8 = tpu.memref_slice %arg2[%mul3A_2, %dma_start3A] : memref<10240x128xf32, #tpu.memory_space<hbm>> -> memref<320x128xf32, #tpu.memory_space<hbm>>
      %dma_start3A_9 = arith.constant 0 : i32
      %dma_start3A_10 = tpu.memref_slice %arg2[%mul3A_2, %dma_start3A_9] : memref<10240x128xf32, #tpu.memory_space<hbm>> -> memref<320x128xf32, #tpu.memory_space<hbm>>
      tpu.enqueue_dma source(%dma_start3A_10 : memref<320x128xf32, #tpu.memory_space<hbm>>) target(%arg6 : memref<320x128xf32, #tpu.memory_space<vmem>>) target_semaphore(%run_scoped3A : memref<!tpu.dma_semaphore, #tpu.memory_space<semaphore_mem>>)
      %dma_wait3A = arith.constant 0 : i32
      %dma_wait3A_11 = tpu.memref_slice %arg2[%mul3A_2, %dma_wait3A] : memref<10240x128xf32, #tpu.memory_space<hbm>> -> memref<320x128xf32, #tpu.memory_space<hbm>>
      %dma_wait3A_12 = arith.constant 0 : i32
      %dma_wait3A_13 = tpu.memref_slice %arg2[%mul3A_2, %dma_wait3A_12] : memref<10240x128xf32, #tpu.memory_space<hbm>> -> memref<320x128xf32, #tpu.memory_space<hbm>>
      tpu.wait_dma2 semaphore(%run_scoped3A : memref<!tpu.dma_semaphore, #tpu.memory_space<semaphore_mem>>) src(%dma_wait3A_13 : memref<320x128xf32, #tpu.memory_space<hbm>>) dst(%arg6 : memref<320x128xf32, #tpu.memory_space<vmem>>)
      tpu.yield
    }) : () -> ()
    "tpu.region"() ({
      %run_scoped3A = tpu.sem_alloc : memref<!tpu.dma_semaphore, #tpu.memory_space<semaphore_mem>>
      %dma_start3A = tpu.memref_slice %arg3[%mul3A_2] : memref<10240xi32, #tpu.memory_space<hbm>> -> memref<320xi32, #tpu.memory_space<hbm>>
      %dma_start3A_8 = tpu.memref_slice %arg3[%mul3A_2] : memref<10240xi32, #tpu.memory_space<hbm>> -> memref<320xi32, #tpu.memory_space<hbm>>
      tpu.enqueue_dma source(%dma_start3A_8 : memref<320xi32, #tpu.memory_space<hbm>>) target(%arg7 : memref<320xi32, #tpu.memory_space<vmem>>) target_semaphore(%run_scoped3A : memref<!tpu.dma_semaphore, #tpu.memory_space<semaphore_mem>>)
      %dma_wait3A = tpu.memref_slice %arg3[%mul3A_2] : memref<10240xi32, #tpu.memory_space<hbm>> -> memref<320xi32, #tpu.memory_space<hbm>>
      %dma_wait3A_9 = tpu.memref_slice %arg3[%mul3A_2] : memref<10240xi32, #tpu.memory_space<hbm>> -> memref<320xi32, #tpu.memory_space<hbm>>
      tpu.wait_dma2 semaphore(%run_scoped3A : memref<!tpu.dma_semaphore, #tpu.memory_space<semaphore_mem>>) src(%dma_wait3A_9 : memref<320xi32, #tpu.memory_space<hbm>>) dst(%arg7 : memref<320xi32, #tpu.memory_space<vmem>>)
      tpu.yield
    }) : () -> ()
    "tpu.region"() ({
      %run_scoped3A = tpu.sem_alloc : memref<!tpu.dma_semaphore, #tpu.memory_space<semaphore_mem>>
      %dma_start3A = arith.constant 0 : i32
      %dma_start3A_8 = arith.constant 0 : i32
      %dma_start3A_9 = tpu.memref_slice %arg4[%dma_start3A, %dma_start3A_8] : memref<640x128xf32, #tpu.memory_space<hbm>> -> memref<136x128xf32, #tpu.memory_space<hbm>>
      %dma_start3A_10 = arith.constant 0 : i32
      %dma_start3A_11 = arith.constant 0 : i32
      %dma_start3A_12 = tpu.memref_slice %arg4[%dma_start3A_10, %dma_start3A_11] : memref<640x128xf32, #tpu.memory_space<hbm>> -> memref<136x128xf32, #tpu.memory_space<hbm>>
      tpu.enqueue_dma source(%dma_start3A_12 : memref<136x128xf32, #tpu.memory_space<hbm>>) target(%arg8 : memref<136x128xf32, #tpu.memory_space<vmem>>) target_semaphore(%run_scoped3A : memref<!tpu.dma_semaphore, #tpu.memory_space<semaphore_mem>>)
      %dma_wait3A = arith.constant 0 : i32
      %dma_wait3A_13 = arith.constant 0 : i32
      %dma_wait3A_14 = tpu.memref_slice %arg4[%dma_wait3A, %dma_wait3A_13] : memref<640x128xf32, #tpu.memory_space<hbm>> -> memref<136x128xf32, #tpu.memory_space<hbm>>
      %dma_wait3A_15 = arith.constant 0 : i32
      %dma_wait3A_16 = arith.constant 0 : i32
      %dma_wait3A_17 = tpu.memref_slice %arg4[%dma_wait3A_15, %dma_wait3A_16] : memref<640x128xf32, #tpu.memory_space<hbm>> -> memref<136x128xf32, #tpu.memory_space<hbm>>
      tpu.wait_dma2 semaphore(%run_scoped3A : memref<!tpu.dma_semaphore, #tpu.memory_space<semaphore_mem>>) src(%dma_wait3A_17 : memref<136x128xf32, #tpu.memory_space<hbm>>) dst(%arg8 : memref<136x128xf32, #tpu.memory_space<vmem>>)
      tpu.yield
    }) : () -> ()
    %iota3A = tpu.iota {dimensions = array<i32: 0>} : vector<16xi32>
    %scan3A = arith.constant 0 : i32
    %scan3A_3 = arith.constant 0 : i32
    %scan3A_4 = arith.constant 20 : i32
    %scan3A_5 = arith.addi %scan3A_3, %scan3A_4 : i32
    %scan3A_6 = arith.constant 1 : i32
    scf.for %scan3A_8 = %scan3A_3 to %scan3A_5 step %scan3A_6  : i32 {
      %mul3A_9 = arith.constant 16 : i32
      %mul3A_10 = arith.muli %scan3A_8, %mul3A_9 : i32
      %add3A_11 = arith.constant 0 : i32
      %add3A_12 = arith.addi %mul3A_10, %add3A_11 : i32
      %broadcast_in_dim3A = vector.broadcast %add3A_12 : i32 to vector<16xi32>
      %gather3A = tpu.vector_load_idx %arg7[%broadcast_in_dim3A] : memref<320xi32, #tpu.memory_space<vmem>>[vector<16xi32>], vector<16xi32>,
      %lt3A = arith.constant 0 : i32
      %lt3A_13 = vector.broadcast %lt3A : i32 to vector<16xi32>
      %lt3A_14 = arith.cmpi slt, %gather3A, %lt3A_13 : vector<16xi32>
      %jit3A = arith.constant 128 : i32
      %broadcast_in_dim3A_15 = vector.broadcast %jit3A : i32 to vector<16xi32>
      %select_n3A = arith.select %lt3A_14, %broadcast_in_dim3A_15, %gather3A : vector<16xi1>, vector<16xi32>
      %add3A_16 = arith.constant 0 : i32
      %add3A_17 = vector.broadcast %add3A_16 : i32 to vector<16xi32>
      %add3A_18 = arith.addi %iota3A, %add3A_17 : vector<16xi32>
      %gather3A_19 = tpu.vector_load_idx %arg8[%select_n3A, %add3A_18] : memref<136x128xf32, #tpu.memory_space<vmem>>[vector<16xi32>, vector<16xi32>], vector<16xf32>,
      %get3A = arith.index_cast %add3A_12 : i32 to index
      %get3A_20 = arith.constant 0 : index
      %get3A_21 = tpu.vector_load %arg6[%get3A, %get3A_20] {strides = array<i32>} : memref<320x128xf32, #tpu.memory_space<vmem>>, vector<16xf32>,
      %max3A = arith.maximumf %gather3A_19, %get3A_21 : vector<16xf32>
      tpu.vector_store_idx %arg8[%select_n3A, %add3A_18], %max3A : memref<136x128xf32, #tpu.memory_space<vmem>>[vector<16xi32>, vector<16xi32>], vector<16xf32>,
      %add3A_22 = arith.constant 16 : i32
      %add3A_23 = vector.broadcast %add3A_22 : i32 to vector<16xi32>
      %add3A_24 = arith.addi %iota3A, %add3A_23 : vector<16xi32>
      %gather3A_25 = tpu.vector_load_idx %arg8[%select_n3A, %add3A_24] : memref<136x128xf32, #tpu.memory_space<vmem>>[vector<16xi32>, vector<16xi32>], vector<16xf32>,
      %get3A_26 = arith.index_cast %add3A_12 : i32 to index
      %get3A_27 = arith.constant 16 : index
      %get3A_28 = tpu.vector_load %arg6[%get3A_26, %get3A_27] {strides = array<i32>} : memref<320x128xf32, #tpu.memory_space<vmem>>, vector<16xf32>,
      %max3A_29 = arith.maximumf %gather3A_25, %get3A_28 : vector<16xf32>
      tpu.vector_store_idx %arg8[%select_n3A, %add3A_24], %max3A_29 : memref<136x128xf32, #tpu.memory_space<vmem>>[vector<16xi32>, vector<16xi32>], vector<16xf32>,
      %add3A_30 = arith.constant 32 : i32
      %add3A_31 = vector.broadcast %add3A_30 : i32 to vector<16xi32>
      %add3A_32 = arith.addi %iota3A, %add3A_31 : vector<16xi32>
      %gather3A_33 = tpu.vector_load_idx %arg8[%select_n3A, %add3A_32] : memref<136x128xf32, #tpu.memory_space<vmem>>[vector<16xi32>, vector<16xi32>], vector<16xf32>,
      %get3A_34 = arith.index_cast %add3A_12 : i32 to index
      %get3A_35 = arith.constant 32 : index
      %get3A_36 = tpu.vector_load %arg6[%get3A_34, %get3A_35] {strides = array<i32>} : memref<320x128xf32, #tpu.memory_space<vmem>>, vector<16xf32>,
      %max3A_37 = arith.maximumf %gather3A_33, %get3A_36 : vector<16xf32>
      tpu.vector_store_idx %arg8[%select_n3A, %add3A_32], %max3A_37 : memref<136x128xf32, #tpu.memory_space<vmem>>[vector<16xi32>, vector<16xi32>], vector<16xf32>,
      %add3A_38 = arith.constant 48 : i32
      %add3A_39 = vector.broadcast %add3A_38 : i32 to vector<16xi32>
      %add3A_40 = arith.addi %iota3A, %add3A_39 : vector<16xi32>
      %gather3A_41 = tpu.vector_load_idx %arg8[%select_n3A, %add3A_40] : memref<136x128xf32, #tpu.memory_space<vmem>>[vector<16xi32>, vector<16xi32>], vector<16xf32>,
      %get3A_42 = arith.index_cast %add3A_12 : i32 to index
      %get3A_43 = arith.constant 48 : index
      %get3A_44 = tpu.vector_load %arg6[%get3A_42, %get3A_43] {strides = array<i32>} : memref<320x128xf32, #tpu.memory_space<vmem>>, vector<16xf32>,
      %max3A_45 = arith.maximumf %gather3A_41, %get3A_44 : vector<16xf32>
      tpu.vector_store_idx %arg8[%select_n3A, %add3A_40], %max3A_45 : memref<136x128xf32, #tpu.memory_space<vmem>>[vector<16xi32>, vector<16xi32>], vector<16xf32>,
      %add3A_46 = arith.constant 64 : i32
      %add3A_47 = vector.broadcast %add3A_46 : i32 to vector<16xi32>
      %add3A_48 = arith.addi %iota3A, %add3A_47 : vector<16xi32>
      %gather3A_49 = tpu.vector_load_idx %arg8[%select_n3A, %add3A_48] : memref<136x128xf32, #tpu.memory_space<vmem>>[vector<16xi32>, vector<16xi32>], vector<16xf32>,
      %get3A_50 = arith.index_cast %add3A_12 : i32 to index
      %get3A_51 = arith.constant 64 : index
      %get3A_52 = tpu.vector_load %arg6[%get3A_50, %get3A_51] {strides = array<i32>} : memref<320x128xf32, #tpu.memory_space<vmem>>, vector<16xf32>,
      %max3A_53 = arith.maximumf %gather3A_49, %get3A_52 : vector<16xf32>
      tpu.vector_store_idx %arg8[%select_n3A, %add3A_48], %max3A_53 : memref<136x128xf32, #tpu.memory_space<vmem>>[vector<16xi32>, vector<16xi32>], vector<16xf32>,
      %add3A_54 = arith.constant 80 : i32
      %add3A_55 = vector.broadcast %add3A_54 : i32 to vector<16xi32>
      %add3A_56 = arith.addi %iota3A, %add3A_55 : vector<16xi32>
      %gather3A_57 = tpu.vector_load_idx %arg8[%select_n3A, %add3A_56] : memref<136x128xf32, #tpu.memory_space<vmem>>[vector<16xi32>, vector<16xi32>], vector<16xf32>,
      %get3A_58 = arith.index_cast %add3A_12 : i32 to index
      %get3A_59 = arith.constant 80 : index
      %get3A_60 = tpu.vector_load %arg6[%get3A_58, %get3A_59] {strides = array<i32>} : memref<320x128xf32, #tpu.memory_space<vmem>>, vector<16xf32>,
      %max3A_61 = arith.maximumf %gather3A_57, %get3A_60 : vector<16xf32>
      tpu.vector_store_idx %arg8[%select_n3A, %add3A_56], %max3A_61 : memref<136x128xf32, #tpu.memory_space<vmem>>[vector<16xi32>, vector<16xi32>], vector<16xf32>,
      %add3A_62 = arith.constant 96 : i32
      %add3A_63 = vector.broadcast %add3A_62 : i32 to vector<16xi32>
      %add3A_64 = arith.addi %iota3A, %add3A_63 : vector<16xi32>
      %gather3A_65 = tpu.vector_load_idx %arg8[%select_n3A, %add3A_64] : memref<136x128xf32, #tpu.memory_space<vmem>>[vector<16xi32>, vector<16xi32>], vector<16xf32>,
      %get3A_66 = arith.index_cast %add3A_12 : i32 to index
      %get3A_67 = arith.constant 96 : index
      %get3A_68 = tpu.vector_load %arg6[%get3A_66, %get3A_67] {strides = array<i32>} : memref<320x128xf32, #tpu.memory_space<vmem>>, vector<16xf32>,
      %max3A_69 = arith.maximumf %gather3A_65, %get3A_68 : vector<16xf32>
      tpu.vector_store_idx %arg8[%select_n3A, %add3A_64], %max3A_69 : memref<136x128xf32, #tpu.memory_space<vmem>>[vector<16xi32>, vector<16xi32>], vector<16xf32>,
      %add3A_70 = arith.constant 112 : i32
      %add3A_71 = vector.broadcast %add3A_70 : i32 to vector<16xi32>
      %add3A_72 = arith.addi %iota3A, %add3A_71 : vector<16xi32>
      %gather3A_73 = tpu.vector_load_idx %arg8[%select_n3A, %add3A_72] : memref<136x128xf32, #tpu.memory_space<vmem>>[vector<16xi32>, vector<16xi32>], vector<16xf32>,
      %get3A_74 = arith.index_cast %add3A_12 : i32 to index
      %get3A_75 = arith.constant 112 : index
      %get3A_76 = tpu.vector_load %arg6[%get3A_74, %get3A_75] {strides = array<i32>} : memref<320x128xf32, #tpu.memory_space<vmem>>, vector<16xf32>,
      %max3A_77 = arith.maximumf %gather3A_73, %get3A_76 : vector<16xf32>
      tpu.vector_store_idx %arg8[%select_n3A, %add3A_72], %max3A_77 : memref<136x128xf32, #tpu.memory_space<vmem>>[vector<16xi32>, vector<16xi32>], vector<16xf32>,
      %add3A_78 = arith.constant 1 : i32
      %add3A_79 = arith.addi %mul3A_10, %add3A_78 : i32
      %broadcast_in_dim3A_80 = vector.broadcast %add3A_79 : i32 to vector<16xi32>
      %gather3A_81 = tpu.vector_load_idx %arg7[%broadcast_in_dim3A_80] : memref<320xi32, #tpu.memory_space<vmem>>[vector<16xi32>], vector<16xi32>,
      %lt3A_82 = arith.constant 0 : i32
      %lt3A_83 = vector.broadcast %lt3A_82 : i32 to vector<16xi32>
      %lt3A_84 = arith.cmpi slt, %gather3A_81, %lt3A_83 : vector<16xi32>
      %jit3A_85 = arith.constant 128 : i32
      %broadcast_in_dim3A_86 = vector.broadcast %jit3A_85 : i32 to vector<16xi32>
      %select_n3A_87 = arith.select %lt3A_84, %broadcast_in_dim3A_86, %gather3A_81 : vector<16xi1>, vector<16xi32>
      %add3A_88 = arith.constant 0 : i32
      %add3A_89 = vector.broadcast %add3A_88 : i32 to vector<16xi32>
      %add3A_90 = arith.addi %iota3A, %add3A_89 : vector<16xi32>
      %gather3A_91 = tpu.vector_load_idx %arg8[%select_n3A_87, %add3A_90] : memref<136x128xf32, #tpu.memory_space<vmem>>[vector<16xi32>, vector<16xi32>], vector<16xf32>,
      %get3A_92 = arith.index_cast %add3A_79 : i32 to index
      %get3A_93 = arith.constant 0 : index
      %get3A_94 = tpu.vector_load %arg6[%get3A_92, %get3A_93] {strides = array<i32>} : memref<320x128xf32, #tpu.memory_space<vmem>>, vector<16xf32>,
      %max3A_95 = arith.maximumf %gather3A_91, %get3A_94 : vector<16xf32>
      tpu.vector_store_idx %arg8[%select_n3A_87, %add3A_90], %max3A_95 : memref<136x128xf32, #tpu.memory_space<vmem>>[vector<16xi32>, vector<16xi32>], vector<16xf32>,
      %add3A_96 = arith.constant 16 : i32
      %add3A_97 = vector.broadcast %add3A_96 : i32 to vector<16xi32>
      %add3A_98 = arith.addi %iota3A, %add3A_97 : vector<16xi32>
      %gather3A_99 = tpu.vector_load_idx %arg8[%select_n3A_87, %add3A_98] : memref<136x128xf32, #tpu.memory_space<vmem>>[vector<16xi32>, vector<16xi32>], vector<16xf32>,
      %get3A_100 = arith.index_cast %add3A_79 : i32 to index
      %get3A_101 = arith.constant 16 : index
      %get3A_102 = tpu.vector_load %arg6[%get3A_100, %get3A_101] {strides = array<i32>} : memref<320x128xf32, #tpu.memory_space<vmem>>, vector<16xf32>,
      %max3A_103 = arith.maximumf %gather3A_99, %get3A_102 : vector<16xf32>
      tpu.vector_store_idx %arg8[%select_n3A_87, %add3A_98], %max3A_103 : memref<136x128xf32, #tpu.memory_space<vmem>>[vector<16xi32>, vector<16xi32>], vector<16xf32>,
      %add3A_104 = arith.constant 32 : i32
      %add3A_105 = vector.broadcast %add3A_104 : i32 to vector<16xi32>
      %add3A_106 = arith.addi %iota3A, %add3A_105 : vector<16xi32>
      %gather3A_107 = tpu.vector_load_idx %arg8[%select_n3A_87, %add3A_106] : memref<136x128xf32, #tpu.memory_space<vmem>>[vector<16xi32>, vector<16xi32>], vector<16xf32>,
      %get3A_108 = arith.index_cast %add3A_79 : i32 to index
      %get3A_109 = arith.constant 32 : index
      %get3A_110 = tpu.vector_load %arg6[%get3A_108, %get3A_109] {strides = array<i32>} : memref<320x128xf32, #tpu.memory_space<vmem>>, vector<16xf32>,
      %max3A_111 = arith.maximumf %gather3A_107, %get3A_110 : vector<16xf32>
      tpu.vector_store_idx %arg8[%select_n3A_87, %add3A_106], %max3A_111 : memref<136x128xf32, #tpu.memory_space<vmem>>[vector<16xi32>, vector<16xi32>], vector<16xf32>,
      %add3A_112 = arith.constant 48 : i32
      %add3A_113 = vector.broadcast %add3A_112 : i32 to vector<16xi32>
      %add3A_114 = arith.addi %iota3A, %add3A_113 : vector<16xi32>
      %gather3A_115 = tpu.vector_load_idx %arg8[%select_n3A_87, %add3A_114] : memref<136x128xf32, #tpu.memory_space<vmem>>[vector<16xi32>, vector<16xi32>], vector<16xf32>,
      %get3A_116 = arith.index_cast %add3A_79 : i32 to index
      %get3A_117 = arith.constant 48 : index
      %get3A_118 = tpu.vector_load %arg6[%get3A_116, %get3A_117] {strides = array<i32>} : memref<320x128xf32, #tpu.memory_space<vmem>>, vector<16xf32>,
      %max3A_119 = arith.maximumf %gather3A_115, %get3A_118 : vector<16xf32>
      tpu.vector_store_idx %arg8[%select_n3A_87, %add3A_114], %max3A_119 : memref<136x128xf32, #tpu.memory_space<vmem>>[vector<16xi32>, vector<16xi32>], vector<16xf32>,
      %add3A_120 = arith.constant 64 : i32
      %add3A_121 = vector.broadcast %add3A_120 : i32 to vector<16xi32>
      %add3A_122 = arith.addi %iota3A, %add3A_121 : vector<16xi32>
      %gather3A_123 = tpu.vector_load_idx %arg8[%select_n3A_87, %add3A_122] : memref<136x128xf32, #tpu.memory_space<vmem>>[vector<16xi32>, vector<16xi32>], vector<16xf32>,
      %get3A_124 = arith.index_cast %add3A_79 : i32 to index
      %get3A_125 = arith.constant 64 : index
      %get3A_126 = tpu.vector_load %arg6[%get3A_124, %get3A_125] {strides = array<i32>} : memref<320x128xf32, #tpu.memory_space<vmem>>, vector<16xf32>,
      %max3A_127 = arith.maximumf %gather3A_123, %get3A_126 : vector<16xf32>
      tpu.vector_store_idx %arg8[%select_n3A_87, %add3A_122], %max3A_127 : memref<136x128xf32, #tpu.memory_space<vmem>>[vector<16xi32>, vector<16xi32>], vector<16xf32>,
      %add3A_128 = arith.constant 80 : i32
      %add3A_129 = vector.broadcast %add3A_128 : i32 to vector<16xi32>
      %add3A_130 = arith.addi %iota3A, %add3A_129 : vector<16xi32>
      %gather3A_131 = tpu.vector_load_idx %arg8[%select_n3A_87, %add3A_130] : memref<136x128xf32, #tpu.memory_space<vmem>>[vector<16xi32>, vector<16xi32>], vector<16xf32>,
      %get3A_132 = arith.index_cast %add3A_79 : i32 to index
      %get3A_133 = arith.constant 80 : index
      %get3A_134 = tpu.vector_load %arg6[%get3A_132, %get3A_133] {strides = array<i32>} : memref<320x128xf32, #tpu.memory_space<vmem>>, vector<16xf32>,
      %max3A_135 = arith.maximumf %gather3A_131, %get3A_134 : vector<16xf32>
      tpu.vector_store_idx %arg8[%select_n3A_87, %add3A_130], %max3A_135 : memref<136x128xf32, #tpu.memory_space<vmem>>[vector<16xi32>, vector<16xi32>], vector<16xf32>,
      %add3A_136 = arith.constant 96 : i32
      %add3A_137 = vector.broadcast %add3A_136 : i32 to vector<16xi32>
      %add3A_138 = arith.addi %iota3A, %add3A_137 : vector<16xi32>
      %gather3A_139 = tpu.vector_load_idx %arg8[%select_n3A_87, %add3A_138] : memref<136x128xf32, #tpu.memory_space<vmem>>[vector<16xi32>, vector<16xi32>], vector<16xf32>,
      %get3A_140 = arith.index_cast %add3A_79 : i32 to index
      %get3A_141 = arith.constant 96 : index
      %get3A_142 = tpu.vector_load %arg6[%get3A_140, %get3A_141] {strides = array<i32>} : memref<320x128xf32, #tpu.memory_space<vmem>>, vector<16xf32>,
      %max3A_143 = arith.maximumf %gather3A_139, %get3A_142 : vector<16xf32>
      tpu.vector_store_idx %arg8[%select_n3A_87, %add3A_138], %max3A_143 : memref<136x128xf32, #tpu.memory_space<vmem>>[vector<16xi32>, vector<16xi32>], vector<16xf32>,
      %add3A_144 = arith.constant 112 : i32
      %add3A_145 = vector.broadcast %add3A_144 : i32 to vector<16xi32>
      %add3A_146 = arith.addi %iota3A, %add3A_145 : vector<16xi32>
      %gather3A_147 = tpu.vector_load_idx %arg8[%select_n3A_87, %add3A_146] : memref<136x128xf32, #tpu.memory_space<vmem>>[vector<16xi32>, vector<16xi32>], vector<16xf32>,
      %get3A_148 = arith.index_cast %add3A_79 : i32 to index
      %get3A_149 = arith.constant 112 : index
      %get3A_150 = tpu.vector_load %arg6[%get3A_148, %get3A_149] {strides = array<i32>} : memref<320x128xf32, #tpu.memory_space<vmem>>, vector<16xf32>,
      %max3A_151 = arith.maximumf %gather3A_147, %get3A_150 : vector<16xf32>
      tpu.vector_store_idx %arg8[%select_n3A_87, %add3A_146], %max3A_151 : memref<136x128xf32, #tpu.memory_space<vmem>>[vector<16xi32>, vector<16xi32>], vector<16xf32>,
      %add3A_152 = arith.constant 2 : i32
      %add3A_153 = arith.addi %mul3A_10, %add3A_152 : i32
      %broadcast_in_dim3A_154 = vector.broadcast %add3A_153 : i32 to vector<16xi32>
      %gather3A_155 = tpu.vector_load_idx %arg7[%broadcast_in_dim3A_154] : memref<320xi32, #tpu.memory_space<vmem>>[vector<16xi32>], vector<16xi32>,
      %lt3A_156 = arith.constant 0 : i32
      %lt3A_157 = vector.broadcast %lt3A_156 : i32 to vector<16xi32>
      %lt3A_158 = arith.cmpi slt, %gather3A_155, %lt3A_157 : vector<16xi32>
      %jit3A_159 = arith.constant 128 : i32
      %broadcast_in_dim3A_160 = vector.broadcast %jit3A_159 : i32 to vector<16xi32>
      %select_n3A_161 = arith.select %lt3A_158, %broadcast_in_dim3A_160, %gather3A_155 : vector<16xi1>, vector<16xi32>
      %add3A_162 = arith.constant 0 : i32
      %add3A_163 = vector.broadcast %add3A_162 : i32 to vector<16xi32>
      %add3A_164 = arith.addi %iota3A, %add3A_163 : vector<16xi32>
      %gather3A_165 = tpu.vector_load_idx %arg8[%select_n3A_161, %add3A_164] : memref<136x128xf32, #tpu.memory_space<vmem>>[vector<16xi32>, vector<16xi32>], vector<16xf32>,
      %get3A_166 = arith.index_cast %add3A_153 : i32 to index
      %get3A_167 = arith.constant 0 : index
      %get3A_168 = tpu.vector_load %arg6[%get3A_166, %get3A_167] {strides = array<i32>} : memref<320x128xf32, #tpu.memory_space<vmem>>, vector<16xf32>,
      %max3A_169 = arith.maximumf %gather3A_165, %get3A_168 : vector<16xf32>
      tpu.vector_store_idx %arg8[%select_n3A_161, %add3A_164], %max3A_169 : memref<136x128xf32, #tpu.memory_space<vmem>>[vector<16xi32>, vector<16xi32>], vector<16xf32>,
      %add3A_170 = arith.constant 16 : i32
      %add3A_171 = vector.broadcast %add3A_170 : i32 to vector<16xi32>
      %add3A_172 = arith.addi %iota3A, %add3A_171 : vector<16xi32>
      %gather3A_173 = tpu.vector_load_idx %arg8[%select_n3A_161, %add3A_172] : memref<136x128xf32, #tpu.memory_space<vmem>>[vector<16xi32>, vector<16xi32>], vector<16xf32>,
      %get3A_174 = arith.index_cast %add3A_153 : i32 to index
      %get3A_175 = arith.constant 16 : index
      %get3A_176 = tpu.vector_load %arg6[%get3A_174, %get3A_175] {strides = array<i32>} : memref<320x128xf32, #tpu.memory_space<vmem>>, vector<16xf32>,
      %max3A_177 = arith.maximumf %gather3A_173, %get3A_176 : vector<16xf32>
      tpu.vector_store_idx %arg8[%select_n3A_161, %add3A_172], %max3A_177 : memref<136x128xf32, #tpu.memory_space<vmem>>[vector<16xi32>, vector<16xi32>], vector<16xf32>,
      %add3A_178 = arith.constant 32 : i32
      %add3A_179 = vector.broadcast %add3A_178 : i32 to vector<16xi32>
      %add3A_180 = arith.addi %iota3A, %add3A_179 : vector<16xi32>
      %gather3A_181 = tpu.vector_load_idx %arg8[%select_n3A_161, %add3A_180] : memref<136x128xf32, #tpu.memory_space<vmem>>[vector<16xi32>, vector<16xi32>], vector<16xf32>,
      %get3A_182 = arith.index_cast %add3A_153 : i32 to index
      %get3A_183 = arith.constant 32 : index
      %get3A_184 = tpu.vector_load %arg6[%get3A_182, %get3A_183] {strides = array<i32>} : memref<320x128xf32, #tpu.memory_space<vmem>>, vector<16xf32>,
      %max3A_185 = arith.maximumf %gather3A_181, %get3A_184 : vector<16xf32>
      tpu.vector_store_idx %arg8[%select_n3A_161, %add3A_180], %max3A_185 : memref<136x128xf32, #tpu.memory_space<vmem>>[vector<16xi32>, vector<16xi32>], vector<16xf32>,
      %add3A_186 = arith.constant 48 : i32
      %add3A_187 = vector.broadcast %add3A_186 : i32 to vector<16xi32>
      %add3A_188 = arith.addi %iota3A, %add3A_187 : vector<16xi32>
      %gather3A_189 = tpu.vector_load_idx %arg8[%select_n3A_161, %add3A_188] : memref<136x128xf32, #tpu.memory_space<vmem>>[vector<16xi32>, vector<16xi32>], vector<16xf32>,
      %get3A_190 = arith.index_cast %add3A_153 : i32 to index
      %get3A_191 = arith.constant 48 : index
      %get3A_192 = tpu.vector_load %arg6[%get3A_190, %get3A_191] {strides = array<i32>} : memref<320x128xf32, #tpu.memory_space<vmem>>, vector<16xf32>,
      %max3A_193 = arith.maximumf %gather3A_189, %get3A_192 : vector<16xf32>
      tpu.vector_store_idx %arg8[%select_n3A_161, %add3A_188], %max3A_193 : memref<136x128xf32, #tpu.memory_space<vmem>>[vector<16xi32>, vector<16xi32>], vector<16xf32>,
      %add3A_194 = arith.constant 64 : i32
      %add3A_195 = vector.broadcast %add3A_194 : i32 to vector<16xi32>
      %add3A_196 = arith.addi %iota3A, %add3A_195 : vector<16xi32>
      %gather3A_197 = tpu.vector_load_idx %arg8[%select_n3A_161, %add3A_196] : memref<136x128xf32, #tpu.memory_space<vmem>>[vector<16xi32>, vector<16xi32>], vector<16xf32>,
      %get3A_198 = arith.index_cast %add3A_153 : i32 to index
      %get3A_199 = arith.constant 64 : index
      %get3A_200 = tpu.vector_load %arg6[%get3A_198, %get3A_199] {strides = array<i32>} : memref<320x128xf32, #tpu.memory_space<vmem>>, vector<16xf32>,
      %max3A_201 = arith.maximumf %gather3A_197, %get3A_200 : vector<16xf32>
      tpu.vector_store_idx %arg8[%select_n3A_161, %add3A_196], %max3A_201 : memref<136x128xf32, #tpu.memory_space<vmem>>[vector<16xi32>, vector<16xi32>], vector<16xf32>,
      %add3A_202 = arith.constant 80 : i32
      %add3A_203 = vector.broadcast %add3A_202 : i32 to vector<16xi32>
      %add3A_204 = arith.addi %iota3A, %add3A_203 : vector<16xi32>
      %gather3A_205 = tpu.vector_load_idx %arg8[%select_n3A_161, %add3A_204] : memref<136x128xf32, #tpu.memory_space<vmem>>[vector<16xi32>, vector<16xi32>], vector<16xf32>,
      %get3A_206 = arith.index_cast %add3A_153 : i32 to index
      %get3A_207 = arith.constant 80 : index
      %get3A_208 = tpu.vector_load %arg6[%get3A_206, %get3A_207] {strides = array<i32>} : memref<320x128xf32, #tpu.memory_space<vmem>>, vector<16xf32>,
      %max3A_209 = arith.maximumf %gather3A_205, %get3A_208 : vector<16xf32>
      tpu.vector_store_idx %arg8[%select_n3A_161, %add3A_204], %max3A_209 : memref<136x128xf32, #tpu.memory_space<vmem>>[vector<16xi32>, vector<16xi32>], vector<16xf32>,
      %add3A_210 = arith.constant 96 : i32
      %add3A_211 = vector.broadcast %add3A_210 : i32 to vector<16xi32>
      %add3A_212 = arith.addi %iota3A, %add3A_211 : vector<16xi32>
      %gather3A_213 = tpu.vector_load_idx %arg8[%select_n3A_161, %add3A_212] : memref<136x128xf32, #tpu.memory_space<vmem>>[vector<16xi32>, vector<16xi32>], vector<16xf32>,
      %get3A_214 = arith.index_cast %add3A_153 : i32 to index
      %get3A_215 = arith.constant 96 : index
      %get3A_216 = tpu.vector_load %arg6[%get3A_214, %get3A_215] {strides = array<i32>} : memref<320x128xf32, #tpu.memory_space<vmem>>, vector<16xf32>,
      %max3A_217 = arith.maximumf %gather3A_213, %get3A_216 : vector<16xf32>
      tpu.vector_store_idx %arg8[%select_n3A_161, %add3A_212], %max3A_217 : memref<136x128xf32, #tpu.memory_space<vmem>>[vector<16xi32>, vector<16xi32>], vector<16xf32>,
      %add3A_218 = arith.constant 112 : i32
      %add3A_219 = vector.broadcast %add3A_218 : i32 to vector<16xi32>
      %add3A_220 = arith.addi %iota3A, %add3A_219 : vector<16xi32>
      %gather3A_221 = tpu.vector_load_idx %arg8[%select_n3A_161, %add3A_220] : memref<136x128xf32, #tpu.memory_space<vmem>>[vector<16xi32>, vector<16xi32>], vector<16xf32>,
      %get3A_222 = arith.index_cast %add3A_153 : i32 to index
      %get3A_223 = arith.constant 112 : index
      %get3A_224 = tpu.vector_load %arg6[%get3A_222, %get3A_223] {strides = array<i32>} : memref<320x128xf32, #tpu.memory_space<vmem>>, vector<16xf32>,
      %max3A_225 = arith.maximumf %gather3A_221, %get3A_224 : vector<16xf32>
      tpu.vector_store_idx %arg8[%select_n3A_161, %add3A_220], %max3A_225 : memref<136x128xf32, #tpu.memory_space<vmem>>[vector<16xi32>, vector<16xi32>], vector<16xf32>,
      %add3A_226 = arith.constant 3 : i32
      %add3A_227 = arith.addi %mul3A_10, %add3A_226 : i32
      %broadcast_in_dim3A_228 = vector.broadcast %add3A_227 : i32 to vector<16xi32>
      %gather3A_229 = tpu.vector_load_idx %arg7[%broadcast_in_dim3A_228] : memref<320xi32, #tpu.memory_space<vmem>>[vector<16xi32>], vector<16xi32>,
      %lt3A_230 = arith.constant 0 : i32
      %lt3A_231 = vector.broadcast %lt3A_230 : i32 to vector<16xi32>
      %lt3A_232 = arith.cmpi slt, %gather3A_229, %lt3A_231 : vector<16xi32>
      %jit3A_233 = arith.constant 128 : i32
      %broadcast_in_dim3A_234 = vector.broadcast %jit3A_233 : i32 to vector<16xi32>
      %select_n3A_235 = arith.select %lt3A_232, %broadcast_in_dim3A_234, %gather3A_229 : vector<16xi1>, vector<16xi32>
      %add3A_236 = arith.constant 0 : i32
      %add3A_237 = vector.broadcast %add3A_236 : i32 to vector<16xi32>
      %add3A_238 = arith.addi %iota3A, %add3A_237 : vector<16xi32>
      %gather3A_239 = tpu.vector_load_idx %arg8[%select_n3A_235, %add3A_238] : memref<136x128xf32, #tpu.memory_space<vmem>>[vector<16xi32>, vector<16xi32>], vector<16xf32>,
      %get3A_240 = arith.index_cast %add3A_227 : i32 to index
      %get3A_241 = arith.constant 0 : index
      %get3A_242 = tpu.vector_load %arg6[%get3A_240, %get3A_241] {strides = array<i32>} : memref<320x128xf32, #tpu.memory_space<vmem>>, vector<16xf32>,
      %max3A_243 = arith.maximumf %gather3A_239, %get3A_242 : vector<16xf32>
      tpu.vector_store_idx %arg8[%select_n3A_235, %add3A_238], %max3A_243 : memref<136x128xf32, #tpu.memory_space<vmem>>[vector<16xi32>, vector<16xi32>], vector<16xf32>,
      %add3A_244 = arith.constant 16 : i32
      %add3A_245 = vector.broadcast %add3A_244 : i32 to vector<16xi32>
      %add3A_246 = arith.addi %iota3A, %add3A_245 : vector<16xi32>
      %gather3A_247 = tpu.vector_load_idx %arg8[%select_n3A_235, %add3A_246] : memref<136x128xf32, #tpu.memory_space<vmem>>[vector<16xi32>, vector<16xi32>], vector<16xf32>,
      %get3A_248 = arith.index_cast %add3A_227 : i32 to index
      %get3A_249 = arith.constant 16 : index
      %get3A_250 = tpu.vector_load %arg6[%get3A_248, %get3A_249] {strides = array<i32>} : memref<320x128xf32, #tpu.memory_space<vmem>>, vector<16xf32>,
      %max3A_251 = arith.maximumf %gather3A_247, %get3A_250 : vector<16xf32>
      tpu.vector_store_idx %arg8[%select_n3A_235, %add3A_246], %max3A_251 : memref<136x128xf32, #tpu.memory_space<vmem>>[vector<16xi32>, vector<16xi32>], vector<16xf32>,
      %add3A_252 = arith.constant 32 : i32
      %add3A_253 = vector.broadcast %add3A_252 : i32 to vector<16xi32>
      %add3A_254 = arith.addi %iota3A, %add3A_253 : vector<16xi32>
      %gather3A_255 = tpu.vector_load_idx %arg8[%select_n3A_235, %add3A_254] : memref<136x128xf32, #tpu.memory_space<vmem>>[vector<16xi32>, vector<16xi32>], vector<16xf32>,
      %get3A_256 = arith.index_cast %add3A_227 : i32 to index
      %get3A_257 = arith.constant 32 : index
      %get3A_258 = tpu.vector_load %arg6[%get3A_256, %get3A_257] {strides = array<i32>} : memref<320x128xf32, #tpu.memory_space<vmem>>, vector<16xf32>,
      %max3A_259 = arith.maximumf %gather3A_255, %get3A_258 : vector<16xf32>
      tpu.vector_store_idx %arg8[%select_n3A_235, %add3A_254], %max3A_259 : memref<136x128xf32, #tpu.memory_space<vmem>>[vector<16xi32>, vector<16xi32>], vector<16xf32>,
      %add3A_260 = arith.constant 48 : i32
      %add3A_261 = vector.broadcast %add3A_260 : i32 to vector<16xi32>
      %add3A_262 = arith.addi %iota3A, %add3A_261 : vector<16xi32>
      %gather3A_263 = tpu.vector_load_idx %arg8[%select_n3A_235, %add3A_262] : memref<136x128xf32, #tpu.memory_space<vmem>>[vector<16xi32>, vector<16xi32>], vector<16xf32>,
      %get3A_264 = arith.index_cast %add3A_227 : i32 to index
      %get3A_265 = arith.constant 48 : index
      %get3A_266 = tpu.vector_load %arg6[%get3A_264, %get3A_265] {strides = array<i32>} : memref<320x128xf32, #tpu.memory_space<vmem>>, vector<16xf32>,
      %max3A_267 = arith.maximumf %gather3A_263, %get3A_266 : vector<16xf32>
      tpu.vector_store_idx %arg8[%select_n3A_235, %add3A_262], %max3A_267 : memref<136x128xf32, #tpu.memory_space<vmem>>[vector<16xi32>, vector<16xi32>], vector<16xf32>,
      %add3A_268 = arith.constant 64 : i32
      %add3A_269 = vector.broadcast %add3A_268 : i32 to vector<16xi32>
      %add3A_270 = arith.addi %iota3A, %add3A_269 : vector<16xi32>
      %gather3A_271 = tpu.vector_load_idx %arg8[%select_n3A_235, %add3A_270] : memref<136x128xf32, #tpu.memory_space<vmem>>[vector<16xi32>, vector<16xi32>], vector<16xf32>,
      %get3A_272 = arith.index_cast %add3A_227 : i32 to index
      %get3A_273 = arith.constant 64 : index
      %get3A_274 = tpu.vector_load %arg6[%get3A_272, %get3A_273] {strides = array<i32>} : memref<320x128xf32, #tpu.memory_space<vmem>>, vector<16xf32>,
      %max3A_275 = arith.maximumf %gather3A_271, %get3A_274 : vector<16xf32>
      tpu.vector_store_idx %arg8[%select_n3A_235, %add3A_270], %max3A_275 : memref<136x128xf32, #tpu.memory_space<vmem>>[vector<16xi32>, vector<16xi32>], vector<16xf32>,
      %add3A_276 = arith.constant 80 : i32
      %add3A_277 = vector.broadcast %add3A_276 : i32 to vector<16xi32>
      %add3A_278 = arith.addi %iota3A, %add3A_277 : vector<16xi32>
      %gather3A_279 = tpu.vector_load_idx %arg8[%select_n3A_235, %add3A_278] : memref<136x128xf32, #tpu.memory_space<vmem>>[vector<16xi32>, vector<16xi32>], vector<16xf32>,
      %get3A_280 = arith.index_cast %add3A_227 : i32 to index
      %get3A_281 = arith.constant 80 : index
      %get3A_282 = tpu.vector_load %arg6[%get3A_280, %get3A_281] {strides = array<i32>} : memref<320x128xf32, #tpu.memory_space<vmem>>, vector<16xf32>,
      %max3A_283 = arith.maximumf %gather3A_279, %get3A_282 : vector<16xf32>
      tpu.vector_store_idx %arg8[%select_n3A_235, %add3A_278], %max3A_283 : memref<136x128xf32, #tpu.memory_space<vmem>>[vector<16xi32>, vector<16xi32>], vector<16xf32>,
      %add3A_284 = arith.constant 96 : i32
      %add3A_285 = vector.broadcast %add3A_284 : i32 to vector<16xi32>
      %add3A_286 = arith.addi %iota3A, %add3A_285 : vector<16xi32>
      %gather3A_287 = tpu.vector_load_idx %arg8[%select_n3A_235, %add3A_286] : memref<136x128xf32, #tpu.memory_space<vmem>>[vector<16xi32>, vector<16xi32>], vector<16xf32>,
      %get3A_288 = arith.index_cast %add3A_227 : i32 to index
      %get3A_289 = arith.constant 96 : index
      %get3A_290 = tpu.vector_load %arg6[%get3A_288, %get3A_289] {strides = array<i32>} : memref<320x128xf32, #tpu.memory_space<vmem>>, vector<16xf32>,
      %max3A_291 = arith.maximumf %gather3A_287, %get3A_290 : vector<16xf32>
      tpu.vector_store_idx %arg8[%select_n3A_235, %add3A_286], %max3A_291 : memref<136x128xf32, #tpu.memory_space<vmem>>[vector<16xi32>, vector<16xi32>], vector<16xf32>,
      %add3A_292 = arith.constant 112 : i32
      %add3A_293 = vector.broadcast %add3A_292 : i32 to vector<16xi32>
      %add3A_294 = arith.addi %iota3A, %add3A_293 : vector<16xi32>
      %gather3A_295 = tpu.vector_load_idx %arg8[%select_n3A_235, %add3A_294] : memref<136x128xf32, #tpu.memory_space<vmem>>[vector<16xi32>, vector<16xi32>], vector<16xf32>,
      %get3A_296 = arith.index_cast %add3A_227 : i32 to index
      %get3A_297 = arith.constant 112 : index
      %get3A_298 = tpu.vector_load %arg6[%get3A_296, %get3A_297] {strides = array<i32>} : memref<320x128xf32, #tpu.memory_space<vmem>>, vector<16xf32>,
      %max3A_299 = arith.maximumf %gather3A_295, %get3A_298 : vector<16xf32>
      tpu.vector_store_idx %arg8[%select_n3A_235, %add3A_294], %max3A_299 : memref<136x128xf32, #tpu.memory_space<vmem>>[vector<16xi32>, vector<16xi32>], vector<16xf32>,
      %add3A_300 = arith.constant 4 : i32
      %add3A_301 = arith.addi %mul3A_10, %add3A_300 : i32
      %broadcast_in_dim3A_302 = vector.broadcast %add3A_301 : i32 to vector<16xi32>
      %gather3A_303 = tpu.vector_load_idx %arg7[%broadcast_in_dim3A_302] : memref<320xi32, #tpu.memory_space<vmem>>[vector<16xi32>], vector<16xi32>,
      %lt3A_304 = arith.constant 0 : i32
      %lt3A_305 = vector.broadcast %lt3A_304 : i32 to vector<16xi32>
      %lt3A_306 = arith.cmpi slt, %gather3A_303, %lt3A_305 : vector<16xi32>
      %jit3A_307 = arith.constant 128 : i32
      %broadcast_in_dim3A_308 = vector.broadcast %jit3A_307 : i32 to vector<16xi32>
      %select_n3A_309 = arith.select %lt3A_306, %broadcast_in_dim3A_308, %gather3A_303 : vector<16xi1>, vector<16xi32>
      %add3A_310 = arith.constant 0 : i32
      %add3A_311 = vector.broadcast %add3A_310 : i32 to vector<16xi32>
      %add3A_312 = arith.addi %iota3A, %add3A_311 : vector<16xi32>
      %gather3A_313 = tpu.vector_load_idx %arg8[%select_n3A_309, %add3A_312] : memref<136x128xf32, #tpu.memory_space<vmem>>[vector<16xi32>, vector<16xi32>], vector<16xf32>,
      %get3A_314 = arith.index_cast %add3A_301 : i32 to index
      %get3A_315 = arith.constant 0 : index
      %get3A_316 = tpu.vector_load %arg6[%get3A_314, %get3A_315] {strides = array<i32>} : memref<320x128xf32, #tpu.memory_space<vmem>>, vector<16xf32>,
      %max3A_317 = arith.maximumf %gather3A_313, %get3A_316 : vector<16xf32>
      tpu.vector_store_idx %arg8[%select_n3A_309, %add3A_312], %max3A_317 : memref<136x128xf32, #tpu.memory_space<vmem>>[vector<16xi32>, vector<16xi32>], vector<16xf32>,
      %add3A_318 = arith.constant 16 : i32
      %add3A_319 = vector.broadcast %add3A_318 : i32 to vector<16xi32>
      %add3A_320 = arith.addi %iota3A, %add3A_319 : vector<16xi32>
      %gather3A_321 = tpu.vector_load_idx %arg8[%select_n3A_309, %add3A_320] : memref<136x128xf32, #tpu.memory_space<vmem>>[vector<16xi32>, vector<16xi32>], vector<16xf32>,
      %get3A_322 = arith.index_cast %add3A_301 : i32 to index
      %get3A_323 = arith.constant 16 : index
      %get3A_324 = tpu.vector_load %arg6[%get3A_322, %get3A_323] {strides = array<i32>} : memref<320x128xf32, #tpu.memory_space<vmem>>, vector<16xf32>,
      %max3A_325 = arith.maximumf %gather3A_321, %get3A_324 : vector<16xf32>
      tpu.vector_store_idx %arg8[%select_n3A_309, %add3A_320], %max3A_325 : memref<136x128xf32, #tpu.memory_space<vmem>>[vector<16xi32>, vector<16xi32>], vector<16xf32>,
      %add3A_326 = arith.constant 32 : i32
      %add3A_327 = vector.broadcast %add3A_326 : i32 to vector<16xi32>
      %add3A_328 = arith.addi %iota3A, %add3A_327 : vector<16xi32>
      %gather3A_329 = tpu.vector_load_idx %arg8[%select_n3A_309, %add3A_328] : memref<136x128xf32, #tpu.memory_space<vmem>>[vector<16xi32>, vector<16xi32>], vector<16xf32>,
      %get3A_330 = arith.index_cast %add3A_301 : i32 to index
      %get3A_331 = arith.constant 32 : index
      %get3A_332 = tpu.vector_load %arg6[%get3A_330, %get3A_331] {strides = array<i32>} : memref<320x128xf32, #tpu.memory_space<vmem>>, vector<16xf32>,
      %max3A_333 = arith.maximumf %gather3A_329, %get3A_332 : vector<16xf32>
      tpu.vector_store_idx %arg8[%select_n3A_309, %add3A_328], %max3A_333 : memref<136x128xf32, #tpu.memory_space<vmem>>[vector<16xi32>, vector<16xi32>], vector<16xf32>,
      %add3A_334 = arith.constant 48 : i32
      %add3A_335 = vector.broadcast %add3A_334 : i32 to vector<16xi32>
      %add3A_336 = arith.addi %iota3A, %add3A_335 : vector<16xi32>
      %gather3A_337 = tpu.vector_load_idx %arg8[%select_n3A_309, %add3A_336] : memref<136x128xf32, #tpu.memory_space<vmem>>[vector<16xi32>, vector<16xi32>], vector<16xf32>,
      %get3A_338 = arith.index_cast %add3A_301 : i32 to index
      %get3A_339 = arith.constant 48 : index
      %get3A_340 = tpu.vector_load %arg6[%get3A_338, %get3A_339] {strides = array<i32>} : memref<320x128xf32, #tpu.memory_space<vmem>>, vector<16xf32>,
      %max3A_341 = arith.maximumf %gather3A_337, %get3A_340 : vector<16xf32>
      tpu.vector_store_idx %arg8[%select_n3A_309, %add3A_336], %max3A_341 : memref<136x128xf32, #tpu.memory_space<vmem>>[vector<16xi32>, vector<16xi32>], vector<16xf32>,
      %add3A_342 = arith.constant 64 : i32
      %add3A_343 = vector.broadcast %add3A_342 : i32 to vector<16xi32>
      %add3A_344 = arith.addi %iota3A, %add3A_343 : vector<16xi32>
      %gather3A_345 = tpu.vector_load_idx %arg8[%select_n3A_309, %add3A_344] : memref<136x128xf32, #tpu.memory_space<vmem>>[vector<16xi32>, vector<16xi32>], vector<16xf32>,
      %get3A_346 = arith.index_cast %add3A_301 : i32 to index
      %get3A_347 = arith.constant 64 : index
      %get3A_348 = tpu.vector_load %arg6[%get3A_346, %get3A_347] {strides = array<i32>} : memref<320x128xf32, #tpu.memory_space<vmem>>, vector<16xf32>,
      %max3A_349 = arith.maximumf %gather3A_345, %get3A_348 : vector<16xf32>
      tpu.vector_store_idx %arg8[%select_n3A_309, %add3A_344], %max3A_349 : memref<136x128xf32, #tpu.memory_space<vmem>>[vector<16xi32>, vector<16xi32>], vector<16xf32>,
      %add3A_350 = arith.constant 80 : i32
      %add3A_351 = vector.broadcast %add3A_350 : i32 to vector<16xi32>
      %add3A_352 = arith.addi %iota3A, %add3A_351 : vector<16xi32>
      %gather3A_353 = tpu.vector_load_idx %arg8[%select_n3A_309, %add3A_352] : memref<136x128xf32, #tpu.memory_space<vmem>>[vector<16xi32>, vector<16xi32>], vector<16xf32>,
      %get3A_354 = arith.index_cast %add3A_301 : i32 to index
      %get3A_355 = arith.constant 80 : index
      %get3A_356 = tpu.vector_load %arg6[%get3A_354, %get3A_355] {strides = array<i32>} : memref<320x128xf32, #tpu.memory_space<vmem>>, vector<16xf32>,
      %max3A_357 = arith.maximumf %gather3A_353, %get3A_356 : vector<16xf32>
      tpu.vector_store_idx %arg8[%select_n3A_309, %add3A_352], %max3A_357 : memref<136x128xf32, #tpu.memory_space<vmem>>[vector<16xi32>, vector<16xi32>], vector<16xf32>,
      %add3A_358 = arith.constant 96 : i32
      %add3A_359 = vector.broadcast %add3A_358 : i32 to vector<16xi32>
      %add3A_360 = arith.addi %iota3A, %add3A_359 : vector<16xi32>
      %gather3A_361 = tpu.vector_load_idx %arg8[%select_n3A_309, %add3A_360] : memref<136x128xf32, #tpu.memory_space<vmem>>[vector<16xi32>, vector<16xi32>], vector<16xf32>,
      %get3A_362 = arith.index_cast %add3A_301 : i32 to index
      %get3A_363 = arith.constant 96 : index
      %get3A_364 = tpu.vector_load %arg6[%get3A_362, %get3A_363] {strides = array<i32>} : memref<320x128xf32, #tpu.memory_space<vmem>>, vector<16xf32>,
      %max3A_365 = arith.maximumf %gather3A_361, %get3A_364 : vector<16xf32>
      tpu.vector_store_idx %arg8[%select_n3A_309, %add3A_360], %max3A_365 : memref<136x128xf32, #tpu.memory_space<vmem>>[vector<16xi32>, vector<16xi32>], vector<16xf32>,
      %add3A_366 = arith.constant 112 : i32
      %add3A_367 = vector.broadcast %add3A_366 : i32 to vector<16xi32>
      %add3A_368 = arith.addi %iota3A, %add3A_367 : vector<16xi32>
      %gather3A_369 = tpu.vector_load_idx %arg8[%select_n3A_309, %add3A_368] : memref<136x128xf32, #tpu.memory_space<vmem>>[vector<16xi32>, vector<16xi32>], vector<16xf32>,
      %get3A_370 = arith.index_cast %add3A_301 : i32 to index
      %get3A_371 = arith.constant 112 : index
      %get3A_372 = tpu.vector_load %arg6[%get3A_370, %get3A_371] {strides = array<i32>} : memref<320x128xf32, #tpu.memory_space<vmem>>, vector<16xf32>,
      %max3A_373 = arith.maximumf %gather3A_369, %get3A_372 : vector<16xf32>
      tpu.vector_store_idx %arg8[%select_n3A_309, %add3A_368], %max3A_373 : memref<136x128xf32, #tpu.memory_space<vmem>>[vector<16xi32>, vector<16xi32>], vector<16xf32>,
      %add3A_374 = arith.constant 5 : i32
      %add3A_375 = arith.addi %mul3A_10, %add3A_374 : i32
      %broadcast_in_dim3A_376 = vector.broadcast %add3A_375 : i32 to vector<16xi32>
      %gather3A_377 = tpu.vector_load_idx %arg7[%broadcast_in_dim3A_376] : memref<320xi32, #tpu.memory_space<vmem>>[vector<16xi32>], vector<16xi32>,
      %lt3A_378 = arith.constant 0 : i32
      %lt3A_379 = vector.broadcast %lt3A_378 : i32 to vector<16xi32>
      %lt3A_380 = arith.cmpi slt, %gather3A_377, %lt3A_379 : vector<16xi32>
      %jit3A_381 = arith.constant 128 : i32
      %broadcast_in_dim3A_382 = vector.broadcast %jit3A_381 : i32 to vector<16xi32>
      %select_n3A_383 = arith.select %lt3A_380, %broadcast_in_dim3A_382, %gather3A_377 : vector<16xi1>, vector<16xi32>
      %add3A_384 = arith.constant 0 : i32
      %add3A_385 = vector.broadcast %add3A_384 : i32 to vector<16xi32>
      %add3A_386 = arith.addi %iota3A, %add3A_385 : vector<16xi32>
      %gather3A_387 = tpu.vector_load_idx %arg8[%select_n3A_383, %add3A_386] : memref<136x128xf32, #tpu.memory_space<vmem>>[vector<16xi32>, vector<16xi32>], vector<16xf32>,
      %get3A_388 = arith.index_cast %add3A_375 : i32 to index
      %get3A_389 = arith.constant 0 : index
      %get3A_390 = tpu.vector_load %arg6[%get3A_388, %get3A_389] {strides = array<i32>} : memref<320x128xf32, #tpu.memory_space<vmem>>, vector<16xf32>,
      %max3A_391 = arith.maximumf %gather3A_387, %get3A_390 : vector<16xf32>
      tpu.vector_store_idx %arg8[%select_n3A_383, %add3A_386], %max3A_391 : memref<136x128xf32, #tpu.memory_space<vmem>>[vector<16xi32>, vector<16xi32>], vector<16xf32>,
      %add3A_392 = arith.constant 16 : i32
      %add3A_393 = vector.broadcast %add3A_392 : i32 to vector<16xi32>
      %add3A_394 = arith.addi %iota3A, %add3A_393 : vector<16xi32>
      %gather3A_395 = tpu.vector_load_idx %arg8[%select_n3A_383, %add3A_394] : memref<136x128xf32, #tpu.memory_space<vmem>>[vector<16xi32>, vector<16xi32>], vector<16xf32>,
      %get3A_396 = arith.index_cast %add3A_375 : i32 to index
      %get3A_397 = arith.constant 16 : index
      %get3A_398 = tpu.vector_load %arg6[%get3A_396, %get3A_397] {strides = array<i32>} : memref<320x128xf32, #tpu.memory_space<vmem>>, vector<16xf32>,
      %max3A_399 = arith.maximumf %gather3A_395, %get3A_398 : vector<16xf32>
      tpu.vector_store_idx %arg8[%select_n3A_383, %add3A_394], %max3A_399 : memref<136x128xf32, #tpu.memory_space<vmem>>[vector<16xi32>, vector<16xi32>], vector<16xf32>,
      %add3A_400 = arith.constant 32 : i32
      %add3A_401 = vector.broadcast %add3A_400 : i32 to vector<16xi32>
      %add3A_402 = arith.addi %iota3A, %add3A_401 : vector<16xi32>
      %gather3A_403 = tpu.vector_load_idx %arg8[%select_n3A_383, %add3A_402] : memref<136x128xf32, #tpu.memory_space<vmem>>[vector<16xi32>, vector<16xi32>], vector<16xf32>,
      %get3A_404 = arith.index_cast %add3A_375 : i32 to index
      %get3A_405 = arith.constant 32 : index
      %get3A_406 = tpu.vector_load %arg6[%get3A_404, %get3A_405] {strides = array<i32>} : memref<320x128xf32, #tpu.memory_space<vmem>>, vector<16xf32>,
      %max3A_407 = arith.maximumf %gather3A_403, %get3A_406 : vector<16xf32>
      tpu.vector_store_idx %arg8[%select_n3A_383, %add3A_402], %max3A_407 : memref<136x128xf32, #tpu.memory_space<vmem>>[vector<16xi32>, vector<16xi32>], vector<16xf32>,
      %add3A_408 = arith.constant 48 : i32
      %add3A_409 = vector.broadcast %add3A_408 : i32 to vector<16xi32>
      %add3A_410 = arith.addi %iota3A, %add3A_409 : vector<16xi32>
      %gather3A_411 = tpu.vector_load_idx %arg8[%select_n3A_383, %add3A_410] : memref<136x128xf32, #tpu.memory_space<vmem>>[vector<16xi32>, vector<16xi32>], vector<16xf32>,
      %get3A_412 = arith.index_cast %add3A_375 : i32 to index
      %get3A_413 = arith.constant 48 : index
      %get3A_414 = tpu.vector_load %arg6[%get3A_412, %get3A_413] {strides = array<i32>} : memref<320x128xf32, #tpu.memory_space<vmem>>, vector<16xf32>,
      %max3A_415 = arith.maximumf %gather3A_411, %get3A_414 : vector<16xf32>
      tpu.vector_store_idx %arg8[%select_n3A_383, %add3A_410], %max3A_415 : memref<136x128xf32, #tpu.memory_space<vmem>>[vector<16xi32>, vector<16xi32>], vector<16xf32>,
      %add3A_416 = arith.constant 64 : i32
      %add3A_417 = vector.broadcast %add3A_416 : i32 to vector<16xi32>
      %add3A_418 = arith.addi %iota3A, %add3A_417 : vector<16xi32>
      %gather3A_419 = tpu.vector_load_idx %arg8[%select_n3A_383, %add3A_418] : memref<136x128xf32, #tpu.memory_space<vmem>>[vector<16xi32>, vector<16xi32>], vector<16xf32>,
      %get3A_420 = arith.index_cast %add3A_375 : i32 to index
      %get3A_421 = arith.constant 64 : index
      %get3A_422 = tpu.vector_load %arg6[%get3A_420, %get3A_421] {strides = array<i32>} : memref<320x128xf32, #tpu.memory_space<vmem>>, vector<16xf32>,
      %max3A_423 = arith.maximumf %gather3A_419, %get3A_422 : vector<16xf32>
      tpu.vector_store_idx %arg8[%select_n3A_383, %add3A_418], %max3A_423 : memref<136x128xf32, #tpu.memory_space<vmem>>[vector<16xi32>, vector<16xi32>], vector<16xf32>,
      %add3A_424 = arith.constant 80 : i32
      %add3A_425 = vector.broadcast %add3A_424 : i32 to vector<16xi32>
      %add3A_426 = arith.addi %iota3A, %add3A_425 : vector<16xi32>
      %gather3A_427 = tpu.vector_load_idx %arg8[%select_n3A_383, %add3A_426] : memref<136x128xf32, #tpu.memory_space<vmem>>[vector<16xi32>, vector<16xi32>], vector<16xf32>,
      %get3A_428 = arith.index_cast %add3A_375 : i32 to index
      %get3A_429 = arith.constant 80 : index
      %get3A_430 = tpu.vector_load %arg6[%get3A_428, %get3A_429] {strides = array<i32>} : memref<320x128xf32, #tpu.memory_space<vmem>>, vector<16xf32>,
      %max3A_431 = arith.maximumf %gather3A_427, %get3A_430 : vector<16xf32>
      tpu.vector_store_idx %arg8[%select_n3A_383, %add3A_426], %max3A_431 : memref<136x128xf32, #tpu.memory_space<vmem>>[vector<16xi32>, vector<16xi32>], vector<16xf32>,
      %add3A_432 = arith.constant 96 : i32
      %add3A_433 = vector.broadcast %add3A_432 : i32 to vector<16xi32>
      %add3A_434 = arith.addi %iota3A, %add3A_433 : vector<16xi32>
      %gather3A_435 = tpu.vector_load_idx %arg8[%select_n3A_383, %add3A_434] : memref<136x128xf32, #tpu.memory_space<vmem>>[vector<16xi32>, vector<16xi32>], vector<16xf32>,
      %get3A_436 = arith.index_cast %add3A_375 : i32 to index
      %get3A_437 = arith.constant 96 : index
      %get3A_438 = tpu.vector_load %arg6[%get3A_436, %get3A_437] {strides = array<i32>} : memref<320x128xf32, #tpu.memory_space<vmem>>, vector<16xf32>,
      %max3A_439 = arith.maximumf %gather3A_435, %get3A_438 : vector<16xf32>
      tpu.vector_store_idx %arg8[%select_n3A_383, %add3A_434], %max3A_439 : memref<136x128xf32, #tpu.memory_space<vmem>>[vector<16xi32>, vector<16xi32>], vector<16xf32>,
      %add3A_440 = arith.constant 112 : i32
      %add3A_441 = vector.broadcast %add3A_440 : i32 to vector<16xi32>
      %add3A_442 = arith.addi %iota3A, %add3A_441 : vector<16xi32>
      %gather3A_443 = tpu.vector_load_idx %arg8[%select_n3A_383, %add3A_442] : memref<136x128xf32, #tpu.memory_space<vmem>>[vector<16xi32>, vector<16xi32>], vector<16xf32>,
      %get3A_444 = arith.index_cast %add3A_375 : i32 to index
      %get3A_445 = arith.constant 112 : index
      %get3A_446 = tpu.vector_load %arg6[%get3A_444, %get3A_445] {strides = array<i32>} : memref<320x128xf32, #tpu.memory_space<vmem>>, vector<16xf32>,
      %max3A_447 = arith.maximumf %gather3A_443, %get3A_446 : vector<16xf32>
      tpu.vector_store_idx %arg8[%select_n3A_383, %add3A_442], %max3A_447 : memref<136x128xf32, #tpu.memory_space<vmem>>[vector<16xi32>, vector<16xi32>], vector<16xf32>,
      %add3A_448 = arith.constant 6 : i32
      %add3A_449 = arith.addi %mul3A_10, %add3A_448 : i32
      %broadcast_in_dim3A_450 = vector.broadcast %add3A_449 : i32 to vector<16xi32>
      %gather3A_451 = tpu.vector_load_idx %arg7[%broadcast_in_dim3A_450] : memref<320xi32, #tpu.memory_space<vmem>>[vector<16xi32>], vector<16xi32>,
      %lt3A_452 = arith.constant 0 : i32
      %lt3A_453 = vector.broadcast %lt3A_452 : i32 to vector<16xi32>
      %lt3A_454 = arith.cmpi slt, %gather3A_451, %lt3A_453 : vector<16xi32>
      %jit3A_455 = arith.constant 128 : i32
      %broadcast_in_dim3A_456 = vector.broadcast %jit3A_455 : i32 to vector<16xi32>
      %select_n3A_457 = arith.select %lt3A_454, %broadcast_in_dim3A_456, %gather3A_451 : vector<16xi1>, vector<16xi32>
      %add3A_458 = arith.constant 0 : i32
      %add3A_459 = vector.broadcast %add3A_458 : i32 to vector<16xi32>
      %add3A_460 = arith.addi %iota3A, %add3A_459 : vector<16xi32>
      %gather3A_461 = tpu.vector_load_idx %arg8[%select_n3A_457, %add3A_460] : memref<136x128xf32, #tpu.memory_space<vmem>>[vector<16xi32>, vector<16xi32>], vector<16xf32>,
      %get3A_462 = arith.index_cast %add3A_449 : i32 to index
      %get3A_463 = arith.constant 0 : index
      %get3A_464 = tpu.vector_load %arg6[%get3A_462, %get3A_463] {strides = array<i32>} : memref<320x128xf32, #tpu.memory_space<vmem>>, vector<16xf32>,
      %max3A_465 = arith.maximumf %gather3A_461, %get3A_464 : vector<16xf32>
      tpu.vector_store_idx %arg8[%select_n3A_457, %add3A_460], %max3A_465 : memref<136x128xf32, #tpu.memory_space<vmem>>[vector<16xi32>, vector<16xi32>], vector<16xf32>,
      %add3A_466 = arith.constant 16 : i32
      %add3A_467 = vector.broadcast %add3A_466 : i32 to vector<16xi32>
      %add3A_468 = arith.addi %iota3A, %add3A_467 : vector<16xi32>
      %gather3A_469 = tpu.vector_load_idx %arg8[%select_n3A_457, %add3A_468] : memref<136x128xf32, #tpu.memory_space<vmem>>[vector<16xi32>, vector<16xi32>], vector<16xf32>,
      %get3A_470 = arith.index_cast %add3A_449 : i32 to index
      %get3A_471 = arith.constant 16 : index
      %get3A_472 = tpu.vector_load %arg6[%get3A_470, %get3A_471] {strides = array<i32>} : memref<320x128xf32, #tpu.memory_space<vmem>>, vector<16xf32>,
      %max3A_473 = arith.maximumf %gather3A_469, %get3A_472 : vector<16xf32>
      tpu.vector_store_idx %arg8[%select_n3A_457, %add3A_468], %max3A_473 : memref<136x128xf32, #tpu.memory_space<vmem>>[vector<16xi32>, vector<16xi32>], vector<16xf32>,
      %add3A_474 = arith.constant 32 : i32
      %add3A_475 = vector.broadcast %add3A_474 : i32 to vector<16xi32>
      %add3A_476 = arith.addi %iota3A, %add3A_475 : vector<16xi32>
      %gather3A_477 = tpu.vector_load_idx %arg8[%select_n3A_457, %add3A_476] : memref<136x128xf32, #tpu.memory_space<vmem>>[vector<16xi32>, vector<16xi32>], vector<16xf32>,
      %get3A_478 = arith.index_cast %add3A_449 : i32 to index
      %get3A_479 = arith.constant 32 : index
      %get3A_480 = tpu.vector_load %arg6[%get3A_478, %get3A_479] {strides = array<i32>} : memref<320x128xf32, #tpu.memory_space<vmem>>, vector<16xf32>,
      %max3A_481 = arith.maximumf %gather3A_477, %get3A_480 : vector<16xf32>
      tpu.vector_store_idx %arg8[%select_n3A_457, %add3A_476], %max3A_481 : memref<136x128xf32, #tpu.memory_space<vmem>>[vector<16xi32>, vector<16xi32>], vector<16xf32>,
      %add3A_482 = arith.constant 48 : i32
      %add3A_483 = vector.broadcast %add3A_482 : i32 to vector<16xi32>
      %add3A_484 = arith.addi %iota3A, %add3A_483 : vector<16xi32>
      %gather3A_485 = tpu.vector_load_idx %arg8[%select_n3A_457, %add3A_484] : memref<136x128xf32, #tpu.memory_space<vmem>>[vector<16xi32>, vector<16xi32>], vector<16xf32>,
      %get3A_486 = arith.index_cast %add3A_449 : i32 to index
      %get3A_487 = arith.constant 48 : index
      %get3A_488 = tpu.vector_load %arg6[%get3A_486, %get3A_487] {strides = array<i32>} : memref<320x128xf32, #tpu.memory_space<vmem>>, vector<16xf32>,
      %max3A_489 = arith.maximumf %gather3A_485, %get3A_488 : vector<16xf32>
      tpu.vector_store_idx %arg8[%select_n3A_457, %add3A_484], %max3A_489 : memref<136x128xf32, #tpu.memory_space<vmem>>[vector<16xi32>, vector<16xi32>], vector<16xf32>,
      %add3A_490 = arith.constant 64 : i32
      %add3A_491 = vector.broadcast %add3A_490 : i32 to vector<16xi32>
      %add3A_492 = arith.addi %iota3A, %add3A_491 : vector<16xi32>
      %gather3A_493 = tpu.vector_load_idx %arg8[%select_n3A_457, %add3A_492] : memref<136x128xf32, #tpu.memory_space<vmem>>[vector<16xi32>, vector<16xi32>], vector<16xf32>,
      %get3A_494 = arith.index_cast %add3A_449 : i32 to index
      %get3A_495 = arith.constant 64 : index
      %get3A_496 = tpu.vector_load %arg6[%get3A_494, %get3A_495] {strides = array<i32>} : memref<320x128xf32, #tpu.memory_space<vmem>>, vector<16xf32>,
      %max3A_497 = arith.maximumf %gather3A_493, %get3A_496 : vector<16xf32>
      tpu.vector_store_idx %arg8[%select_n3A_457, %add3A_492], %max3A_497 : memref<136x128xf32, #tpu.memory_space<vmem>>[vector<16xi32>, vector<16xi32>], vector<16xf32>,
      %add3A_498 = arith.constant 80 : i32
      %add3A_499 = vector.broadcast %add3A_498 : i32 to vector<16xi32>
      %add3A_500 = arith.addi %iota3A, %add3A_499 : vector<16xi32>
      %gather3A_501 = tpu.vector_load_idx %arg8[%select_n3A_457, %add3A_500] : memref<136x128xf32, #tpu.memory_space<vmem>>[vector<16xi32>, vector<16xi32>], vector<16xf32>,
      %get3A_502 = arith.index_cast %add3A_449 : i32 to index
      %get3A_503 = arith.constant 80 : index
      %get3A_504 = tpu.vector_load %arg6[%get3A_502, %get3A_503] {strides = array<i32>} : memref<320x128xf32, #tpu.memory_space<vmem>>, vector<16xf32>,
      %max3A_505 = arith.maximumf %gather3A_501, %get3A_504 : vector<16xf32>
      tpu.vector_store_idx %arg8[%select_n3A_457, %add3A_500], %max3A_505 : memref<136x128xf32, #tpu.memory_space<vmem>>[vector<16xi32>, vector<16xi32>], vector<16xf32>,
      %add3A_506 = arith.constant 96 : i32
      %add3A_507 = vector.broadcast %add3A_506 : i32 to vector<16xi32>
      %add3A_508 = arith.addi %iota3A, %add3A_507 : vector<16xi32>
      %gather3A_509 = tpu.vector_load_idx %arg8[%select_n3A_457, %add3A_508] : memref<136x128xf32, #tpu.memory_space<vmem>>[vector<16xi32>, vector<16xi32>], vector<16xf32>,
      %get3A_510 = arith.index_cast %add3A_449 : i32 to index
      %get3A_511 = arith.constant 96 : index
      %get3A_512 = tpu.vector_load %arg6[%get3A_510, %get3A_511] {strides = array<i32>} : memref<320x128xf32, #tpu.memory_space<vmem>>, vector<16xf32>,
      %max3A_513 = arith.maximumf %gather3A_509, %get3A_512 : vector<16xf32>
      tpu.vector_store_idx %arg8[%select_n3A_457, %add3A_508], %max3A_513 : memref<136x128xf32, #tpu.memory_space<vmem>>[vector<16xi32>, vector<16xi32>], vector<16xf32>,
      %add3A_514 = arith.constant 112 : i32
      %add3A_515 = vector.broadcast %add3A_514 : i32 to vector<16xi32>
      %add3A_516 = arith.addi %iota3A, %add3A_515 : vector<16xi32>
      %gather3A_517 = tpu.vector_load_idx %arg8[%select_n3A_457, %add3A_516] : memref<136x128xf32, #tpu.memory_space<vmem>>[vector<16xi32>, vector<16xi32>], vector<16xf32>,
      %get3A_518 = arith.index_cast %add3A_449 : i32 to index
      %get3A_519 = arith.constant 112 : index
      %get3A_520 = tpu.vector_load %arg6[%get3A_518, %get3A_519] {strides = array<i32>} : memref<320x128xf32, #tpu.memory_space<vmem>>, vector<16xf32>,
      %max3A_521 = arith.maximumf %gather3A_517, %get3A_520 : vector<16xf32>
      tpu.vector_store_idx %arg8[%select_n3A_457, %add3A_516], %max3A_521 : memref<136x128xf32, #tpu.memory_space<vmem>>[vector<16xi32>, vector<16xi32>], vector<16xf32>,
      %add3A_522 = arith.constant 7 : i32
      %add3A_523 = arith.addi %mul3A_10, %add3A_522 : i32
      %broadcast_in_dim3A_524 = vector.broadcast %add3A_523 : i32 to vector<16xi32>
      %gather3A_525 = tpu.vector_load_idx %arg7[%broadcast_in_dim3A_524] : memref<320xi32, #tpu.memory_space<vmem>>[vector<16xi32>], vector<16xi32>,
      %lt3A_526 = arith.constant 0 : i32
      %lt3A_527 = vector.broadcast %lt3A_526 : i32 to vector<16xi32>
      %lt3A_528 = arith.cmpi slt, %gather3A_525, %lt3A_527 : vector<16xi32>
      %jit3A_529 = arith.constant 128 : i32
      %broadcast_in_dim3A_530 = vector.broadcast %jit3A_529 : i32 to vector<16xi32>
      %select_n3A_531 = arith.select %lt3A_528, %broadcast_in_dim3A_530, %gather3A_525 : vector<16xi1>, vector<16xi32>
      %add3A_532 = arith.constant 0 : i32
      %add3A_533 = vector.broadcast %add3A_532 : i32 to vector<16xi32>
      %add3A_534 = arith.addi %iota3A, %add3A_533 : vector<16xi32>
      %gather3A_535 = tpu.vector_load_idx %arg8[%select_n3A_531, %add3A_534] : memref<136x128xf32, #tpu.memory_space<vmem>>[vector<16xi32>, vector<16xi32>], vector<16xf32>,
      %get3A_536 = arith.index_cast %add3A_523 : i32 to index
      %get3A_537 = arith.constant 0 : index
      %get3A_538 = tpu.vector_load %arg6[%get3A_536, %get3A_537] {strides = array<i32>} : memref<320x128xf32, #tpu.memory_space<vmem>>, vector<16xf32>,
      %max3A_539 = arith.maximumf %gather3A_535, %get3A_538 : vector<16xf32>
      tpu.vector_store_idx %arg8[%select_n3A_531, %add3A_534], %max3A_539 : memref<136x128xf32, #tpu.memory_space<vmem>>[vector<16xi32>, vector<16xi32>], vector<16xf32>,
      %add3A_540 = arith.constant 16 : i32
      %add3A_541 = vector.broadcast %add3A_540 : i32 to vector<16xi32>
      %add3A_542 = arith.addi %iota3A, %add3A_541 : vector<16xi32>
      %gather3A_543 = tpu.vector_load_idx %arg8[%select_n3A_531, %add3A_542] : memref<136x128xf32, #tpu.memory_space<vmem>>[vector<16xi32>, vector<16xi32>], vector<16xf32>,
      %get3A_544 = arith.index_cast %add3A_523 : i32 to index
      %get3A_545 = arith.constant 16 : index
      %get3A_546 = tpu.vector_load %arg6[%get3A_544, %get3A_545] {strides = array<i32>} : memref<320x128xf32, #tpu.memory_space<vmem>>, vector<16xf32>,
      %max3A_547 = arith.maximumf %gather3A_543, %get3A_546 : vector<16xf32>
      tpu.vector_store_idx %arg8[%select_n3A_531, %add3A_542], %max3A_547 : memref<136x128xf32, #tpu.memory_space<vmem>>[vector<16xi32>, vector<16xi32>], vector<16xf32>,
      %add3A_548 = arith.constant 32 : i32
      %add3A_549 = vector.broadcast %add3A_548 : i32 to vector<16xi32>
      %add3A_550 = arith.addi %iota3A, %add3A_549 : vector<16xi32>
      %gather3A_551 = tpu.vector_load_idx %arg8[%select_n3A_531, %add3A_550] : memref<136x128xf32, #tpu.memory_space<vmem>>[vector<16xi32>, vector<16xi32>], vector<16xf32>,
      %get3A_552 = arith.index_cast %add3A_523 : i32 to index
      %get3A_553 = arith.constant 32 : index
      %get3A_554 = tpu.vector_load %arg6[%get3A_552, %get3A_553] {strides = array<i32>} : memref<320x128xf32, #tpu.memory_space<vmem>>, vector<16xf32>,
      %max3A_555 = arith.maximumf %gather3A_551, %get3A_554 : vector<16xf32>
      tpu.vector_store_idx %arg8[%select_n3A_531, %add3A_550], %max3A_555 : memref<136x128xf32, #tpu.memory_space<vmem>>[vector<16xi32>, vector<16xi32>], vector<16xf32>,
      %add3A_556 = arith.constant 48 : i32
      %add3A_557 = vector.broadcast %add3A_556 : i32 to vector<16xi32>
      %add3A_558 = arith.addi %iota3A, %add3A_557 : vector<16xi32>
      %gather3A_559 = tpu.vector_load_idx %arg8[%select_n3A_531, %add3A_558] : memref<136x128xf32, #tpu.memory_space<vmem>>[vector<16xi32>, vector<16xi32>], vector<16xf32>,
      %get3A_560 = arith.index_cast %add3A_523 : i32 to index
      %get3A_561 = arith.constant 48 : index
      %get3A_562 = tpu.vector_load %arg6[%get3A_560, %get3A_561] {strides = array<i32>} : memref<320x128xf32, #tpu.memory_space<vmem>>, vector<16xf32>,
      %max3A_563 = arith.maximumf %gather3A_559, %get3A_562 : vector<16xf32>
      tpu.vector_store_idx %arg8[%select_n3A_531, %add3A_558], %max3A_563 : memref<136x128xf32, #tpu.memory_space<vmem>>[vector<16xi32>, vector<16xi32>], vector<16xf32>,
      %add3A_564 = arith.constant 64 : i32
      %add3A_565 = vector.broadcast %add3A_564 : i32 to vector<16xi32>
      %add3A_566 = arith.addi %iota3A, %add3A_565 : vector<16xi32>
      %gather3A_567 = tpu.vector_load_idx %arg8[%select_n3A_531, %add3A_566] : memref<136x128xf32, #tpu.memory_space<vmem>>[vector<16xi32>, vector<16xi32>], vector<16xf32>,
      %get3A_568 = arith.index_cast %add3A_523 : i32 to index
      %get3A_569 = arith.constant 64 : index
      %get3A_570 = tpu.vector_load %arg6[%get3A_568, %get3A_569] {strides = array<i32>} : memref<320x128xf32, #tpu.memory_space<vmem>>, vector<16xf32>,
      %max3A_571 = arith.maximumf %gather3A_567, %get3A_570 : vector<16xf32>
      tpu.vector_store_idx %arg8[%select_n3A_531, %add3A_566], %max3A_571 : memref<136x128xf32, #tpu.memory_space<vmem>>[vector<16xi32>, vector<16xi32>], vector<16xf32>,
      %add3A_572 = arith.constant 80 : i32
      %add3A_573 = vector.broadcast %add3A_572 : i32 to vector<16xi32>
      %add3A_574 = arith.addi %iota3A, %add3A_573 : vector<16xi32>
      %gather3A_575 = tpu.vector_load_idx %arg8[%select_n3A_531, %add3A_574] : memref<136x128xf32, #tpu.memory_space<vmem>>[vector<16xi32>, vector<16xi32>], vector<16xf32>,
      %get3A_576 = arith.index_cast %add3A_523 : i32 to index
      %get3A_577 = arith.constant 80 : index
      %get3A_578 = tpu.vector_load %arg6[%get3A_576, %get3A_577] {strides = array<i32>} : memref<320x128xf32, #tpu.memory_space<vmem>>, vector<16xf32>,
      %max3A_579 = arith.maximumf %gather3A_575, %get3A_578 : vector<16xf32>
      tpu.vector_store_idx %arg8[%select_n3A_531, %add3A_574], %max3A_579 : memref<136x128xf32, #tpu.memory_space<vmem>>[vector<16xi32>, vector<16xi32>], vector<16xf32>,
      %add3A_580 = arith.constant 96 : i32
      %add3A_581 = vector.broadcast %add3A_580 : i32 to vector<16xi32>
      %add3A_582 = arith.addi %iota3A, %add3A_581 : vector<16xi32>
      %gather3A_583 = tpu.vector_load_idx %arg8[%select_n3A_531, %add3A_582] : memref<136x128xf32, #tpu.memory_space<vmem>>[vector<16xi32>, vector<16xi32>], vector<16xf32>,
      %get3A_584 = arith.index_cast %add3A_523 : i32 to index
      %get3A_585 = arith.constant 96 : index
      %get3A_586 = tpu.vector_load %arg6[%get3A_584, %get3A_585] {strides = array<i32>} : memref<320x128xf32, #tpu.memory_space<vmem>>, vector<16xf32>,
      %max3A_587 = arith.maximumf %gather3A_583, %get3A_586 : vector<16xf32>
      tpu.vector_store_idx %arg8[%select_n3A_531, %add3A_582], %max3A_587 : memref<136x128xf32, #tpu.memory_space<vmem>>[vector<16xi32>, vector<16xi32>], vector<16xf32>,
      %add3A_588 = arith.constant 112 : i32
      %add3A_589 = vector.broadcast %add3A_588 : i32 to vector<16xi32>
      %add3A_590 = arith.addi %iota3A, %add3A_589 : vector<16xi32>
      %gather3A_591 = tpu.vector_load_idx %arg8[%select_n3A_531, %add3A_590] : memref<136x128xf32, #tpu.memory_space<vmem>>[vector<16xi32>, vector<16xi32>], vector<16xf32>,
      %get3A_592 = arith.index_cast %add3A_523 : i32 to index
      %get3A_593 = arith.constant 112 : index
      %get3A_594 = tpu.vector_load %arg6[%get3A_592, %get3A_593] {strides = array<i32>} : memref<320x128xf32, #tpu.memory_space<vmem>>, vector<16xf32>,
      %max3A_595 = arith.maximumf %gather3A_591, %get3A_594 : vector<16xf32>
      tpu.vector_store_idx %arg8[%select_n3A_531, %add3A_590], %max3A_595 : memref<136x128xf32, #tpu.memory_space<vmem>>[vector<16xi32>, vector<16xi32>], vector<16xf32>,
      %add3A_596 = arith.constant 8 : i32
      %add3A_597 = arith.addi %mul3A_10, %add3A_596 : i32
      %broadcast_in_dim3A_598 = vector.broadcast %add3A_597 : i32 to vector<16xi32>
      %gather3A_599 = tpu.vector_load_idx %arg7[%broadcast_in_dim3A_598] : memref<320xi32, #tpu.memory_space<vmem>>[vector<16xi32>], vector<16xi32>,
      %lt3A_600 = arith.constant 0 : i32
      %lt3A_601 = vector.broadcast %lt3A_600 : i32 to vector<16xi32>
      %lt3A_602 = arith.cmpi slt, %gather3A_599, %lt3A_601 : vector<16xi32>
      %jit3A_603 = arith.constant 128 : i32
      %broadcast_in_dim3A_604 = vector.broadcast %jit3A_603 : i32 to vector<16xi32>
      %select_n3A_605 = arith.select %lt3A_602, %broadcast_in_dim3A_604, %gather3A_599 : vector<16xi1>, vector<16xi32>
      %add3A_606 = arith.constant 0 : i32
      %add3A_607 = vector.broadcast %add3A_606 : i32 to vector<16xi32>
      %add3A_608 = arith.addi %iota3A, %add3A_607 : vector<16xi32>
      %gather3A_609 = tpu.vector_load_idx %arg8[%select_n3A_605, %add3A_608] : memref<136x128xf32, #tpu.memory_space<vmem>>[vector<16xi32>, vector<16xi32>], vector<16xf32>,
      %get3A_610 = arith.index_cast %add3A_597 : i32 to index
      %get3A_611 = arith.constant 0 : index
      %get3A_612 = tpu.vector_load %arg6[%get3A_610, %get3A_611] {strides = array<i32>} : memref<320x128xf32, #tpu.memory_space<vmem>>, vector<16xf32>,
      %max3A_613 = arith.maximumf %gather3A_609, %get3A_612 : vector<16xf32>
      tpu.vector_store_idx %arg8[%select_n3A_605, %add3A_608], %max3A_613 : memref<136x128xf32, #tpu.memory_space<vmem>>[vector<16xi32>, vector<16xi32>], vector<16xf32>,
      %add3A_614 = arith.constant 16 : i32
      %add3A_615 = vector.broadcast %add3A_614 : i32 to vector<16xi32>
      %add3A_616 = arith.addi %iota3A, %add3A_615 : vector<16xi32>
      %gather3A_617 = tpu.vector_load_idx %arg8[%select_n3A_605, %add3A_616] : memref<136x128xf32, #tpu.memory_space<vmem>>[vector<16xi32>, vector<16xi32>], vector<16xf32>,
      %get3A_618 = arith.index_cast %add3A_597 : i32 to index
      %get3A_619 = arith.constant 16 : index
      %get3A_620 = tpu.vector_load %arg6[%get3A_618, %get3A_619] {strides = array<i32>} : memref<320x128xf32, #tpu.memory_space<vmem>>, vector<16xf32>,
      %max3A_621 = arith.maximumf %gather3A_617, %get3A_620 : vector<16xf32>
      tpu.vector_store_idx %arg8[%select_n3A_605, %add3A_616], %max3A_621 : memref<136x128xf32, #tpu.memory_space<vmem>>[vector<16xi32>, vector<16xi32>], vector<16xf32>,
      %add3A_622 = arith.constant 32 : i32
      %add3A_623 = vector.broadcast %add3A_622 : i32 to vector<16xi32>
      %add3A_624 = arith.addi %iota3A, %add3A_623 : vector<16xi32>
      %gather3A_625 = tpu.vector_load_idx %arg8[%select_n3A_605, %add3A_624] : memref<136x128xf32, #tpu.memory_space<vmem>>[vector<16xi32>, vector<16xi32>], vector<16xf32>,
      %get3A_626 = arith.index_cast %add3A_597 : i32 to index
      %get3A_627 = arith.constant 32 : index
      %get3A_628 = tpu.vector_load %arg6[%get3A_626, %get3A_627] {strides = array<i32>} : memref<320x128xf32, #tpu.memory_space<vmem>>, vector<16xf32>,
      %max3A_629 = arith.maximumf %gather3A_625, %get3A_628 : vector<16xf32>
      tpu.vector_store_idx %arg8[%select_n3A_605, %add3A_624], %max3A_629 : memref<136x128xf32, #tpu.memory_space<vmem>>[vector<16xi32>, vector<16xi32>], vector<16xf32>,
      %add3A_630 = arith.constant 48 : i32
      %add3A_631 = vector.broadcast %add3A_630 : i32 to vector<16xi32>
      %add3A_632 = arith.addi %iota3A, %add3A_631 : vector<16xi32>
      %gather3A_633 = tpu.vector_load_idx %arg8[%select_n3A_605, %add3A_632] : memref<136x128xf32, #tpu.memory_space<vmem>>[vector<16xi32>, vector<16xi32>], vector<16xf32>,
      %get3A_634 = arith.index_cast %add3A_597 : i32 to index
      %get3A_635 = arith.constant 48 : index
      %get3A_636 = tpu.vector_load %arg6[%get3A_634, %get3A_635] {strides = array<i32>} : memref<320x128xf32, #tpu.memory_space<vmem>>, vector<16xf32>,
      %max3A_637 = arith.maximumf %gather3A_633, %get3A_636 : vector<16xf32>
      tpu.vector_store_idx %arg8[%select_n3A_605, %add3A_632], %max3A_637 : memref<136x128xf32, #tpu.memory_space<vmem>>[vector<16xi32>, vector<16xi32>], vector<16xf32>,
      %add3A_638 = arith.constant 64 : i32
      %add3A_639 = vector.broadcast %add3A_638 : i32 to vector<16xi32>
      %add3A_640 = arith.addi %iota3A, %add3A_639 : vector<16xi32>
      %gather3A_641 = tpu.vector_load_idx %arg8[%select_n3A_605, %add3A_640] : memref<136x128xf32, #tpu.memory_space<vmem>>[vector<16xi32>, vector<16xi32>], vector<16xf32>,
      %get3A_642 = arith.index_cast %add3A_597 : i32 to index
      %get3A_643 = arith.constant 64 : index
      %get3A_644 = tpu.vector_load %arg6[%get3A_642, %get3A_643] {strides = array<i32>} : memref<320x128xf32, #tpu.memory_space<vmem>>, vector<16xf32>,
      %max3A_645 = arith.maximumf %gather3A_641, %get3A_644 : vector<16xf32>
      tpu.vector_store_idx %arg8[%select_n3A_605, %add3A_640], %max3A_645 : memref<136x128xf32, #tpu.memory_space<vmem>>[vector<16xi32>, vector<16xi32>], vector<16xf32>,
      %add3A_646 = arith.constant 80 : i32
      %add3A_647 = vector.broadcast %add3A_646 : i32 to vector<16xi32>
      %add3A_648 = arith.addi %iota3A, %add3A_647 : vector<16xi32>
      %gather3A_649 = tpu.vector_load_idx %arg8[%select_n3A_605, %add3A_648] : memref<136x128xf32, #tpu.memory_space<vmem>>[vector<16xi32>, vector<16xi32>], vector<16xf32>,
      %get3A_650 = arith.index_cast %add3A_597 : i32 to index
      %get3A_651 = arith.constant 80 : index
      %get3A_652 = tpu.vector_load %arg6[%get3A_650, %get3A_651] {strides = array<i32>} : memref<320x128xf32, #tpu.memory_space<vmem>>, vector<16xf32>,
      %max3A_653 = arith.maximumf %gather3A_649, %get3A_652 : vector<16xf32>
      tpu.vector_store_idx %arg8[%select_n3A_605, %add3A_648], %max3A_653 : memref<136x128xf32, #tpu.memory_space<vmem>>[vector<16xi32>, vector<16xi32>], vector<16xf32>,
      %add3A_654 = arith.constant 96 : i32
      %add3A_655 = vector.broadcast %add3A_654 : i32 to vector<16xi32>
      %add3A_656 = arith.addi %iota3A, %add3A_655 : vector<16xi32>
      %gather3A_657 = tpu.vector_load_idx %arg8[%select_n3A_605, %add3A_656] : memref<136x128xf32, #tpu.memory_space<vmem>>[vector<16xi32>, vector<16xi32>], vector<16xf32>,
      %get3A_658 = arith.index_cast %add3A_597 : i32 to index
      %get3A_659 = arith.constant 96 : index
      %get3A_660 = tpu.vector_load %arg6[%get3A_658, %get3A_659] {strides = array<i32>} : memref<320x128xf32, #tpu.memory_space<vmem>>, vector<16xf32>,
      %max3A_661 = arith.maximumf %gather3A_657, %get3A_660 : vector<16xf32>
      tpu.vector_store_idx %arg8[%select_n3A_605, %add3A_656], %max3A_661 : memref<136x128xf32, #tpu.memory_space<vmem>>[vector<16xi32>, vector<16xi32>], vector<16xf32>,
      %add3A_662 = arith.constant 112 : i32
      %add3A_663 = vector.broadcast %add3A_662 : i32 to vector<16xi32>
      %add3A_664 = arith.addi %iota3A, %add3A_663 : vector<16xi32>
      %gather3A_665 = tpu.vector_load_idx %arg8[%select_n3A_605, %add3A_664] : memref<136x128xf32, #tpu.memory_space<vmem>>[vector<16xi32>, vector<16xi32>], vector<16xf32>,
      %get3A_666 = arith.index_cast %add3A_597 : i32 to index
      %get3A_667 = arith.constant 112 : index
      %get3A_668 = tpu.vector_load %arg6[%get3A_666, %get3A_667] {strides = array<i32>} : memref<320x128xf32, #tpu.memory_space<vmem>>, vector<16xf32>,
      %max3A_669 = arith.maximumf %gather3A_665, %get3A_668 : vector<16xf32>
      tpu.vector_store_idx %arg8[%select_n3A_605, %add3A_664], %max3A_669 : memref<136x128xf32, #tpu.memory_space<vmem>>[vector<16xi32>, vector<16xi32>], vector<16xf32>,
      %add3A_670 = arith.constant 9 : i32
      %add3A_671 = arith.addi %mul3A_10, %add3A_670 : i32
      %broadcast_in_dim3A_672 = vector.broadcast %add3A_671 : i32 to vector<16xi32>
      %gather3A_673 = tpu.vector_load_idx %arg7[%broadcast_in_dim3A_672] : memref<320xi32, #tpu.memory_space<vmem>>[vector<16xi32>], vector<16xi32>,
      %lt3A_674 = arith.constant 0 : i32
      %lt3A_675 = vector.broadcast %lt3A_674 : i32 to vector<16xi32>
      %lt3A_676 = arith.cmpi slt, %gather3A_673, %lt3A_675 : vector<16xi32>
      %jit3A_677 = arith.constant 128 : i32
      %broadcast_in_dim3A_678 = vector.broadcast %jit3A_677 : i32 to vector<16xi32>
      %select_n3A_679 = arith.select %lt3A_676, %broadcast_in_dim3A_678, %gather3A_673 : vector<16xi1>, vector<16xi32>
      %add3A_680 = arith.constant 0 : i32
      %add3A_681 = vector.broadcast %add3A_680 : i32 to vector<16xi32>
      %add3A_682 = arith.addi %iota3A, %add3A_681 : vector<16xi32>
      %gather3A_683 = tpu.vector_load_idx %arg8[%select_n3A_679, %add3A_682] : memref<136x128xf32, #tpu.memory_space<vmem>>[vector<16xi32>, vector<16xi32>], vector<16xf32>,
      %get3A_684 = arith.index_cast %add3A_671 : i32 to index
      %get3A_685 = arith.constant 0 : index
      %get3A_686 = tpu.vector_load %arg6[%get3A_684, %get3A_685] {strides = array<i32>} : memref<320x128xf32, #tpu.memory_space<vmem>>, vector<16xf32>,
      %max3A_687 = arith.maximumf %gather3A_683, %get3A_686 : vector<16xf32>
      tpu.vector_store_idx %arg8[%select_n3A_679, %add3A_682], %max3A_687 : memref<136x128xf32, #tpu.memory_space<vmem>>[vector<16xi32>, vector<16xi32>], vector<16xf32>,
      %add3A_688 = arith.constant 16 : i32
      %add3A_689 = vector.broadcast %add3A_688 : i32 to vector<16xi32>
      %add3A_690 = arith.addi %iota3A, %add3A_689 : vector<16xi32>
      %gather3A_691 = tpu.vector_load_idx %arg8[%select_n3A_679, %add3A_690] : memref<136x128xf32, #tpu.memory_space<vmem>>[vector<16xi32>, vector<16xi32>], vector<16xf32>,
      %get3A_692 = arith.index_cast %add3A_671 : i32 to index
      %get3A_693 = arith.constant 16 : index
      %get3A_694 = tpu.vector_load %arg6[%get3A_692, %get3A_693] {strides = array<i32>} : memref<320x128xf32, #tpu.memory_space<vmem>>, vector<16xf32>,
      %max3A_695 = arith.maximumf %gather3A_691, %get3A_694 : vector<16xf32>
      tpu.vector_store_idx %arg8[%select_n3A_679, %add3A_690], %max3A_695 : memref<136x128xf32, #tpu.memory_space<vmem>>[vector<16xi32>, vector<16xi32>], vector<16xf32>,
      %add3A_696 = arith.constant 32 : i32
      %add3A_697 = vector.broadcast %add3A_696 : i32 to vector<16xi32>
      %add3A_698 = arith.addi %iota3A, %add3A_697 : vector<16xi32>
      %gather3A_699 = tpu.vector_load_idx %arg8[%select_n3A_679, %add3A_698] : memref<136x128xf32, #tpu.memory_space<vmem>>[vector<16xi32>, vector<16xi32>], vector<16xf32>,
      %get3A_700 = arith.index_cast %add3A_671 : i32 to index
      %get3A_701 = arith.constant 32 : index
      %get3A_702 = tpu.vector_load %arg6[%get3A_700, %get3A_701] {strides = array<i32>} : memref<320x128xf32, #tpu.memory_space<vmem>>, vector<16xf32>,
      %max3A_703 = arith.maximumf %gather3A_699, %get3A_702 : vector<16xf32>
      tpu.vector_store_idx %arg8[%select_n3A_679, %add3A_698], %max3A_703 : memref<136x128xf32, #tpu.memory_space<vmem>>[vector<16xi32>, vector<16xi32>], vector<16xf32>,
      %add3A_704 = arith.constant 48 : i32
      %add3A_705 = vector.broadcast %add3A_704 : i32 to vector<16xi32>
      %add3A_706 = arith.addi %iota3A, %add3A_705 : vector<16xi32>
      %gather3A_707 = tpu.vector_load_idx %arg8[%select_n3A_679, %add3A_706] : memref<136x128xf32, #tpu.memory_space<vmem>>[vector<16xi32>, vector<16xi32>], vector<16xf32>,
      %get3A_708 = arith.index_cast %add3A_671 : i32 to index
      %get3A_709 = arith.constant 48 : index
      %get3A_710 = tpu.vector_load %arg6[%get3A_708, %get3A_709] {strides = array<i32>} : memref<320x128xf32, #tpu.memory_space<vmem>>, vector<16xf32>,
      %max3A_711 = arith.maximumf %gather3A_707, %get3A_710 : vector<16xf32>
      tpu.vector_store_idx %arg8[%select_n3A_679, %add3A_706], %max3A_711 : memref<136x128xf32, #tpu.memory_space<vmem>>[vector<16xi32>, vector<16xi32>], vector<16xf32>,
      %add3A_712 = arith.constant 64 : i32
      %add3A_713 = vector.broadcast %add3A_712 : i32 to vector<16xi32>
      %add3A_714 = arith.addi %iota3A, %add3A_713 : vector<16xi32>
      %gather3A_715 = tpu.vector_load_idx %arg8[%select_n3A_679, %add3A_714] : memref<136x128xf32, #tpu.memory_space<vmem>>[vector<16xi32>, vector<16xi32>], vector<16xf32>,
      %get3A_716 = arith.index_cast %add3A_671 : i32 to index
      %get3A_717 = arith.constant 64 : index
      %get3A_718 = tpu.vector_load %arg6[%get3A_716, %get3A_717] {strides = array<i32>} : memref<320x128xf32, #tpu.memory_space<vmem>>, vector<16xf32>,
      %max3A_719 = arith.maximumf %gather3A_715, %get3A_718 : vector<16xf32>
      tpu.vector_store_idx %arg8[%select_n3A_679, %add3A_714], %max3A_719 : memref<136x128xf32, #tpu.memory_space<vmem>>[vector<16xi32>, vector<16xi32>], vector<16xf32>,
      %add3A_720 = arith.constant 80 : i32
      %add3A_721 = vector.broadcast %add3A_720 : i32 to vector<16xi32>
      %add3A_722 = arith.addi %iota3A, %add3A_721 : vector<16xi32>
      %gather3A_723 = tpu.vector_load_idx %arg8[%select_n3A_679, %add3A_722] : memref<136x128xf32, #tpu.memory_space<vmem>>[vector<16xi32>, vector<16xi32>], vector<16xf32>,
      %get3A_724 = arith.index_cast %add3A_671 : i32 to index
      %get3A_725 = arith.constant 80 : index
      %get3A_726 = tpu.vector_load %arg6[%get3A_724, %get3A_725] {strides = array<i32>} : memref<320x128xf32, #tpu.memory_space<vmem>>, vector<16xf32>,
      %max3A_727 = arith.maximumf %gather3A_723, %get3A_726 : vector<16xf32>
      tpu.vector_store_idx %arg8[%select_n3A_679, %add3A_722], %max3A_727 : memref<136x128xf32, #tpu.memory_space<vmem>>[vector<16xi32>, vector<16xi32>], vector<16xf32>,
      %add3A_728 = arith.constant 96 : i32
      %add3A_729 = vector.broadcast %add3A_728 : i32 to vector<16xi32>
      %add3A_730 = arith.addi %iota3A, %add3A_729 : vector<16xi32>
      %gather3A_731 = tpu.vector_load_idx %arg8[%select_n3A_679, %add3A_730] : memref<136x128xf32, #tpu.memory_space<vmem>>[vector<16xi32>, vector<16xi32>], vector<16xf32>,
      %get3A_732 = arith.index_cast %add3A_671 : i32 to index
      %get3A_733 = arith.constant 96 : index
      %get3A_734 = tpu.vector_load %arg6[%get3A_732, %get3A_733] {strides = array<i32>} : memref<320x128xf32, #tpu.memory_space<vmem>>, vector<16xf32>,
      %max3A_735 = arith.maximumf %gather3A_731, %get3A_734 : vector<16xf32>
      tpu.vector_store_idx %arg8[%select_n3A_679, %add3A_730], %max3A_735 : memref<136x128xf32, #tpu.memory_space<vmem>>[vector<16xi32>, vector<16xi32>], vector<16xf32>,
      %add3A_736 = arith.constant 112 : i32
      %add3A_737 = vector.broadcast %add3A_736 : i32 to vector<16xi32>
      %add3A_738 = arith.addi %iota3A, %add3A_737 : vector<16xi32>
      %gather3A_739 = tpu.vector_load_idx %arg8[%select_n3A_679, %add3A_738] : memref<136x128xf32, #tpu.memory_space<vmem>>[vector<16xi32>, vector<16xi32>], vector<16xf32>,
      %get3A_740 = arith.index_cast %add3A_671 : i32 to index
      %get3A_741 = arith.constant 112 : index
      %get3A_742 = tpu.vector_load %arg6[%get3A_740, %get3A_741] {strides = array<i32>} : memref<320x128xf32, #tpu.memory_space<vmem>>, vector<16xf32>,
      %max3A_743 = arith.maximumf %gather3A_739, %get3A_742 : vector<16xf32>
      tpu.vector_store_idx %arg8[%select_n3A_679, %add3A_738], %max3A_743 : memref<136x128xf32, #tpu.memory_space<vmem>>[vector<16xi32>, vector<16xi32>], vector<16xf32>,
      %add3A_744 = arith.constant 10 : i32
      %add3A_745 = arith.addi %mul3A_10, %add3A_744 : i32
      %broadcast_in_dim3A_746 = vector.broadcast %add3A_745 : i32 to vector<16xi32>
      %gather3A_747 = tpu.vector_load_idx %arg7[%broadcast_in_dim3A_746] : memref<320xi32, #tpu.memory_space<vmem>>[vector<16xi32>], vector<16xi32>,
      %lt3A_748 = arith.constant 0 : i32
      %lt3A_749 = vector.broadcast %lt3A_748 : i32 to vector<16xi32>
      %lt3A_750 = arith.cmpi slt, %gather3A_747, %lt3A_749 : vector<16xi32>
      %jit3A_751 = arith.constant 128 : i32
      %broadcast_in_dim3A_752 = vector.broadcast %jit3A_751 : i32 to vector<16xi32>
      %select_n3A_753 = arith.select %lt3A_750, %broadcast_in_dim3A_752, %gather3A_747 : vector<16xi1>, vector<16xi32>
      %add3A_754 = arith.constant 0 : i32
      %add3A_755 = vector.broadcast %add3A_754 : i32 to vector<16xi32>
      %add3A_756 = arith.addi %iota3A, %add3A_755 : vector<16xi32>
      %gather3A_757 = tpu.vector_load_idx %arg8[%select_n3A_753, %add3A_756] : memref<136x128xf32, #tpu.memory_space<vmem>>[vector<16xi32>, vector<16xi32>], vector<16xf32>,
      %get3A_758 = arith.index_cast %add3A_745 : i32 to index
      %get3A_759 = arith.constant 0 : index
      %get3A_760 = tpu.vector_load %arg6[%get3A_758, %get3A_759] {strides = array<i32>} : memref<320x128xf32, #tpu.memory_space<vmem>>, vector<16xf32>,
      %max3A_761 = arith.maximumf %gather3A_757, %get3A_760 : vector<16xf32>
      tpu.vector_store_idx %arg8[%select_n3A_753, %add3A_756], %max3A_761 : memref<136x128xf32, #tpu.memory_space<vmem>>[vector<16xi32>, vector<16xi32>], vector<16xf32>,
      %add3A_762 = arith.constant 16 : i32
      %add3A_763 = vector.broadcast %add3A_762 : i32 to vector<16xi32>
      %add3A_764 = arith.addi %iota3A, %add3A_763 : vector<16xi32>
      %gather3A_765 = tpu.vector_load_idx %arg8[%select_n3A_753, %add3A_764] : memref<136x128xf32, #tpu.memory_space<vmem>>[vector<16xi32>, vector<16xi32>], vector<16xf32>,
      %get3A_766 = arith.index_cast %add3A_745 : i32 to index
      %get3A_767 = arith.constant 16 : index
      %get3A_768 = tpu.vector_load %arg6[%get3A_766, %get3A_767] {strides = array<i32>} : memref<320x128xf32, #tpu.memory_space<vmem>>, vector<16xf32>,
      %max3A_769 = arith.maximumf %gather3A_765, %get3A_768 : vector<16xf32>
      tpu.vector_store_idx %arg8[%select_n3A_753, %add3A_764], %max3A_769 : memref<136x128xf32, #tpu.memory_space<vmem>>[vector<16xi32>, vector<16xi32>], vector<16xf32>,
      %add3A_770 = arith.constant 32 : i32
      %add3A_771 = vector.broadcast %add3A_770 : i32 to vector<16xi32>
      %add3A_772 = arith.addi %iota3A, %add3A_771 : vector<16xi32>
      %gather3A_773 = tpu.vector_load_idx %arg8[%select_n3A_753, %add3A_772] : memref<136x128xf32, #tpu.memory_space<vmem>>[vector<16xi32>, vector<16xi32>], vector<16xf32>,
      %get3A_774 = arith.index_cast %add3A_745 : i32 to index
      %get3A_775 = arith.constant 32 : index
      %get3A_776 = tpu.vector_load %arg6[%get3A_774, %get3A_775] {strides = array<i32>} : memref<320x128xf32, #tpu.memory_space<vmem>>, vector<16xf32>,
      %max3A_777 = arith.maximumf %gather3A_773, %get3A_776 : vector<16xf32>
      tpu.vector_store_idx %arg8[%select_n3A_753, %add3A_772], %max3A_777 : memref<136x128xf32, #tpu.memory_space<vmem>>[vector<16xi32>, vector<16xi32>], vector<16xf32>,
      %add3A_778 = arith.constant 48 : i32
      %add3A_779 = vector.broadcast %add3A_778 : i32 to vector<16xi32>
      %add3A_780 = arith.addi %iota3A, %add3A_779 : vector<16xi32>
      %gather3A_781 = tpu.vector_load_idx %arg8[%select_n3A_753, %add3A_780] : memref<136x128xf32, #tpu.memory_space<vmem>>[vector<16xi32>, vector<16xi32>], vector<16xf32>,
      %get3A_782 = arith.index_cast %add3A_745 : i32 to index
      %get3A_783 = arith.constant 48 : index
      %get3A_784 = tpu.vector_load %arg6[%get3A_782, %get3A_783] {strides = array<i32>} : memref<320x128xf32, #tpu.memory_space<vmem>>, vector<16xf32>,
      %max3A_785 = arith.maximumf %gather3A_781, %get3A_784 : vector<16xf32>
      tpu.vector_store_idx %arg8[%select_n3A_753, %add3A_780], %max3A_785 : memref<136x128xf32, #tpu.memory_space<vmem>>[vector<16xi32>, vector<16xi32>], vector<16xf32>,
      %add3A_786 = arith.constant 64 : i32
      %add3A_787 = vector.broadcast %add3A_786 : i32 to vector<16xi32>
      %add3A_788 = arith.addi %iota3A, %add3A_787 : vector<16xi32>
      %gather3A_789 = tpu.vector_load_idx %arg8[%select_n3A_753, %add3A_788] : memref<136x128xf32, #tpu.memory_space<vmem>>[vector<16xi32>, vector<16xi32>], vector<16xf32>,
      %get3A_790 = arith.index_cast %add3A_745 : i32 to index
      %get3A_791 = arith.constant 64 : index
      %get3A_792 = tpu.vector_load %arg6[%get3A_790, %get3A_791] {strides = array<i32>} : memref<320x128xf32, #tpu.memory_space<vmem>>, vector<16xf32>,
      %max3A_793 = arith.maximumf %gather3A_789, %get3A_792 : vector<16xf32>
      tpu.vector_store_idx %arg8[%select_n3A_753, %add3A_788], %max3A_793 : memref<136x128xf32, #tpu.memory_space<vmem>>[vector<16xi32>, vector<16xi32>], vector<16xf32>,
      %add3A_794 = arith.constant 80 : i32
      %add3A_795 = vector.broadcast %add3A_794 : i32 to vector<16xi32>
      %add3A_796 = arith.addi %iota3A, %add3A_795 : vector<16xi32>
      %gather3A_797 = tpu.vector_load_idx %arg8[%select_n3A_753, %add3A_796] : memref<136x128xf32, #tpu.memory_space<vmem>>[vector<16xi32>, vector<16xi32>], vector<16xf32>,
      %get3A_798 = arith.index_cast %add3A_745 : i32 to index
      %get3A_799 = arith.constant 80 : index
      %get3A_800 = tpu.vector_load %arg6[%get3A_798, %get3A_799] {strides = array<i32>} : memref<320x128xf32, #tpu.memory_space<vmem>>, vector<16xf32>,
      %max3A_801 = arith.maximumf %gather3A_797, %get3A_800 : vector<16xf32>
      tpu.vector_store_idx %arg8[%select_n3A_753, %add3A_796], %max3A_801 : memref<136x128xf32, #tpu.memory_space<vmem>>[vector<16xi32>, vector<16xi32>], vector<16xf32>,
      %add3A_802 = arith.constant 96 : i32
      %add3A_803 = vector.broadcast %add3A_802 : i32 to vector<16xi32>
      %add3A_804 = arith.addi %iota3A, %add3A_803 : vector<16xi32>
      %gather3A_805 = tpu.vector_load_idx %arg8[%select_n3A_753, %add3A_804] : memref<136x128xf32, #tpu.memory_space<vmem>>[vector<16xi32>, vector<16xi32>], vector<16xf32>,
      %get3A_806 = arith.index_cast %add3A_745 : i32 to index
      %get3A_807 = arith.constant 96 : index
      %get3A_808 = tpu.vector_load %arg6[%get3A_806, %get3A_807] {strides = array<i32>} : memref<320x128xf32, #tpu.memory_space<vmem>>, vector<16xf32>,
      %max3A_809 = arith.maximumf %gather3A_805, %get3A_808 : vector<16xf32>
      tpu.vector_store_idx %arg8[%select_n3A_753, %add3A_804], %max3A_809 : memref<136x128xf32, #tpu.memory_space<vmem>>[vector<16xi32>, vector<16xi32>], vector<16xf32>,
      %add3A_810 = arith.constant 112 : i32
      %add3A_811 = vector.broadcast %add3A_810 : i32 to vector<16xi32>
      %add3A_812 = arith.addi %iota3A, %add3A_811 : vector<16xi32>
      %gather3A_813 = tpu.vector_load_idx %arg8[%select_n3A_753, %add3A_812] : memref<136x128xf32, #tpu.memory_space<vmem>>[vector<16xi32>, vector<16xi32>], vector<16xf32>,
      %get3A_814 = arith.index_cast %add3A_745 : i32 to index
      %get3A_815 = arith.constant 112 : index
      %get3A_816 = tpu.vector_load %arg6[%get3A_814, %get3A_815] {strides = array<i32>} : memref<320x128xf32, #tpu.memory_space<vmem>>, vector<16xf32>,
      %max3A_817 = arith.maximumf %gather3A_813, %get3A_816 : vector<16xf32>
      tpu.vector_store_idx %arg8[%select_n3A_753, %add3A_812], %max3A_817 : memref<136x128xf32, #tpu.memory_space<vmem>>[vector<16xi32>, vector<16xi32>], vector<16xf32>,
      %add3A_818 = arith.constant 11 : i32
      %add3A_819 = arith.addi %mul3A_10, %add3A_818 : i32
      %broadcast_in_dim3A_820 = vector.broadcast %add3A_819 : i32 to vector<16xi32>
      %gather3A_821 = tpu.vector_load_idx %arg7[%broadcast_in_dim3A_820] : memref<320xi32, #tpu.memory_space<vmem>>[vector<16xi32>], vector<16xi32>,
      %lt3A_822 = arith.constant 0 : i32
      %lt3A_823 = vector.broadcast %lt3A_822 : i32 to vector<16xi32>
      %lt3A_824 = arith.cmpi slt, %gather3A_821, %lt3A_823 : vector<16xi32>
      %jit3A_825 = arith.constant 128 : i32
      %broadcast_in_dim3A_826 = vector.broadcast %jit3A_825 : i32 to vector<16xi32>
      %select_n3A_827 = arith.select %lt3A_824, %broadcast_in_dim3A_826, %gather3A_821 : vector<16xi1>, vector<16xi32>
      %add3A_828 = arith.constant 0 : i32
      %add3A_829 = vector.broadcast %add3A_828 : i32 to vector<16xi32>
      %add3A_830 = arith.addi %iota3A, %add3A_829 : vector<16xi32>
      %gather3A_831 = tpu.vector_load_idx %arg8[%select_n3A_827, %add3A_830] : memref<136x128xf32, #tpu.memory_space<vmem>>[vector<16xi32>, vector<16xi32>], vector<16xf32>,
      %get3A_832 = arith.index_cast %add3A_819 : i32 to index
      %get3A_833 = arith.constant 0 : index
      %get3A_834 = tpu.vector_load %arg6[%get3A_832, %get3A_833] {strides = array<i32>} : memref<320x128xf32, #tpu.memory_space<vmem>>, vector<16xf32>,
      %max3A_835 = arith.maximumf %gather3A_831, %get3A_834 : vector<16xf32>
      tpu.vector_store_idx %arg8[%select_n3A_827, %add3A_830], %max3A_835 : memref<136x128xf32, #tpu.memory_space<vmem>>[vector<16xi32>, vector<16xi32>], vector<16xf32>,
      %add3A_836 = arith.constant 16 : i32
      %add3A_837 = vector.broadcast %add3A_836 : i32 to vector<16xi32>
      %add3A_838 = arith.addi %iota3A, %add3A_837 : vector<16xi32>
      %gather3A_839 = tpu.vector_load_idx %arg8[%select_n3A_827, %add3A_838] : memref<136x128xf32, #tpu.memory_space<vmem>>[vector<16xi32>, vector<16xi32>], vector<16xf32>,
      %get3A_840 = arith.index_cast %add3A_819 : i32 to index
      %get3A_841 = arith.constant 16 : index
      %get3A_842 = tpu.vector_load %arg6[%get3A_840, %get3A_841] {strides = array<i32>} : memref<320x128xf32, #tpu.memory_space<vmem>>, vector<16xf32>,
      %max3A_843 = arith.maximumf %gather3A_839, %get3A_842 : vector<16xf32>
      tpu.vector_store_idx %arg8[%select_n3A_827, %add3A_838], %max3A_843 : memref<136x128xf32, #tpu.memory_space<vmem>>[vector<16xi32>, vector<16xi32>], vector<16xf32>,
      %add3A_844 = arith.constant 32 : i32
      %add3A_845 = vector.broadcast %add3A_844 : i32 to vector<16xi32>
      %add3A_846 = arith.addi %iota3A, %add3A_845 : vector<16xi32>
      %gather3A_847 = tpu.vector_load_idx %arg8[%select_n3A_827, %add3A_846] : memref<136x128xf32, #tpu.memory_space<vmem>>[vector<16xi32>, vector<16xi32>], vector<16xf32>,
      %get3A_848 = arith.index_cast %add3A_819 : i32 to index
      %get3A_849 = arith.constant 32 : index
      %get3A_850 = tpu.vector_load %arg6[%get3A_848, %get3A_849] {strides = array<i32>} : memref<320x128xf32, #tpu.memory_space<vmem>>, vector<16xf32>,
      %max3A_851 = arith.maximumf %gather3A_847, %get3A_850 : vector<16xf32>
      tpu.vector_store_idx %arg8[%select_n3A_827, %add3A_846], %max3A_851 : memref<136x128xf32, #tpu.memory_space<vmem>>[vector<16xi32>, vector<16xi32>], vector<16xf32>,
      %add3A_852 = arith.constant 48 : i32
      %add3A_853 = vector.broadcast %add3A_852 : i32 to vector<16xi32>
      %add3A_854 = arith.addi %iota3A, %add3A_853 : vector<16xi32>
      %gather3A_855 = tpu.vector_load_idx %arg8[%select_n3A_827, %add3A_854] : memref<136x128xf32, #tpu.memory_space<vmem>>[vector<16xi32>, vector<16xi32>], vector<16xf32>,
      %get3A_856 = arith.index_cast %add3A_819 : i32 to index
      %get3A_857 = arith.constant 48 : index
      %get3A_858 = tpu.vector_load %arg6[%get3A_856, %get3A_857] {strides = array<i32>} : memref<320x128xf32, #tpu.memory_space<vmem>>, vector<16xf32>,
      %max3A_859 = arith.maximumf %gather3A_855, %get3A_858 : vector<16xf32>
      tpu.vector_store_idx %arg8[%select_n3A_827, %add3A_854], %max3A_859 : memref<136x128xf32, #tpu.memory_space<vmem>>[vector<16xi32>, vector<16xi32>], vector<16xf32>,
      %add3A_860 = arith.constant 64 : i32
      %add3A_861 = vector.broadcast %add3A_860 : i32 to vector<16xi32>
      %add3A_862 = arith.addi %iota3A, %add3A_861 : vector<16xi32>
      %gather3A_863 = tpu.vector_load_idx %arg8[%select_n3A_827, %add3A_862] : memref<136x128xf32, #tpu.memory_space<vmem>>[vector<16xi32>, vector<16xi32>], vector<16xf32>,
      %get3A_864 = arith.index_cast %add3A_819 : i32 to index
      %get3A_865 = arith.constant 64 : index
      %get3A_866 = tpu.vector_load %arg6[%get3A_864, %get3A_865] {strides = array<i32>} : memref<320x128xf32, #tpu.memory_space<vmem>>, vector<16xf32>,
      %max3A_867 = arith.maximumf %gather3A_863, %get3A_866 : vector<16xf32>
      tpu.vector_store_idx %arg8[%select_n3A_827, %add3A_862], %max3A_867 : memref<136x128xf32, #tpu.memory_space<vmem>>[vector<16xi32>, vector<16xi32>], vector<16xf32>,
      %add3A_868 = arith.constant 80 : i32
      %add3A_869 = vector.broadcast %add3A_868 : i32 to vector<16xi32>
      %add3A_870 = arith.addi %iota3A, %add3A_869 : vector<16xi32>
      %gather3A_871 = tpu.vector_load_idx %arg8[%select_n3A_827, %add3A_870] : memref<136x128xf32, #tpu.memory_space<vmem>>[vector<16xi32>, vector<16xi32>], vector<16xf32>,
      %get3A_872 = arith.index_cast %add3A_819 : i32 to index
      %get3A_873 = arith.constant 80 : index
      %get3A_874 = tpu.vector_load %arg6[%get3A_872, %get3A_873] {strides = array<i32>} : memref<320x128xf32, #tpu.memory_space<vmem>>, vector<16xf32>,
      %max3A_875 = arith.maximumf %gather3A_871, %get3A_874 : vector<16xf32>
      tpu.vector_store_idx %arg8[%select_n3A_827, %add3A_870], %max3A_875 : memref<136x128xf32, #tpu.memory_space<vmem>>[vector<16xi32>, vector<16xi32>], vector<16xf32>,
      %add3A_876 = arith.constant 96 : i32
      %add3A_877 = vector.broadcast %add3A_876 : i32 to vector<16xi32>
      %add3A_878 = arith.addi %iota3A, %add3A_877 : vector<16xi32>
      %gather3A_879 = tpu.vector_load_idx %arg8[%select_n3A_827, %add3A_878] : memref<136x128xf32, #tpu.memory_space<vmem>>[vector<16xi32>, vector<16xi32>], vector<16xf32>,
      %get3A_880 = arith.index_cast %add3A_819 : i32 to index
      %get3A_881 = arith.constant 96 : index
      %get3A_882 = tpu.vector_load %arg6[%get3A_880, %get3A_881] {strides = array<i32>} : memref<320x128xf32, #tpu.memory_space<vmem>>, vector<16xf32>,
      %max3A_883 = arith.maximumf %gather3A_879, %get3A_882 : vector<16xf32>
      tpu.vector_store_idx %arg8[%select_n3A_827, %add3A_878], %max3A_883 : memref<136x128xf32, #tpu.memory_space<vmem>>[vector<16xi32>, vector<16xi32>], vector<16xf32>,
      %add3A_884 = arith.constant 112 : i32
      %add3A_885 = vector.broadcast %add3A_884 : i32 to vector<16xi32>
      %add3A_886 = arith.addi %iota3A, %add3A_885 : vector<16xi32>
      %gather3A_887 = tpu.vector_load_idx %arg8[%select_n3A_827, %add3A_886] : memref<136x128xf32, #tpu.memory_space<vmem>>[vector<16xi32>, vector<16xi32>], vector<16xf32>,
      %get3A_888 = arith.index_cast %add3A_819 : i32 to index
      %get3A_889 = arith.constant 112 : index
      %get3A_890 = tpu.vector_load %arg6[%get3A_888, %get3A_889] {strides = array<i32>} : memref<320x128xf32, #tpu.memory_space<vmem>>, vector<16xf32>,
      %max3A_891 = arith.maximumf %gather3A_887, %get3A_890 : vector<16xf32>
      tpu.vector_store_idx %arg8[%select_n3A_827, %add3A_886], %max3A_891 : memref<136x128xf32, #tpu.memory_space<vmem>>[vector<16xi32>, vector<16xi32>], vector<16xf32>,
      %add3A_892 = arith.constant 12 : i32
      %add3A_893 = arith.addi %mul3A_10, %add3A_892 : i32
      %broadcast_in_dim3A_894 = vector.broadcast %add3A_893 : i32 to vector<16xi32>
      %gather3A_895 = tpu.vector_load_idx %arg7[%broadcast_in_dim3A_894] : memref<320xi32, #tpu.memory_space<vmem>>[vector<16xi32>], vector<16xi32>,
      %lt3A_896 = arith.constant 0 : i32
      %lt3A_897 = vector.broadcast %lt3A_896 : i32 to vector<16xi32>
      %lt3A_898 = arith.cmpi slt, %gather3A_895, %lt3A_897 : vector<16xi32>
      %jit3A_899 = arith.constant 128 : i32
      %broadcast_in_dim3A_900 = vector.broadcast %jit3A_899 : i32 to vector<16xi32>
      %select_n3A_901 = arith.select %lt3A_898, %broadcast_in_dim3A_900, %gather3A_895 : vector<16xi1>, vector<16xi32>
      %add3A_902 = arith.constant 0 : i32
      %add3A_903 = vector.broadcast %add3A_902 : i32 to vector<16xi32>
      %add3A_904 = arith.addi %iota3A, %add3A_903 : vector<16xi32>
      %gather3A_905 = tpu.vector_load_idx %arg8[%select_n3A_901, %add3A_904] : memref<136x128xf32, #tpu.memory_space<vmem>>[vector<16xi32>, vector<16xi32>], vector<16xf32>,
      %get3A_906 = arith.index_cast %add3A_893 : i32 to index
      %get3A_907 = arith.constant 0 : index
      %get3A_908 = tpu.vector_load %arg6[%get3A_906, %get3A_907] {strides = array<i32>} : memref<320x128xf32, #tpu.memory_space<vmem>>, vector<16xf32>,
      %max3A_909 = arith.maximumf %gather3A_905, %get3A_908 : vector<16xf32>
      tpu.vector_store_idx %arg8[%select_n3A_901, %add3A_904], %max3A_909 : memref<136x128xf32, #tpu.memory_space<vmem>>[vector<16xi32>, vector<16xi32>], vector<16xf32>,
      %add3A_910 = arith.constant 16 : i32
      %add3A_911 = vector.broadcast %add3A_910 : i32 to vector<16xi32>
      %add3A_912 = arith.addi %iota3A, %add3A_911 : vector<16xi32>
      %gather3A_913 = tpu.vector_load_idx %arg8[%select_n3A_901, %add3A_912] : memref<136x128xf32, #tpu.memory_space<vmem>>[vector<16xi32>, vector<16xi32>], vector<16xf32>,
      %get3A_914 = arith.index_cast %add3A_893 : i32 to index
      %get3A_915 = arith.constant 16 : index
      %get3A_916 = tpu.vector_load %arg6[%get3A_914, %get3A_915] {strides = array<i32>} : memref<320x128xf32, #tpu.memory_space<vmem>>, vector<16xf32>,
      %max3A_917 = arith.maximumf %gather3A_913, %get3A_916 : vector<16xf32>
      tpu.vector_store_idx %arg8[%select_n3A_901, %add3A_912], %max3A_917 : memref<136x128xf32, #tpu.memory_space<vmem>>[vector<16xi32>, vector<16xi32>], vector<16xf32>,
      %add3A_918 = arith.constant 32 : i32
      %add3A_919 = vector.broadcast %add3A_918 : i32 to vector<16xi32>
      %add3A_920 = arith.addi %iota3A, %add3A_919 : vector<16xi32>
      %gather3A_921 = tpu.vector_load_idx %arg8[%select_n3A_901, %add3A_920] : memref<136x128xf32, #tpu.memory_space<vmem>>[vector<16xi32>, vector<16xi32>], vector<16xf32>,
      %get3A_922 = arith.index_cast %add3A_893 : i32 to index
      %get3A_923 = arith.constant 32 : index
      %get3A_924 = tpu.vector_load %arg6[%get3A_922, %get3A_923] {strides = array<i32>} : memref<320x128xf32, #tpu.memory_space<vmem>>, vector<16xf32>,
      %max3A_925 = arith.maximumf %gather3A_921, %get3A_924 : vector<16xf32>
      tpu.vector_store_idx %arg8[%select_n3A_901, %add3A_920], %max3A_925 : memref<136x128xf32, #tpu.memory_space<vmem>>[vector<16xi32>, vector<16xi32>], vector<16xf32>,
      %add3A_926 = arith.constant 48 : i32
      %add3A_927 = vector.broadcast %add3A_926 : i32 to vector<16xi32>
      %add3A_928 = arith.addi %iota3A, %add3A_927 : vector<16xi32>
      %gather3A_929 = tpu.vector_load_idx %arg8[%select_n3A_901, %add3A_928] : memref<136x128xf32, #tpu.memory_space<vmem>>[vector<16xi32>, vector<16xi32>], vector<16xf32>,
      %get3A_930 = arith.index_cast %add3A_893 : i32 to index
      %get3A_931 = arith.constant 48 : index
      %get3A_932 = tpu.vector_load %arg6[%get3A_930, %get3A_931] {strides = array<i32>} : memref<320x128xf32, #tpu.memory_space<vmem>>, vector<16xf32>,
      %max3A_933 = arith.maximumf %gather3A_929, %get3A_932 : vector<16xf32>
      tpu.vector_store_idx %arg8[%select_n3A_901, %add3A_928], %max3A_933 : memref<136x128xf32, #tpu.memory_space<vmem>>[vector<16xi32>, vector<16xi32>], vector<16xf32>,
      %add3A_934 = arith.constant 64 : i32
      %add3A_935 = vector.broadcast %add3A_934 : i32 to vector<16xi32>
      %add3A_936 = arith.addi %iota3A, %add3A_935 : vector<16xi32>
      %gather3A_937 = tpu.vector_load_idx %arg8[%select_n3A_901, %add3A_936] : memref<136x128xf32, #tpu.memory_space<vmem>>[vector<16xi32>, vector<16xi32>], vector<16xf32>,
      %get3A_938 = arith.index_cast %add3A_893 : i32 to index
      %get3A_939 = arith.constant 64 : index
      %get3A_940 = tpu.vector_load %arg6[%get3A_938, %get3A_939] {strides = array<i32>} : memref<320x128xf32, #tpu.memory_space<vmem>>, vector<16xf32>,
      %max3A_941 = arith.maximumf %gather3A_937, %get3A_940 : vector<16xf32>
      tpu.vector_store_idx %arg8[%select_n3A_901, %add3A_936], %max3A_941 : memref<136x128xf32, #tpu.memory_space<vmem>>[vector<16xi32>, vector<16xi32>], vector<16xf32>,
      %add3A_942 = arith.constant 80 : i32
      %add3A_943 = vector.broadcast %add3A_942 : i32 to vector<16xi32>
      %add3A_944 = arith.addi %iota3A, %add3A_943 : vector<16xi32>
      %gather3A_945 = tpu.vector_load_idx %arg8[%select_n3A_901, %add3A_944] : memref<136x128xf32, #tpu.memory_space<vmem>>[vector<16xi32>, vector<16xi32>], vector<16xf32>,
      %get3A_946 = arith.index_cast %add3A_893 : i32 to index
      %get3A_947 = arith.constant 80 : index
      %get3A_948 = tpu.vector_load %arg6[%get3A_946, %get3A_947] {strides = array<i32>} : memref<320x128xf32, #tpu.memory_space<vmem>>, vector<16xf32>,
      %max3A_949 = arith.maximumf %gather3A_945, %get3A_948 : vector<16xf32>
      tpu.vector_store_idx %arg8[%select_n3A_901, %add3A_944], %max3A_949 : memref<136x128xf32, #tpu.memory_space<vmem>>[vector<16xi32>, vector<16xi32>], vector<16xf32>,
      %add3A_950 = arith.constant 96 : i32
      %add3A_951 = vector.broadcast %add3A_950 : i32 to vector<16xi32>
      %add3A_952 = arith.addi %iota3A, %add3A_951 : vector<16xi32>
      %gather3A_953 = tpu.vector_load_idx %arg8[%select_n3A_901, %add3A_952] : memref<136x128xf32, #tpu.memory_space<vmem>>[vector<16xi32>, vector<16xi32>], vector<16xf32>,
      %get3A_954 = arith.index_cast %add3A_893 : i32 to index
      %get3A_955 = arith.constant 96 : index
      %get3A_956 = tpu.vector_load %arg6[%get3A_954, %get3A_955] {strides = array<i32>} : memref<320x128xf32, #tpu.memory_space<vmem>>, vector<16xf32>,
      %max3A_957 = arith.maximumf %gather3A_953, %get3A_956 : vector<16xf32>
      tpu.vector_store_idx %arg8[%select_n3A_901, %add3A_952], %max3A_957 : memref<136x128xf32, #tpu.memory_space<vmem>>[vector<16xi32>, vector<16xi32>], vector<16xf32>,
      %add3A_958 = arith.constant 112 : i32
      %add3A_959 = vector.broadcast %add3A_958 : i32 to vector<16xi32>
      %add3A_960 = arith.addi %iota3A, %add3A_959 : vector<16xi32>
      %gather3A_961 = tpu.vector_load_idx %arg8[%select_n3A_901, %add3A_960] : memref<136x128xf32, #tpu.memory_space<vmem>>[vector<16xi32>, vector<16xi32>], vector<16xf32>,
      %get3A_962 = arith.index_cast %add3A_893 : i32 to index
      %get3A_963 = arith.constant 112 : index
      %get3A_964 = tpu.vector_load %arg6[%get3A_962, %get3A_963] {strides = array<i32>} : memref<320x128xf32, #tpu.memory_space<vmem>>, vector<16xf32>,
      %max3A_965 = arith.maximumf %gather3A_961, %get3A_964 : vector<16xf32>
      tpu.vector_store_idx %arg8[%select_n3A_901, %add3A_960], %max3A_965 : memref<136x128xf32, #tpu.memory_space<vmem>>[vector<16xi32>, vector<16xi32>], vector<16xf32>,
      %add3A_966 = arith.constant 13 : i32
      %add3A_967 = arith.addi %mul3A_10, %add3A_966 : i32
      %broadcast_in_dim3A_968 = vector.broadcast %add3A_967 : i32 to vector<16xi32>
      %gather3A_969 = tpu.vector_load_idx %arg7[%broadcast_in_dim3A_968] : memref<320xi32, #tpu.memory_space<vmem>>[vector<16xi32>], vector<16xi32>,
      %lt3A_970 = arith.constant 0 : i32
      %lt3A_971 = vector.broadcast %lt3A_970 : i32 to vector<16xi32>
      %lt3A_972 = arith.cmpi slt, %gather3A_969, %lt3A_971 : vector<16xi32>
      %jit3A_973 = arith.constant 128 : i32
      %broadcast_in_dim3A_974 = vector.broadcast %jit3A_973 : i32 to vector<16xi32>
      %select_n3A_975 = arith.select %lt3A_972, %broadcast_in_dim3A_974, %gather3A_969 : vector<16xi1>, vector<16xi32>
      %add3A_976 = arith.constant 0 : i32
      %add3A_977 = vector.broadcast %add3A_976 : i32 to vector<16xi32>
      %add3A_978 = arith.addi %iota3A, %add3A_977 : vector<16xi32>
      %gather3A_979 = tpu.vector_load_idx %arg8[%select_n3A_975, %add3A_978] : memref<136x128xf32, #tpu.memory_space<vmem>>[vector<16xi32>, vector<16xi32>], vector<16xf32>,
      %get3A_980 = arith.index_cast %add3A_967 : i32 to index
      %get3A_981 = arith.constant 0 : index
      %get3A_982 = tpu.vector_load %arg6[%get3A_980, %get3A_981] {strides = array<i32>} : memref<320x128xf32, #tpu.memory_space<vmem>>, vector<16xf32>,
      %max3A_983 = arith.maximumf %gather3A_979, %get3A_982 : vector<16xf32>
      tpu.vector_store_idx %arg8[%select_n3A_975, %add3A_978], %max3A_983 : memref<136x128xf32, #tpu.memory_space<vmem>>[vector<16xi32>, vector<16xi32>], vector<16xf32>,
      %add3A_984 = arith.constant 16 : i32
      %add3A_985 = vector.broadcast %add3A_984 : i32 to vector<16xi32>
      %add3A_986 = arith.addi %iota3A, %add3A_985 : vector<16xi32>
      %gather3A_987 = tpu.vector_load_idx %arg8[%select_n3A_975, %add3A_986] : memref<136x128xf32, #tpu.memory_space<vmem>>[vector<16xi32>, vector<16xi32>], vector<16xf32>,
      %get3A_988 = arith.index_cast %add3A_967 : i32 to index
      %get3A_989 = arith.constant 16 : index
      %get3A_990 = tpu.vector_load %arg6[%get3A_988, %get3A_989] {strides = array<i32>} : memref<320x128xf32, #tpu.memory_space<vmem>>, vector<16xf32>,
      %max3A_991 = arith.maximumf %gather3A_987, %get3A_990 : vector<16xf32>
      tpu.vector_store_idx %arg8[%select_n3A_975, %add3A_986], %max3A_991 : memref<136x128xf32, #tpu.memory_space<vmem>>[vector<16xi32>, vector<16xi32>], vector<16xf32>,
      %add3A_992 = arith.constant 32 : i32
      %add3A_993 = vector.broadcast %add3A_992 : i32 to vector<16xi32>
      %add3A_994 = arith.addi %iota3A, %add3A_993 : vector<16xi32>
      %gather3A_995 = tpu.vector_load_idx %arg8[%select_n3A_975, %add3A_994] : memref<136x128xf32, #tpu.memory_space<vmem>>[vector<16xi32>, vector<16xi32>], vector<16xf32>,
      %get3A_996 = arith.index_cast %add3A_967 : i32 to index
      %get3A_997 = arith.constant 32 : index
      %get3A_998 = tpu.vector_load %arg6[%get3A_996, %get3A_997] {strides = array<i32>} : memref<320x128xf32, #tpu.memory_space<vmem>>, vector<16xf32>,
      %max3A_999 = arith.maximumf %gather3A_995, %get3A_998 : vector<16xf32>
      tpu.vector_store_idx %arg8[%select_n3A_975, %add3A_994], %max3A_999 : memref<136x128xf32, #tpu.memory_space<vmem>>[vector<16xi32>, vector<16xi32>], vector<16xf32>,
      %add3A_1000 = arith.constant 48 : i32
      %add3A_1001 = vector.broadcast %add3A_1000 : i32 to vector<16xi32>
      %add3A_1002 = arith.addi %iota3A, %add3A_1001 : vector<16xi32>
      %gather3A_1003 = tpu.vector_load_idx %arg8[%select_n3A_975, %add3A_1002] : memref<136x128xf32, #tpu.memory_space<vmem>>[vector<16xi32>, vector<16xi32>], vector<16xf32>,
      %get3A_1004 = arith.index_cast %add3A_967 : i32 to index
      %get3A_1005 = arith.constant 48 : index
      %get3A_1006 = tpu.vector_load %arg6[%get3A_1004, %get3A_1005] {strides = array<i32>} : memref<320x128xf32, #tpu.memory_space<vmem>>, vector<16xf32>,
      %max3A_1007 = arith.maximumf %gather3A_1003, %get3A_1006 : vector<16xf32>
      tpu.vector_store_idx %arg8[%select_n3A_975, %add3A_1002], %max3A_1007 : memref<136x128xf32, #tpu.memory_space<vmem>>[vector<16xi32>, vector<16xi32>], vector<16xf32>,
      %add3A_1008 = arith.constant 64 : i32
      %add3A_1009 = vector.broadcast %add3A_1008 : i32 to vector<16xi32>
      %add3A_1010 = arith.addi %iota3A, %add3A_1009 : vector<16xi32>
      %gather3A_1011 = tpu.vector_load_idx %arg8[%select_n3A_975, %add3A_1010] : memref<136x128xf32, #tpu.memory_space<vmem>>[vector<16xi32>, vector<16xi32>], vector<16xf32>,
      %get3A_1012 = arith.index_cast %add3A_967 : i32 to index
      %get3A_1013 = arith.constant 64 : index
      %get3A_1014 = tpu.vector_load %arg6[%get3A_1012, %get3A_1013] {strides = array<i32>} : memref<320x128xf32, #tpu.memory_space<vmem>>, vector<16xf32>,
      %max3A_1015 = arith.maximumf %gather3A_1011, %get3A_1014 : vector<16xf32>
      tpu.vector_store_idx %arg8[%select_n3A_975, %add3A_1010], %max3A_1015 : memref<136x128xf32, #tpu.memory_space<vmem>>[vector<16xi32>, vector<16xi32>], vector<16xf32>,
      %add3A_1016 = arith.constant 80 : i32
      %add3A_1017 = vector.broadcast %add3A_1016 : i32 to vector<16xi32>
      %add3A_1018 = arith.addi %iota3A, %add3A_1017 : vector<16xi32>
      %gather3A_1019 = tpu.vector_load_idx %arg8[%select_n3A_975, %add3A_1018] : memref<136x128xf32, #tpu.memory_space<vmem>>[vector<16xi32>, vector<16xi32>], vector<16xf32>,
      %get3A_1020 = arith.index_cast %add3A_967 : i32 to index
      %get3A_1021 = arith.constant 80 : index
      %get3A_1022 = tpu.vector_load %arg6[%get3A_1020, %get3A_1021] {strides = array<i32>} : memref<320x128xf32, #tpu.memory_space<vmem>>, vector<16xf32>,
      %max3A_1023 = arith.maximumf %gather3A_1019, %get3A_1022 : vector<16xf32>
      tpu.vector_store_idx %arg8[%select_n3A_975, %add3A_1018], %max3A_1023 : memref<136x128xf32, #tpu.memory_space<vmem>>[vector<16xi32>, vector<16xi32>], vector<16xf32>,
      %add3A_1024 = arith.constant 96 : i32
      %add3A_1025 = vector.broadcast %add3A_1024 : i32 to vector<16xi32>
      %add3A_1026 = arith.addi %iota3A, %add3A_1025 : vector<16xi32>
      %gather3A_1027 = tpu.vector_load_idx %arg8[%select_n3A_975, %add3A_1026] : memref<136x128xf32, #tpu.memory_space<vmem>>[vector<16xi32>, vector<16xi32>], vector<16xf32>,
      %get3A_1028 = arith.index_cast %add3A_967 : i32 to index
      %get3A_1029 = arith.constant 96 : index
      %get3A_1030 = tpu.vector_load %arg6[%get3A_1028, %get3A_1029] {strides = array<i32>} : memref<320x128xf32, #tpu.memory_space<vmem>>, vector<16xf32>,
      %max3A_1031 = arith.maximumf %gather3A_1027, %get3A_1030 : vector<16xf32>
      tpu.vector_store_idx %arg8[%select_n3A_975, %add3A_1026], %max3A_1031 : memref<136x128xf32, #tpu.memory_space<vmem>>[vector<16xi32>, vector<16xi32>], vector<16xf32>,
      %add3A_1032 = arith.constant 112 : i32
      %add3A_1033 = vector.broadcast %add3A_1032 : i32 to vector<16xi32>
      %add3A_1034 = arith.addi %iota3A, %add3A_1033 : vector<16xi32>
      %gather3A_1035 = tpu.vector_load_idx %arg8[%select_n3A_975, %add3A_1034] : memref<136x128xf32, #tpu.memory_space<vmem>>[vector<16xi32>, vector<16xi32>], vector<16xf32>,
      %get3A_1036 = arith.index_cast %add3A_967 : i32 to index
      %get3A_1037 = arith.constant 112 : index
      %get3A_1038 = tpu.vector_load %arg6[%get3A_1036, %get3A_1037] {strides = array<i32>} : memref<320x128xf32, #tpu.memory_space<vmem>>, vector<16xf32>,
      %max3A_1039 = arith.maximumf %gather3A_1035, %get3A_1038 : vector<16xf32>
      tpu.vector_store_idx %arg8[%select_n3A_975, %add3A_1034], %max3A_1039 : memref<136x128xf32, #tpu.memory_space<vmem>>[vector<16xi32>, vector<16xi32>], vector<16xf32>,
      %add3A_1040 = arith.constant 14 : i32
      %add3A_1041 = arith.addi %mul3A_10, %add3A_1040 : i32
      %broadcast_in_dim3A_1042 = vector.broadcast %add3A_1041 : i32 to vector<16xi32>
      %gather3A_1043 = tpu.vector_load_idx %arg7[%broadcast_in_dim3A_1042] : memref<320xi32, #tpu.memory_space<vmem>>[vector<16xi32>], vector<16xi32>,
      %lt3A_1044 = arith.constant 0 : i32
      %lt3A_1045 = vector.broadcast %lt3A_1044 : i32 to vector<16xi32>
      %lt3A_1046 = arith.cmpi slt, %gather3A_1043, %lt3A_1045 : vector<16xi32>
      %jit3A_1047 = arith.constant 128 : i32
      %broadcast_in_dim3A_1048 = vector.broadcast %jit3A_1047 : i32 to vector<16xi32>
      %select_n3A_1049 = arith.select %lt3A_1046, %broadcast_in_dim3A_1048, %gather3A_1043 : vector<16xi1>, vector<16xi32>
      %add3A_1050 = arith.constant 0 : i32
      %add3A_1051 = vector.broadcast %add3A_1050 : i32 to vector<16xi32>
      %add3A_1052 = arith.addi %iota3A, %add3A_1051 : vector<16xi32>
      %gather3A_1053 = tpu.vector_load_idx %arg8[%select_n3A_1049, %add3A_1052] : memref<136x128xf32, #tpu.memory_space<vmem>>[vector<16xi32>, vector<16xi32>], vector<16xf32>,
      %get3A_1054 = arith.index_cast %add3A_1041 : i32 to index
      %get3A_1055 = arith.constant 0 : index
      %get3A_1056 = tpu.vector_load %arg6[%get3A_1054, %get3A_1055] {strides = array<i32>} : memref<320x128xf32, #tpu.memory_space<vmem>>, vector<16xf32>,
      %max3A_1057 = arith.maximumf %gather3A_1053, %get3A_1056 : vector<16xf32>
      tpu.vector_store_idx %arg8[%select_n3A_1049, %add3A_1052], %max3A_1057 : memref<136x128xf32, #tpu.memory_space<vmem>>[vector<16xi32>, vector<16xi32>], vector<16xf32>,
      %add3A_1058 = arith.constant 16 : i32
      %add3A_1059 = vector.broadcast %add3A_1058 : i32 to vector<16xi32>
      %add3A_1060 = arith.addi %iota3A, %add3A_1059 : vector<16xi32>
      %gather3A_1061 = tpu.vector_load_idx %arg8[%select_n3A_1049, %add3A_1060] : memref<136x128xf32, #tpu.memory_space<vmem>>[vector<16xi32>, vector<16xi32>], vector<16xf32>,
      %get3A_1062 = arith.index_cast %add3A_1041 : i32 to index
      %get3A_1063 = arith.constant 16 : index
      %get3A_1064 = tpu.vector_load %arg6[%get3A_1062, %get3A_1063] {strides = array<i32>} : memref<320x128xf32, #tpu.memory_space<vmem>>, vector<16xf32>,
      %max3A_1065 = arith.maximumf %gather3A_1061, %get3A_1064 : vector<16xf32>
      tpu.vector_store_idx %arg8[%select_n3A_1049, %add3A_1060], %max3A_1065 : memref<136x128xf32, #tpu.memory_space<vmem>>[vector<16xi32>, vector<16xi32>], vector<16xf32>,
      %add3A_1066 = arith.constant 32 : i32
      %add3A_1067 = vector.broadcast %add3A_1066 : i32 to vector<16xi32>
      %add3A_1068 = arith.addi %iota3A, %add3A_1067 : vector<16xi32>
      %gather3A_1069 = tpu.vector_load_idx %arg8[%select_n3A_1049, %add3A_1068] : memref<136x128xf32, #tpu.memory_space<vmem>>[vector<16xi32>, vector<16xi32>], vector<16xf32>,
      %get3A_1070 = arith.index_cast %add3A_1041 : i32 to index
      %get3A_1071 = arith.constant 32 : index
      %get3A_1072 = tpu.vector_load %arg6[%get3A_1070, %get3A_1071] {strides = array<i32>} : memref<320x128xf32, #tpu.memory_space<vmem>>, vector<16xf32>,
      %max3A_1073 = arith.maximumf %gather3A_1069, %get3A_1072 : vector<16xf32>
      tpu.vector_store_idx %arg8[%select_n3A_1049, %add3A_1068], %max3A_1073 : memref<136x128xf32, #tpu.memory_space<vmem>>[vector<16xi32>, vector<16xi32>], vector<16xf32>,
      %add3A_1074 = arith.constant 48 : i32
      %add3A_1075 = vector.broadcast %add3A_1074 : i32 to vector<16xi32>
      %add3A_1076 = arith.addi %iota3A, %add3A_1075 : vector<16xi32>
      %gather3A_1077 = tpu.vector_load_idx %arg8[%select_n3A_1049, %add3A_1076] : memref<136x128xf32, #tpu.memory_space<vmem>>[vector<16xi32>, vector<16xi32>], vector<16xf32>,
      %get3A_1078 = arith.index_cast %add3A_1041 : i32 to index
      %get3A_1079 = arith.constant 48 : index
      %get3A_1080 = tpu.vector_load %arg6[%get3A_1078, %get3A_1079] {strides = array<i32>} : memref<320x128xf32, #tpu.memory_space<vmem>>, vector<16xf32>,
      %max3A_1081 = arith.maximumf %gather3A_1077, %get3A_1080 : vector<16xf32>
      tpu.vector_store_idx %arg8[%select_n3A_1049, %add3A_1076], %max3A_1081 : memref<136x128xf32, #tpu.memory_space<vmem>>[vector<16xi32>, vector<16xi32>], vector<16xf32>,
      %add3A_1082 = arith.constant 64 : i32
      %add3A_1083 = vector.broadcast %add3A_1082 : i32 to vector<16xi32>
      %add3A_1084 = arith.addi %iota3A, %add3A_1083 : vector<16xi32>
      %gather3A_1085 = tpu.vector_load_idx %arg8[%select_n3A_1049, %add3A_1084] : memref<136x128xf32, #tpu.memory_space<vmem>>[vector<16xi32>, vector<16xi32>], vector<16xf32>,
      %get3A_1086 = arith.index_cast %add3A_1041 : i32 to index
      %get3A_1087 = arith.constant 64 : index
      %get3A_1088 = tpu.vector_load %arg6[%get3A_1086, %get3A_1087] {strides = array<i32>} : memref<320x128xf32, #tpu.memory_space<vmem>>, vector<16xf32>,
      %max3A_1089 = arith.maximumf %gather3A_1085, %get3A_1088 : vector<16xf32>
      tpu.vector_store_idx %arg8[%select_n3A_1049, %add3A_1084], %max3A_1089 : memref<136x128xf32, #tpu.memory_space<vmem>>[vector<16xi32>, vector<16xi32>], vector<16xf32>,
      %add3A_1090 = arith.constant 80 : i32
      %add3A_1091 = vector.broadcast %add3A_1090 : i32 to vector<16xi32>
      %add3A_1092 = arith.addi %iota3A, %add3A_1091 : vector<16xi32>
      %gather3A_1093 = tpu.vector_load_idx %arg8[%select_n3A_1049, %add3A_1092] : memref<136x128xf32, #tpu.memory_space<vmem>>[vector<16xi32>, vector<16xi32>], vector<16xf32>,
      %get3A_1094 = arith.index_cast %add3A_1041 : i32 to index
      %get3A_1095 = arith.constant 80 : index
      %get3A_1096 = tpu.vector_load %arg6[%get3A_1094, %get3A_1095] {strides = array<i32>} : memref<320x128xf32, #tpu.memory_space<vmem>>, vector<16xf32>,
      %max3A_1097 = arith.maximumf %gather3A_1093, %get3A_1096 : vector<16xf32>
      tpu.vector_store_idx %arg8[%select_n3A_1049, %add3A_1092], %max3A_1097 : memref<136x128xf32, #tpu.memory_space<vmem>>[vector<16xi32>, vector<16xi32>], vector<16xf32>,
      %add3A_1098 = arith.constant 96 : i32
      %add3A_1099 = vector.broadcast %add3A_1098 : i32 to vector<16xi32>
      %add3A_1100 = arith.addi %iota3A, %add3A_1099 : vector<16xi32>
      %gather3A_1101 = tpu.vector_load_idx %arg8[%select_n3A_1049, %add3A_1100] : memref<136x128xf32, #tpu.memory_space<vmem>>[vector<16xi32>, vector<16xi32>], vector<16xf32>,
      %get3A_1102 = arith.index_cast %add3A_1041 : i32 to index
      %get3A_1103 = arith.constant 96 : index
      %get3A_1104 = tpu.vector_load %arg6[%get3A_1102, %get3A_1103] {strides = array<i32>} : memref<320x128xf32, #tpu.memory_space<vmem>>, vector<16xf32>,
      %max3A_1105 = arith.maximumf %gather3A_1101, %get3A_1104 : vector<16xf32>
      tpu.vector_store_idx %arg8[%select_n3A_1049, %add3A_1100], %max3A_1105 : memref<136x128xf32, #tpu.memory_space<vmem>>[vector<16xi32>, vector<16xi32>], vector<16xf32>,
      %add3A_1106 = arith.constant 112 : i32
      %add3A_1107 = vector.broadcast %add3A_1106 : i32 to vector<16xi32>
      %add3A_1108 = arith.addi %iota3A, %add3A_1107 : vector<16xi32>
      %gather3A_1109 = tpu.vector_load_idx %arg8[%select_n3A_1049, %add3A_1108] : memref<136x128xf32, #tpu.memory_space<vmem>>[vector<16xi32>, vector<16xi32>], vector<16xf32>,
      %get3A_1110 = arith.index_cast %add3A_1041 : i32 to index
      %get3A_1111 = arith.constant 112 : index
      %get3A_1112 = tpu.vector_load %arg6[%get3A_1110, %get3A_1111] {strides = array<i32>} : memref<320x128xf32, #tpu.memory_space<vmem>>, vector<16xf32>,
      %max3A_1113 = arith.maximumf %gather3A_1109, %get3A_1112 : vector<16xf32>
      tpu.vector_store_idx %arg8[%select_n3A_1049, %add3A_1108], %max3A_1113 : memref<136x128xf32, #tpu.memory_space<vmem>>[vector<16xi32>, vector<16xi32>], vector<16xf32>,
      %add3A_1114 = arith.constant 15 : i32
      %add3A_1115 = arith.addi %mul3A_10, %add3A_1114 : i32
      %broadcast_in_dim3A_1116 = vector.broadcast %add3A_1115 : i32 to vector<16xi32>
      %gather3A_1117 = tpu.vector_load_idx %arg7[%broadcast_in_dim3A_1116] : memref<320xi32, #tpu.memory_space<vmem>>[vector<16xi32>], vector<16xi32>,
      %lt3A_1118 = arith.constant 0 : i32
      %lt3A_1119 = vector.broadcast %lt3A_1118 : i32 to vector<16xi32>
      %lt3A_1120 = arith.cmpi slt, %gather3A_1117, %lt3A_1119 : vector<16xi32>
      %jit3A_1121 = arith.constant 128 : i32
      %broadcast_in_dim3A_1122 = vector.broadcast %jit3A_1121 : i32 to vector<16xi32>
      %select_n3A_1123 = arith.select %lt3A_1120, %broadcast_in_dim3A_1122, %gather3A_1117 : vector<16xi1>, vector<16xi32>
      %add3A_1124 = arith.constant 0 : i32
      %add3A_1125 = vector.broadcast %add3A_1124 : i32 to vector<16xi32>
      %add3A_1126 = arith.addi %iota3A, %add3A_1125 : vector<16xi32>
      %gather3A_1127 = tpu.vector_load_idx %arg8[%select_n3A_1123, %add3A_1126] : memref<136x128xf32, #tpu.memory_space<vmem>>[vector<16xi32>, vector<16xi32>], vector<16xf32>,
      %get3A_1128 = arith.index_cast %add3A_1115 : i32 to index
      %get3A_1129 = arith.constant 0 : index
      %get3A_1130 = tpu.vector_load %arg6[%get3A_1128, %get3A_1129] {strides = array<i32>} : memref<320x128xf32, #tpu.memory_space<vmem>>, vector<16xf32>,
      %max3A_1131 = arith.maximumf %gather3A_1127, %get3A_1130 : vector<16xf32>
      tpu.vector_store_idx %arg8[%select_n3A_1123, %add3A_1126], %max3A_1131 : memref<136x128xf32, #tpu.memory_space<vmem>>[vector<16xi32>, vector<16xi32>], vector<16xf32>,
      %add3A_1132 = arith.constant 16 : i32
      %add3A_1133 = vector.broadcast %add3A_1132 : i32 to vector<16xi32>
      %add3A_1134 = arith.addi %iota3A, %add3A_1133 : vector<16xi32>
      %gather3A_1135 = tpu.vector_load_idx %arg8[%select_n3A_1123, %add3A_1134] : memref<136x128xf32, #tpu.memory_space<vmem>>[vector<16xi32>, vector<16xi32>], vector<16xf32>,
      %get3A_1136 = arith.index_cast %add3A_1115 : i32 to index
      %get3A_1137 = arith.constant 16 : index
      %get3A_1138 = tpu.vector_load %arg6[%get3A_1136, %get3A_1137] {strides = array<i32>} : memref<320x128xf32, #tpu.memory_space<vmem>>, vector<16xf32>,
      %max3A_1139 = arith.maximumf %gather3A_1135, %get3A_1138 : vector<16xf32>
      tpu.vector_store_idx %arg8[%select_n3A_1123, %add3A_1134], %max3A_1139 : memref<136x128xf32, #tpu.memory_space<vmem>>[vector<16xi32>, vector<16xi32>], vector<16xf32>,
      %add3A_1140 = arith.constant 32 : i32
      %add3A_1141 = vector.broadcast %add3A_1140 : i32 to vector<16xi32>
      %add3A_1142 = arith.addi %iota3A, %add3A_1141 : vector<16xi32>
      %gather3A_1143 = tpu.vector_load_idx %arg8[%select_n3A_1123, %add3A_1142] : memref<136x128xf32, #tpu.memory_space<vmem>>[vector<16xi32>, vector<16xi32>], vector<16xf32>,
      %get3A_1144 = arith.index_cast %add3A_1115 : i32 to index
      %get3A_1145 = arith.constant 32 : index
      %get3A_1146 = tpu.vector_load %arg6[%get3A_1144, %get3A_1145] {strides = array<i32>} : memref<320x128xf32, #tpu.memory_space<vmem>>, vector<16xf32>,
      %max3A_1147 = arith.maximumf %gather3A_1143, %get3A_1146 : vector<16xf32>
      tpu.vector_store_idx %arg8[%select_n3A_1123, %add3A_1142], %max3A_1147 : memref<136x128xf32, #tpu.memory_space<vmem>>[vector<16xi32>, vector<16xi32>], vector<16xf32>,
      %add3A_1148 = arith.constant 48 : i32
      %add3A_1149 = vector.broadcast %add3A_1148 : i32 to vector<16xi32>
      %add3A_1150 = arith.addi %iota3A, %add3A_1149 : vector<16xi32>
      %gather3A_1151 = tpu.vector_load_idx %arg8[%select_n3A_1123, %add3A_1150] : memref<136x128xf32, #tpu.memory_space<vmem>>[vector<16xi32>, vector<16xi32>], vector<16xf32>,
      %get3A_1152 = arith.index_cast %add3A_1115 : i32 to index
      %get3A_1153 = arith.constant 48 : index
      %get3A_1154 = tpu.vector_load %arg6[%get3A_1152, %get3A_1153] {strides = array<i32>} : memref<320x128xf32, #tpu.memory_space<vmem>>, vector<16xf32>,
      %max3A_1155 = arith.maximumf %gather3A_1151, %get3A_1154 : vector<16xf32>
      tpu.vector_store_idx %arg8[%select_n3A_1123, %add3A_1150], %max3A_1155 : memref<136x128xf32, #tpu.memory_space<vmem>>[vector<16xi32>, vector<16xi32>], vector<16xf32>,
      %add3A_1156 = arith.constant 64 : i32
      %add3A_1157 = vector.broadcast %add3A_1156 : i32 to vector<16xi32>
      %add3A_1158 = arith.addi %iota3A, %add3A_1157 : vector<16xi32>
      %gather3A_1159 = tpu.vector_load_idx %arg8[%select_n3A_1123, %add3A_1158] : memref<136x128xf32, #tpu.memory_space<vmem>>[vector<16xi32>, vector<16xi32>], vector<16xf32>,
      %get3A_1160 = arith.index_cast %add3A_1115 : i32 to index
      %get3A_1161 = arith.constant 64 : index
      %get3A_1162 = tpu.vector_load %arg6[%get3A_1160, %get3A_1161] {strides = array<i32>} : memref<320x128xf32, #tpu.memory_space<vmem>>, vector<16xf32>,
      %max3A_1163 = arith.maximumf %gather3A_1159, %get3A_1162 : vector<16xf32>
      tpu.vector_store_idx %arg8[%select_n3A_1123, %add3A_1158], %max3A_1163 : memref<136x128xf32, #tpu.memory_space<vmem>>[vector<16xi32>, vector<16xi32>], vector<16xf32>,
      %add3A_1164 = arith.constant 80 : i32
      %add3A_1165 = vector.broadcast %add3A_1164 : i32 to vector<16xi32>
      %add3A_1166 = arith.addi %iota3A, %add3A_1165 : vector<16xi32>
      %gather3A_1167 = tpu.vector_load_idx %arg8[%select_n3A_1123, %add3A_1166] : memref<136x128xf32, #tpu.memory_space<vmem>>[vector<16xi32>, vector<16xi32>], vector<16xf32>,
      %get3A_1168 = arith.index_cast %add3A_1115 : i32 to index
      %get3A_1169 = arith.constant 80 : index
      %get3A_1170 = tpu.vector_load %arg6[%get3A_1168, %get3A_1169] {strides = array<i32>} : memref<320x128xf32, #tpu.memory_space<vmem>>, vector<16xf32>,
      %max3A_1171 = arith.maximumf %gather3A_1167, %get3A_1170 : vector<16xf32>
      tpu.vector_store_idx %arg8[%select_n3A_1123, %add3A_1166], %max3A_1171 : memref<136x128xf32, #tpu.memory_space<vmem>>[vector<16xi32>, vector<16xi32>], vector<16xf32>,
      %add3A_1172 = arith.constant 96 : i32
      %add3A_1173 = vector.broadcast %add3A_1172 : i32 to vector<16xi32>
      %add3A_1174 = arith.addi %iota3A, %add3A_1173 : vector<16xi32>
      %gather3A_1175 = tpu.vector_load_idx %arg8[%select_n3A_1123, %add3A_1174] : memref<136x128xf32, #tpu.memory_space<vmem>>[vector<16xi32>, vector<16xi32>], vector<16xf32>,
      %get3A_1176 = arith.index_cast %add3A_1115 : i32 to index
      %get3A_1177 = arith.constant 96 : index
      %get3A_1178 = tpu.vector_load %arg6[%get3A_1176, %get3A_1177] {strides = array<i32>} : memref<320x128xf32, #tpu.memory_space<vmem>>, vector<16xf32>,
      %max3A_1179 = arith.maximumf %gather3A_1175, %get3A_1178 : vector<16xf32>
      tpu.vector_store_idx %arg8[%select_n3A_1123, %add3A_1174], %max3A_1179 : memref<136x128xf32, #tpu.memory_space<vmem>>[vector<16xi32>, vector<16xi32>], vector<16xf32>,
      %add3A_1180 = arith.constant 112 : i32
      %add3A_1181 = vector.broadcast %add3A_1180 : i32 to vector<16xi32>
      %add3A_1182 = arith.addi %iota3A, %add3A_1181 : vector<16xi32>
      %gather3A_1183 = tpu.vector_load_idx %arg8[%select_n3A_1123, %add3A_1182] : memref<136x128xf32, #tpu.memory_space<vmem>>[vector<16xi32>, vector<16xi32>], vector<16xf32>,
      %get3A_1184 = arith.index_cast %add3A_1115 : i32 to index
      %get3A_1185 = arith.constant 112 : index
      %get3A_1186 = tpu.vector_load %arg6[%get3A_1184, %get3A_1185] {strides = array<i32>} : memref<320x128xf32, #tpu.memory_space<vmem>>, vector<16xf32>,
      %max3A_1187 = arith.maximumf %gather3A_1183, %get3A_1186 : vector<16xf32>
      tpu.vector_store_idx %arg8[%select_n3A_1123, %add3A_1182], %max3A_1187 : memref<136x128xf32, #tpu.memory_space<vmem>>[vector<16xi32>, vector<16xi32>], vector<16xf32>,
    }
    %scan3A_7 = arith.constant 20 : i32
    "tpu.region"() ({
      %run_scoped3A = tpu.sem_alloc : memref<!tpu.dma_semaphore, #tpu.memory_space<semaphore_mem>>
      %dma_start3A = arith.constant 0 : i32
      %dma_start3A_8 = arith.constant 0 : i32
      %dma_start3A_9 = tpu.memref_slice %arg8[%dma_start3A, %dma_start3A_8] : memref<136x128xf32, #tpu.memory_space<vmem>> -> memref<128x128xf32, #tpu.memory_space<vmem>>
      %dma_start3A_10 = arith.constant 0 : i32
      %dma_start3A_11 = arith.constant 0 : i32
      %dma_start3A_12 = tpu.memref_slice %arg5[%add3A, %dma_start3A_10, %dma_start3A_11] : memref<32x128x128xf32, #tpu.memory_space<hbm>> -> memref<1x128x128xf32, #tpu.memory_space<hbm>>
      %dma_start3A_13 = tpu.memref_squeeze %dma_start3A_12 : memref<1x128x128xf32, #tpu.memory_space<hbm>> -> memref<128x128xf32, #tpu.memory_space<hbm>>
      %dma_start3A_14 = arith.constant 0 : i32
      %dma_start3A_15 = arith.constant 0 : i32
      %dma_start3A_16 = tpu.memref_slice %arg5[%add3A, %dma_start3A_14, %dma_start3A_15] : memref<32x128x128xf32, #tpu.memory_space<hbm>> -> memref<1x128x128xf32, #tpu.memory_space<hbm>>
      %dma_start3A_17 = tpu.memref_squeeze %dma_start3A_16 : memref<1x128x128xf32, #tpu.memory_space<hbm>> -> memref<128x128xf32, #tpu.memory_space<hbm>>
      %dma_start3A_18 = arith.constant 0 : i32
      %dma_start3A_19 = arith.constant 0 : i32
      %dma_start3A_20 = tpu.memref_slice %arg8[%dma_start3A_18, %dma_start3A_19] : memref<136x128xf32, #tpu.memory_space<vmem>> -> memref<128x128xf32, #tpu.memory_space<vmem>>
      tpu.enqueue_dma source(%dma_start3A_20 : memref<128x128xf32, #tpu.memory_space<vmem>>) target(%dma_start3A_17 : memref<128x128xf32, #tpu.memory_space<hbm>>) target_semaphore(%run_scoped3A : memref<!tpu.dma_semaphore, #tpu.memory_space<semaphore_mem>>)
      %dma_wait3A = arith.constant 0 : i32
      %dma_wait3A_21 = arith.constant 0 : i32
      %dma_wait3A_22 = tpu.memref_slice %arg8[%dma_wait3A, %dma_wait3A_21] : memref<136x128xf32, #tpu.memory_space<vmem>> -> memref<128x128xf32, #tpu.memory_space<vmem>>
      %dma_wait3A_23 = arith.constant 0 : i32
      %dma_wait3A_24 = arith.constant 0 : i32
      %dma_wait3A_25 = tpu.memref_slice %arg5[%add3A, %dma_wait3A_23, %dma_wait3A_24] : memref<32x128x128xf32, #tpu.memory_space<hbm>> -> memref<1x128x128xf32, #tpu.memory_space<hbm>>
      %dma_wait3A_26 = tpu.memref_squeeze %dma_wait3A_25 : memref<1x128x128xf32, #tpu.memory_space<hbm>> -> memref<128x128xf32, #tpu.memory_space<hbm>>
      %dma_wait3A_27 = arith.constant 0 : i32
      %dma_wait3A_28 = arith.constant 0 : i32
      %dma_wait3A_29 = tpu.memref_slice %arg5[%add3A, %dma_wait3A_27, %dma_wait3A_28] : memref<32x128x128xf32, #tpu.memory_space<hbm>> -> memref<1x128x128xf32, #tpu.memory_space<hbm>>
      %dma_wait3A_30 = tpu.memref_squeeze %dma_wait3A_29 : memref<1x128x128xf32, #tpu.memory_space<hbm>> -> memref<128x128xf32, #tpu.memory_space<hbm>>
      %dma_wait3A_31 = arith.constant 0 : i32
      %dma_wait3A_32 = arith.constant 0 : i32
      %dma_wait3A_33 = tpu.memref_slice %arg8[%dma_wait3A_31, %dma_wait3A_32] : memref<136x128xf32, #tpu.memory_space<vmem>> -> memref<128x128xf32, #tpu.memory_space<vmem>>
      tpu.wait_dma2 semaphore(%run_scoped3A : memref<!tpu.dma_semaphore, #tpu.memory_space<semaphore_mem>>) src(%dma_wait3A_33 : memref<128x128xf32, #tpu.memory_space<vmem>>) dst(%dma_wait3A_30 : memref<128x128xf32, #tpu.memory_space<hbm>>)
      tpu.yield
    }) : () -> ()
    return
  }
}

#map = affine_map<(d0, d1) -> (0, 0, 0)>
#map1 = affine_map<(d0, d1) -> (0)>
module attributes {stable_mosaic.version = 14 : i64} {
  func.func @k(%arg0: i32, %arg1: i32, %arg2: memref<32x80x128xi32, #tpu.memory_space<hbm>>, %arg3: memref<32x80x128xi32, #tpu.memory_space<hbm>>, %arg4: memref<128xf32, #tpu.memory_space<hbm>>, %arg5: memref<640xf32, #tpu.memory_space<hbm>>, %arg6: memref<2x2x10240xf32, #tpu.memory_space<hbm>>, %arg7: memref<10240xf32, #tpu.memory_space<vmem_shared>>, %arg8: memref<10240xf32, #tpu.memory_space<vmem_shared>>, %arg9: memref<128xf32, #tpu.memory_space<vmem>>, %arg10: memref<80x128xi32, #tpu.memory_space<vmem>>, %arg11: memref<80x128xi32, #tpu.memory_space<vmem>>) attributes {dimension_semantics = [#tpu.dimension_semantics<core_parallel>, #tpu.dimension_semantics<subcore_parallel>], iteration_bounds = array<i64: 2, 16>, scalar_prefetch = 0 : i64, scratch_operands = 5 : i64, tpu.core_type = #tpu.core_type<sc_vector_subcore>, window_params = [{transform_indices = #map}, {transform_indices = #map}, {transform_indices = #map1}, {transform_indices = #map1}, {transform_indices = #map}]} {
    %mul3A = arith.constant 2 : i32
    %mul3A_0 = arith.muli %arg1, %mul3A : i32
    %add3A = arith.addi %mul3A_0, %arg0 : i32
    %mul3A_1 = arith.constant 640 : i32
    %mul3A_2 = arith.muli %arg1, %mul3A_1 : i32
    "tpu.region"() ({
      %run_scoped3A_10 = tpu.sem_alloc : memref<!tpu.dma_semaphore, #tpu.memory_space<semaphore_mem>>
      %dma_start3A = tpu.memref_slice %arg7[%mul3A_2] : memref<10240xf32, #tpu.memory_space<vmem_shared>> -> memref<640xf32, #tpu.memory_space<vmem_shared>>
      tpu.enqueue_dma source(%arg5 : memref<640xf32, #tpu.memory_space<hbm>>) target(%dma_start3A : memref<640xf32, #tpu.memory_space<vmem_shared>>) target_semaphore(%run_scoped3A_10 : memref<!tpu.dma_semaphore, #tpu.memory_space<semaphore_mem>>)
      %dma_wait3A = tpu.memref_slice %arg7[%mul3A_2] : memref<10240xf32, #tpu.memory_space<vmem_shared>> -> memref<640xf32, #tpu.memory_space<vmem_shared>>
      tpu.wait_dma2 semaphore(%run_scoped3A_10 : memref<!tpu.dma_semaphore, #tpu.memory_space<semaphore_mem>>) src(%arg5 : memref<640xf32, #tpu.memory_space<hbm>>) dst(%dma_wait3A : memref<640xf32, #tpu.memory_space<vmem_shared>>)
      tpu.yield
    }) : () -> ()
    "tpu.region"() ({
      %run_scoped3A_10 = tpu.sem_alloc : memref<!tpu.dma_semaphore, #tpu.memory_space<semaphore_mem>>
      %dma_start3A = tpu.memref_slice %arg8[%mul3A_2] : memref<10240xf32, #tpu.memory_space<vmem_shared>> -> memref<640xf32, #tpu.memory_space<vmem_shared>>
      tpu.enqueue_dma source(%arg5 : memref<640xf32, #tpu.memory_space<hbm>>) target(%dma_start3A : memref<640xf32, #tpu.memory_space<vmem_shared>>) target_semaphore(%run_scoped3A_10 : memref<!tpu.dma_semaphore, #tpu.memory_space<semaphore_mem>>)
      %dma_wait3A = tpu.memref_slice %arg8[%mul3A_2] : memref<10240xf32, #tpu.memory_space<vmem_shared>> -> memref<640xf32, #tpu.memory_space<vmem_shared>>
      tpu.wait_dma2 semaphore(%run_scoped3A_10 : memref<!tpu.dma_semaphore, #tpu.memory_space<semaphore_mem>>) src(%arg5 : memref<640xf32, #tpu.memory_space<hbm>>) dst(%dma_wait3A : memref<640xf32, #tpu.memory_space<vmem_shared>>)
      tpu.yield
    }) : () -> ()
    "tpu.region"() ({
      %run_scoped3A_10 = tpu.sem_alloc : memref<!tpu.dma_semaphore, #tpu.memory_space<semaphore_mem>>
      tpu.enqueue_dma source(%arg4 : memref<128xf32, #tpu.memory_space<hbm>>) target(%arg9 : memref<128xf32, #tpu.memory_space<vmem>>) target_semaphore(%run_scoped3A_10 : memref<!tpu.dma_semaphore, #tpu.memory_space<semaphore_mem>>)
      tpu.wait_dma2 semaphore(%run_scoped3A_10 : memref<!tpu.dma_semaphore, #tpu.memory_space<semaphore_mem>>) src(%arg4 : memref<128xf32, #tpu.memory_space<hbm>>) dst(%arg9 : memref<128xf32, #tpu.memory_space<vmem>>)
      tpu.yield
    }) : () -> ()
    "tpu.region"() ({
      %run_scoped3A_10 = tpu.sem_alloc : memref<!tpu.dma_semaphore, #tpu.memory_space<semaphore_mem>>
      %dma_start3A = arith.constant 0 : i32
      %dma_start3A_11 = arith.constant 0 : i32
      %dma_start3A_12 = tpu.memref_slice %arg2[%add3A, %dma_start3A, %dma_start3A_11] : memref<32x80x128xi32, #tpu.memory_space<hbm>> -> memref<1x80x128xi32, #tpu.memory_space<hbm>>
      %dma_start3A_13 = tpu.memref_squeeze %dma_start3A_12 : memref<1x80x128xi32, #tpu.memory_space<hbm>> -> memref<80x128xi32, #tpu.memory_space<hbm>>
      %dma_start3A_14 = arith.constant 0 : i32
      %dma_start3A_15 = arith.constant 0 : i32
      %dma_start3A_16 = tpu.memref_slice %arg2[%add3A, %dma_start3A_14, %dma_start3A_15] : memref<32x80x128xi32, #tpu.memory_space<hbm>> -> memref<1x80x128xi32, #tpu.memory_space<hbm>>
      %dma_start3A_17 = tpu.memref_squeeze %dma_start3A_16 : memref<1x80x128xi32, #tpu.memory_space<hbm>> -> memref<80x128xi32, #tpu.memory_space<hbm>>
      tpu.enqueue_dma source(%dma_start3A_17 : memref<80x128xi32, #tpu.memory_space<hbm>>) target(%arg10 : memref<80x128xi32, #tpu.memory_space<vmem>>) target_semaphore(%run_scoped3A_10 : memref<!tpu.dma_semaphore, #tpu.memory_space<semaphore_mem>>)
      %dma_wait3A = arith.constant 0 : i32
      %dma_wait3A_18 = arith.constant 0 : i32
      %dma_wait3A_19 = tpu.memref_slice %arg2[%add3A, %dma_wait3A, %dma_wait3A_18] : memref<32x80x128xi32, #tpu.memory_space<hbm>> -> memref<1x80x128xi32, #tpu.memory_space<hbm>>
      %dma_wait3A_20 = tpu.memref_squeeze %dma_wait3A_19 : memref<1x80x128xi32, #tpu.memory_space<hbm>> -> memref<80x128xi32, #tpu.memory_space<hbm>>
      %dma_wait3A_21 = arith.constant 0 : i32
      %dma_wait3A_22 = arith.constant 0 : i32
      %dma_wait3A_23 = tpu.memref_slice %arg2[%add3A, %dma_wait3A_21, %dma_wait3A_22] : memref<32x80x128xi32, #tpu.memory_space<hbm>> -> memref<1x80x128xi32, #tpu.memory_space<hbm>>
      %dma_wait3A_24 = tpu.memref_squeeze %dma_wait3A_23 : memref<1x80x128xi32, #tpu.memory_space<hbm>> -> memref<80x128xi32, #tpu.memory_space<hbm>>
      tpu.wait_dma2 semaphore(%run_scoped3A_10 : memref<!tpu.dma_semaphore, #tpu.memory_space<semaphore_mem>>) src(%dma_wait3A_24 : memref<80x128xi32, #tpu.memory_space<hbm>>) dst(%arg10 : memref<80x128xi32, #tpu.memory_space<vmem>>)
      tpu.yield
    }) : () -> ()
    "tpu.region"() ({
      %run_scoped3A_10 = tpu.sem_alloc : memref<!tpu.dma_semaphore, #tpu.memory_space<semaphore_mem>>
      %dma_start3A = arith.constant 0 : i32
      %dma_start3A_11 = arith.constant 0 : i32
      %dma_start3A_12 = tpu.memref_slice %arg3[%add3A, %dma_start3A, %dma_start3A_11] : memref<32x80x128xi32, #tpu.memory_space<hbm>> -> memref<1x80x128xi32, #tpu.memory_space<hbm>>
      %dma_start3A_13 = tpu.memref_squeeze %dma_start3A_12 : memref<1x80x128xi32, #tpu.memory_space<hbm>> -> memref<80x128xi32, #tpu.memory_space<hbm>>
      %dma_start3A_14 = arith.constant 0 : i32
      %dma_start3A_15 = arith.constant 0 : i32
      %dma_start3A_16 = tpu.memref_slice %arg3[%add3A, %dma_start3A_14, %dma_start3A_15] : memref<32x80x128xi32, #tpu.memory_space<hbm>> -> memref<1x80x128xi32, #tpu.memory_space<hbm>>
      %dma_start3A_17 = tpu.memref_squeeze %dma_start3A_16 : memref<1x80x128xi32, #tpu.memory_space<hbm>> -> memref<80x128xi32, #tpu.memory_space<hbm>>
      tpu.enqueue_dma source(%dma_start3A_17 : memref<80x128xi32, #tpu.memory_space<hbm>>) target(%arg11 : memref<80x128xi32, #tpu.memory_space<vmem>>) target_semaphore(%run_scoped3A_10 : memref<!tpu.dma_semaphore, #tpu.memory_space<semaphore_mem>>)
      %dma_wait3A = arith.constant 0 : i32
      %dma_wait3A_18 = arith.constant 0 : i32
      %dma_wait3A_19 = tpu.memref_slice %arg3[%add3A, %dma_wait3A, %dma_wait3A_18] : memref<32x80x128xi32, #tpu.memory_space<hbm>> -> memref<1x80x128xi32, #tpu.memory_space<hbm>>
      %dma_wait3A_20 = tpu.memref_squeeze %dma_wait3A_19 : memref<1x80x128xi32, #tpu.memory_space<hbm>> -> memref<80x128xi32, #tpu.memory_space<hbm>>
      %dma_wait3A_21 = arith.constant 0 : i32
      %dma_wait3A_22 = arith.constant 0 : i32
      %dma_wait3A_23 = tpu.memref_slice %arg3[%add3A, %dma_wait3A_21, %dma_wait3A_22] : memref<32x80x128xi32, #tpu.memory_space<hbm>> -> memref<1x80x128xi32, #tpu.memory_space<hbm>>
      %dma_wait3A_24 = tpu.memref_squeeze %dma_wait3A_23 : memref<1x80x128xi32, #tpu.memory_space<hbm>> -> memref<80x128xi32, #tpu.memory_space<hbm>>
      tpu.wait_dma2 semaphore(%run_scoped3A_10 : memref<!tpu.dma_semaphore, #tpu.memory_space<semaphore_mem>>) src(%dma_wait3A_24 : memref<80x128xi32, #tpu.memory_space<hbm>>) dst(%arg11 : memref<80x128xi32, #tpu.memory_space<vmem>>)
      tpu.yield
    }) : () -> ()
    %barrier3A = arith.constant 0 : index
    tpu.barrier barrier_id(%barrier3A)
    %scan3A = arith.constant 0 : i32
    %scan3A_3 = arith.constant 0 : i32
    %scan3A_4 = arith.constant 80 : i32
    %scan3A_5 = arith.addi %scan3A_3, %scan3A_4 : i32
    %scan3A_6 = arith.constant 1 : i32
    scf.for %scan3A_10 = %scan3A_3 to %scan3A_5 step %scan3A_6  : i32 {
      "tpu.region"() ({
        %run_scoped3A_11 = tpu.sem_alloc : memref<!tpu.dma_semaphore, #tpu.memory_space<semaphore_mem>>
        %dma_start3A = arith.constant 0 : i32
        %dma_start3A_12 = tpu.memref_slice %arg10[%scan3A_10, %dma_start3A] : memref<80x128xi32, #tpu.memory_space<vmem>> -> memref<1x128xi32, #tpu.memory_space<vmem>>
        %dma_start3A_13 = tpu.memref_squeeze %dma_start3A_12 : memref<1x128xi32, #tpu.memory_space<vmem>> -> memref<128xi32, #tpu.memory_space<vmem>>
        %dma_start3A_14 = arith.constant 0 : i32
        %dma_start3A_15 = tpu.memref_slice %arg7[%dma_start3A_14] : memref<10240xf32, #tpu.memory_space<vmem_shared>> -> memref<10240xf32, #tpu.memory_space<vmem_shared>>
        tpu.enqueue_indirect_dma source(%arg9 : memref<128xf32, #tpu.memory_space<vmem>>) target(%dma_start3A_15 : memref<10240xf32, #tpu.memory_space<vmem_shared>>) offsets(%dma_start3A_13 : memref<128xi32, #tpu.memory_space<vmem>>) semaphore(%run_scoped3A_11 : memref<!tpu.dma_semaphore, #tpu.memory_space<semaphore_mem>>) {add = true}
        %dma_wait3A = arith.constant 0 : i32
        %dma_wait3A_16 = tpu.memref_slice %arg10[%scan3A_10, %dma_wait3A] : memref<80x128xi32, #tpu.memory_space<vmem>> -> memref<1x128xi32, #tpu.memory_space<vmem>>
        %dma_wait3A_17 = tpu.memref_squeeze %dma_wait3A_16 : memref<1x128xi32, #tpu.memory_space<vmem>> -> memref<128xi32, #tpu.memory_space<vmem>>
        %dma_wait3A_18 = arith.constant 0 : i32
        %dma_wait3A_19 = tpu.memref_slice %arg7[%dma_wait3A_18] : memref<10240xf32, #tpu.memory_space<vmem_shared>> -> memref<10240xf32, #tpu.memory_space<vmem_shared>>
        tpu.wait_indirect_dma semaphore(%run_scoped3A_11 : memref<!tpu.dma_semaphore, #tpu.memory_space<semaphore_mem>>) src(%arg9 : memref<128xf32, #tpu.memory_space<vmem>>) dst(%dma_wait3A_19 : memref<10240xf32, #tpu.memory_space<vmem_shared>>)
        tpu.yield
      }) : () -> ()
      "tpu.region"() ({
        %run_scoped3A_11 = tpu.sem_alloc : memref<!tpu.dma_semaphore, #tpu.memory_space<semaphore_mem>>
        %dma_start3A = arith.constant 0 : i32
        %dma_start3A_12 = tpu.memref_slice %arg11[%scan3A_10, %dma_start3A] : memref<80x128xi32, #tpu.memory_space<vmem>> -> memref<1x128xi32, #tpu.memory_space<vmem>>
        %dma_start3A_13 = tpu.memref_squeeze %dma_start3A_12 : memref<1x128xi32, #tpu.memory_space<vmem>> -> memref<128xi32, #tpu.memory_space<vmem>>
        %dma_start3A_14 = arith.constant 0 : i32
        %dma_start3A_15 = tpu.memref_slice %arg8[%dma_start3A_14] : memref<10240xf32, #tpu.memory_space<vmem_shared>> -> memref<10240xf32, #tpu.memory_space<vmem_shared>>
        tpu.enqueue_indirect_dma source(%arg9 : memref<128xf32, #tpu.memory_space<vmem>>) target(%dma_start3A_15 : memref<10240xf32, #tpu.memory_space<vmem_shared>>) offsets(%dma_start3A_13 : memref<128xi32, #tpu.memory_space<vmem>>) semaphore(%run_scoped3A_11 : memref<!tpu.dma_semaphore, #tpu.memory_space<semaphore_mem>>) {add = true}
        %dma_wait3A = arith.constant 0 : i32
        %dma_wait3A_16 = tpu.memref_slice %arg11[%scan3A_10, %dma_wait3A] : memref<80x128xi32, #tpu.memory_space<vmem>> -> memref<1x128xi32, #tpu.memory_space<vmem>>
        %dma_wait3A_17 = tpu.memref_squeeze %dma_wait3A_16 : memref<1x128xi32, #tpu.memory_space<vmem>> -> memref<128xi32, #tpu.memory_space<vmem>>
        %dma_wait3A_18 = arith.constant 0 : i32
        %dma_wait3A_19 = tpu.memref_slice %arg8[%dma_wait3A_18] : memref<10240xf32, #tpu.memory_space<vmem_shared>> -> memref<10240xf32, #tpu.memory_space<vmem_shared>>
        tpu.wait_indirect_dma semaphore(%run_scoped3A_11 : memref<!tpu.dma_semaphore, #tpu.memory_space<semaphore_mem>>) src(%arg9 : memref<128xf32, #tpu.memory_space<vmem>>) dst(%dma_wait3A_19 : memref<10240xf32, #tpu.memory_space<vmem_shared>>)
        tpu.yield
      }) : () -> ()
    }
    %scan3A_7 = arith.constant 80 : i32
    %barrier3A_8 = arith.constant 0 : index
    tpu.barrier barrier_id(%barrier3A_8)
    %run_scoped3A = arith.constant 0 : i32
    "tpu.region"() ({
      %run_scoped3A_10 = tpu.sem_alloc : memref<!tpu.dma_semaphore, #tpu.memory_space<semaphore_mem>>
      %dma_start3A = tpu.memref_slice %arg6[%run_scoped3A, %arg0, %mul3A_2] : memref<2x2x10240xf32, #tpu.memory_space<hbm>> -> memref<1x1x640xf32, #tpu.memory_space<hbm>>
      %dma_start3A_11 = tpu.memref_squeeze %dma_start3A : memref<1x1x640xf32, #tpu.memory_space<hbm>> -> memref<640xf32, #tpu.memory_space<hbm>>
      %dma_start3A_12 = tpu.memref_slice %arg7[%mul3A_2] : memref<10240xf32, #tpu.memory_space<vmem_shared>> -> memref<640xf32, #tpu.memory_space<vmem_shared>>
      tpu.enqueue_dma source(%dma_start3A_12 : memref<640xf32, #tpu.memory_space<vmem_shared>>) target(%dma_start3A_11 : memref<640xf32, #tpu.memory_space<hbm>>) target_semaphore(%run_scoped3A_10 : memref<!tpu.dma_semaphore, #tpu.memory_space<semaphore_mem>>)
      %dma_wait3A = tpu.memref_slice %arg6[%run_scoped3A, %arg0, %mul3A_2] : memref<2x2x10240xf32, #tpu.memory_space<hbm>> -> memref<1x1x640xf32, #tpu.memory_space<hbm>>
      %dma_wait3A_13 = tpu.memref_squeeze %dma_wait3A : memref<1x1x640xf32, #tpu.memory_space<hbm>> -> memref<640xf32, #tpu.memory_space<hbm>>
      %dma_wait3A_14 = tpu.memref_slice %arg7[%mul3A_2] : memref<10240xf32, #tpu.memory_space<vmem_shared>> -> memref<640xf32, #tpu.memory_space<vmem_shared>>
      tpu.wait_dma2 semaphore(%run_scoped3A_10 : memref<!tpu.dma_semaphore, #tpu.memory_space<semaphore_mem>>) src(%dma_wait3A_14 : memref<640xf32, #tpu.memory_space<vmem_shared>>) dst(%dma_wait3A_13 : memref<640xf32, #tpu.memory_space<hbm>>)
      tpu.yield
    }) : () -> ()
    %run_scoped3A_9 = arith.constant 1 : i32
    "tpu.region"() ({
      %run_scoped3A_10 = tpu.sem_alloc : memref<!tpu.dma_semaphore, #tpu.memory_space<semaphore_mem>>
      %dma_start3A = tpu.memref_slice %arg6[%run_scoped3A_9, %arg0, %mul3A_2] : memref<2x2x10240xf32, #tpu.memory_space<hbm>> -> memref<1x1x640xf32, #tpu.memory_space<hbm>>
      %dma_start3A_11 = tpu.memref_squeeze %dma_start3A : memref<1x1x640xf32, #tpu.memory_space<hbm>> -> memref<640xf32, #tpu.memory_space<hbm>>
      %dma_start3A_12 = tpu.memref_slice %arg8[%mul3A_2] : memref<10240xf32, #tpu.memory_space<vmem_shared>> -> memref<640xf32, #tpu.memory_space<vmem_shared>>
      tpu.enqueue_dma source(%dma_start3A_12 : memref<640xf32, #tpu.memory_space<vmem_shared>>) target(%dma_start3A_11 : memref<640xf32, #tpu.memory_space<hbm>>) target_semaphore(%run_scoped3A_10 : memref<!tpu.dma_semaphore, #tpu.memory_space<semaphore_mem>>)
      %dma_wait3A = tpu.memref_slice %arg6[%run_scoped3A_9, %arg0, %mul3A_2] : memref<2x2x10240xf32, #tpu.memory_space<hbm>> -> memref<1x1x640xf32, #tpu.memory_space<hbm>>
      %dma_wait3A_13 = tpu.memref_squeeze %dma_wait3A : memref<1x1x640xf32, #tpu.memory_space<hbm>> -> memref<640xf32, #tpu.memory_space<hbm>>
      %dma_wait3A_14 = tpu.memref_slice %arg8[%mul3A_2] : memref<10240xf32, #tpu.memory_space<vmem_shared>> -> memref<640xf32, #tpu.memory_space<vmem_shared>>
      tpu.wait_dma2 semaphore(%run_scoped3A_10 : memref<!tpu.dma_semaphore, #tpu.memory_space<semaphore_mem>>) src(%dma_wait3A_14 : memref<640xf32, #tpu.memory_space<vmem_shared>>) dst(%dma_wait3A_13 : memref<640xf32, #tpu.memory_space<hbm>>)
      tpu.yield
    }) : () -> ()
    return
  }
}

#map = affine_map<(d0, d1) -> (0, 0)>
#map1 = affine_map<(d0, d1) -> (0, 0, 0)>
module attributes {stable_mosaic.version = 14 : i64} {
  func.func @k(%arg0: i32, %arg1: i32, %arg2: memref<10240x128xf32, #tpu.memory_space<hbm>>, %arg3: memref<32x160x64xi32, #tpu.memory_space<hbm>>, %arg4: memref<32x160x64xi32, #tpu.memory_space<hbm>>, %arg5: memref<640x128xf32, #tpu.memory_space<hbm>>, %arg6: memref<2x10240x128xf32, #tpu.memory_space<hbm>>, %arg7: memref<10240x128xf32, #tpu.memory_space<vmem_shared>>, %arg8: memref<40x64xi32, #tpu.memory_space<vmem>>, %arg9: memref<40x64xi32, #tpu.memory_space<vmem>>, %arg10: memref<64x128xf32, #tpu.memory_space<vmem>>, %arg11: memref<64x128xf32, #tpu.memory_space<vmem>>, %arg12: memref<64x128xf32, #tpu.memory_space<vmem>>, %arg13: memref<64x128xf32, #tpu.memory_space<vmem>>, %arg14: memref<!tpu.dma_semaphore, #tpu.memory_space<semaphore_mem>>, %arg15: memref<!tpu.dma_semaphore, #tpu.memory_space<semaphore_mem>>, %arg16: memref<!tpu.dma_semaphore, #tpu.memory_space<semaphore_mem>>, %arg17: memref<!tpu.dma_semaphore, #tpu.memory_space<semaphore_mem>>, %arg18: memref<!tpu.dma_semaphore, #tpu.memory_space<semaphore_mem>>, %arg19: memref<!tpu.dma_semaphore, #tpu.memory_space<semaphore_mem>>, %arg20: memref<!tpu.dma_semaphore, #tpu.memory_space<semaphore_mem>>, %arg21: memref<!tpu.dma_semaphore, #tpu.memory_space<semaphore_mem>>) attributes {dimension_semantics = [#tpu.dimension_semantics<core_parallel>, #tpu.dimension_semantics<subcore_parallel>], iteration_bounds = array<i64: 2, 16>, scalar_prefetch = 0 : i64, scratch_operands = 15 : i64, tpu.core_type = #tpu.core_type<sc_vector_subcore>, window_params = [{transform_indices = #map}, {transform_indices = #map1}, {transform_indices = #map1}, {transform_indices = #map}, {transform_indices = #map1}]} {
    %mul3A = arith.constant 2 : i32
    %mul3A_0 = arith.muli %arg1, %mul3A : i32
    %add3A = arith.addi %mul3A_0, %arg0 : i32
    %mul3A_1 = arith.constant 640 : i32
    %mul3A_2 = arith.muli %arg1, %mul3A_1 : i32
    "tpu.region"() ({
      %run_scoped3A = tpu.sem_alloc : memref<!tpu.dma_semaphore, #tpu.memory_space<semaphore_mem>>
      %dma_start3A = arith.constant 0 : i32
      %dma_start3A_9 = tpu.memref_slice %arg7[%mul3A_2, %dma_start3A] : memref<10240x128xf32, #tpu.memory_space<vmem_shared>> -> memref<640x128xf32, #tpu.memory_space<vmem_shared>>
      tpu.enqueue_dma source(%arg5 : memref<640x128xf32, #tpu.memory_space<hbm>>) target(%dma_start3A_9 : memref<640x128xf32, #tpu.memory_space<vmem_shared>>) target_semaphore(%run_scoped3A : memref<!tpu.dma_semaphore, #tpu.memory_space<semaphore_mem>>)
      %dma_wait3A = arith.constant 0 : i32
      %dma_wait3A_10 = tpu.memref_slice %arg7[%mul3A_2, %dma_wait3A] : memref<10240x128xf32, #tpu.memory_space<vmem_shared>> -> memref<640x128xf32, #tpu.memory_space<vmem_shared>>
      tpu.wait_dma2 semaphore(%run_scoped3A : memref<!tpu.dma_semaphore, #tpu.memory_space<semaphore_mem>>) src(%arg5 : memref<640x128xf32, #tpu.memory_space<hbm>>) dst(%dma_wait3A_10 : memref<640x128xf32, #tpu.memory_space<vmem_shared>>)
      tpu.yield
    }) : () -> ()
    %barrier3A = arith.constant 0 : index
    tpu.barrier barrier_id(%barrier3A)
    %scan3A = arith.constant 0 : i32
    %scan3A_3 = arith.constant 0 : i32
    %scan3A_4 = arith.constant 4 : i32
    %scan3A_5 = arith.addi %scan3A_3, %scan3A_4 : i32
    %scan3A_6 = arith.constant 1 : i32
    scf.for %scan3A_9 = %scan3A_3 to %scan3A_5 step %scan3A_6  : i32 {
      %mul3A_10 = arith.constant 40 : i32
      %mul3A_11 = arith.muli %scan3A_9, %mul3A_10 : i32
      "tpu.region"() ({
        %run_scoped3A = tpu.sem_alloc : memref<!tpu.dma_semaphore, #tpu.memory_space<semaphore_mem>>
        %dma_start3A_74 = arith.constant 0 : i32
        %dma_start3A_75 = tpu.memref_slice %arg3[%add3A, %mul3A_11, %dma_start3A_74] : memref<32x160x64xi32, #tpu.memory_space<hbm>> -> memref<1x40x64xi32, #tpu.memory_space<hbm>>
        %dma_start3A_76 = tpu.memref_squeeze %dma_start3A_75 : memref<1x40x64xi32, #tpu.memory_space<hbm>> -> memref<40x64xi32, #tpu.memory_space<hbm>>
        %dma_start3A_77 = arith.constant 0 : i32
        %dma_start3A_78 = tpu.memref_slice %arg3[%add3A, %mul3A_11, %dma_start3A_77] : memref<32x160x64xi32, #tpu.memory_space<hbm>> -> memref<1x40x64xi32, #tpu.memory_space<hbm>>
        %dma_start3A_79 = tpu.memref_squeeze %dma_start3A_78 : memref<1x40x64xi32, #tpu.memory_space<hbm>> -> memref<40x64xi32, #tpu.memory_space<hbm>>
        tpu.enqueue_dma source(%dma_start3A_79 : memref<40x64xi32, #tpu.memory_space<hbm>>) target(%arg8 : memref<40x64xi32, #tpu.memory_space<vmem>>) target_semaphore(%run_scoped3A : memref<!tpu.dma_semaphore, #tpu.memory_space<semaphore_mem>>)
        %dma_wait3A_80 = arith.constant 0 : i32
        %dma_wait3A_81 = tpu.memref_slice %arg3[%add3A, %mul3A_11, %dma_wait3A_80] : memref<32x160x64xi32, #tpu.memory_space<hbm>> -> memref<1x40x64xi32, #tpu.memory_space<hbm>>
        %dma_wait3A_82 = tpu.memref_squeeze %dma_wait3A_81 : memref<1x40x64xi32, #tpu.memory_space<hbm>> -> memref<40x64xi32, #tpu.memory_space<hbm>>
        %dma_wait3A_83 = arith.constant 0 : i32
        %dma_wait3A_84 = tpu.memref_slice %arg3[%add3A, %mul3A_11, %dma_wait3A_83] : memref<32x160x64xi32, #tpu.memory_space<hbm>> -> memref<1x40x64xi32, #tpu.memory_space<hbm>>
        %dma_wait3A_85 = tpu.memref_squeeze %dma_wait3A_84 : memref<1x40x64xi32, #tpu.memory_space<hbm>> -> memref<40x64xi32, #tpu.memory_space<hbm>>
        tpu.wait_dma2 semaphore(%run_scoped3A : memref<!tpu.dma_semaphore, #tpu.memory_space<semaphore_mem>>) src(%dma_wait3A_85 : memref<40x64xi32, #tpu.memory_space<hbm>>) dst(%arg8 : memref<40x64xi32, #tpu.memory_space<vmem>>)
        tpu.yield
      }) : () -> ()
      %mul3A_12 = arith.constant 40 : i32
      %mul3A_13 = arith.muli %scan3A_9, %mul3A_12 : i32
      "tpu.region"() ({
        %run_scoped3A = tpu.sem_alloc : memref<!tpu.dma_semaphore, #tpu.memory_space<semaphore_mem>>
        %dma_start3A_74 = arith.constant 0 : i32
        %dma_start3A_75 = tpu.memref_slice %arg4[%add3A, %mul3A_13, %dma_start3A_74] : memref<32x160x64xi32, #tpu.memory_space<hbm>> -> memref<1x40x64xi32, #tpu.memory_space<hbm>>
        %dma_start3A_76 = tpu.memref_squeeze %dma_start3A_75 : memref<1x40x64xi32, #tpu.memory_space<hbm>> -> memref<40x64xi32, #tpu.memory_space<hbm>>
        %dma_start3A_77 = arith.constant 0 : i32
        %dma_start3A_78 = tpu.memref_slice %arg4[%add3A, %mul3A_13, %dma_start3A_77] : memref<32x160x64xi32, #tpu.memory_space<hbm>> -> memref<1x40x64xi32, #tpu.memory_space<hbm>>
        %dma_start3A_79 = tpu.memref_squeeze %dma_start3A_78 : memref<1x40x64xi32, #tpu.memory_space<hbm>> -> memref<40x64xi32, #tpu.memory_space<hbm>>
        tpu.enqueue_dma source(%dma_start3A_79 : memref<40x64xi32, #tpu.memory_space<hbm>>) target(%arg9 : memref<40x64xi32, #tpu.memory_space<vmem>>) target_semaphore(%run_scoped3A : memref<!tpu.dma_semaphore, #tpu.memory_space<semaphore_mem>>)
        %dma_wait3A_80 = arith.constant 0 : i32
        %dma_wait3A_81 = tpu.memref_slice %arg4[%add3A, %mul3A_13, %dma_wait3A_80] : memref<32x160x64xi32, #tpu.memory_space<hbm>> -> memref<1x40x64xi32, #tpu.memory_space<hbm>>
        %dma_wait3A_82 = tpu.memref_squeeze %dma_wait3A_81 : memref<1x40x64xi32, #tpu.memory_space<hbm>> -> memref<40x64xi32, #tpu.memory_space<hbm>>
        %dma_wait3A_83 = arith.constant 0 : i32
        %dma_wait3A_84 = tpu.memref_slice %arg4[%add3A, %mul3A_13, %dma_wait3A_83] : memref<32x160x64xi32, #tpu.memory_space<hbm>> -> memref<1x40x64xi32, #tpu.memory_space<hbm>>
        %dma_wait3A_85 = tpu.memref_squeeze %dma_wait3A_84 : memref<1x40x64xi32, #tpu.memory_space<hbm>> -> memref<40x64xi32, #tpu.memory_space<hbm>>
        tpu.wait_dma2 semaphore(%run_scoped3A : memref<!tpu.dma_semaphore, #tpu.memory_space<semaphore_mem>>) src(%dma_wait3A_85 : memref<40x64xi32, #tpu.memory_space<hbm>>) dst(%arg9 : memref<40x64xi32, #tpu.memory_space<vmem>>)
        tpu.yield
      }) : () -> ()
      %dma_start3A = arith.constant 0 : i32
      %dma_start3A_14 = arith.constant 0 : i32
      %dma_start3A_15 = tpu.memref_slice %arg8[%dma_start3A, %dma_start3A_14] : memref<40x64xi32, #tpu.memory_space<vmem>> -> memref<1x64xi32, #tpu.memory_space<vmem>>
      %dma_start3A_16 = tpu.memref_squeeze %dma_start3A_15 : memref<1x64xi32, #tpu.memory_space<vmem>> -> memref<64xi32, #tpu.memory_space<vmem>>
      %dma_start3A_17 = arith.constant 0 : i32
      %dma_start3A_18 = arith.constant 0 : i32
      %dma_start3A_19 = tpu.memref_slice %arg2[%dma_start3A_17, %dma_start3A_18] : memref<10240x128xf32, #tpu.memory_space<hbm>> -> memref<10240x128xf32, #tpu.memory_space<hbm>>
      tpu.enqueue_indirect_dma source(%dma_start3A_19 : memref<10240x128xf32, #tpu.memory_space<hbm>>) target(%arg10 : memref<64x128xf32, #tpu.memory_space<vmem>>) offsets(%dma_start3A_16 : memref<64xi32, #tpu.memory_space<vmem>>) semaphore(%arg14 : memref<!tpu.dma_semaphore, #tpu.memory_space<semaphore_mem>>)
      %dma_start3A_20 = arith.constant 1 : i32
      %dma_start3A_21 = arith.constant 0 : i32
      %dma_start3A_22 = tpu.memref_slice %arg8[%dma_start3A_20, %dma_start3A_21] : memref<40x64xi32, #tpu.memory_space<vmem>> -> memref<1x64xi32, #tpu.memory_space<vmem>>
      %dma_start3A_23 = tpu.memref_squeeze %dma_start3A_22 : memref<1x64xi32, #tpu.memory_space<vmem>> -> memref<64xi32, #tpu.memory_space<vmem>>
      %dma_start3A_24 = arith.constant 0 : i32
      %dma_start3A_25 = arith.constant 0 : i32
      %dma_start3A_26 = tpu.memref_slice %arg2[%dma_start3A_24, %dma_start3A_25] : memref<10240x128xf32, #tpu.memory_space<hbm>> -> memref<10240x128xf32, #tpu.memory_space<hbm>>
      tpu.enqueue_indirect_dma source(%dma_start3A_26 : memref<10240x128xf32, #tpu.memory_space<hbm>>) target(%arg11 : memref<64x128xf32, #tpu.memory_space<vmem>>) offsets(%dma_start3A_23 : memref<64xi32, #tpu.memory_space<vmem>>) semaphore(%arg15 : memref<!tpu.dma_semaphore, #tpu.memory_space<semaphore_mem>>)
      %dma_start3A_27 = arith.constant 2 : i32
      %dma_start3A_28 = arith.constant 0 : i32
      %dma_start3A_29 = tpu.memref_slice %arg8[%dma_start3A_27, %dma_start3A_28] : memref<40x64xi32, #tpu.memory_space<vmem>> -> memref<1x64xi32, #tpu.memory_space<vmem>>
      %dma_start3A_30 = tpu.memref_squeeze %dma_start3A_29 : memref<1x64xi32, #tpu.memory_space<vmem>> -> memref<64xi32, #tpu.memory_space<vmem>>
      %dma_start3A_31 = arith.constant 0 : i32
      %dma_start3A_32 = arith.constant 0 : i32
      %dma_start3A_33 = tpu.memref_slice %arg2[%dma_start3A_31, %dma_start3A_32] : memref<10240x128xf32, #tpu.memory_space<hbm>> -> memref<10240x128xf32, #tpu.memory_space<hbm>>
      tpu.enqueue_indirect_dma source(%dma_start3A_33 : memref<10240x128xf32, #tpu.memory_space<hbm>>) target(%arg12 : memref<64x128xf32, #tpu.memory_space<vmem>>) offsets(%dma_start3A_30 : memref<64xi32, #tpu.memory_space<vmem>>) semaphore(%arg16 : memref<!tpu.dma_semaphore, #tpu.memory_space<semaphore_mem>>)
      %dma_start3A_34 = arith.constant 3 : i32
      %dma_start3A_35 = arith.constant 0 : i32
      %dma_start3A_36 = tpu.memref_slice %arg8[%dma_start3A_34, %dma_start3A_35] : memref<40x64xi32, #tpu.memory_space<vmem>> -> memref<1x64xi32, #tpu.memory_space<vmem>>
      %dma_start3A_37 = tpu.memref_squeeze %dma_start3A_36 : memref<1x64xi32, #tpu.memory_space<vmem>> -> memref<64xi32, #tpu.memory_space<vmem>>
      %dma_start3A_38 = arith.constant 0 : i32
      %dma_start3A_39 = arith.constant 0 : i32
      %dma_start3A_40 = tpu.memref_slice %arg2[%dma_start3A_38, %dma_start3A_39] : memref<10240x128xf32, #tpu.memory_space<hbm>> -> memref<10240x128xf32, #tpu.memory_space<hbm>>
      tpu.enqueue_indirect_dma source(%dma_start3A_40 : memref<10240x128xf32, #tpu.memory_space<hbm>>) target(%arg13 : memref<64x128xf32, #tpu.memory_space<vmem>>) offsets(%dma_start3A_37 : memref<64xi32, #tpu.memory_space<vmem>>) semaphore(%arg17 : memref<!tpu.dma_semaphore, #tpu.memory_space<semaphore_mem>>)
      %scan3A_41 = arith.constant 0 : i32
      %scan3A_42 = arith.constant 0 : i32
      %scan3A_43 = arith.constant 10 : i32
      %scan3A_44 = arith.addi %scan3A_42, %scan3A_43 : i32
      %scan3A_45 = arith.constant 1 : i32
      scf.for %scan3A_74 = %scan3A_42 to %scan3A_44 step %scan3A_45  : i32 {
        %mul3A_75 = arith.constant 4 : i32
        %mul3A_76 = arith.muli %scan3A_74, %mul3A_75 : i32
        %dma_wait3A_77 = arith.constant 0 : i32
        %dma_wait3A_78 = arith.constant 0 : i32
        %dma_wait3A_79 = tpu.memref_slice %arg8[%dma_wait3A_77, %dma_wait3A_78] : memref<40x64xi32, #tpu.memory_space<vmem>> -> memref<1x64xi32, #tpu.memory_space<vmem>>
        %dma_wait3A_80 = tpu.memref_squeeze %dma_wait3A_79 : memref<1x64xi32, #tpu.memory_space<vmem>> -> memref<64xi32, #tpu.memory_space<vmem>>
        %dma_wait3A_81 = arith.constant 0 : i32
        %dma_wait3A_82 = arith.constant 0 : i32
        %dma_wait3A_83 = tpu.memref_slice %arg2[%dma_wait3A_81, %dma_wait3A_82] : memref<10240x128xf32, #tpu.memory_space<hbm>> -> memref<10240x128xf32, #tpu.memory_space<hbm>>
        tpu.wait_indirect_dma semaphore(%arg14 : memref<!tpu.dma_semaphore, #tpu.memory_space<semaphore_mem>>) src(%dma_wait3A_83 : memref<10240x128xf32, #tpu.memory_space<hbm>>) dst(%arg10 : memref<64x128xf32, #tpu.memory_space<vmem>>)
        %add3A_84 = arith.constant 0 : i32
        %add3A_85 = arith.addi %mul3A_76, %add3A_84 : i32
        %dma_start3A_86 = arith.constant 0 : i32
        %dma_start3A_87 = tpu.memref_slice %arg9[%add3A_85, %dma_start3A_86] : memref<40x64xi32, #tpu.memory_space<vmem>> -> memref<1x64xi32, #tpu.memory_space<vmem>>
        %dma_start3A_88 = tpu.memref_squeeze %dma_start3A_87 : memref<1x64xi32, #tpu.memory_space<vmem>> -> memref<64xi32, #tpu.memory_space<vmem>>
        %dma_start3A_89 = arith.constant 0 : i32
        %dma_start3A_90 = arith.constant 0 : i32
        %dma_start3A_91 = tpu.memref_slice %arg7[%dma_start3A_89, %dma_start3A_90] : memref<10240x128xf32, #tpu.memory_space<vmem_shared>> -> memref<10240x128xf32, #tpu.memory_space<vmem_shared>>
        tpu.enqueue_indirect_dma source(%arg10 : memref<64x128xf32, #tpu.memory_space<vmem>>) target(%dma_start3A_91 : memref<10240x128xf32, #tpu.memory_space<vmem_shared>>) offsets(%dma_start3A_88 : memref<64xi32, #tpu.memory_space<vmem>>) semaphore(%arg18 : memref<!tpu.dma_semaphore, #tpu.memory_space<semaphore_mem>>) {add = true}
        %dma_wait3A_92 = arith.constant 0 : i32
        %dma_wait3A_93 = arith.constant 0 : i32
        %dma_wait3A_94 = tpu.memref_slice %arg8[%dma_wait3A_92, %dma_wait3A_93] : memref<40x64xi32, #tpu.memory_space<vmem>> -> memref<1x64xi32, #tpu.memory_space<vmem>>
        %dma_wait3A_95 = tpu.memref_squeeze %dma_wait3A_94 : memref<1x64xi32, #tpu.memory_space<vmem>> -> memref<64xi32, #tpu.memory_space<vmem>>
        %dma_wait3A_96 = arith.constant 0 : i32
        %dma_wait3A_97 = arith.constant 0 : i32
        %dma_wait3A_98 = tpu.memref_slice %arg2[%dma_wait3A_96, %dma_wait3A_97] : memref<10240x128xf32, #tpu.memory_space<hbm>> -> memref<10240x128xf32, #tpu.memory_space<hbm>>
        tpu.wait_indirect_dma semaphore(%arg15 : memref<!tpu.dma_semaphore, #tpu.memory_space<semaphore_mem>>) src(%dma_wait3A_98 : memref<10240x128xf32, #tpu.memory_space<hbm>>) dst(%arg11 : memref<64x128xf32, #tpu.memory_space<vmem>>)
        %add3A_99 = arith.constant 1 : i32
        %add3A_100 = arith.addi %mul3A_76, %add3A_99 : i32
        %dma_start3A_101 = arith.constant 0 : i32
        %dma_start3A_102 = tpu.memref_slice %arg9[%add3A_100, %dma_start3A_101] : memref<40x64xi32, #tpu.memory_space<vmem>> -> memref<1x64xi32, #tpu.memory_space<vmem>>
        %dma_start3A_103 = tpu.memref_squeeze %dma_start3A_102 : memref<1x64xi32, #tpu.memory_space<vmem>> -> memref<64xi32, #tpu.memory_space<vmem>>
        %dma_start3A_104 = arith.constant 0 : i32
        %dma_start3A_105 = arith.constant 0 : i32
        %dma_start3A_106 = tpu.memref_slice %arg7[%dma_start3A_104, %dma_start3A_105] : memref<10240x128xf32, #tpu.memory_space<vmem_shared>> -> memref<10240x128xf32, #tpu.memory_space<vmem_shared>>
        tpu.enqueue_indirect_dma source(%arg11 : memref<64x128xf32, #tpu.memory_space<vmem>>) target(%dma_start3A_106 : memref<10240x128xf32, #tpu.memory_space<vmem_shared>>) offsets(%dma_start3A_103 : memref<64xi32, #tpu.memory_space<vmem>>) semaphore(%arg19 : memref<!tpu.dma_semaphore, #tpu.memory_space<semaphore_mem>>) {add = true}
        %dma_wait3A_107 = arith.constant 0 : i32
        %dma_wait3A_108 = arith.constant 0 : i32
        %dma_wait3A_109 = tpu.memref_slice %arg8[%dma_wait3A_107, %dma_wait3A_108] : memref<40x64xi32, #tpu.memory_space<vmem>> -> memref<1x64xi32, #tpu.memory_space<vmem>>
        %dma_wait3A_110 = tpu.memref_squeeze %dma_wait3A_109 : memref<1x64xi32, #tpu.memory_space<vmem>> -> memref<64xi32, #tpu.memory_space<vmem>>
        %dma_wait3A_111 = arith.constant 0 : i32
        %dma_wait3A_112 = arith.constant 0 : i32
        %dma_wait3A_113 = tpu.memref_slice %arg2[%dma_wait3A_111, %dma_wait3A_112] : memref<10240x128xf32, #tpu.memory_space<hbm>> -> memref<10240x128xf32, #tpu.memory_space<hbm>>
        tpu.wait_indirect_dma semaphore(%arg16 : memref<!tpu.dma_semaphore, #tpu.memory_space<semaphore_mem>>) src(%dma_wait3A_113 : memref<10240x128xf32, #tpu.memory_space<hbm>>) dst(%arg12 : memref<64x128xf32, #tpu.memory_space<vmem>>)
        %add3A_114 = arith.constant 2 : i32
        %add3A_115 = arith.addi %mul3A_76, %add3A_114 : i32
        %dma_start3A_116 = arith.constant 0 : i32
        %dma_start3A_117 = tpu.memref_slice %arg9[%add3A_115, %dma_start3A_116] : memref<40x64xi32, #tpu.memory_space<vmem>> -> memref<1x64xi32, #tpu.memory_space<vmem>>
        %dma_start3A_118 = tpu.memref_squeeze %dma_start3A_117 : memref<1x64xi32, #tpu.memory_space<vmem>> -> memref<64xi32, #tpu.memory_space<vmem>>
        %dma_start3A_119 = arith.constant 0 : i32
        %dma_start3A_120 = arith.constant 0 : i32
        %dma_start3A_121 = tpu.memref_slice %arg7[%dma_start3A_119, %dma_start3A_120] : memref<10240x128xf32, #tpu.memory_space<vmem_shared>> -> memref<10240x128xf32, #tpu.memory_space<vmem_shared>>
        tpu.enqueue_indirect_dma source(%arg12 : memref<64x128xf32, #tpu.memory_space<vmem>>) target(%dma_start3A_121 : memref<10240x128xf32, #tpu.memory_space<vmem_shared>>) offsets(%dma_start3A_118 : memref<64xi32, #tpu.memory_space<vmem>>) semaphore(%arg20 : memref<!tpu.dma_semaphore, #tpu.memory_space<semaphore_mem>>) {add = true}
        %dma_wait3A_122 = arith.constant 0 : i32
        %dma_wait3A_123 = arith.constant 0 : i32
        %dma_wait3A_124 = tpu.memref_slice %arg8[%dma_wait3A_122, %dma_wait3A_123] : memref<40x64xi32, #tpu.memory_space<vmem>> -> memref<1x64xi32, #tpu.memory_space<vmem>>
        %dma_wait3A_125 = tpu.memref_squeeze %dma_wait3A_124 : memref<1x64xi32, #tpu.memory_space<vmem>> -> memref<64xi32, #tpu.memory_space<vmem>>
        %dma_wait3A_126 = arith.constant 0 : i32
        %dma_wait3A_127 = arith.constant 0 : i32
        %dma_wait3A_128 = tpu.memref_slice %arg2[%dma_wait3A_126, %dma_wait3A_127] : memref<10240x128xf32, #tpu.memory_space<hbm>> -> memref<10240x128xf32, #tpu.memory_space<hbm>>
        tpu.wait_indirect_dma semaphore(%arg17 : memref<!tpu.dma_semaphore, #tpu.memory_space<semaphore_mem>>) src(%dma_wait3A_128 : memref<10240x128xf32, #tpu.memory_space<hbm>>) dst(%arg13 : memref<64x128xf32, #tpu.memory_space<vmem>>)
        %add3A_129 = arith.constant 3 : i32
        %add3A_130 = arith.addi %mul3A_76, %add3A_129 : i32
        %dma_start3A_131 = arith.constant 0 : i32
        %dma_start3A_132 = tpu.memref_slice %arg9[%add3A_130, %dma_start3A_131] : memref<40x64xi32, #tpu.memory_space<vmem>> -> memref<1x64xi32, #tpu.memory_space<vmem>>
        %dma_start3A_133 = tpu.memref_squeeze %dma_start3A_132 : memref<1x64xi32, #tpu.memory_space<vmem>> -> memref<64xi32, #tpu.memory_space<vmem>>
        %dma_start3A_134 = arith.constant 0 : i32
        %dma_start3A_135 = arith.constant 0 : i32
        %dma_start3A_136 = tpu.memref_slice %arg7[%dma_start3A_134, %dma_start3A_135] : memref<10240x128xf32, #tpu.memory_space<vmem_shared>> -> memref<10240x128xf32, #tpu.memory_space<vmem_shared>>
        tpu.enqueue_indirect_dma source(%arg13 : memref<64x128xf32, #tpu.memory_space<vmem>>) target(%dma_start3A_136 : memref<10240x128xf32, #tpu.memory_space<vmem_shared>>) offsets(%dma_start3A_133 : memref<64xi32, #tpu.memory_space<vmem>>) semaphore(%arg21 : memref<!tpu.dma_semaphore, #tpu.memory_space<semaphore_mem>>) {add = true}
        %dma_wait3A_137 = arith.constant 0 : i32
        %dma_wait3A_138 = arith.constant 0 : i32
        %dma_wait3A_139 = tpu.memref_slice %arg9[%dma_wait3A_137, %dma_wait3A_138] : memref<40x64xi32, #tpu.memory_space<vmem>> -> memref<1x64xi32, #tpu.memory_space<vmem>>
        %dma_wait3A_140 = tpu.memref_squeeze %dma_wait3A_139 : memref<1x64xi32, #tpu.memory_space<vmem>> -> memref<64xi32, #tpu.memory_space<vmem>>
        %dma_wait3A_141 = arith.constant 0 : i32
        %dma_wait3A_142 = arith.constant 0 : i32
        %dma_wait3A_143 = tpu.memref_slice %arg7[%dma_wait3A_141, %dma_wait3A_142] : memref<10240x128xf32, #tpu.memory_space<vmem_shared>> -> memref<10240x128xf32, #tpu.memory_space<vmem_shared>>
        tpu.wait_indirect_dma semaphore(%arg18 : memref<!tpu.dma_semaphore, #tpu.memory_space<semaphore_mem>>) src(%arg10 : memref<64x128xf32, #tpu.memory_space<vmem>>) dst(%dma_wait3A_143 : memref<10240x128xf32, #tpu.memory_space<vmem_shared>>)
        %add3A_144 = arith.constant 4 : i32
        %add3A_145 = arith.addi %mul3A_76, %add3A_144 : i32
        %add3A_146 = arith.constant 0 : i32
        %add3A_147 = arith.addi %add3A_145, %add3A_146 : i32
        %min3A = arith.constant 39 : i32
        %min3A_148 = arith.minsi %add3A_147, %min3A : i32
        %dma_start3A_149 = arith.constant 0 : i32
        %dma_start3A_150 = tpu.memref_slice %arg8[%min3A_148, %dma_start3A_149] : memref<40x64xi32, #tpu.memory_space<vmem>> -> memref<1x64xi32, #tpu.memory_space<vmem>>
        %dma_start3A_151 = tpu.memref_squeeze %dma_start3A_150 : memref<1x64xi32, #tpu.memory_space<vmem>> -> memref<64xi32, #tpu.memory_space<vmem>>
        %dma_start3A_152 = arith.constant 0 : i32
        %dma_start3A_153 = arith.constant 0 : i32
        %dma_start3A_154 = tpu.memref_slice %arg2[%dma_start3A_152, %dma_start3A_153] : memref<10240x128xf32, #tpu.memory_space<hbm>> -> memref<10240x128xf32, #tpu.memory_space<hbm>>
        tpu.enqueue_indirect_dma source(%dma_start3A_154 : memref<10240x128xf32, #tpu.memory_space<hbm>>) target(%arg10 : memref<64x128xf32, #tpu.memory_space<vmem>>) offsets(%dma_start3A_151 : memref<64xi32, #tpu.memory_space<vmem>>) semaphore(%arg14 : memref<!tpu.dma_semaphore, #tpu.memory_space<semaphore_mem>>)
        %dma_wait3A_155 = arith.constant 0 : i32
        %dma_wait3A_156 = arith.constant 0 : i32
        %dma_wait3A_157 = tpu.memref_slice %arg9[%dma_wait3A_155, %dma_wait3A_156] : memref<40x64xi32, #tpu.memory_space<vmem>> -> memref<1x64xi32, #tpu.memory_space<vmem>>
        %dma_wait3A_158 = tpu.memref_squeeze %dma_wait3A_157 : memref<1x64xi32, #tpu.memory_space<vmem>> -> memref<64xi32, #tpu.memory_space<vmem>>
        %dma_wait3A_159 = arith.constant 0 : i32
        %dma_wait3A_160 = arith.constant 0 : i32
        %dma_wait3A_161 = tpu.memref_slice %arg7[%dma_wait3A_159, %dma_wait3A_160] : memref<10240x128xf32, #tpu.memory_space<vmem_shared>> -> memref<10240x128xf32, #tpu.memory_space<vmem_shared>>
        tpu.wait_indirect_dma semaphore(%arg19 : memref<!tpu.dma_semaphore, #tpu.memory_space<semaphore_mem>>) src(%arg11 : memref<64x128xf32, #tpu.memory_space<vmem>>) dst(%dma_wait3A_161 : memref<10240x128xf32, #tpu.memory_space<vmem_shared>>)
        %add3A_162 = arith.constant 4 : i32
        %add3A_163 = arith.addi %mul3A_76, %add3A_162 : i32
        %add3A_164 = arith.constant 1 : i32
        %add3A_165 = arith.addi %add3A_163, %add3A_164 : i32
        %min3A_166 = arith.constant 39 : i32
        %min3A_167 = arith.minsi %add3A_165, %min3A_166 : i32
        %dma_start3A_168 = arith.constant 0 : i32
        %dma_start3A_169 = tpu.memref_slice %arg8[%min3A_167, %dma_start3A_168] : memref<40x64xi32, #tpu.memory_space<vmem>> -> memref<1x64xi32, #tpu.memory_space<vmem>>
        %dma_start3A_170 = tpu.memref_squeeze %dma_start3A_169 : memref<1x64xi32, #tpu.memory_space<vmem>> -> memref<64xi32, #tpu.memory_space<vmem>>
        %dma_start3A_171 = arith.constant 0 : i32
        %dma_start3A_172 = arith.constant 0 : i32
        %dma_start3A_173 = tpu.memref_slice %arg2[%dma_start3A_171, %dma_start3A_172] : memref<10240x128xf32, #tpu.memory_space<hbm>> -> memref<10240x128xf32, #tpu.memory_space<hbm>>
        tpu.enqueue_indirect_dma source(%dma_start3A_173 : memref<10240x128xf32, #tpu.memory_space<hbm>>) target(%arg11 : memref<64x128xf32, #tpu.memory_space<vmem>>) offsets(%dma_start3A_170 : memref<64xi32, #tpu.memory_space<vmem>>) semaphore(%arg15 : memref<!tpu.dma_semaphore, #tpu.memory_space<semaphore_mem>>)
        %dma_wait3A_174 = arith.constant 0 : i32
        %dma_wait3A_175 = arith.constant 0 : i32
        %dma_wait3A_176 = tpu.memref_slice %arg9[%dma_wait3A_174, %dma_wait3A_175] : memref<40x64xi32, #tpu.memory_space<vmem>> -> memref<1x64xi32, #tpu.memory_space<vmem>>
        %dma_wait3A_177 = tpu.memref_squeeze %dma_wait3A_176 : memref<1x64xi32, #tpu.memory_space<vmem>> -> memref<64xi32, #tpu.memory_space<vmem>>
        %dma_wait3A_178 = arith.constant 0 : i32
        %dma_wait3A_179 = arith.constant 0 : i32
        %dma_wait3A_180 = tpu.memref_slice %arg7[%dma_wait3A_178, %dma_wait3A_179] : memref<10240x128xf32, #tpu.memory_space<vmem_shared>> -> memref<10240x128xf32, #tpu.memory_space<vmem_shared>>
        tpu.wait_indirect_dma semaphore(%arg20 : memref<!tpu.dma_semaphore, #tpu.memory_space<semaphore_mem>>) src(%arg12 : memref<64x128xf32, #tpu.memory_space<vmem>>) dst(%dma_wait3A_180 : memref<10240x128xf32, #tpu.memory_space<vmem_shared>>)
        %add3A_181 = arith.constant 4 : i32
        %add3A_182 = arith.addi %mul3A_76, %add3A_181 : i32
        %add3A_183 = arith.constant 2 : i32
        %add3A_184 = arith.addi %add3A_182, %add3A_183 : i32
        %min3A_185 = arith.constant 39 : i32
        %min3A_186 = arith.minsi %add3A_184, %min3A_185 : i32
        %dma_start3A_187 = arith.constant 0 : i32
        %dma_start3A_188 = tpu.memref_slice %arg8[%min3A_186, %dma_start3A_187] : memref<40x64xi32, #tpu.memory_space<vmem>> -> memref<1x64xi32, #tpu.memory_space<vmem>>
        %dma_start3A_189 = tpu.memref_squeeze %dma_start3A_188 : memref<1x64xi32, #tpu.memory_space<vmem>> -> memref<64xi32, #tpu.memory_space<vmem>>
        %dma_start3A_190 = arith.constant 0 : i32
        %dma_start3A_191 = arith.constant 0 : i32
        %dma_start3A_192 = tpu.memref_slice %arg2[%dma_start3A_190, %dma_start3A_191] : memref<10240x128xf32, #tpu.memory_space<hbm>> -> memref<10240x128xf32, #tpu.memory_space<hbm>>
        tpu.enqueue_indirect_dma source(%dma_start3A_192 : memref<10240x128xf32, #tpu.memory_space<hbm>>) target(%arg12 : memref<64x128xf32, #tpu.memory_space<vmem>>) offsets(%dma_start3A_189 : memref<64xi32, #tpu.memory_space<vmem>>) semaphore(%arg16 : memref<!tpu.dma_semaphore, #tpu.memory_space<semaphore_mem>>)
        %dma_wait3A_193 = arith.constant 0 : i32
        %dma_wait3A_194 = arith.constant 0 : i32
        %dma_wait3A_195 = tpu.memref_slice %arg9[%dma_wait3A_193, %dma_wait3A_194] : memref<40x64xi32, #tpu.memory_space<vmem>> -> memref<1x64xi32, #tpu.memory_space<vmem>>
        %dma_wait3A_196 = tpu.memref_squeeze %dma_wait3A_195 : memref<1x64xi32, #tpu.memory_space<vmem>> -> memref<64xi32, #tpu.memory_space<vmem>>
        %dma_wait3A_197 = arith.constant 0 : i32
        %dma_wait3A_198 = arith.constant 0 : i32
        %dma_wait3A_199 = tpu.memref_slice %arg7[%dma_wait3A_197, %dma_wait3A_198] : memref<10240x128xf32, #tpu.memory_space<vmem_shared>> -> memref<10240x128xf32, #tpu.memory_space<vmem_shared>>
        tpu.wait_indirect_dma semaphore(%arg21 : memref<!tpu.dma_semaphore, #tpu.memory_space<semaphore_mem>>) src(%arg13 : memref<64x128xf32, #tpu.memory_space<vmem>>) dst(%dma_wait3A_199 : memref<10240x128xf32, #tpu.memory_space<vmem_shared>>)
        %add3A_200 = arith.constant 4 : i32
        %add3A_201 = arith.addi %mul3A_76, %add3A_200 : i32
        %add3A_202 = arith.constant 3 : i32
        %add3A_203 = arith.addi %add3A_201, %add3A_202 : i32
        %min3A_204 = arith.constant 39 : i32
        %min3A_205 = arith.minsi %add3A_203, %min3A_204 : i32
        %dma_start3A_206 = arith.constant 0 : i32
        %dma_start3A_207 = tpu.memref_slice %arg8[%min3A_205, %dma_start3A_206] : memref<40x64xi32, #tpu.memory_space<vmem>> -> memref<1x64xi32, #tpu.memory_space<vmem>>
        %dma_start3A_208 = tpu.memref_squeeze %dma_start3A_207 : memref<1x64xi32, #tpu.memory_space<vmem>> -> memref<64xi32, #tpu.memory_space<vmem>>
        %dma_start3A_209 = arith.constant 0 : i32
        %dma_start3A_210 = arith.constant 0 : i32
        %dma_start3A_211 = tpu.memref_slice %arg2[%dma_start3A_209, %dma_start3A_210] : memref<10240x128xf32, #tpu.memory_space<hbm>> -> memref<10240x128xf32, #tpu.memory_space<hbm>>
        tpu.enqueue_indirect_dma source(%dma_start3A_211 : memref<10240x128xf32, #tpu.memory_space<hbm>>) target(%arg13 : memref<64x128xf32, #tpu.memory_space<vmem>>) offsets(%dma_start3A_208 : memref<64xi32, #tpu.memory_space<vmem>>) semaphore(%arg17 : memref<!tpu.dma_semaphore, #tpu.memory_space<semaphore_mem>>)
      }
      %scan3A_46 = arith.constant 10 : i32
      %dma_wait3A = arith.constant 0 : i32
      %dma_wait3A_47 = arith.constant 0 : i32
      %dma_wait3A_48 = tpu.memref_slice %arg8[%dma_wait3A, %dma_wait3A_47] : memref<40x64xi32, #tpu.memory_space<vmem>> -> memref<1x64xi32, #tpu.memory_space<vmem>>
      %dma_wait3A_49 = tpu.memref_squeeze %dma_wait3A_48 : memref<1x64xi32, #tpu.memory_space<vmem>> -> memref<64xi32, #tpu.memory_space<vmem>>
      %dma_wait3A_50 = arith.constant 0 : i32
      %dma_wait3A_51 = arith.constant 0 : i32
      %dma_wait3A_52 = tpu.memref_slice %arg2[%dma_wait3A_50, %dma_wait3A_51] : memref<10240x128xf32, #tpu.memory_space<hbm>> -> memref<10240x128xf32, #tpu.memory_space<hbm>>
      tpu.wait_indirect_dma semaphore(%arg14 : memref<!tpu.dma_semaphore, #tpu.memory_space<semaphore_mem>>) src(%dma_wait3A_52 : memref<10240x128xf32, #tpu.memory_space<hbm>>) dst(%arg10 : memref<64x128xf32, #tpu.memory_space<vmem>>)
      %dma_wait3A_53 = arith.constant 0 : i32
      %dma_wait3A_54 = arith.constant 0 : i32
      %dma_wait3A_55 = tpu.memref_slice %arg8[%dma_wait3A_53, %dma_wait3A_54] : memref<40x64xi32, #tpu.memory_space<vmem>> -> memref<1x64xi32, #tpu.memory_space<vmem>>
      %dma_wait3A_56 = tpu.memref_squeeze %dma_wait3A_55 : memref<1x64xi32, #tpu.memory_space<vmem>> -> memref<64xi32, #tpu.memory_space<vmem>>
      %dma_wait3A_57 = arith.constant 0 : i32
      %dma_wait3A_58 = arith.constant 0 : i32
      %dma_wait3A_59 = tpu.memref_slice %arg2[%dma_wait3A_57, %dma_wait3A_58] : memref<10240x128xf32, #tpu.memory_space<hbm>> -> memref<10240x128xf32, #tpu.memory_space<hbm>>
      tpu.wait_indirect_dma semaphore(%arg15 : memref<!tpu.dma_semaphore, #tpu.memory_space<semaphore_mem>>) src(%dma_wait3A_59 : memref<10240x128xf32, #tpu.memory_space<hbm>>) dst(%arg11 : memref<64x128xf32, #tpu.memory_space<vmem>>)
      %dma_wait3A_60 = arith.constant 0 : i32
      %dma_wait3A_61 = arith.constant 0 : i32
      %dma_wait3A_62 = tpu.memref_slice %arg8[%dma_wait3A_60, %dma_wait3A_61] : memref<40x64xi32, #tpu.memory_space<vmem>> -> memref<1x64xi32, #tpu.memory_space<vmem>>
      %dma_wait3A_63 = tpu.memref_squeeze %dma_wait3A_62 : memref<1x64xi32, #tpu.memory_space<vmem>> -> memref<64xi32, #tpu.memory_space<vmem>>
      %dma_wait3A_64 = arith.constant 0 : i32
      %dma_wait3A_65 = arith.constant 0 : i32
      %dma_wait3A_66 = tpu.memref_slice %arg2[%dma_wait3A_64, %dma_wait3A_65] : memref<10240x128xf32, #tpu.memory_space<hbm>> -> memref<10240x128xf32, #tpu.memory_space<hbm>>
      tpu.wait_indirect_dma semaphore(%arg16 : memref<!tpu.dma_semaphore, #tpu.memory_space<semaphore_mem>>) src(%dma_wait3A_66 : memref<10240x128xf32, #tpu.memory_space<hbm>>) dst(%arg12 : memref<64x128xf32, #tpu.memory_space<vmem>>)
      %dma_wait3A_67 = arith.constant 0 : i32
      %dma_wait3A_68 = arith.constant 0 : i32
      %dma_wait3A_69 = tpu.memref_slice %arg8[%dma_wait3A_67, %dma_wait3A_68] : memref<40x64xi32, #tpu.memory_space<vmem>> -> memref<1x64xi32, #tpu.memory_space<vmem>>
      %dma_wait3A_70 = tpu.memref_squeeze %dma_wait3A_69 : memref<1x64xi32, #tpu.memory_space<vmem>> -> memref<64xi32, #tpu.memory_space<vmem>>
      %dma_wait3A_71 = arith.constant 0 : i32
      %dma_wait3A_72 = arith.constant 0 : i32
      %dma_wait3A_73 = tpu.memref_slice %arg2[%dma_wait3A_71, %dma_wait3A_72] : memref<10240x128xf32, #tpu.memory_space<hbm>> -> memref<10240x128xf32, #tpu.memory_space<hbm>>
      tpu.wait_indirect_dma semaphore(%arg17 : memref<!tpu.dma_semaphore, #tpu.memory_space<semaphore_mem>>) src(%dma_wait3A_73 : memref<10240x128xf32, #tpu.memory_space<hbm>>) dst(%arg13 : memref<64x128xf32, #tpu.memory_space<vmem>>)
    }
    %scan3A_7 = arith.constant 4 : i32
    %barrier3A_8 = arith.constant 0 : index
    tpu.barrier barrier_id(%barrier3A_8)
    "tpu.region"() ({
      %run_scoped3A = tpu.sem_alloc : memref<!tpu.dma_semaphore, #tpu.memory_space<semaphore_mem>>
      %dma_start3A = arith.constant 0 : i32
      %dma_start3A_9 = tpu.memref_slice %arg6[%arg0, %mul3A_2, %dma_start3A] : memref<2x10240x128xf32, #tpu.memory_space<hbm>> -> memref<1x640x128xf32, #tpu.memory_space<hbm>>
      %dma_start3A_10 = tpu.memref_squeeze %dma_start3A_9 : memref<1x640x128xf32, #tpu.memory_space<hbm>> -> memref<640x128xf32, #tpu.memory_space<hbm>>
      %dma_start3A_11 = arith.constant 0 : i32
      %dma_start3A_12 = tpu.memref_slice %arg7[%mul3A_2, %dma_start3A_11] : memref<10240x128xf32, #tpu.memory_space<vmem_shared>> -> memref<640x128xf32, #tpu.memory_space<vmem_shared>>
      tpu.enqueue_dma source(%dma_start3A_12 : memref<640x128xf32, #tpu.memory_space<vmem_shared>>) target(%dma_start3A_10 : memref<640x128xf32, #tpu.memory_space<hbm>>) target_semaphore(%run_scoped3A : memref<!tpu.dma_semaphore, #tpu.memory_space<semaphore_mem>>)
      %dma_wait3A = arith.constant 0 : i32
      %dma_wait3A_13 = tpu.memref_slice %arg6[%arg0, %mul3A_2, %dma_wait3A] : memref<2x10240x128xf32, #tpu.memory_space<hbm>> -> memref<1x640x128xf32, #tpu.memory_space<hbm>>
      %dma_wait3A_14 = tpu.memref_squeeze %dma_wait3A_13 : memref<1x640x128xf32, #tpu.memory_space<hbm>> -> memref<640x128xf32, #tpu.memory_space<hbm>>
      %dma_wait3A_15 = arith.constant 0 : i32
      %dma_wait3A_16 = tpu.memref_slice %arg7[%mul3A_2, %dma_wait3A_15] : memref<10240x128xf32, #tpu.memory_space<vmem_shared>> -> memref<640x128xf32, #tpu.memory_space<vmem_shared>>
      tpu.wait_dma2 semaphore(%run_scoped3A : memref<!tpu.dma_semaphore, #tpu.memory_space<semaphore_mem>>) src(%dma_wait3A_16 : memref<640x128xf32, #tpu.memory_space<vmem_shared>>) dst(%dma_wait3A_14 : memref<640x128xf32, #tpu.memory_space<hbm>>)
      tpu.yield
    }) : () -> ()
    return
  }
}

module attributes {stable_mosaic.version = 14 : i64} {
  func.func @body(%arg0: i32, %arg1: memref<1024x128xf32, #tpu.memory_space<vmem>>, %arg2: memref<1024x4xf32, #tpu.memory_space<vmem>>, %arg3: memref<1024x128xf32, #tpu.memory_space<vmem>>, %arg4: memref<1024x8xf32, #tpu.memory_space<vmem>>, %arg5: memref<1024x8xf32, #tpu.memory_space<vmem>>) attributes {dimension_semantics = [#tpu.dimension_semantics<arbitrary>], iteration_bounds = array<i64: 10>, scalar_prefetch = 0 : i64, scratch_operands = 0 : i64, tpu.core_type = #tpu.core_type<tc>, window_params = [{transform_indices = @transform_0, window_bounds = array<i64: 1024, 128>}, {transform_indices = @transform_1, window_bounds = array<i64: 1024, 4>}, {transform_indices = @transform_2, window_bounds = array<i64: 1024, 128>}, {transform_indices = @transform_3, window_bounds = array<i64: 1024, 8>}, {transform_indices = @transform_4, window_bounds = array<i64: 1024, 8>}]} {
    %get3A = arith.constant 0 : index
    %get3A_0 = arith.constant 0 : index
    %get3A_1 = vector.load %arg2[%get3A, %get3A_0] : memref<1024x4xf32, #tpu.memory_space<vmem>>, vector<1024x4xf32>
    %slice3A = vector.extract_strided_slice %get3A_1 {offsets = [0, 0], sizes = [1024, 1], strides = [1, 1]} : vector<1024x4xf32> to vector<1024x1xf32>
    %slice3A_2 = vector.extract_strided_slice %get3A_1 {offsets = [0, 1], sizes = [1024, 1], strides = [1, 1]} : vector<1024x4xf32> to vector<1024x1xf32>
    %add3A = arith.addf %slice3A, %slice3A_2 : vector<1024x1xf32>
    %slice3A_3 = vector.extract_strided_slice %get3A_1 {offsets = [0, 2], sizes = [1024, 1], strides = [1, 1]} : vector<1024x4xf32> to vector<1024x1xf32>
    %slice3A_4 = vector.extract_strided_slice %get3A_1 {offsets = [0, 3], sizes = [1024, 1], strides = [1, 1]} : vector<1024x4xf32> to vector<1024x1xf32>
    %add3A_5 = arith.addf %slice3A_3, %slice3A_4 : vector<1024x1xf32>
    %gt3A = arith.constant 0.000000e+00 : f32
    %gt3A_6 = vector.broadcast %gt3A : f32 to vector<1024x1xf32>
    %gt3A_7 = arith.cmpf ogt, %add3A, %gt3A_6 : vector<1024x1xf32>
    %max3A = arith.constant 1.000000e+00 : f32
    %max3A_8 = vector.broadcast %max3A : f32 to vector<1024x1xf32>
    %max3A_9 = arith.maximumf %add3A, %max3A_8 : vector<1024x1xf32>
    %sqrt3A = math.sqrt %max3A_9 : vector<1024x1xf32>
    %div3A = arith.constant 1.000000e+00 : f32
    %div3A_10 = vector.broadcast %div3A : f32 to vector<1024x1xf32>
    %div3A_11 = arith.divf %div3A_10, %sqrt3A : vector<1024x1xf32>
    %jit3A = arith.constant 0.000000e+00 : f32
    %broadcast_in_dim3A = vector.broadcast %jit3A : f32 to vector<1024x1xf32>
    %select_n3A = arith.select %gt3A_7, %div3A_11, %broadcast_in_dim3A : vector<1024x1xi1>, vector<1024x1xf32>
    %gt3A_12 = arith.constant 0.000000e+00 : f32
    %gt3A_13 = vector.broadcast %gt3A_12 : f32 to vector<1024x1xf32>
    %gt3A_14 = arith.cmpf ogt, %add3A_5, %gt3A_13 : vector<1024x1xf32>
    %max3A_15 = arith.constant 1.000000e+00 : f32
    %max3A_16 = vector.broadcast %max3A_15 : f32 to vector<1024x1xf32>
    %max3A_17 = arith.maximumf %add3A_5, %max3A_16 : vector<1024x1xf32>
    %sqrt3A_18 = math.sqrt %max3A_17 : vector<1024x1xf32>
    %div3A_19 = arith.constant 1.000000e+00 : f32
    %div3A_20 = vector.broadcast %div3A_19 : f32 to vector<1024x1xf32>
    %div3A_21 = arith.divf %div3A_20, %sqrt3A_18 : vector<1024x1xf32>
    %jit3A_22 = arith.constant 0.000000e+00 : f32
    %broadcast_in_dim3A_23 = vector.broadcast %jit3A_22 : f32 to vector<1024x1xf32>
    %select_n3A_24 = arith.select %gt3A_14, %div3A_21, %broadcast_in_dim3A_23 : vector<1024x1xi1>, vector<1024x1xf32>
    %broadcast_in_dim3A_25 = vector.shape_cast %select_n3A : vector<1024x1xf32> to vector<1024x1xf32>
    %broadcast_in_dim3A_26 = vector.broadcast %broadcast_in_dim3A_25 : vector<1024x1xf32> to vector<1024x8xf32>
    %swap3A = arith.constant 0 : index
    %swap3A_27 = arith.constant 0 : index
    %swap3A_28 = vector.load %arg4[%swap3A, %swap3A_27] : memref<1024x8xf32, #tpu.memory_space<vmem>>, vector<1024x8xf32>
    tpu.vector_store %arg4[%swap3A, %swap3A_27], %broadcast_in_dim3A_26 {strides = array<i32>} : memref<1024x8xf32, #tpu.memory_space<vmem>>, vector<1024x8xf32>,
    %broadcast_in_dim3A_29 = vector.shape_cast %select_n3A_24 : vector<1024x1xf32> to vector<1024x1xf32>
    %broadcast_in_dim3A_30 = vector.broadcast %broadcast_in_dim3A_29 : vector<1024x1xf32> to vector<1024x8xf32>
    %swap3A_31 = arith.constant 0 : index
    %swap3A_32 = arith.constant 0 : index
    %swap3A_33 = vector.load %arg5[%swap3A_31, %swap3A_32] : memref<1024x8xf32, #tpu.memory_space<vmem>>, vector<1024x8xf32>
    tpu.vector_store %arg5[%swap3A_31, %swap3A_32], %broadcast_in_dim3A_30 {strides = array<i32>} : memref<1024x8xf32, #tpu.memory_space<vmem>>, vector<1024x8xf32>,
    %get3A_34 = arith.constant 0 : index
    %get3A_35 = arith.constant 0 : index
    %get3A_36 = vector.load %arg1[%get3A_34, %get3A_35] : memref<1024x128xf32, #tpu.memory_space<vmem>>, vector<1024x128xf32>
    %mul3A = vector.broadcast %select_n3A : vector<1024x1xf32> to vector<1024x128xf32>
    %mul3A_37 = arith.mulf %get3A_36, %mul3A : vector<1024x128xf32>
    %swap3A_38 = arith.constant 0 : index
    %swap3A_39 = arith.constant 0 : index
    %swap3A_40 = vector.load %arg3[%swap3A_38, %swap3A_39] : memref<1024x128xf32, #tpu.memory_space<vmem>>, vector<1024x128xf32>
    tpu.vector_store %arg3[%swap3A_38, %swap3A_39], %mul3A_37 {strides = array<i32>} : memref<1024x128xf32, #tpu.memory_space<vmem>>, vector<1024x128xf32>,
    return
  }
  func.func @transform_0(%arg0: i32) -> (i32, i32) {
    %c0_i32 = arith.constant 0 : i32
    %c0_i32_0 = arith.constant 0 : i32
    return %arg0, %c0_i32 : i32, i32
  }
  func.func @transform_1(%arg0: i32) -> (i32, i32) {
    %c0_i32 = arith.constant 0 : i32
    %c0_i32_0 = arith.constant 0 : i32
    return %arg0, %c0_i32 : i32, i32
  }
  func.func @transform_2(%arg0: i32) -> (i32, i32) {
    %c0_i32 = arith.constant 0 : i32
    %c0_i32_0 = arith.constant 0 : i32
    return %arg0, %c0_i32 : i32, i32
  }
  func.func @transform_3(%arg0: i32) -> (i32, i32) {
    %c0_i32 = arith.constant 0 : i32
    %c0_i32_0 = arith.constant 0 : i32
    return %arg0, %c0_i32 : i32, i32
  }
  func.func @transform_4(%arg0: i32) -> (i32, i32) {
    %c0_i32 = arith.constant 0 : i32
    %c0_i32_0 = arith.constant 0 : i32
    return %arg0, %c0_i32 : i32, i32
  }
}

module attributes {stable_mosaic.version = 14 : i64} {
  func.func @body(%arg0: i32, %arg1: memref<2x512x128xf32, #tpu.memory_space<vmem>>, %arg2: memref<512x8xf32, #tpu.memory_space<vmem>>, %arg3: memref<128x128xf32, #tpu.memory_space<vmem>>, %arg4: memref<1x128xf32, #tpu.memory_space<vmem>>, %arg5: memref<1x128xf32, #tpu.memory_space<vmem>>, %arg6: memref<1x128xf32, #tpu.memory_space<vmem>>, %arg7: memref<512x8xf32, #tpu.memory_space<vmem>>, %arg8: memref<512x128xf32, #tpu.memory_space<vmem>>) attributes {dimension_semantics = [#tpu.dimension_semantics<arbitrary>], iteration_bounds = array<i64: 20>, scalar_prefetch = 0 : i64, scratch_operands = 0 : i64, tpu.core_type = #tpu.core_type<tc>, window_params = [{transform_indices = @transform_0, window_bounds = array<i64: 2, 512, 128>}, {transform_indices = @transform_1, window_bounds = array<i64: 512, 8>}, {pipeline_mode = #tpu.pipeline_mode<synchronous>, transform_indices = @transform_2, window_bounds = array<i64: 128, 128>}, {pipeline_mode = #tpu.pipeline_mode<synchronous>, transform_indices = @transform_3, window_bounds = array<i64: 1, 128>}, {pipeline_mode = #tpu.pipeline_mode<synchronous>, transform_indices = @transform_4, window_bounds = array<i64: 1, 128>}, {pipeline_mode = #tpu.pipeline_mode<synchronous>, transform_indices = @transform_5, window_bounds = array<i64: 1, 128>}, {transform_indices = @transform_6, window_bounds = array<i64: 512, 8>}, {transform_indices = @transform_7, window_bounds = array<i64: 512, 128>}]} {
    %get3A = arith.constant 0 : index
    %get3A_0 = arith.constant 0 : index
    %get3A_1 = arith.constant 0 : index
    %get3A_2 = vector.load %arg1[%get3A, %get3A_0, %get3A_1] : memref<2x512x128xf32, #tpu.memory_space<vmem>>, vector<2x512x128xf32>
    %slice3A = vector.extract_strided_slice %get3A_2 {offsets = [0, 0, 0], sizes = [1, 512, 128], strides = [1, 1, 1]} : vector<2x512x128xf32> to vector<1x512x128xf32>
    %squeeze3A = vector.shape_cast %slice3A : vector<1x512x128xf32> to vector<512x128xf32>
    %slice3A_3 = vector.extract_strided_slice %get3A_2 {offsets = [1, 0, 0], sizes = [1, 512, 128], strides = [1, 1, 1]} : vector<2x512x128xf32> to vector<1x512x128xf32>
    %squeeze3A_4 = vector.shape_cast %slice3A_3 : vector<1x512x128xf32> to vector<512x128xf32>
    %add3A = arith.addf %squeeze3A, %squeeze3A_4 : vector<512x128xf32>
    %get3A_5 = arith.constant 0 : index
    %get3A_6 = arith.constant 0 : index
    %get3A_7 = vector.load %arg2[%get3A_5, %get3A_6] : memref<512x8xf32, #tpu.memory_space<vmem>>, vector<512x8xf32>
    %slice3A_8 = vector.extract_strided_slice %get3A_7 {offsets = [0, 0], sizes = [512, 1], strides = [1, 1]} : vector<512x8xf32> to vector<512x1xf32>
    %mul3A = vector.broadcast %slice3A_8 : vector<512x1xf32> to vector<512x128xf32>
    %mul3A_9 = arith.mulf %add3A, %mul3A : vector<512x128xf32>
    %get3A_10 = arith.constant 0 : index
    %get3A_11 = arith.constant 0 : index
    %get3A_12 = vector.load %arg3[%get3A_10, %get3A_11] : memref<128x128xf32, #tpu.memory_space<vmem>>, vector<128x128xf32>
    %dot_general3A = arith.constant dense<0.000000e+00> : vector<512x128xf32>
    %dot_general3A_13 = tpu.matmul %mul3A_9, %get3A_12, %dot_general3A {dimension_numbers = #tpu.dot_dimension_numbers<[1], [0], [0], [1], [0, 0, 1, 1], [], []>, transpose_lhs_hint = false} : vector<512x128xf32>, vector<128x128xf32>, vector<512x128xf32> -> vector<512x128xf32>
    %get3A_14 = arith.constant 0 : index
    %get3A_15 = arith.constant 0 : index
    %get3A_16 = vector.load %arg4[%get3A_14, %get3A_15] : memref<1x128xf32, #tpu.memory_space<vmem>>, vector<1x128xf32>
    %add3A_17 = vector.broadcast %get3A_16 : vector<1x128xf32> to vector<512x128xf32>
    %add3A_18 = arith.addf %dot_general3A_13, %add3A_17 : vector<512x128xf32>
    %reduce_sum3A = arith.constant dense<0.000000e+00> : vector<512xf32>
    %reduce_sum3A_19 = vector.multi_reduction <add>, %add3A_18, %reduce_sum3A [1] : vector<512x128xf32> to vector<512xf32>
    %broadcast_in_dim3A = vector.shape_cast %reduce_sum3A_19 : vector<512xf32> to vector<512x1xf32>
    %div3A = arith.constant 1.280000e+02 : f32
    %div3A_20 = vector.broadcast %div3A : f32 to vector<512x1xf32>
    %div3A_21 = arith.divf %broadcast_in_dim3A, %div3A_20 : vector<512x1xf32>
    %sub3A = vector.broadcast %div3A_21 : vector<512x1xf32> to vector<512x128xf32>
    %sub3A_22 = arith.subf %add3A_18, %sub3A : vector<512x128xf32>
    %integer_pow3A = arith.mulf %sub3A_22, %sub3A_22 : vector<512x128xf32>
    %reduce_sum3A_23 = arith.constant dense<0.000000e+00> : vector<512xf32>
    %reduce_sum3A_24 = vector.multi_reduction <add>, %integer_pow3A, %reduce_sum3A_23 [1] : vector<512x128xf32> to vector<512xf32>
    %broadcast_in_dim3A_25 = vector.shape_cast %reduce_sum3A_24 : vector<512xf32> to vector<512x1xf32>
    %div3A_26 = arith.constant 1.280000e+02 : f32
    %div3A_27 = vector.broadcast %div3A_26 : f32 to vector<512x1xf32>
    %div3A_28 = arith.divf %broadcast_in_dim3A_25, %div3A_27 : vector<512x1xf32>
    %sub3A_29 = vector.broadcast %div3A_21 : vector<512x1xf32> to vector<512x128xf32>
    %sub3A_30 = arith.subf %add3A_18, %sub3A_29 : vector<512x128xf32>
    %add3A_31 = arith.constant 9.99999974E-6 : f32
    %add3A_32 = vector.broadcast %add3A_31 : f32 to vector<512x1xf32>
    %add3A_33 = arith.addf %div3A_28, %add3A_32 : vector<512x1xf32>
    %sqrt3A = math.sqrt %add3A_33 : vector<512x1xf32>
    %div3A_34 = vector.broadcast %sqrt3A : vector<512x1xf32> to vector<512x128xf32>
    %div3A_35 = arith.divf %sub3A_30, %div3A_34 : vector<512x128xf32>
    %get3A_36 = arith.constant 0 : index
    %get3A_37 = arith.constant 0 : index
    %get3A_38 = vector.load %arg5[%get3A_36, %get3A_37] : memref<1x128xf32, #tpu.memory_space<vmem>>, vector<1x128xf32>
    %mul3A_39 = vector.broadcast %get3A_38 : vector<1x128xf32> to vector<512x128xf32>
    %mul3A_40 = arith.mulf %div3A_35, %mul3A_39 : vector<512x128xf32>
    %get3A_41 = arith.constant 0 : index
    %get3A_42 = arith.constant 0 : index
    %get3A_43 = vector.load %arg6[%get3A_41, %get3A_42] : memref<1x128xf32, #tpu.memory_space<vmem>>, vector<1x128xf32>
    %add3A_44 = vector.broadcast %get3A_43 : vector<1x128xf32> to vector<512x128xf32>
    %add3A_45 = arith.addf %mul3A_40, %add3A_44 : vector<512x128xf32>
    %max3A = arith.constant 0.000000e+00 : f32
    %max3A_46 = vector.broadcast %max3A : f32 to vector<512x128xf32>
    %max3A_47 = arith.maximumf %add3A_45, %max3A_46 : vector<512x128xf32>
    %get3A_48 = arith.constant 0 : index
    %get3A_49 = arith.constant 0 : index
    %get3A_50 = vector.load %arg7[%get3A_48, %get3A_49] : memref<512x8xf32, #tpu.memory_space<vmem>>, vector<512x8xf32>
    %slice3A_51 = vector.extract_strided_slice %get3A_50 {offsets = [0, 0], sizes = [512, 1], strides = [1, 1]} : vector<512x8xf32> to vector<512x1xf32>
    %mul3A_52 = vector.broadcast %slice3A_51 : vector<512x1xf32> to vector<512x128xf32>
    %mul3A_53 = arith.mulf %max3A_47, %mul3A_52 : vector<512x128xf32>
    %swap3A = arith.constant 0 : index
    %swap3A_54 = arith.constant 0 : index
    %swap3A_55 = vector.load %arg8[%swap3A, %swap3A_54] : memref<512x128xf32, #tpu.memory_space<vmem>>, vector<512x128xf32>
    tpu.vector_store %arg8[%swap3A, %swap3A_54], %mul3A_53 {strides = array<i32>} : memref<512x128xf32, #tpu.memory_space<vmem>>, vector<512x128xf32>,
    return
  }
  func.func @transform_0(%arg0: i32) -> (i32, i32, i32) {
    %c0_i32 = arith.constant 0 : i32
    %c0_i32_0 = arith.constant 0 : i32
    %c0_i32_1 = arith.constant 0 : i32
    return %c0_i32, %arg0, %c0_i32_0 : i32, i32, i32
  }
  func.func @transform_1(%arg0: i32) -> (i32, i32) {
    %c0_i32 = arith.constant 0 : i32
    %c0_i32_0 = arith.constant 0 : i32
    return %arg0, %c0_i32 : i32, i32
  }
  func.func @transform_2(%arg0: i32) -> (i32, i32) {
    %c0_i32 = arith.constant 0 : i32
    %c0_i32_0 = arith.constant 0 : i32
    %c0_i32_1 = arith.constant 0 : i32
    return %c0_i32, %c0_i32_0 : i32, i32
  }
  func.func @transform_3(%arg0: i32) -> (i32, i32) {
    %c0_i32 = arith.constant 0 : i32
    %c0_i32_0 = arith.constant 0 : i32
    %c0_i32_1 = arith.constant 0 : i32
    return %c0_i32, %c0_i32_0 : i32, i32
  }
  func.func @transform_4(%arg0: i32) -> (i32, i32) {
    %c0_i32 = arith.constant 0 : i32
    %c0_i32_0 = arith.constant 0 : i32
    %c0_i32_1 = arith.constant 0 : i32
    return %c0_i32, %c0_i32_0 : i32, i32
  }
  func.func @transform_5(%arg0: i32) -> (i32, i32) {
    %c0_i32 = arith.constant 0 : i32
    %c0_i32_0 = arith.constant 0 : i32
    %c0_i32_1 = arith.constant 0 : i32
    return %c0_i32, %c0_i32_0 : i32, i32
  }
  func.func @transform_6(%arg0: i32) -> (i32, i32) {
    %c0_i32 = arith.constant 0 : i32
    %c0_i32_0 = arith.constant 0 : i32
    return %arg0, %c0_i32 : i32, i32
  }
  func.func @transform_7(%arg0: i32) -> (i32, i32) {
    %c0_i32 = arith.constant 0 : i32
    %c0_i32_0 = arith.constant 0 : i32
    return %arg0, %c0_i32 : i32, i32
  }
}

module attributes {stable_mosaic.version = 14 : i64} {
  func.func @body(%arg0: i32, %arg1: memref<2x1024x128xf32, #tpu.memory_space<vmem>>, %arg2: memref<1024x8xf32, #tpu.memory_space<vmem>>, %arg3: memref<128x128xf32, #tpu.memory_space<vmem>>, %arg4: memref<1x128xf32, #tpu.memory_space<vmem>>, %arg5: memref<1x128xf32, #tpu.memory_space<vmem>>, %arg6: memref<1x128xf32, #tpu.memory_space<vmem>>, %arg7: memref<1024x1xi32, #tpu.memory_space<vmem>>, %arg8: memref<1024x128xf32, #tpu.memory_space<vmem>>, %arg9: memref<128x1xf32, #tpu.memory_space<vmem>>, %arg10: memref<128x128xf32, #tpu.memory_space<vmem>>) attributes {dimension_semantics = [#tpu.dimension_semantics<arbitrary>], iteration_bounds = array<i64: 10>, scalar_prefetch = 0 : i64, scratch_operands = 0 : i64, tpu.core_type = #tpu.core_type<tc>, window_params = [{transform_indices = @transform_0, window_bounds = array<i64: 2, 1024, 128>}, {transform_indices = @transform_1, window_bounds = array<i64: 1024, 8>}, {pipeline_mode = #tpu.pipeline_mode<synchronous>, transform_indices = @transform_2, window_bounds = array<i64: 128, 128>}, {pipeline_mode = #tpu.pipeline_mode<synchronous>, transform_indices = @transform_3, window_bounds = array<i64: 1, 128>}, {pipeline_mode = #tpu.pipeline_mode<synchronous>, transform_indices = @transform_4, window_bounds = array<i64: 1, 128>}, {pipeline_mode = #tpu.pipeline_mode<synchronous>, transform_indices = @transform_5, window_bounds = array<i64: 1, 128>}, {transform_indices = @transform_6, window_bounds = array<i64: 1024, 1>}, {transform_indices = @transform_7, window_bounds = array<i64: 1024, 128>}, {pipeline_mode = #tpu.pipeline_mode<synchronous>, transform_indices = @transform_8, window_bounds = array<i64: 128, 1>}, {pipeline_mode = #tpu.pipeline_mode<synchronous>, transform_indices = @transform_9, window_bounds = array<i64: 128, 128>}]} {
    %eq3A = arith.constant 0 : i32
    %eq3A_0 = arith.cmpi eq, %arg0, %eq3A : i32
    %convert_element_type3A = arith.extui %eq3A_0 : i1 to i32
    %cond3A = arith.constant 0 : i32
    %cond3A_1 = arith.cmpi ne, %convert_element_type3A, %cond3A : i32
    scf.if %cond3A_1 {
      %broadcast_in_dim3A_80 = arith.constant 0.000000e+00 : f32
      %broadcast_in_dim3A_81 = vector.broadcast %broadcast_in_dim3A_80 : f32 to vector<128x1xf32>
      %swap3A_82 = arith.constant 0 : index
      %swap3A_83 = arith.constant 0 : index
      %swap3A_84 = vector.load %arg9[%swap3A_82, %swap3A_83] : memref<128x1xf32, #tpu.memory_space<vmem>>, vector<128x1xf32>
      tpu.vector_store %arg9[%swap3A_82, %swap3A_83], %broadcast_in_dim3A_81 {strides = array<i32>} : memref<128x1xf32, #tpu.memory_space<vmem>>, vector<128x1xf32>,
      %broadcast_in_dim3A_85 = arith.constant 0.000000e+00 : f32
      %broadcast_in_dim3A_86 = vector.broadcast %broadcast_in_dim3A_85 : f32 to vector<128x128xf32>
      %swap3A_87 = arith.constant 0 : index
      %swap3A_88 = arith.constant 0 : index
      %swap3A_89 = vector.load %arg10[%swap3A_87, %swap3A_88] : memref<128x128xf32, #tpu.memory_space<vmem>>, vector<128x128xf32>
      tpu.vector_store %arg10[%swap3A_87, %swap3A_88], %broadcast_in_dim3A_86 {strides = array<i32>} : memref<128x128xf32, #tpu.memory_space<vmem>>, vector<128x128xf32>,
    } else {
    }
    %get3A = arith.constant 0 : index
    %get3A_2 = arith.constant 0 : index
    %get3A_3 = arith.constant 0 : index
    %get3A_4 = vector.load %arg1[%get3A, %get3A_2, %get3A_3] : memref<2x1024x128xf32, #tpu.memory_space<vmem>>, vector<2x1024x128xf32>
    %slice3A = vector.extract_strided_slice %get3A_4 {offsets = [0, 0, 0], sizes = [1, 1024, 128], strides = [1, 1, 1]} : vector<2x1024x128xf32> to vector<1x1024x128xf32>
    %squeeze3A = vector.shape_cast %slice3A : vector<1x1024x128xf32> to vector<1024x128xf32>
    %slice3A_5 = vector.extract_strided_slice %get3A_4 {offsets = [1, 0, 0], sizes = [1, 1024, 128], strides = [1, 1, 1]} : vector<2x1024x128xf32> to vector<1x1024x128xf32>
    %squeeze3A_6 = vector.shape_cast %slice3A_5 : vector<1x1024x128xf32> to vector<1024x128xf32>
    %add3A = arith.addf %squeeze3A, %squeeze3A_6 : vector<1024x128xf32>
    %get3A_7 = arith.constant 0 : index
    %get3A_8 = arith.constant 0 : index
    %get3A_9 = vector.load %arg2[%get3A_7, %get3A_8] : memref<1024x8xf32, #tpu.memory_space<vmem>>, vector<1024x8xf32>
    %slice3A_10 = vector.extract_strided_slice %get3A_9 {offsets = [0, 0], sizes = [1024, 1], strides = [1, 1]} : vector<1024x8xf32> to vector<1024x1xf32>
    %mul3A = vector.broadcast %slice3A_10 : vector<1024x1xf32> to vector<1024x128xf32>
    %mul3A_11 = arith.mulf %add3A, %mul3A : vector<1024x128xf32>
    %get3A_12 = arith.constant 0 : index
    %get3A_13 = arith.constant 0 : index
    %get3A_14 = vector.load %arg3[%get3A_12, %get3A_13] : memref<128x128xf32, #tpu.memory_space<vmem>>, vector<128x128xf32>
    %dot_general3A = arith.constant dense<0.000000e+00> : vector<1024x128xf32>
    %dot_general3A_15 = tpu.matmul %mul3A_11, %get3A_14, %dot_general3A {dimension_numbers = #tpu.dot_dimension_numbers<[1], [0], [0], [1], [0, 0, 1, 1], [], []>, transpose_lhs_hint = false} : vector<1024x128xf32>, vector<128x128xf32>, vector<1024x128xf32> -> vector<1024x128xf32>
    %get3A_16 = arith.constant 0 : index
    %get3A_17 = arith.constant 0 : index
    %get3A_18 = vector.load %arg4[%get3A_16, %get3A_17] : memref<1x128xf32, #tpu.memory_space<vmem>>, vector<1x128xf32>
    %add3A_19 = vector.broadcast %get3A_18 : vector<1x128xf32> to vector<1024x128xf32>
    %add3A_20 = arith.addf %dot_general3A_15, %add3A_19 : vector<1024x128xf32>
    %reduce_sum3A = arith.constant dense<0.000000e+00> : vector<1024xf32>
    %reduce_sum3A_21 = vector.multi_reduction <add>, %add3A_20, %reduce_sum3A [1] : vector<1024x128xf32> to vector<1024xf32>
    %broadcast_in_dim3A = vector.shape_cast %reduce_sum3A_21 : vector<1024xf32> to vector<1024x1xf32>
    %div3A = arith.constant 1.280000e+02 : f32
    %div3A_22 = vector.broadcast %div3A : f32 to vector<1024x1xf32>
    %div3A_23 = arith.divf %broadcast_in_dim3A, %div3A_22 : vector<1024x1xf32>
    %sub3A = vector.broadcast %div3A_23 : vector<1024x1xf32> to vector<1024x128xf32>
    %sub3A_24 = arith.subf %add3A_20, %sub3A : vector<1024x128xf32>
    %integer_pow3A = arith.mulf %sub3A_24, %sub3A_24 : vector<1024x128xf32>
    %reduce_sum3A_25 = arith.constant dense<0.000000e+00> : vector<1024xf32>
    %reduce_sum3A_26 = vector.multi_reduction <add>, %integer_pow3A, %reduce_sum3A_25 [1] : vector<1024x128xf32> to vector<1024xf32>
    %broadcast_in_dim3A_27 = vector.shape_cast %reduce_sum3A_26 : vector<1024xf32> to vector<1024x1xf32>
    %div3A_28 = arith.constant 1.280000e+02 : f32
    %div3A_29 = vector.broadcast %div3A_28 : f32 to vector<1024x1xf32>
    %div3A_30 = arith.divf %broadcast_in_dim3A_27, %div3A_29 : vector<1024x1xf32>
    %sub3A_31 = vector.broadcast %div3A_23 : vector<1024x1xf32> to vector<1024x128xf32>
    %sub3A_32 = arith.subf %add3A_20, %sub3A_31 : vector<1024x128xf32>
    %add3A_33 = arith.constant 9.99999974E-6 : f32
    %add3A_34 = vector.broadcast %add3A_33 : f32 to vector<1024x1xf32>
    %add3A_35 = arith.addf %div3A_30, %add3A_34 : vector<1024x1xf32>
    %sqrt3A = math.sqrt %add3A_35 : vector<1024x1xf32>
    %div3A_36 = vector.broadcast %sqrt3A : vector<1024x1xf32> to vector<1024x128xf32>
    %div3A_37 = arith.divf %sub3A_32, %div3A_36 : vector<1024x128xf32>
    %get3A_38 = arith.constant 0 : index
    %get3A_39 = arith.constant 0 : index
    %get3A_40 = vector.load %arg5[%get3A_38, %get3A_39] : memref<1x128xf32, #tpu.memory_space<vmem>>, vector<1x128xf32>
    %mul3A_41 = vector.broadcast %get3A_40 : vector<1x128xf32> to vector<1024x128xf32>
    %mul3A_42 = arith.mulf %div3A_37, %mul3A_41 : vector<1024x128xf32>
    %get3A_43 = arith.constant 0 : index
    %get3A_44 = arith.constant 0 : index
    %get3A_45 = vector.load %arg6[%get3A_43, %get3A_44] : memref<1x128xf32, #tpu.memory_space<vmem>>, vector<1x128xf32>
    %add3A_46 = vector.broadcast %get3A_45 : vector<1x128xf32> to vector<1024x128xf32>
    %add3A_47 = arith.addf %mul3A_42, %add3A_46 : vector<1024x128xf32>
    %max3A = arith.constant 0.000000e+00 : f32
    %max3A_48 = vector.broadcast %max3A : f32 to vector<1024x128xf32>
    %max3A_49 = arith.maximumf %add3A_47, %max3A_48 : vector<1024x128xf32>
    %swap3A = arith.constant 0 : index
    %swap3A_50 = arith.constant 0 : index
    %swap3A_51 = vector.load %arg8[%swap3A, %swap3A_50] : memref<1024x128xf32, #tpu.memory_space<vmem>>, vector<1024x128xf32>
    tpu.vector_store %arg8[%swap3A, %swap3A_50], %max3A_49 {strides = array<i32>} : memref<1024x128xf32, #tpu.memory_space<vmem>>, vector<1024x128xf32>,
    %get3A_52 = arith.constant 0 : index
    %get3A_53 = arith.constant 0 : index
    %get3A_54 = vector.load %arg7[%get3A_52, %get3A_53] : memref<1024x1xi32, #tpu.memory_space<vmem>>, vector<1024x1xi32>
    %iota3A = tpu.iota {dimensions = array<i32: 1>} : vector<1x128xi32>
    %eq3A_55 = vector.broadcast %get3A_54 : vector<1024x1xi32> to vector<1024x128xi32>
    %eq3A_56 = vector.broadcast %iota3A : vector<1x128xi32> to vector<1024x128xi32>
    %eq3A_57 = arith.cmpi eq, %eq3A_55, %eq3A_56 : vector<1024x128xi32>
    %convert_element_type3A_58 = arith.extui %eq3A_57 : vector<1024x128xi1> to vector<1024x128xi32>
    %convert_element_type3A_59 = arith.sitofp %convert_element_type3A_58 : vector<1024x128xi32> to vector<1024x128xf32>
    %broadcast_in_dim3A_60 = arith.constant 1.000000e+00 : f32
    %broadcast_in_dim3A_61 = vector.broadcast %broadcast_in_dim3A_60 : f32 to vector<1024x1xf32>
    %get3A_62 = arith.constant 0 : index
    %get3A_63 = arith.constant 0 : index
    %get3A_64 = vector.load %arg9[%get3A_62, %get3A_63] : memref<128x1xf32, #tpu.memory_space<vmem>>, vector<128x1xf32>
    %dot_general3A_65 = arith.constant dense<0.000000e+00> : vector<128x1xf32>
    %dot_general3A_66 = tpu.matmul %convert_element_type3A_59, %broadcast_in_dim3A_61, %dot_general3A_65 {dimension_numbers = #tpu.dot_dimension_numbers<[0], [0], [1], [1], [0, 1, 1, 1], [], []>, transpose_lhs_hint = false} : vector<1024x128xf32>, vector<1024x1xf32>, vector<128x1xf32> -> vector<128x1xf32>
    %add3A_67 = arith.addf %get3A_64, %dot_general3A_66 : vector<128x1xf32>
    %swap3A_68 = arith.constant 0 : index
    %swap3A_69 = arith.constant 0 : index
    %swap3A_70 = vector.load %arg9[%swap3A_68, %swap3A_69] : memref<128x1xf32, #tpu.memory_space<vmem>>, vector<128x1xf32>
    tpu.vector_store %arg9[%swap3A_68, %swap3A_69], %add3A_67 {strides = array<i32>} : memref<128x1xf32, #tpu.memory_space<vmem>>, vector<128x1xf32>,
    %get3A_71 = arith.constant 0 : index
    %get3A_72 = arith.constant 0 : index
    %get3A_73 = vector.load %arg10[%get3A_71, %get3A_72] : memref<128x128xf32, #tpu.memory_space<vmem>>, vector<128x128xf32>
    %dot_general3A_74 = arith.constant dense<0.000000e+00> : vector<128x128xf32>
    %dot_general3A_75 = tpu.matmul %convert_element_type3A_59, %max3A_49, %dot_general3A_74 {dimension_numbers = #tpu.dot_dimension_numbers<[0], [0], [1], [1], [0, 1, 1, 1], [], []>, transpose_lhs_hint = false} : vector<1024x128xf32>, vector<1024x128xf32>, vector<128x128xf32> -> vector<128x128xf32>
    %add3A_76 = arith.addf %get3A_73, %dot_general3A_75 : vector<128x128xf32>
    %swap3A_77 = arith.constant 0 : index
    %swap3A_78 = arith.constant 0 : index
    %swap3A_79 = vector.load %arg10[%swap3A_77, %swap3A_78] : memref<128x128xf32, #tpu.memory_space<vmem>>, vector<128x128xf32>
    tpu.vector_store %arg10[%swap3A_77, %swap3A_78], %add3A_76 {strides = array<i32>} : memref<128x128xf32, #tpu.memory_space<vmem>>, vector<128x128xf32>,
    return
  }
  func.func @transform_0(%arg0: i32) -> (i32, i32, i32) {
    %c0_i32 = arith.constant 0 : i32
    %c0_i32_0 = arith.constant 0 : i32
    %c0_i32_1 = arith.constant 0 : i32
    return %c0_i32, %arg0, %c0_i32_0 : i32, i32, i32
  }
  func.func @transform_1(%arg0: i32) -> (i32, i32) {
    %c0_i32 = arith.constant 0 : i32
    %c0_i32_0 = arith.constant 0 : i32
    return %arg0, %c0_i32 : i32, i32
  }
  func.func @transform_2(%arg0: i32) -> (i32, i32) {
    %c0_i32 = arith.constant 0 : i32
    %c0_i32_0 = arith.constant 0 : i32
    %c0_i32_1 = arith.constant 0 : i32
    return %c0_i32, %c0_i32_0 : i32, i32
  }
  func.func @transform_3(%arg0: i32) -> (i32, i32) {
    %c0_i32 = arith.constant 0 : i32
    %c0_i32_0 = arith.constant 0 : i32
    %c0_i32_1 = arith.constant 0 : i32
    return %c0_i32, %c0_i32_0 : i32, i32
  }
  func.func @transform_4(%arg0: i32) -> (i32, i32) {
    %c0_i32 = arith.constant 0 : i32
    %c0_i32_0 = arith.constant 0 : i32
    %c0_i32_1 = arith.constant 0 : i32
    return %c0_i32, %c0_i32_0 : i32, i32
  }
  func.func @transform_5(%arg0: i32) -> (i32, i32) {
    %c0_i32 = arith.constant 0 : i32
    %c0_i32_0 = arith.constant 0 : i32
    %c0_i32_1 = arith.constant 0 : i32
    return %c0_i32, %c0_i32_0 : i32, i32
  }
  func.func @transform_6(%arg0: i32) -> (i32, i32) {
    %c0_i32 = arith.constant 0 : i32
    %c0_i32_0 = arith.constant 0 : i32
    return %arg0, %c0_i32 : i32, i32
  }
  func.func @transform_7(%arg0: i32) -> (i32, i32) {
    %c0_i32 = arith.constant 0 : i32
    %c0_i32_0 = arith.constant 0 : i32
    return %arg0, %c0_i32 : i32, i32
  }
  func.func @transform_8(%arg0: i32) -> (i32, i32) {
    %c0_i32 = arith.constant 0 : i32
    %c0_i32_0 = arith.constant 0 : i32
    %c0_i32_1 = arith.constant 0 : i32
    return %c0_i32, %c0_i32_0 : i32, i32
  }
  func.func @transform_9(%arg0: i32) -> (i32, i32) {
    %c0_i32 = arith.constant 0 : i32
    %c0_i32_0 = arith.constant 0 : i32
    %c0_i32_1 = arith.constant 0 : i32
    return %c0_i32, %c0_i32_0 : i32, i32
  }
}

module attributes {stable_mosaic.version = 14 : i64} {
  func.func @body(%arg0: memref<128x1xf32, #tpu.memory_space<vmem>>, %arg1: memref<128x128xf32, #tpu.memory_space<vmem>>, %arg2: memref<32x128x128xf32, #tpu.memory_space<vmem>>, %arg3: memref<256x128xf32, #tpu.memory_space<vmem>>, %arg4: memref<1x128xf32, #tpu.memory_space<vmem>>, %arg5: memref<1x128xf32, #tpu.memory_space<vmem>>, %arg6: memref<1x128xf32, #tpu.memory_space<vmem>>, %arg7: memref<128x128xf32, #tpu.memory_space<vmem>>, %arg8: memref<1x128xf32, #tpu.memory_space<vmem>>, %arg9: memref<1x128xf32, #tpu.memory_space<vmem>>, %arg10: memref<1x128xf32, #tpu.memory_space<vmem>>, %arg11: memref<128x1xf32, #tpu.memory_space<vmem>>, %arg12: memref<1x1xf32, #tpu.memory_space<vmem>>, %arg13: memref<128x1xf32, #tpu.memory_space<vmem>>) attributes {dimension_semantics = [], scalar_prefetch = 0 : i64, scratch_operands = 0 : i64, tpu.core_type = #tpu.core_type<tc>} {
    %get3A = arith.constant 0 : index
    %get3A_0 = arith.constant 0 : index
    %get3A_1 = vector.load %arg0[%get3A, %get3A_0] : memref<128x1xf32, #tpu.memory_space<vmem>>, vector<128x1xf32>
    %get3A_2 = arith.constant 0 : index
    %get3A_3 = arith.constant 0 : index
    %get3A_4 = vector.load %arg1[%get3A_2, %get3A_3] : memref<128x128xf32, #tpu.memory_space<vmem>>, vector<128x128xf32>
    %max3A = arith.constant 1.000000e+00 : f32
    %max3A_5 = vector.broadcast %max3A : f32 to vector<128x1xf32>
    %max3A_6 = arith.maximumf %get3A_1, %max3A_5 : vector<128x1xf32>
    %div3A = vector.broadcast %max3A_6 : vector<128x1xf32> to vector<128x128xf32>
    %div3A_7 = arith.divf %get3A_4, %div3A : vector<128x128xf32>
    %get3A_8 = arith.constant 0 : index
    %get3A_9 = arith.constant 0 : index
    %get3A_10 = arith.constant 0 : index
    %get3A_11 = vector.load %arg2[%get3A_8, %get3A_9, %get3A_10] : memref<32x128x128xf32, #tpu.memory_space<vmem>>, vector<32x128x128xf32>
    %reduce_max3A = arith.constant dense<0xFF800000> : vector<128x128xf32>
    %reduce_max3A_12 = vector.multi_reduction <maximumf>, %get3A_11, %reduce_max3A [0] : vector<32x128x128xf32> to vector<128x128xf32>
    %mul3A = arith.mulf %div3A_7, %div3A_7 : vector<128x128xf32>
    %reduce_sum3A = arith.constant dense<0.000000e+00> : vector<128xf32>
    %reduce_sum3A_13 = vector.multi_reduction <add>, %mul3A, %reduce_sum3A [1] : vector<128x128xf32> to vector<128xf32>
    %broadcast_in_dim3A = vector.shape_cast %reduce_sum3A_13 : vector<128xf32> to vector<128x1xf32>
    %sqrt3A = math.sqrt %broadcast_in_dim3A : vector<128x1xf32>
    %max3A_14 = arith.constant 9.99999996E-13 : f32
    %max3A_15 = vector.broadcast %max3A_14 : f32 to vector<128x1xf32>
    %max3A_16 = arith.maximumf %sqrt3A, %max3A_15 : vector<128x1xf32>
    %div3A_17 = vector.broadcast %max3A_16 : vector<128x1xf32> to vector<128x128xf32>
    %div3A_18 = arith.divf %div3A_7, %div3A_17 : vector<128x128xf32>
    %mul3A_19 = arith.mulf %reduce_max3A_12, %reduce_max3A_12 : vector<128x128xf32>
    %reduce_sum3A_20 = arith.constant dense<0.000000e+00> : vector<128xf32>
    %reduce_sum3A_21 = vector.multi_reduction <add>, %mul3A_19, %reduce_sum3A_20 [1] : vector<128x128xf32> to vector<128xf32>
    %broadcast_in_dim3A_22 = vector.shape_cast %reduce_sum3A_21 : vector<128xf32> to vector<128x1xf32>
    %sqrt3A_23 = math.sqrt %broadcast_in_dim3A_22 : vector<128x1xf32>
    %max3A_24 = arith.constant 9.99999996E-13 : f32
    %max3A_25 = vector.broadcast %max3A_24 : f32 to vector<128x1xf32>
    %max3A_26 = arith.maximumf %sqrt3A_23, %max3A_25 : vector<128x1xf32>
    %div3A_27 = vector.broadcast %max3A_26 : vector<128x1xf32> to vector<128x128xf32>
    %div3A_28 = arith.divf %reduce_max3A_12, %div3A_27 : vector<128x128xf32>
    %concatenate3A = tpu.concatenate %div3A_18, %div3A_28 in 1 : vector<128x128xf32>, vector<128x128xf32> -> vector<128x256xf32>
    %get3A_29 = arith.constant 0 : index
    %get3A_30 = arith.constant 0 : index
    %get3A_31 = vector.load %arg3[%get3A_29, %get3A_30] : memref<256x128xf32, #tpu.memory_space<vmem>>, vector<256x128xf32>
    %dot_general3A = arith.constant dense<0.000000e+00> : vector<128x128xf32>
    %dot_general3A_32 = tpu.matmul %concatenate3A, %get3A_31, %dot_general3A {dimension_numbers = #tpu.dot_dimension_numbers<[1], [0], [0], [1], [0, 0, 1, 1], [], []>, transpose_lhs_hint = false} : vector<128x256xf32>, vector<256x128xf32>, vector<128x128xf32> -> vector<128x128xf32>
    %get3A_33 = arith.constant 0 : index
    %get3A_34 = arith.constant 0 : index
    %get3A_35 = vector.load %arg4[%get3A_33, %get3A_34] : memref<1x128xf32, #tpu.memory_space<vmem>>, vector<1x128xf32>
    %add3A = vector.broadcast %get3A_35 : vector<1x128xf32> to vector<128x128xf32>
    %add3A_36 = arith.addf %dot_general3A_32, %add3A : vector<128x128xf32>
    %get3A_37 = arith.constant 0 : index
    %get3A_38 = arith.constant 0 : index
    %get3A_39 = vector.load %arg5[%get3A_37, %get3A_38] : memref<1x128xf32, #tpu.memory_space<vmem>>, vector<1x128xf32>
    %get3A_40 = arith.constant 0 : index
    %get3A_41 = arith.constant 0 : index
    %get3A_42 = vector.load %arg6[%get3A_40, %get3A_41] : memref<1x128xf32, #tpu.memory_space<vmem>>, vector<1x128xf32>
    %reduce_sum3A_43 = arith.constant dense<0.000000e+00> : vector<128xf32>
    %reduce_sum3A_44 = vector.multi_reduction <add>, %add3A_36, %reduce_sum3A_43 [1] : vector<128x128xf32> to vector<128xf32>
    %broadcast_in_dim3A_45 = vector.shape_cast %reduce_sum3A_44 : vector<128xf32> to vector<128x1xf32>
    %div3A_46 = arith.constant 1.280000e+02 : f32
    %div3A_47 = vector.broadcast %div3A_46 : f32 to vector<128x1xf32>
    %div3A_48 = arith.divf %broadcast_in_dim3A_45, %div3A_47 : vector<128x1xf32>
    %sub3A = vector.broadcast %div3A_48 : vector<128x1xf32> to vector<128x128xf32>
    %sub3A_49 = arith.subf %add3A_36, %sub3A : vector<128x128xf32>
    %integer_pow3A = arith.mulf %sub3A_49, %sub3A_49 : vector<128x128xf32>
    %reduce_sum3A_50 = arith.constant dense<0.000000e+00> : vector<128xf32>
    %reduce_sum3A_51 = vector.multi_reduction <add>, %integer_pow3A, %reduce_sum3A_50 [1] : vector<128x128xf32> to vector<128xf32>
    %broadcast_in_dim3A_52 = vector.shape_cast %reduce_sum3A_51 : vector<128xf32> to vector<128x1xf32>
    %div3A_53 = arith.constant 1.280000e+02 : f32
    %div3A_54 = vector.broadcast %div3A_53 : f32 to vector<128x1xf32>
    %div3A_55 = arith.divf %broadcast_in_dim3A_52, %div3A_54 : vector<128x1xf32>
    %sub3A_56 = vector.broadcast %div3A_48 : vector<128x1xf32> to vector<128x128xf32>
    %sub3A_57 = arith.subf %add3A_36, %sub3A_56 : vector<128x128xf32>
    %add3A_58 = arith.constant 9.99999974E-6 : f32
    %add3A_59 = vector.broadcast %add3A_58 : f32 to vector<128x1xf32>
    %add3A_60 = arith.addf %div3A_55, %add3A_59 : vector<128x1xf32>
    %sqrt3A_61 = math.sqrt %add3A_60 : vector<128x1xf32>
    %div3A_62 = vector.broadcast %sqrt3A_61 : vector<128x1xf32> to vector<128x128xf32>
    %div3A_63 = arith.divf %sub3A_57, %div3A_62 : vector<128x128xf32>
    %mul3A_64 = vector.broadcast %get3A_39 : vector<1x128xf32> to vector<128x128xf32>
    %mul3A_65 = arith.mulf %div3A_63, %mul3A_64 : vector<128x128xf32>
    %add3A_66 = vector.broadcast %get3A_42 : vector<1x128xf32> to vector<128x128xf32>
    %add3A_67 = arith.addf %mul3A_65, %add3A_66 : vector<128x128xf32>
    %max3A_68 = arith.constant 0.000000e+00 : f32
    %max3A_69 = vector.broadcast %max3A_68 : f32 to vector<128x128xf32>
    %max3A_70 = arith.maximumf %add3A_67, %max3A_69 : vector<128x128xf32>
    %get3A_71 = arith.constant 0 : index
    %get3A_72 = arith.constant 0 : index
    %get3A_73 = vector.load %arg7[%get3A_71, %get3A_72] : memref<128x128xf32, #tpu.memory_space<vmem>>, vector<128x128xf32>
    %dot_general3A_74 = arith.constant dense<0.000000e+00> : vector<128x128xf32>
    %dot_general3A_75 = tpu.matmul %max3A_70, %get3A_73, %dot_general3A_74 {dimension_numbers = #tpu.dot_dimension_numbers<[1], [0], [0], [1], [0, 0, 1, 1], [], []>, transpose_lhs_hint = false} : vector<128x128xf32>, vector<128x128xf32>, vector<128x128xf32> -> vector<128x128xf32>
    %get3A_76 = arith.constant 0 : index
    %get3A_77 = arith.constant 0 : index
    %get3A_78 = vector.load %arg8[%get3A_76, %get3A_77] : memref<1x128xf32, #tpu.memory_space<vmem>>, vector<1x128xf32>
    %add3A_79 = vector.broadcast %get3A_78 : vector<1x128xf32> to vector<128x128xf32>
    %add3A_80 = arith.addf %dot_general3A_75, %add3A_79 : vector<128x128xf32>
    %get3A_81 = arith.constant 0 : index
    %get3A_82 = arith.constant 0 : index
    %get3A_83 = vector.load %arg9[%get3A_81, %get3A_82] : memref<1x128xf32, #tpu.memory_space<vmem>>, vector<1x128xf32>
    %get3A_84 = arith.constant 0 : index
    %get3A_85 = arith.constant 0 : index
    %get3A_86 = vector.load %arg10[%get3A_84, %get3A_85] : memref<1x128xf32, #tpu.memory_space<vmem>>, vector<1x128xf32>
    %reduce_sum3A_87 = arith.constant dense<0.000000e+00> : vector<128xf32>
    %reduce_sum3A_88 = vector.multi_reduction <add>, %add3A_80, %reduce_sum3A_87 [1] : vector<128x128xf32> to vector<128xf32>
    %broadcast_in_dim3A_89 = vector.shape_cast %reduce_sum3A_88 : vector<128xf32> to vector<128x1xf32>
    %div3A_90 = arith.constant 1.280000e+02 : f32
    %div3A_91 = vector.broadcast %div3A_90 : f32 to vector<128x1xf32>
    %div3A_92 = arith.divf %broadcast_in_dim3A_89, %div3A_91 : vector<128x1xf32>
    %sub3A_93 = vector.broadcast %div3A_92 : vector<128x1xf32> to vector<128x128xf32>
    %sub3A_94 = arith.subf %add3A_80, %sub3A_93 : vector<128x128xf32>
    %integer_pow3A_95 = arith.mulf %sub3A_94, %sub3A_94 : vector<128x128xf32>
    %reduce_sum3A_96 = arith.constant dense<0.000000e+00> : vector<128xf32>
    %reduce_sum3A_97 = vector.multi_reduction <add>, %integer_pow3A_95, %reduce_sum3A_96 [1] : vector<128x128xf32> to vector<128xf32>
    %broadcast_in_dim3A_98 = vector.shape_cast %reduce_sum3A_97 : vector<128xf32> to vector<128x1xf32>
    %div3A_99 = arith.constant 1.280000e+02 : f32
    %div3A_100 = vector.broadcast %div3A_99 : f32 to vector<128x1xf32>
    %div3A_101 = arith.divf %broadcast_in_dim3A_98, %div3A_100 : vector<128x1xf32>
    %sub3A_102 = vector.broadcast %div3A_92 : vector<128x1xf32> to vector<128x128xf32>
    %sub3A_103 = arith.subf %add3A_80, %sub3A_102 : vector<128x128xf32>
    %add3A_104 = arith.constant 9.99999974E-6 : f32
    %add3A_105 = vector.broadcast %add3A_104 : f32 to vector<128x1xf32>
    %add3A_106 = arith.addf %div3A_101, %add3A_105 : vector<128x1xf32>
    %sqrt3A_107 = math.sqrt %add3A_106 : vector<128x1xf32>
    %div3A_108 = vector.broadcast %sqrt3A_107 : vector<128x1xf32> to vector<128x128xf32>
    %div3A_109 = arith.divf %sub3A_103, %div3A_108 : vector<128x128xf32>
    %mul3A_110 = vector.broadcast %get3A_83 : vector<1x128xf32> to vector<128x128xf32>
    %mul3A_111 = arith.mulf %div3A_109, %mul3A_110 : vector<128x128xf32>
    %add3A_112 = vector.broadcast %get3A_86 : vector<1x128xf32> to vector<128x128xf32>
    %add3A_113 = arith.addf %mul3A_111, %add3A_112 : vector<128x128xf32>
    %max3A_114 = arith.constant 0.000000e+00 : f32
    %max3A_115 = vector.broadcast %max3A_114 : f32 to vector<128x128xf32>
    %max3A_116 = arith.maximumf %add3A_113, %max3A_115 : vector<128x128xf32>
    %get3A_117 = arith.constant 0 : index
    %get3A_118 = arith.constant 0 : index
    %get3A_119 = vector.load %arg11[%get3A_117, %get3A_118] : memref<128x1xf32, #tpu.memory_space<vmem>>, vector<128x1xf32>
    %dot_general3A_120 = arith.constant dense<0.000000e+00> : vector<128x1xf32>
    %dot_general3A_121 = tpu.matmul %max3A_116, %get3A_119, %dot_general3A_120 {dimension_numbers = #tpu.dot_dimension_numbers<[1], [0], [0], [1], [0, 0, 1, 1], [], []>, transpose_lhs_hint = false} : vector<128x128xf32>, vector<128x1xf32>, vector<128x1xf32> -> vector<128x1xf32>
    %get3A_122 = arith.constant 0 : index
    %get3A_123 = arith.constant 0 : index
    %get3A_124 = vector.load %arg12[%get3A_122, %get3A_123] : memref<1x1xf32, #tpu.memory_space<vmem>>, vector<1x1xf32>
    %add3A_125 = vector.broadcast %get3A_124 : vector<1x1xf32> to vector<128x1xf32>
    %add3A_126 = arith.addf %dot_general3A_121, %add3A_125 : vector<128x1xf32>
    %swap3A = arith.constant 0 : index
    %swap3A_127 = arith.constant 0 : index
    %swap3A_128 = vector.load %arg13[%swap3A, %swap3A_127] : memref<128x1xf32, #tpu.memory_space<vmem>>, vector<128x1xf32>
    tpu.vector_store %arg13[%swap3A, %swap3A_127], %add3A_126 {strides = array<i32>} : memref<128x1xf32, #tpu.memory_space<vmem>>, vector<128x1xf32>,
    return
  }
}

</mosaic_0001>

<sc_bundles>
// kernel: kernel.10.cloned.1.call-start
scs
__scs_entry_jumppad:
0x0: {  	(pc) =	sbr.rel $0x88, $3  }
0x1: {  	(tag) =	ssettag $0x0;
	lr =	simm.s32 $0x1  }
0x2: {  	[smem:$0x3F8C] =	sst lr;
	_ =	strace $0xD0000000  }
0x3: {  	_ = 	snop  }
0x4: {  	_ = 	snop  }
0x5: {  	_ = 	snop  }
0x6: {  	_ = 	snop  }
0x7: {  	_ = 	snop  }
__scs_overlays_trampoline_lowered:
0x8: {  	[smem:$0x3F9B] =	sst s0  }
0x9: {  	[smem:$0x3F9C] =	sst s1  }
0xa: {  	[smem:$0x3F9D] =	sst s2  }
0xb: {  	[smem:$0x3F9E] =	sst s3  }
0xc: {  	[smem:$0x3F9F] =	sst s4  }
0xd: {  	[smem:$0x3FA0] =	sst s5  }
0xe: {  	[smem:$0x3FA1] =	sst s6  }
0xf: {  	[smem:$0x3FA2] =	sst s7  }
0x10: {  	[smem:$0x3FA3] =	sst s8  }
0x11: {  	[smem:$0x3FA4] =	sst s9;
	s0 =	simm.s32 @!p0 $0x0  }
0x12: {  	s1 =	sld [smem:$0x3F8A];
	s0 =	simm.s32 @p0 $0x1  }
0x13: {  	[smem:$0x3FA5] =	sst s0;
	s0 =	simm.s32 @!p1 $0x0  }
0x14: {  	s2 =	sld [smem:$0x3F89];
	s0 =	simm.s32 @p1 $0x1  }
0x15: {  	[smem:$0x3FA6] =	sst s0;
	s0 =	simm.s32 @!p2 $0x0  }
0x16: {  	s3 =	sld [smem:$0x3FDB];
	s0 =	simm.s32 @p2 $0x1  }
0x17: {  	s4 =	simm.s32 $0x1BF5;
	[smem:$0x3FA8] =	sst s0  }
0x18: {  	s0 =	sld [smem:$0x3F8B];
	_ =	swait.ge [sflag:s4], $0x0  }
0x19: {  	s7 =	sld [smem:$0x3F8C]  }
0x1a: {  	s8 =	sadd.s32 $0xFFFFE003, lr  }
0x1b: {  	s9 =	sadd.s32 $0xFFFFFEF7, lr;
	s5 =	simm.s32 $0xFFFFFFFF;
	p2 =	slt.u32 s8, $0xFFFFF086  }
0x1c: {  	p1 =	slt.u32 s9, $0xF7A;
	s5 =	simm.s32 @!p2 $0x0  }
0x1d: {  	s5 =	simm.s32 @p1 $0x1;
	p0 =	seq.s32 s7, s2  }
0x1e: {  	s7 =	smul.u32 @!p0 $0xF7A, s2;
	p2 =	seq.s32 @!p0 s5, $0x0  }
0x1f: {  	s9 =	smul.u32 $0xF7A, s1;
	s8 =	simm.s32 @!p0 $0x1BF5;
	p2 =	por !p2, p0  }
0x20: {  	[sflag:s8] =	ssyncset.s32 @!p0 $0xFFFFF086;
	s6 =	sadd.s32 @!p0 s3, s7;
	s7 =	simm.s32 @!p0 $0x108  }
0x21: {  	s3 =	sadd.s32 s3, s9;
	s6 =	sadd.s32 @!p0 $0x88, s6;
	s7 =	simm.s32 @p2 $0x1082  }
0x22: {  	[simem:s7], [sflag:s8] =	dma.local @!p0 [hbm:s6], $0xF7A  }
0x23: {  	s9 =	sor.u32 $0xD0000000, s2;
	s6 =	simm.s32 $0x108;
	_ =	swait.ge @!p0 [sflag:s8], $0x0  }
0x24: {  	s3 =	sadd.s32 $0x88, s3;
	s6 =	simm.s32 @!p1 $0x1082;
	[sflag:s4] =	ssyncset.s32 $0xFFFFF086  }
0x25: {  	[simem:s6], [sflag:s4] =	dma.local [hbm:s3], $0xF7A  }
0x26: {  	[smem:$0x3F8C] =	sst s1;
	(tag) =	ssettag s2;
	_ =	strace s9  }
0x27: {  	s1 =	sld [smem:$0x3F9C]  }
0x28: {  	s2 =	sld [smem:$0x3F9D]  }
0x29: {  	s4 =	sld [smem:$0x3F9F]  }
0x2a: {  	p0 =	seq.s32 s5, $0x0;
	s5 =	sld [smem:$0x3FA0]  }
0x2b: {  	s6 =	sld [smem:$0x3FA1]  }
0x2c: {  	s7 =	sld [smem:$0x3FA2]  }
0x2d: {  	s3 =	simm.s32 $0x108;
	s8 =	sld [smem:$0x3FA3]  }
0x2e: {  	s3 =	simm.s32 @!p0 $0x1082;
	s9 =	sld [smem:$0x3FA4]  }
0x2f: {  	lr =	sadd.s32 s0, s3;
	s0 =	sld [smem:$0x3F9B]  }
0x30: {  	s3 =	sld [smem:$0x3F9E]  }
0x31: {  	[smem:$0x3FA7] =	sst s10  }
0x32: {  	s10 =	sld [smem:$0x3FA5];
	_ =	sdelay $0x3  }
0x33: {  	p0 =	seq.s32 s10, $0x1;
	s10 =	sld [smem:$0x3FA7];
	_ =	sdelay $0x3  }
0x34: {  	[smem:$0x3FA7] =	sst s10  }
0x35: {  	s10 =	sld [smem:$0x3FA6];
	_ =	sdelay $0x3  }
0x36: {  	p1 =	seq.s32 s10, $0x1;
	s10 =	sld [smem:$0x3FA7];
	_ =	sdelay $0x3  }
0x37: {  	[smem:$0x3FA7] =	sst s10  }
0x38: {  	s10 =	sld [smem:$0x3FA8]  }
0x39: {  	_ = 	snop;
	(pc) =	sbr.ind lr, $3  }
0x3a: {  	_ = 	snop  }
0x3b: {  	_ = 	snop  }
0x3c: {  	p2 =	seq.s32 s10, $0x1;
	s10 =	sld [smem:$0x3FA7]  }
0x3d: {  	_ =	shalt  }
0x3e: {  	_ =	shalt  }
0x3f: {  	_ =	shalt  }
0x40: {  	_ =	shalt  }
0x41: {  	_ =	shalt  }
0x42: {  	_ =	shalt  }
0x43: {  	_ =	shalt  }
0x44: {  	_ =	shalt  }
0x45: {  	_ =	shalt  }
0x46: {  	_ =	shalt  }
0x47: {  	_ =	shalt  }
0x48: {  	_ =	shalt  }
0x49: {  	_ =	shalt  }
0x4a: {  	_ =	shalt  }
0x4b: {  	_ =	shalt  }
0x4c: {  	_ =	shalt  }
0x4d: {  	_ =	shalt  }
0x4e: {  	_ =	shalt  }
0x4f: {  	_ =	shalt  }
0x50: {  	_ =	shalt  }
0x51: {  	_ =	shalt  }
0x52: {  	_ =	shalt  }
0x53: {  	_ =	shalt  }
0x54: {  	_ =	shalt  }
0x55: {  	_ =	shalt  }
0x56: {  	_ =	shalt  }
0x57: {  	_ =	shalt  }
0x58: {  	_ =	shalt  }
0x59: {  	_ =	shalt  }
0x5a: {  	_ =	shalt  }
0x5b: {  	_ =	shalt  }
0x5c: {  	_ =	shalt  }
0x5d: {  	_ =	shalt  }
0x5e: {  	_ =	shalt  }
0x5f: {  	_ =	shalt  }
0x60: {  	_ =	shalt  }
0x61: {  	_ =	shalt  }
0x62: {  	_ =	shalt  }
0x63: {  	_ =	shalt  }
0x64: {  	_ =	shalt  }
0x65: {  	_ =	shalt  }
0x66: {  	_ =	shalt  }
0x67: {  	_ =	shalt  }
0x68: {  	_ =	shalt  }
0x69: {  	_ =	shalt  }
0x6a: {  	_ =	shalt  }
0x6b: {  	_ =	shalt  }
0x6c: {  	_ =	shalt  }
0x6d: {  	_ =	shalt  }
0x6e: {  	_ =	shalt  }
0x6f: {  	_ =	shalt  }
0x70: {  	_ =	shalt  }
0x71: {  	_ =	shalt  }
0x72: {  	_ =	shalt  }
0x73: {  	_ =	shalt  }
0x74: {  	_ =	shalt  }
0x75: {  	_ =	shalt  }
0x76: {  	_ =	shalt  }
0x77: {  	_ =	shalt  }
0x78: {  	_ =	shalt  }
0x79: {  	_ =	shalt  }
0x7a: {  	_ =	shalt  }
0x7b: {  	_ =	shalt  }
0x7c: {  	_ =	shalt  }
0x7d: {  	_ =	shalt  }
0x7e: {  	_ =	shalt  }
0x7f: {  	_ =	shalt  }
0x80: {  	_ =	shalt  }
0x81: {  	_ =	shalt  }
0x82: {  	_ =	shalt  }
0x83: {  	_ =	shalt  }
0x84: {  	_ =	shalt  }
0x85: {  	_ =	shalt  }
0x86: {  	_ =	shalt  }
0x87: {  	_ =	shalt  }
.Lfunc_end0:
.L_simem_size_0:
called_computation_lowered:
.L_overlay_start_0:
0x88: {  	s2 =	sld [smem:$0x3FD9]  }
0x89: {  	s3 =	sld [smem:$0x3FFE];
	_ =	sdelay $0x1  }
0x8a: {  	s1 =	srdreg.scid  }
0x8b: {  	s0 =	sand.u32 $0x1, s1  }
0x8c: {  	s17 =	sshll.u32 s0, $0xA;
	s2 =	sadd.s32 s3, s2  }
0x8d: {  	s2 =	sadd.s32 s2, s17  }
0x8e: {  	[smem:$0x3FB3] =	sst s2  }
0x8f: {  	_ = 	snop  }
0x90: {  	s2 =	sld [smem:$0x3FD0];
	(tm) =	ssettm $0x1  }
0x91: {  	s18 =	sld [smem:$0x3FFB];
	_ =	sdelay $0x3  }
0x92: {  	_ =	strace s18  }
0x93: {  	s3 =	sld [smem:$0x3FFC];
	_ =	sdelay $0x3  }
0x94: {  	_ =	strace s3  }
0x95: {  	s3 =	sld [smem:$0x3FFD];
	_ =	sdelay $0x3  }
0x96: {  	_ =	strace s3  }
0x97: {  	_ =	strace $0x8FFFFFFF  }
0x98: {  	s19 =	sld [smem:$0x3FDB];
	_ =	sdelay $0x1  }
0x99: {  	s4 =	simm.s32 $_scs_section_size  }
0x9a: {  	s5 =	simm.s32 $_size__tile_overlayer_lowered;
	s6 =	simm.s32 $_tile_overlayer_lowered  }
0x9b: {  	s22 =	simm.s32 $0x1BFF;
	s21 =	sshll.u32 s6, $0x1;
	s3 =	sadd.s32 s4, s19  }
0x9c: {  	s7 =	simm.s32 $0x0;
	s20 =	sshll.u32 s5, $0x1;
	s5 =	sadd.s32 s21, s3  }
0x9d: {  	[timem:s7], [sflag:s22] =	dma.local [hbm:s5], s20  }
0x9e: {  	_ =	swait.ge [sflag:s22], s20  }
0x9f: {  	s4 =	ssub.s32 $0x0, s20;
	[sflag:s22] =	ssyncset.done $0x0  }
0xa0: {  	[sflag:s22] =	ssyncadd.s32 s4;
	_ =	sdelay $0x1  }
0xa1: {  	s23 =	simm.s32 $0x1B8B  }
0xa2: {  	_ =	swait.ge [sflag:s23], $0x1  }
0xa3: {  	[sflag:s23] =	ssyncset.done $0x0  }
0xa4: {  	s25 =	simm.s32 $0x1B8E;
	s24 =	sld [smem:$0x3FFE];
	[sflag:s23] =	ssyncadd.s32 $0xFFFFFFFF  }
0xa5: {  	s26 =	simm.s32 $execute0_lowered;
	[smem:$0x3FD2] =	sst s25  }
0xa6: {  	s5 =	sshll.u32 s26, $0x1;
	_ =	strace $0x80000046;
	[dreg:$0x1] =	wrdreg $0xFFFFFFFF  }
0xa7: {  	s28 =	simm.s32 $_size_execute0_lowered;
	s3 =	sadd.s32 s3, s5;
	[dreg:$0x0] =	wrdreg $0x0  }
0xa8: {  	s5 =	sshll.u32 s28, $0x1;
	[dreg:$0x2] =	wrdreg s3  }
0xa9: {  	[dreg:$0x3] =	wrdreg s5  }
0xaa: {  	[dreg:$0x4] =	wrdreg $0xC0  }
0xab: {  	_ =	task [dreg:s7], $0x5FFFF  }
0xac: {  	[dreg:$0x1] =	wrdreg $0xFFFFFFFF  }
0xad: {  	[dreg:$0x0] =	wrdreg $0x60  }
0xae: {  	[dreg:$0x2] =	wrdreg s24  }
0xaf: {  	[dreg:$0x3] =	wrdreg s2  }
0xb0: {  	[dreg:$0x4] =	wrdreg $0x0  }
0xb1: {  	[dreg:$0x5] =	wrdreg $0x2800  }
0xb2: {  	[dreg:$0x6] =	wrdreg $0x9  }
0xb3: {  	_ =	task.clear_ibuf [dreg:s7], $0x7FFFF;
	_ =	strace $0x90000046  }
0xb4: {  	s29 =	simm.s32 $0x9;
	_ =	strace $0x80000048  }
0xb5: {  	_ =	swait.ge [sflag:s29], $0x1  }
0xb6: {  	[sflag:s29] =	ssyncadd.s32 $0xFFFFFFFF  }
0xb7: {  	_ =	strace $0x90000048  }
0xb8: {  	_ =	sfence  }
0xb9: {  	s30 =	sld [smem:$0x0];
	_ =	sdelay $0x2  }
0xba: {  	s31 =	sshll.u32 s1, $0xD;
	s1 =	sshrl.u32 s1, $0x2  }
0xbb: {  	s3 =	sand.u32 $0x4000, s31;
	s1 =	sadd.s32 s1, s30  }
0xbc: {  	s0 =	sor.u32 s3, s0;
	s1 =	sshll.u32 s1, $0x11  }
0xbd: {  	s0 =	sor.u32 s1, s0  }
0xbe: {  	s0 =	sadd.s32 $0x8F2B, s0  }
0xbf: {  	[sflag:s0] =	ssyncadd.remote.s32 $0x1  }
0xc0: {  	_ =	sfence.sel $0xFFFF  }
0xc1: {  	[dreg:$0x0] =	wrdreg $0xFFFFFFFF;
	(pc) =	sbr.abs _section_cstart, $3  }
0xc2: {  	[dreg:$0x1] =	wrdreg $0xFFFFFFFF  }
0xc3: {  	_ =	task.clear_ibuf [dreg:s7], $0x2FFFF;
	_ =	strace $0x9FFFFFFF  }
0xc4: {  	(tm) =	ssettm $0x7FFFFFFF  }
0xc5: {  	_ =	shalt  }
tec
execute0_lowered:
.L_overlay_start_1:
0x0: {  	(tag) =	ssettag $0x1  }
0x1: {  	s7 =	rddreg [dreg:$0x0]  }
0x2: {  	s1 =	rddreg [dreg:$0x1]  }
0x3: {  	s2 =	srdreg.scid;
	s3 =	rddreg [dreg:$0x2]  }
0x4: {  	s0 =	stileid.u32;
	s4 =	rddreg [dreg:$0x3];
	s5 =	simm.s32 $0x0  }
0x5: {  	s17 =	simm.s32 $0x580;
	s18 =	simm.s32 $0x2D80;
	s19 =	simm.s32 $0x80  }
0x6: {  	s20 =	simm.s32 $0x20;
	s21 =	simm.s32 $0x10;
	s22 =	simm.s32 $0x0  }
0x7: {  	s8 =	sand.u32 $0x1, s2;
	s25 =	sshll.u32 s0, $0x1;
	s2 =	rddreg [dreg:$0x4]  }
0x8: {  	[smem:$0x7FF] =	sst s5;
	s12 =	smul.u32 $0x280, s0;
	s13 =	sadd.s32 $0x18A00, s7  }
0x9: {  	s26 =	smul.u32 $0x500, s0;
	s28 =	sshll.u32 s0, $0x6;
	s6 =	sor.u32 s8, s25  }
0xa: {  	_ =	strace $0x80000047;
	s10 =	ssub.s32 $0x2, s8;
	s8 =	sshll.u32 s8, $0x7  }
0xb: {  	s6 =	smul.u32 $0x500, s6;
	s11 =	sshrl.u32 s10, $0x1;
	s15 =	sadd.s32 s12, s3  }
0xc: {  	s16 =	sadd.s32 s12, s4;
	s14 =	ssub.s32 s10, s11;
	s10 =	sor.u32 s8, s26  }
0xd: {  	s9 =	sadd.s32 s6, s7;
	s6 =	sadd.s32 $0x18800, s7;
	s7 =	sor.u32 $0x1C01, s28  }
0xe: {  	s29 =	sshrl.u32 s10, $0x3;
	s30 =	sadd.s32 $0x5000, s10;
	s12 =	smax.u32 s14, $0x1  }
0xf: {  	s14 =	simm.s32 $0x1;
	s8 =	sadd.s32 $0xE800, s9;
	s31 =	sshrl.u32 s30, $0x3  }
0x10: {  	s9 =	sadd.s32 $0x4800, s9;
	s10 =	sadd.s32 s13, s29;
	s11 =	sadd.s32 s13, s31  }
0x11: {  	s13 =	sshrl.u32 s15, $0x3;
	s15 =	sshrl.u32 s16, $0x3;
	s16 =	simm.s32 $0x500  }
.LBB2_1:
0x12: {  	[spmem:s13], [sflag:s7] =	dma.local [hbm:s6], $0x50  }
0x13: {  	_ =	swait.ge [sflag:s14], $0x50  }
0x14: {  	[sflag:s14] =	ssyncset.done $0x0  }
0x15: {  	[sflag:s14] =	ssyncadd.s32 $0xFFFFFFB0  }
0x16: {  	[spmem:s15], [sflag:s7] =	dma.local [hbm:s6], $0x50  }
0x17: {  	_ =	swait.ge [sflag:s14], $0x50  }
0x18: {  	[sflag:s14] =	ssyncset.done $0x0  }
0x19: {  	[sflag:s14] =	ssyncadd.s32 $0xFFFFFFB0  }
0x1a: {  	[tilespmem:s16], [sflag:$0x1] =	stream.linear.gather [hbm4b:s1+s5], $0x80, $0x38;
	[tilespmem:$0x5580] =	vst v63  }
0x1b: {  	_ =	swait.ge [sflag:s14], $0x80  }
0x1c: {  	[sflag:s14] =	ssyncset.done $0x0  }
0x1d: {  	[sflag:s14] =	ssyncadd.s32 $0xFFFFFF80  }
0x1e: {  	[tilespmem:s17], [sflag:$0x1] =	stream.linear.gather [hbm4b:s8+s5], $0x2800, $0x38;
	[tilespmem:$0x5580] =	vst v63  }
0x1f: {  	_ =	swait.ge [sflag:s14], $0x2800  }
0x20: {  	[sflag:s14] =	ssyncset.done $0x0  }
0x21: {  	[sflag:s14] =	ssyncadd.s32 $0xFFFFD800  }
0x22: {  	[tilespmem:s18], [sflag:$0x1] =	stream.linear.gather [hbm4b:s9+s5], $0x2800, $0x38;
	[tilespmem:$0x5580] =	vst v63  }
0x23: {  	_ =	swait.ge [sflag:s14], $0x2800  }
0x24: {  	[sflag:s14] =	ssyncset.done $0x0  }
0x25: {  	[sflag:s14] =	ssyncadd.s32 $0xFFFFD800  }
0x26: {  	s23 =	simm.s32 $0x580;
	[bflag:$0x0] =	sbarrier.arrive $0xFFFF  }
0x27: {  	[spmem:s3] =	stream.indirect.scatter.add.f32 [tilespmem:s16], [sflag:$0x1], $0x1, s23, s19, $0xb8;
	[tilespmem:$0x5580] =	vst v63  }
0x28: {  	_ =	swait.ge [sflag:s14], $0x80  }
0x29: {  	[sflag:s14] =	ssyncset.done $0x0  }
0x2a: {  	s31 =	simm.s32 $0x2D80;
	[sflag:s14] =	ssyncadd.s32 $0xFFFFFF80  }
0x2b: {  	[spmem:s4] =	stream.indirect.scatter.add.f32 [tilespmem:s16], [sflag:$0x1], $0x1, s31, s19, $0xb8;
	[tilespmem:$0x5580] =	vst v63  }
0x2c: {  	_ =	swait.ge [sflag:s14], $0x80  }
0x2d: {  	s24 =	simm.s32 $0x400;
	s23 =	simm.s32 $0x80;
	[sflag:s14] =	ssyncset.done $0x0  }
.LBB2_2:
0x2e: {  	s25 =	sadd.s32 $0x580, s23  }
0x2f: {  	[sflag:s14] =	ssyncadd.s32 $0xFFFFFF80;
	s26 =	smov.u32 s24;
	s28 =	sadd.s32 $0x200, s24  }
0x30: {  	[spmem:s3] =	stream.indirect.scatter.add.f32 [tilespmem:s16], [sflag:$0x1], $0x1, s25, s19, $0xb8;
	[tilespmem:$0x5580] =	vst v63  }
0x31: {  	p0 =	sne.s32 s24, $0x9E00;
	_ =	swait.ge [sflag:s14], $0x80  }
.Ltmp0:
0x32: {  	[sflag:s14] =	ssyncset.done $0x0;
	(pc) =	sbr.rel @p0 .LBB2_2-.Ltmp0, $4  }
0x33: {  	s23 =	sadd.s32 $0x2D80, s23;
	[sflag:s14] =	ssyncadd.s32 $0xFFFFFF80  }
0x34: {  	[spmem:s4] =	stream.indirect.scatter.add.f32 [tilespmem:s16], [sflag:$0x1], $0x1, s23, s19, $0xb8;
	[tilespmem:$0x5580] =	vst v63  }
0x35: {  	_ =	swait.ge [sflag:s14], $0x80  }
0x36: {  	s24 =	smov.u32 s28;
	s23 =	sshra.s32 s26, $0x2;
	[sflag:s14] =	ssyncset.done $0x0  }
0x37: {  	s24 =	sadd.s32 $0x580, s23;
	[sflag:s14] =	ssyncadd.s32 $0xFFFFFF80  }
0x38: {  	[spmem:s3] =	stream.indirect.scatter.add.f32 [tilespmem:s16], [sflag:$0x1], $0x1, s24, s19, $0xb8;
	[tilespmem:$0x5580] =	vst v63  }
0x39: {  	_ =	swait.ge [sflag:s14], $0x80  }
0x3a: {  	[sflag:s14] =	ssyncset.done $0x0  }
0x3b: {  	s31 =	sadd.s32 $0x2D80, s23;
	[sflag:s14] =	ssyncadd.s32 $0xFFFFFF80  }
0x3c: {  	[spmem:s4] =	stream.indirect.scatter.add.f32 [tilespmem:s16], [sflag:$0x1], $0x1, s31, s19, $0xb8;
	[tilespmem:$0x5580] =	vst v63  }
0x3d: {  	_ =	swait.ge [sflag:s14], $0x80  }
0x3e: {  	[sflag:s14] =	ssyncset.done $0x0  }
0x3f: {  	[sflag:s14] =	ssyncadd.s32 $0xFFFFFF80  }
0x40: {  	[bflag:$0x0] =	sbarrier.arrive $0xFFFF  }
0x41: {  	[hbm:s10@s20], [sflag:s7] =	dma.strided [spmem:s13@s21], $0x50, s14, $0x10   }
0x42: {  	s22 =	sadd.s32 $0x1, s22;
	_ =	swait.ge [sflag:s14], $0x50  }
0x43: {  	p0 =	sne.s32 s22, s12;
	[sflag:s14] =	ssyncset.done $0x0  }
.Ltmp1:
0x44: {  	[sflag:s14] =	ssyncadd.s32 $0xFFFFFFB0;
	(pc) =	sbr.rel @p0 .LBB2_1-.Ltmp1, $4  }
0x45: {  	[hbm:s11@s20], [sflag:s7] =	dma.strided [spmem:s15@s21], $0x50, s14, $0x10   }
0x46: {  	_ =	swait.ge [sflag:s14], $0x50  }
0x47: {  	[sflag:s14] =	ssyncset.done $0x0  }
0x48: {  	[sflag:s14] =	ssyncadd.s32 $0xFFFFFFB0  }
0x49: {  	_ =	sfence.sel $0x180000  }
0x4a: {  	[bflag:$0x0] =	sbarrier.arrive $0xFFFF  }
0x4b: {  	p0 =	sne.s32 s0, $0x0;
	_ =	strace $0x90000047  }
0x4c: {  	s0 =	sadd.s32 @!p0 $0x100000, s2;
	[bflag:$0x2] =	sbarrier.arrive $0xFFFF  }
0x4d: {  	[sflag:s0] =	ssyncadd.tile.s32 @!p0 $0x1;
	_ =	shalt  }
.Lfunc_end2:
_tile_overlayer_lowered:
.L_overlay_start_2:
0x4e: {  	(tag) =	ssettag $0x2  }
0x4f: {  	s0 =	rddreg [dreg:$0x0];
	s2 =	stileid.u32  }
0x50: {  	s1 =	rddreg [dreg:$0x1];
	p0 =	sne.s32 s2, $0x0  }
0x51: {  	s3 =	rddreg [dreg:$0x2];
	[bflag:$0x3] =	sbarrier.arrive $0xFFFF;
	s2 =	simm.s32 @!p0 $0x1C01  }
0x52: {  	[timem:s3], [sflag:s2] =	dma.local @!p0 [hbm:s0], s1  }
0x53: {  	s0 =	simm.s32 @!p0 $0x1  }
0x54: {  	_ =	swait.ge @!p0 [sflag:s0], s1  }
0x55: {  	s1 =	ssub.s32 @!p0 $0x0, s1;
	[sflag:s0] =	ssyncset.done @!p0 $0x0  }
0x56: {  	[sflag:s0] =	ssyncadd.s32 @!p0 s1  }
0x57: {  	[bflag:$0x3] =	sbarrier.arrive $0xFFFF  }
0x58: {  	_ =	shalt  }

// kernel: kernel.13.cloned.1.call-start
scs
__scs_entry_jumppad:
0x0: {  	(pc) =	sbr.rel $0x88, $3  }
0x1: {  	(tag) =	ssettag $0x0;
	lr =	simm.s32 $0x1  }
0x2: {  	[smem:$0x3F8C] =	sst lr;
	_ =	strace $0xD0000000  }
0x3: {  	_ = 	snop  }
0x4: {  	_ = 	snop  }
0x5: {  	_ = 	snop  }
0x6: {  	_ = 	snop  }
0x7: {  	_ = 	snop  }
__scs_overlays_trampoline_lowered:
0x8: {  	[smem:$0x3F9B] =	sst s0  }
0x9: {  	[smem:$0x3F9C] =	sst s1  }
0xa: {  	[smem:$0x3F9D] =	sst s2  }
0xb: {  	[smem:$0x3F9E] =	sst s3  }
0xc: {  	[smem:$0x3F9F] =	sst s4  }
0xd: {  	[smem:$0x3FA0] =	sst s5  }
0xe: {  	[smem:$0x3FA1] =	sst s6  }
0xf: {  	[smem:$0x3FA2] =	sst s7  }
0x10: {  	[smem:$0x3FA3] =	sst s8  }
0x11: {  	[smem:$0x3FA4] =	sst s9;
	s0 =	simm.s32 @!p0 $0x0  }
0x12: {  	s1 =	sld [smem:$0x3F8A];
	s0 =	simm.s32 @p0 $0x1  }
0x13: {  	[smem:$0x3FA5] =	sst s0;
	s0 =	simm.s32 @!p1 $0x0  }
0x14: {  	s2 =	sld [smem:$0x3F89];
	s0 =	simm.s32 @p1 $0x1  }
0x15: {  	[smem:$0x3FA6] =	sst s0;
	s0 =	simm.s32 @!p2 $0x0  }
0x16: {  	s3 =	sld [smem:$0x3FDB];
	s0 =	simm.s32 @p2 $0x1  }
0x17: {  	s4 =	simm.s32 $0x1BF5;
	[smem:$0x3FA8] =	sst s0  }
0x18: {  	s0 =	sld [smem:$0x3F8B];
	_ =	swait.ge [sflag:s4], $0x0  }
0x19: {  	s7 =	sld [smem:$0x3F8C]  }
0x1a: {  	s8 =	sadd.s32 $0xFFFFE003, lr  }
0x1b: {  	s9 =	sadd.s32 $0xFFFFFEF7, lr;
	s5 =	simm.s32 $0xFFFFFFFF;
	p2 =	slt.u32 s8, $0xFFFFF086  }
0x1c: {  	p1 =	slt.u32 s9, $0xF7A;
	s5 =	simm.s32 @!p2 $0x0  }
0x1d: {  	s5 =	simm.s32 @p1 $0x1;
	p0 =	seq.s32 s7, s2  }
0x1e: {  	s7 =	smul.u32 @!p0 $0xF7A, s2;
	p2 =	seq.s32 @!p0 s5, $0x0  }
0x1f: {  	s9 =	smul.u32 $0xF7A, s1;
	s8 =	simm.s32 @!p0 $0x1BF5;
	p2 =	por !p2, p0  }
0x20: {  	[sflag:s8] =	ssyncset.s32 @!p0 $0xFFFFF086;
	s6 =	sadd.s32 @!p0 s3, s7;
	s7 =	simm.s32 @!p0 $0x108  }
0x21: {  	s3 =	sadd.s32 s3, s9;
	s6 =	sadd.s32 @!p0 $0x88, s6;
	s7 =	simm.s32 @p2 $0x1082  }
0x22: {  	[simem:s7], [sflag:s8] =	dma.local @!p0 [hbm:s6], $0xF7A  }
0x23: {  	s9 =	sor.u32 $0xD0000000, s2;
	s6 =	simm.s32 $0x108;
	_ =	swait.ge @!p0 [sflag:s8], $0x0  }
0x24: {  	s3 =	sadd.s32 $0x88, s3;
	s6 =	simm.s32 @!p1 $0x1082;
	[sflag:s4] =	ssyncset.s32 $0xFFFFF086  }
0x25: {  	[simem:s6], [sflag:s4] =	dma.local [hbm:s3], $0xF7A  }
0x26: {  	[smem:$0x3F8C] =	sst s1;
	(tag) =	ssettag s2;
	_ =	strace s9  }
0x27: {  	s1 =	sld [smem:$0x3F9C]  }
0x28: {  	s2 =	sld [smem:$0x3F9D]  }
0x29: {  	s4 =	sld [smem:$0x3F9F]  }
0x2a: {  	p0 =	seq.s32 s5, $0x0;
	s5 =	sld [smem:$0x3FA0]  }
0x2b: {  	s6 =	sld [smem:$0x3FA1]  }
0x2c: {  	s7 =	sld [smem:$0x3FA2]  }
0x2d: {  	s3 =	simm.s32 $0x108;
	s8 =	sld [smem:$0x3FA3]  }
0x2e: {  	s3 =	simm.s32 @!p0 $0x1082;
	s9 =	sld [smem:$0x3FA4]  }
0x2f: {  	lr =	sadd.s32 s0, s3;
	s0 =	sld [smem:$0x3F9B]  }
0x30: {  	s3 =	sld [smem:$0x3F9E]  }
0x31: {  	[smem:$0x3FA7] =	sst s10  }
0x32: {  	s10 =	sld [smem:$0x3FA5];
	_ =	sdelay $0x3  }
0x33: {  	p0 =	seq.s32 s10, $0x1;
	s10 =	sld [smem:$0x3FA7];
	_ =	sdelay $0x3  }
0x34: {  	[smem:$0x3FA7] =	sst s10  }
0x35: {  	s10 =	sld [smem:$0x3FA6];
	_ =	sdelay $0x3  }
0x36: {  	p1 =	seq.s32 s10, $0x1;
	s10 =	sld [smem:$0x3FA7];
	_ =	sdelay $0x3  }
0x37: {  	[smem:$0x3FA7] =	sst s10  }
0x38: {  	s10 =	sld [smem:$0x3FA8]  }
0x39: {  	_ = 	snop;
	(pc) =	sbr.ind lr, $3  }
0x3a: {  	_ = 	snop  }
0x3b: {  	_ = 	snop  }
0x3c: {  	p2 =	seq.s32 s10, $0x1;
	s10 =	sld [smem:$0x3FA7]  }
0x3d: {  	_ =	shalt  }
0x3e: {  	_ =	shalt  }
0x3f: {  	_ =	shalt  }
0x40: {  	_ =	shalt  }
0x41: {  	_ =	shalt  }
0x42: {  	_ =	shalt  }
0x43: {  	_ =	shalt  }
0x44: {  	_ =	shalt  }
0x45: {  	_ =	shalt  }
0x46: {  	_ =	shalt  }
0x47: {  	_ =	shalt  }
0x48: {  	_ =	shalt  }
0x49: {  	_ =	shalt  }
0x4a: {  	_ =	shalt  }
0x4b: {  	_ =	shalt  }
0x4c: {  	_ =	shalt  }
0x4d: {  	_ =	shalt  }
0x4e: {  	_ =	shalt  }
0x4f: {  	_ =	shalt  }
0x50: {  	_ =	shalt  }
0x51: {  	_ =	shalt  }
0x52: {  	_ =	shalt  }
0x53: {  	_ =	shalt  }
0x54: {  	_ =	shalt  }
0x55: {  	_ =	shalt  }
0x56: {  	_ =	shalt  }
0x57: {  	_ =	shalt  }
0x58: {  	_ =	shalt  }
0x59: {  	_ =	shalt  }
0x5a: {  	_ =	shalt  }
0x5b: {  	_ =	shalt  }
0x5c: {  	_ =	shalt  }
0x5d: {  	_ =	shalt  }
0x5e: {  	_ =	shalt  }
0x5f: {  	_ =	shalt  }
0x60: {  	_ =	shalt  }
0x61: {  	_ =	shalt  }
0x62: {  	_ =	shalt  }
0x63: {  	_ =	shalt  }
0x64: {  	_ =	shalt  }
0x65: {  	_ =	shalt  }
0x66: {  	_ =	shalt  }
0x67: {  	_ =	shalt  }
0x68: {  	_ =	shalt  }
0x69: {  	_ =	shalt  }
0x6a: {  	_ =	shalt  }
0x6b: {  	_ =	shalt  }
0x6c: {  	_ =	shalt  }
0x6d: {  	_ =	shalt  }
0x6e: {  	_ =	shalt  }
0x6f: {  	_ =	shalt  }
0x70: {  	_ =	shalt  }
0x71: {  	_ =	shalt  }
0x72: {  	_ =	shalt  }
0x73: {  	_ =	shalt  }
0x74: {  	_ =	shalt  }
0x75: {  	_ =	shalt  }
0x76: {  	_ =	shalt  }
0x77: {  	_ =	shalt  }
0x78: {  	_ =	shalt  }
0x79: {  	_ =	shalt  }
0x7a: {  	_ =	shalt  }
0x7b: {  	_ =	shalt  }
0x7c: {  	_ =	shalt  }
0x7d: {  	_ =	shalt  }
0x7e: {  	_ =	shalt  }
0x7f: {  	_ =	shalt  }
0x80: {  	_ =	shalt  }
0x81: {  	_ =	shalt  }
0x82: {  	_ =	shalt  }
0x83: {  	_ =	shalt  }
0x84: {  	_ =	shalt  }
0x85: {  	_ =	shalt  }
0x86: {  	_ =	shalt  }
0x87: {  	_ =	shalt  }
.Lfunc_end0:
.L_simem_size_0:
called_computation.1_lowered:
.L_overlay_start_0:
0x88: {  	s2 =	sld [smem:$0x3FD9]  }
0x89: {  	s3 =	sld [smem:$0x3FFE];
	_ =	sdelay $0x1  }
0x8a: {  	s1 =	srdreg.scid  }
0x8b: {  	s0 =	sand.u32 $0x1, s1  }
0x8c: {  	s16 =	sshll.u32 s0, $0xA;
	s2 =	sadd.s32 s3, s2  }
0x8d: {  	s2 =	sadd.s32 s2, s16  }
0x8e: {  	[smem:$0x3FB3] =	sst s2  }
0x8f: {  	_ = 	snop  }
0x90: {  	(tm) =	ssettm $0x1  }
0x91: {  	s17 =	sld [smem:$0x3FFB];
	_ =	sdelay $0x3  }
0x92: {  	_ =	strace s17  }
0x93: {  	s2 =	sld [smem:$0x3FFC];
	_ =	sdelay $0x3  }
0x94: {  	_ =	strace s2  }
0x95: {  	s2 =	sld [smem:$0x3FFD];
	_ =	sdelay $0x3  }
0x96: {  	_ =	strace s2  }
0x97: {  	_ =	strace $0x8FFFFFFF  }
0x98: {  	s18 =	sld [smem:$0x3FDB];
	_ =	sdelay $0x1  }
0x99: {  	s19 =	simm.s32 $_scs_section_size  }
0x9a: {  	s4 =	simm.s32 $_size__tile_overlayer_lowered;
	s5 =	simm.s32 $_tile_overlayer_lowered  }
0x9b: {  	s22 =	simm.s32 $0x1BFF;
	s21 =	sshll.u32 s5, $0x1;
	s2 =	sadd.s32 s19, s18  }
0x9c: {  	s6 =	simm.s32 $0x0;
	s20 =	sshll.u32 s4, $0x1;
	s4 =	sadd.s32 s21, s2  }
0x9d: {  	[timem:s6], [sflag:s22] =	dma.local [hbm:s4], s20  }
0x9e: {  	_ =	swait.ge [sflag:s22], s20  }
0x9f: {  	s3 =	ssub.s32 $0x0, s20;
	[sflag:s22] =	ssyncset.done $0x0  }
0xa0: {  	[sflag:s22] =	ssyncadd.s32 s3;
	_ =	sdelay $0x1  }
0xa1: {  	s23 =	simm.s32 $0x1B8B  }
0xa2: {  	_ =	swait.ge [sflag:s23], $0x1  }
0xa3: {  	[sflag:s23] =	ssyncset.done $0x0  }
0xa4: {  	s25 =	simm.s32 $0x1B8E;
	s24 =	sld [smem:$0x3FFE];
	[sflag:s23] =	ssyncadd.s32 $0xFFFFFFFF  }
0xa5: {  	s26 =	simm.s32 $execute0_lowered;
	[smem:$0x3FD2] =	sst s25  }
0xa6: {  	s4 =	sshll.u32 s26, $0x1;
	_ =	strace $0x80000049;
	[dreg:$0x1] =	wrdreg $0xFFFFFFFF  }
0xa7: {  	s28 =	simm.s32 $_size_execute0_lowered;
	s2 =	sadd.s32 s2, s4;
	[dreg:$0x0] =	wrdreg $0x0  }
0xa8: {  	s4 =	sshll.u32 s28, $0x1;
	[dreg:$0x2] =	wrdreg s2  }
0xa9: {  	[dreg:$0x3] =	wrdreg s4  }
0xaa: {  	[dreg:$0x4] =	wrdreg $0xC0  }
0xab: {  	_ =	task [dreg:s6], $0x5FFFF  }
0xac: {  	[dreg:$0x1] =	wrdreg $0xFFFFFFFF  }
0xad: {  	[dreg:$0x0] =	wrdreg $0x60  }
0xae: {  	[dreg:$0x2] =	wrdreg s24  }
0xaf: {  	[dreg:$0x3] =	wrdreg $0x0  }
0xb0: {  	[dreg:$0x4] =	wrdreg $0x9  }
0xb1: {  	_ =	task.clear_ibuf [dreg:s6], $0x5FFFF;
	_ =	strace $0x90000049  }
0xb2: {  	s29 =	simm.s32 $0x9;
	_ =	strace $0x8000004B  }
0xb3: {  	_ =	swait.ge [sflag:s29], $0x1  }
0xb4: {  	[sflag:s29] =	ssyncadd.s32 $0xFFFFFFFF  }
0xb5: {  	_ =	strace $0x9000004B  }
0xb6: {  	_ =	sfence  }
0xb7: {  	s30 =	sld [smem:$0x0];
	_ =	sdelay $0x2  }
0xb8: {  	s31 =	sshll.u32 s1, $0xD;
	s1 =	sshrl.u32 s1, $0x2  }
0xb9: {  	s3 =	sand.u32 $0x4000, s31;
	s1 =	sadd.s32 s1, s30  }
0xba: {  	s0 =	sor.u32 s3, s0;
	s1 =	sshll.u32 s1, $0x11  }
0xbb: {  	s0 =	sor.u32 s1, s0  }
0xbc: {  	s0 =	sadd.s32 $0x8F2B, s0  }
0xbd: {  	[sflag:s0] =	ssyncadd.remote.s32 $0x1  }
0xbe: {  	_ =	sfence.sel $0xFFFF  }
0xbf: {  	[dreg:$0x0] =	wrdreg $0xFFFFFFFF;
	(pc) =	sbr.abs _section_cstart, $3  }
0xc0: {  	[dreg:$0x1] =	wrdreg $0xFFFFFFFF  }
0xc1: {  	_ =	task.clear_ibuf [dreg:s6], $0x2FFFF;
	_ =	strace $0x9FFFFFFF  }
0xc2: {  	(tm) =	ssettm $0x7FFFFFFF  }
0xc3: {  	_ =	shalt  }
tec
execute0_lowered:
.L_overlay_start_1:
0x0: {  	(tag) =	ssettag $0x1  }
0x1: {  	s0 =	rddreg [dreg:$0x0]  }
0x2: {  	s1 =	rddreg [dreg:$0x1];
	s2 =	srdreg.scid;
	s10 =	simm.s32 $0x0  }
0x3: {  	s9 =	stileid.u32;
	s13 =	simm.s32 $0x9;
	s14 =	simm.s32 $0x14000  }
0x4: {  	s16 =	simm.s32 $0x40;
	s17 =	simm.s32 $0x16800;
	s19 =	simm.s32 $0x18800  }
0x5: {  	s28 =	simm.s32 $0x4;
	s29 =	simm.s32 $0x5;
	s30 =	simm.s32 $0x6  }
0x6: {  	s31 =	simm.s32 $0x7;
	s12 =	simm.s32 $0x15280;
	s15 =	simm.s32 $0x15380  }
0x7: {  	s18 =	simm.s32 $0x16600;
	s20 =	simm.s32 $0x16680;
	s2 =	sand.u32 $0x1, s2  }
0x8: {  	[smem:$0x7FF] =	sst s10;
	s7 =	smul.u32 $0x14000, s9;
	s4 =	sadd.s32 $0x41E00, s0  }
0x9: {  	s5 =	sadd.s32 $0x19E00, s0;
	s6 =	sadd.s32 $0x2DE00, s0;
	s8 =	smul.u32 $0x50000, s9  }
0xa: {  	s11 =	sadd.s32 $0x4800, s0;
	s23 =	sshll.u32 s9, $0x1;
	s25 =	sshll.u32 s9, $0x6  }
0xb: {  	s3 =	smul.u32 $0x140000, s2;
	_ =	strace $0x8000004A;
	s21 =	ssub.s32 $0x2, s2  }
0xc: {  	[dreg:$0x4] =	wrdreg s11;
	s2 =	sor.u32 s2, s23;
	s23 =	simm.s32 $0x1C800  }
0xd: {  	s22 =	sshrl.u32 s21, $0x1;
	s8 =	sshrl.u32 s8, $0x2;
	s9 =	smul.u32 $0x5000, s2  }
0xe: {  	s2 =	simm.s32 $0x16780;
	s3 =	sadd.s32 s7, s3;
	s24 =	sadd.s32 s8, s1  }
0xf: {  	s8 =	sor.u32 $0x1C09, s25;
	s25 =	simm.s32 $0x2;
	s3 =	sshrl.u32 s3, $0x3  }
0x10: {  	s11 =	sshrl.u32 s24, $0x3;
	s24 =	simm.s32 $0x1;
	[dreg:$0x5] =	wrdreg s8  }
0x11: {  	s0 =	sadd.s32 s3, s0;
	s3 =	ssub.s32 s21, s22;
	s21 =	simm.s32 $0x1A800  }
0x12: {  	s22 =	simm.s32 $0x16700;
	[dreg:$0x8] =	wrdreg s11;
	s0 =	sadd.s32 $0x69E00, s0  }
0x13: {  	s26 =	smax.u32 s3, $0x1;
	s3 =	simm.s32 $0x15300;
	[dreg:$0x6] =	wrdreg s0  }
0x14: {  	[dreg:$0x7] =	wrdreg s26;
	s26 =	simm.s32 $0x3;
	s0 =	simm.s32 $0x8  }
.LBB2_1:
0x15: {  	[dreg:$0x3] =	wrdreg s10  }
0x16: {  	s7 =	rddreg [dreg:$0x4]  }
0x17: {  	[spmem:s11], [sflag:s8] =	dma.local [hbm:s7], $0x2800  }
0x18: {  	_ =	swait.ge [sflag:s13], $0x2800  }
0x19: {  	[sflag:s13] =	ssyncset.done $0x0  }
0x1a: {  	[sflag:s13] =	ssyncadd.s32 $0xFFFFD800  }
0x1b: {  	s7 =	simm.s32 $0x0;
	[bflag:$0x0] =	sbarrier.arrive $0xFFFF  }
.LBB2_2:
0x1c: {  	s10 =	smul.u32 $0x1400, s7;
	_ =	sdelay $0x1  }
0x1d: {  	s10 =	sadd.s32 s9, s10  }
0x1e: {  	s10 =	sshrl.u32 s10, $0x3  }
0x1f: {  	s8 =	simm.s32 $0x0;
	s11 =	sadd.s32 s5, s10  }
0x20: {  	[tilespmem:s14], [sflag:$0x9] =	stream.linear.gather [hbm4b:s11+s8], $0x1400, $0x38;
	[tilespmem:$0x1E800] =	vst v63  }
0x21: {  	_ =	swait.ge [sflag:s13], $0x1400  }
0x22: {  	[sflag:s13] =	ssyncset.done $0x0  }
0x23: {  	s10 =	sadd.s32 s6, s10;
	s11 =	simm.s32 $0x15400;
	[sflag:s13] =	ssyncadd.s32 $0xFFFFEC00  }
0x24: {  	[tilespmem:s11], [sflag:$0x9] =	stream.linear.gather [hbm4b:s10+s8], $0x1400, $0x38;
	[tilespmem:$0x1E800] =	vst v63  }
0x25: {  	_ =	swait.ge [sflag:s13], $0x1400  }
0x26: {  	[sflag:s13] =	ssyncset.done $0x0  }
0x27: {  	[sflag:s13] =	ssyncadd.s32 $0xFFFFEC00  }
0x28: {  	[tilespmem:s17], [sflag:$0x1] =	stream.indirect.gather [hbm4b:s4+s16], $0x80, s14, s16, $0xb8;
	[tilespmem:$0x1E800] =	vst v63  }
0x29: {  	s10 =	simm.s32 $0x14080  }
0x2a: {  	[tilespmem:s19], [sflag:$0x2] =	stream.indirect.gather [hbm4b:s4+s16], $0x80, s10, s16, $0xb8;
	[tilespmem:$0x1E800] =	vst v63  }
0x2b: {  	s11 =	simm.s32 $0x14100  }
0x2c: {  	[tilespmem:s21], [sflag:$0x3] =	stream.indirect.gather [hbm4b:s4+s16], $0x80, s11, s16, $0xb8;
	[tilespmem:$0x1E800] =	vst v63  }
0x2d: {  	s10 =	simm.s32 $0x14180  }
0x2e: {  	[tilespmem:s23], [sflag:$0x4] =	stream.indirect.gather [hbm4b:s4+s16], $0x80, s10, s16, $0xb8;
	[tilespmem:$0x1E800] =	vst v63  }
0x2f: {  	_ =	swait.ge [sflag:s24], $0x2000  }
0x30: {  	[sflag:s24] =	ssyncset.done $0x0  }
0x31: {  	s11 =	simm.s32 $0x15400;
	[sflag:s24] =	ssyncadd.s32 $0xFFFFE000  }
0x32: {  	[spmem:s1] =	stream.indirect.scatter.add.f32 [tilespmem:s17], [sflag:$0x5], $0x80, s11, s16, $0xb8;
	[tilespmem:$0x1E800] =	vst v63  }
0x33: {  	_ =	swait.ge [sflag:s25], $0x2000  }
0x34: {  	[sflag:s25] =	ssyncset.done $0x0  }
0x35: {  	s10 =	simm.s32 $0x15480;
	[sflag:s25] =	ssyncadd.s32 $0xFFFFE000  }
0x36: {  	[spmem:s1] =	stream.indirect.scatter.add.f32 [tilespmem:s19], [sflag:$0x6], $0x80, s10, s16, $0xb8;
	[tilespmem:$0x1E800] =	vst v63  }
0x37: {  	_ =	swait.ge [sflag:s26], $0x2000  }
0x38: {  	[sflag:s26] =	ssyncset.done $0x0  }
0x39: {  	s11 =	simm.s32 $0x15500;
	[sflag:s26] =	ssyncadd.s32 $0xFFFFE000  }
0x3a: {  	[spmem:s1] =	stream.indirect.scatter.add.f32 [tilespmem:s21], [sflag:$0x7], $0x80, s11, s16, $0xb8;
	[tilespmem:$0x1E800] =	vst v63  }
0x3b: {  	_ =	swait.ge [sflag:s28], $0x2000  }
0x3c: {  	[sflag:s28] =	ssyncset.done $0x0  }
0x3d: {  	s10 =	simm.s32 $0x15580;
	[sflag:s28] =	ssyncadd.s32 $0xFFFFE000  }
0x3e: {  	[spmem:s1] =	stream.indirect.scatter.add.f32 [tilespmem:s23], [sflag:$0x8], $0x80, s10, s16, $0xb8;
	[tilespmem:$0x1E800] =	vst v63  }
0x3f: {  	_ =	swait.ge [sflag:s29], $0x2000  }
0x40: {  	[sflag:s29] =	ssyncset.done $0x0  }
0x41: {  	s11 =	simm.s32 $0x14200;
	[sflag:s29] =	ssyncadd.s32 $0xFFFFE000  }
0x42: {  	[tilespmem:s17], [sflag:$0x1] =	stream.indirect.gather [hbm4b:s4+s16], $0x80, s11, s16, $0xb8;
	[tilespmem:$0x1E800] =	vst v63  }
0x43: {  	_ =	swait.ge [sflag:s30], $0x2000  }
0x44: {  	[sflag:s30] =	ssyncset.done $0x0  }
0x45: {  	s10 =	simm.s32 $0x14280;
	[sflag:s30] =	ssyncadd.s32 $0xFFFFE000  }
0x46: {  	[tilespmem:s19], [sflag:$0x2] =	stream.indirect.gather [hbm4b:s4+s16], $0x80, s10, s16, $0xb8;
	[tilespmem:$0x1E800] =	vst v63  }
0x47: {  	_ =	swait.ge [sflag:s31], $0x2000  }
0x48: {  	[sflag:s31] =	ssyncset.done $0x0  }
0x49: {  	s11 =	simm.s32 $0x14300;
	[sflag:s31] =	ssyncadd.s32 $0xFFFFE000  }
0x4a: {  	[tilespmem:s21], [sflag:$0x3] =	stream.indirect.gather [hbm4b:s4+s16], $0x80, s11, s16, $0xb8;
	[tilespmem:$0x1E800] =	vst v63  }
0x4b: {  	_ =	swait.ge [sflag:s0], $0x2000  }
0x4c: {  	[sflag:s0] =	ssyncset.done $0x0  }
0x4d: {  	s10 =	simm.s32 $0x800;
	s11 =	simm.s32 $0x14380;
	[sflag:s0] =	ssyncadd.s32 $0xFFFFE000  }
.LBB2_3:
0x4e: {  	[tilespmem:s23], [sflag:$0x4] =	stream.indirect.gather [hbm4b:s4+s16], $0x80, s11, s16, $0xb8;
	[tilespmem:$0x1E800] =	vst v63  }
0x4f: {  	s8 =	smov.u32 s10  }
0x50: {  	p0 =	sne.s32 s10, $0x3800;
	s10 =	sadd.s32 $0x800, s10;
	_ =	swait.ge [sflag:s24], $0x2000  }
0x51: {  	s11 =	sshra.s32 s8, $0x2;
	[sflag:s24] =	ssyncset.done $0x0  }
0x52: {  	s8 =	sadd.s32 $0x15400, s11;
	[sflag:s24] =	ssyncadd.s32 $0xFFFFE000  }
0x53: {  	[spmem:s1] =	stream.indirect.scatter.add.f32 [tilespmem:s17], [sflag:$0x5], $0x80, s8, s16, $0xb8;
	[tilespmem:$0x1E800] =	vst v63  }
0x54: {  	_ =	swait.ge [sflag:s25], $0x2000  }
0x55: {  	[sflag:s25] =	ssyncset.done $0x0  }
0x56: {  	s8 =	sadd.s32 $0x15480, s11;
	[sflag:s25] =	ssyncadd.s32 $0xFFFFE000  }
0x57: {  	[spmem:s1] =	stream.indirect.scatter.add.f32 [tilespmem:s19], [sflag:$0x6], $0x80, s8, s16, $0xb8;
	[tilespmem:$0x1E800] =	vst v63  }
0x58: {  	_ =	swait.ge [sflag:s26], $0x2000  }
0x59: {  	[sflag:s26] =	ssyncset.done $0x0  }
0x5a: {  	s8 =	sadd.s32 $0x15500, s11;
	[sflag:s26] =	ssyncadd.s32 $0xFFFFE000  }
0x5b: {  	[spmem:s1] =	stream.indirect.scatter.add.f32 [tilespmem:s21], [sflag:$0x7], $0x80, s8, s16, $0xb8;
	[tilespmem:$0x1E800] =	vst v63  }
0x5c: {  	_ =	swait.ge [sflag:s28], $0x2000  }
0x5d: {  	[sflag:s28] =	ssyncset.done $0x0  }
0x5e: {  	s8 =	sadd.s32 $0x15580, s11;
	[sflag:s28] =	ssyncadd.s32 $0xFFFFE000  }
0x5f: {  	[spmem:s1] =	stream.indirect.scatter.add.f32 [tilespmem:s23], [sflag:$0x8], $0x80, s8, s16, $0xb8;
	[tilespmem:$0x1E800] =	vst v63  }
0x60: {  	_ =	swait.ge [sflag:s29], $0x2000  }
0x61: {  	[sflag:s29] =	ssyncset.done $0x0  }
0x62: {  	s8 =	sadd.s32 $0x14200, s11;
	[sflag:s29] =	ssyncadd.s32 $0xFFFFE000  }
0x63: {  	[tilespmem:s17], [sflag:$0x1] =	stream.indirect.gather [hbm4b:s4+s16], $0x80, s8, s16, $0xb8;
	[tilespmem:$0x1E800] =	vst v63  }
0x64: {  	_ =	swait.ge [sflag:s30], $0x2000  }
0x65: {  	[sflag:s30] =	ssyncset.done $0x0  }
0x66: {  	s8 =	sadd.s32 $0x14280, s11;
	[sflag:s30] =	ssyncadd.s32 $0xFFFFE000  }
0x67: {  	[tilespmem:s19], [sflag:$0x2] =	stream.indirect.gather [hbm4b:s4+s16], $0x80, s8, s16, $0xb8;
	[tilespmem:$0x1E800] =	vst v63  }
0x68: {  	_ =	swait.ge [sflag:s31], $0x2000  }
0x69: {  	[sflag:s31] =	ssyncset.done $0x0  }
.Ltmp0:
0x6a: {  	s8 =	sadd.s32 $0x14300, s11;
	[sflag:s31] =	ssyncadd.s32 $0xFFFFE000;
	(pc) =	sbr.rel @p0 .LBB2_3-.Ltmp0, $4  }
0x6b: {  	[tilespmem:s21], [sflag:$0x3] =	stream.indirect.gather [hbm4b:s4+s16], $0x80, s8, s16, $0xb8;
	[tilespmem:$0x1E800] =	vst v63  }
0x6c: {  	_ =	swait.ge [sflag:s0], $0x2000  }
0x6d: {  	[sflag:s0] =	ssyncset.done $0x0  }
0x6e: {  	s11 =	sadd.s32 $0x14380, s11;
	[sflag:s0] =	ssyncadd.s32 $0xFFFFE000  }
0x6f: {  	[tilespmem:s23], [sflag:$0x4] =	stream.indirect.gather [hbm4b:s4+s16], $0x80, s11, s16, $0xb8;
	[tilespmem:$0x1E800] =	vst v63  }
0x70: {  	_ =	swait.ge [sflag:s24], $0x2000  }
0x71: {  	[sflag:s24] =	ssyncset.done $0x0  }
0x72: {  	s8 =	simm.s32 $0x16400;
	[sflag:s24] =	ssyncadd.s32 $0xFFFFE000  }
0x73: {  	[spmem:s1] =	stream.indirect.scatter.add.f32 [tilespmem:s17], [sflag:$0x5], $0x80, s8, s16, $0xb8;
	[tilespmem:$0x1E800] =	vst v63  }
0x74: {  	_ =	swait.ge [sflag:s25], $0x2000  }
0x75: {  	[sflag:s25] =	ssyncset.done $0x0  }
0x76: {  	s10 =	simm.s32 $0x16480;
	[sflag:s25] =	ssyncadd.s32 $0xFFFFE000  }
0x77: {  	[spmem:s1] =	stream.indirect.scatter.add.f32 [tilespmem:s19], [sflag:$0x6], $0x80, s10, s16, $0xb8;
	[tilespmem:$0x1E800] =	vst v63  }
0x78: {  	_ =	swait.ge [sflag:s26], $0x2000  }
0x79: {  	[sflag:s26] =	ssyncset.done $0x0  }
0x7a: {  	s11 =	simm.s32 $0x16500;
	[sflag:s26] =	ssyncadd.s32 $0xFFFFE000  }
0x7b: {  	[spmem:s1] =	stream.indirect.scatter.add.f32 [tilespmem:s21], [sflag:$0x7], $0x80, s11, s16, $0xb8;
	[tilespmem:$0x1E800] =	vst v63  }
0x7c: {  	_ =	swait.ge [sflag:s28], $0x2000  }
0x7d: {  	[sflag:s28] =	ssyncset.done $0x0  }
0x7e: {  	s10 =	simm.s32 $0x16580;
	[sflag:s28] =	ssyncadd.s32 $0xFFFFE000  }
0x7f: {  	[spmem:s1] =	stream.indirect.scatter.add.f32 [tilespmem:s23], [sflag:$0x8], $0x80, s10, s16, $0xb8;
	[tilespmem:$0x1E800] =	vst v63  }
0x80: {  	_ =	swait.ge [sflag:s29], $0x2000  }
0x81: {  	[sflag:s29] =	ssyncset.done $0x0  }
0x82: {  	s11 =	simm.s32 $0x15200;
	[sflag:s29] =	ssyncadd.s32 $0xFFFFE000  }
0x83: {  	[tilespmem:s17], [sflag:$0x1] =	stream.indirect.gather [hbm4b:s4+s16], $0x80, s11, s16, $0xb8;
	[tilespmem:$0x1E800] =	vst v63  }
0x84: {  	_ =	swait.ge [sflag:s30], $0x2000  }
0x85: {  	[sflag:s30] =	ssyncset.done $0x0  }
0x86: {  	[sflag:s30] =	ssyncadd.s32 $0xFFFFE000  }
0x87: {  	[tilespmem:s19], [sflag:$0x2] =	stream.indirect.gather [hbm4b:s4+s16], $0x80, s12, s16, $0xb8;
	[tilespmem:$0x1E800] =	vst v63  }
0x88: {  	_ =	swait.ge [sflag:s31], $0x2000  }
0x89: {  	[sflag:s31] =	ssyncset.done $0x0  }
0x8a: {  	[sflag:s31] =	ssyncadd.s32 $0xFFFFE000  }
0x8b: {  	[tilespmem:s21], [sflag:$0x3] =	stream.indirect.gather [hbm4b:s4+s16], $0x80, s3, s16, $0xb8;
	[tilespmem:$0x1E800] =	vst v63  }
0x8c: {  	_ =	swait.ge [sflag:s0], $0x2000  }
0x8d: {  	[sflag:s0] =	ssyncset.done $0x0  }
0x8e: {  	[sflag:s0] =	ssyncadd.s32 $0xFFFFE000  }
0x8f: {  	[tilespmem:s23], [sflag:$0x4] =	stream.indirect.gather [hbm4b:s4+s16], $0x80, s15, s16, $0xb8;
	[tilespmem:$0x1E800] =	vst v63  }
0x90: {  	_ =	swait.ge [sflag:s24], $0x2000  }
0x91: {  	[sflag:s24] =	ssyncset.done $0x0  }
0x92: {  	[sflag:s24] =	ssyncadd.s32 $0xFFFFE000  }
0x93: {  	[spmem:s1] =	stream.indirect.scatter.add.f32 [tilespmem:s17], [sflag:$0x5], $0x80, s18, s16, $0xb8;
	[tilespmem:$0x1E800] =	vst v63  }
0x94: {  	_ =	swait.ge [sflag:s25], $0x2000  }
0x95: {  	[sflag:s25] =	ssyncset.done $0x0  }
0x96: {  	[sflag:s25] =	ssyncadd.s32 $0xFFFFE000  }
0x97: {  	[spmem:s1] =	stream.indirect.scatter.add.f32 [tilespmem:s19], [sflag:$0x6], $0x80, s20, s16, $0xb8;
	[tilespmem:$0x1E800] =	vst v63  }
0x98: {  	_ =	swait.ge [sflag:s26], $0x2000  }
0x99: {  	[sflag:s26] =	ssyncset.done $0x0  }
0x9a: {  	[sflag:s26] =	ssyncadd.s32 $0xFFFFE000  }
0x9b: {  	[spmem:s1] =	stream.indirect.scatter.add.f32 [tilespmem:s21], [sflag:$0x7], $0x80, s22, s16, $0xb8;
	[tilespmem:$0x1E800] =	vst v63  }
0x9c: {  	_ =	swait.ge [sflag:s28], $0x2000  }
0x9d: {  	[sflag:s28] =	ssyncset.done $0x0  }
0x9e: {  	[sflag:s28] =	ssyncadd.s32 $0xFFFFE000  }
0x9f: {  	[spmem:s1] =	stream.indirect.scatter.add.f32 [tilespmem:s23], [sflag:$0x8], $0x80, s2, s16, $0xb8;
	[tilespmem:$0x1E800] =	vst v63  }
0xa0: {  	_ =	swait.ge [sflag:s29], $0x2000  }
0xa1: {  	[sflag:s29] =	ssyncset.done $0x0  }
0xa2: {  	[sflag:s29] =	ssyncadd.s32 $0xFFFFE000  }
0xa3: {  	[tilespmem:s17], [sflag:$0x1] =	stream.indirect.gather [hbm4b:s4+s16], $0x80, s15, s16, $0xb8;
	[tilespmem:$0x1E800] =	vst v63  }
0xa4: {  	_ =	swait.ge [sflag:s30], $0x2000  }
0xa5: {  	[sflag:s30] =	ssyncset.done $0x0  }
0xa6: {  	[sflag:s30] =	ssyncadd.s32 $0xFFFFE000  }
0xa7: {  	[tilespmem:s19], [sflag:$0x2] =	stream.indirect.gather [hbm4b:s4+s16], $0x80, s15, s16, $0xb8;
	[tilespmem:$0x1E800] =	vst v63  }
0xa8: {  	_ =	swait.ge [sflag:s31], $0x2000  }
0xa9: {  	[sflag:s31] =	ssyncset.done $0x0  }
0xaa: {  	[sflag:s31] =	ssyncadd.s32 $0xFFFFE000  }
0xab: {  	[tilespmem:s21], [sflag:$0x3] =	stream.indirect.gather [hbm4b:s4+s16], $0x80, s15, s16, $0xb8;
	[tilespmem:$0x1E800] =	vst v63  }
0xac: {  	_ =	swait.ge [sflag:s0], $0x2000  }
0xad: {  	[sflag:s0] =	ssyncset.done $0x0  }
0xae: {  	[sflag:s0] =	ssyncadd.s32 $0xFFFFE000  }
0xaf: {  	[tilespmem:s23], [sflag:$0x4] =	stream.indirect.gather [hbm4b:s4+s16], $0x80, s15, s16, $0xb8;
	[tilespmem:$0x1E800] =	vst v63  }
0xb0: {  	_ =	swait.ge [sflag:s24], $0x2000  }
0xb1: {  	[sflag:s24] =	ssyncset.done $0x0  }
0xb2: {  	[sflag:s24] =	ssyncadd.s32 $0xFFFFE000  }
0xb3: {  	_ =	swait.ge [sflag:s25], $0x2000  }
0xb4: {  	[sflag:s25] =	ssyncset.done $0x0  }
0xb5: {  	s7 =	sadd.s32 $0x1, s7;
	[sflag:s25] =	ssyncadd.s32 $0xFFFFE000  }
0xb6: {  	p0 =	sne.s32 s7, $0x4;
	_ =	swait.ge [sflag:s26], $0x2000  }
.Ltmp1:
0xb7: {  	[sflag:s26] =	ssyncset.done $0x0;
	(pc) =	sbr.rel @p0 .LBB2_2-.Ltmp1, $4  }
0xb8: {  	[sflag:s26] =	ssyncadd.s32 $0xFFFFE000  }
0xb9: {  	_ =	swait.ge [sflag:s28], $0x2000  }
0xba: {  	[sflag:s28] =	ssyncset.done $0x0  }
0xbb: {  	[sflag:s28] =	ssyncadd.s32 $0xFFFFE000  }
0xbc: {  	[bflag:$0x0] =	sbarrier.arrive $0xFFFF  }
0xbd: {  	s8 =	rddreg [dreg:$0x5]  }
0xbe: {  	s7 =	rddreg [dreg:$0x6]  }
0xbf: {  	s11 =	rddreg [dreg:$0x8]  }
0xc0: {  	[hbm:s7], [sflag:s8] =	dma.local [spmem:s11], $0x2800  }
0xc1: {  	_ =	swait.ge [sflag:s13], $0x2800  }
0xc2: {  	s10 =	rddreg [dreg:$0x3]  }
0xc3: {  	s7 =	rddreg [dreg:$0x7];
	s10 =	sadd.s32 $0x1, s10  }
0xc4: {  	p0 =	sne.s32 s10, s7  }
.Ltmp2:
0xc5: {  	_ = 	snop;
	(pc) =	sbr.rel @p0 .LBB2_1-.Ltmp2, $3  }
0xc6: {  	_ =	sdelay $0x1  }
0xc7: {  	[sflag:s13] =	ssyncset.done $0x0  }
0xc8: {  	[sflag:s13] =	ssyncadd.s32 $0xFFFFD800  }
0xc9: {  	_ =	sfence.sel $0x180000  }
0xca: {  	[bflag:$0x0] =	sbarrier.arrive $0xFFFF  }
0xcb: {  	_ =	strace $0x9000004A  }
0xcc: {  	s0 =	stileid.u32;
	[bflag:$0x2] =	sbarrier.arrive $0xFFFF  }
0xcd: {  	p0 =	sne.s32 s0, $0x0;
	s0 =	rddreg [dreg:$0x2]  }
0xce: {  	s0 =	sadd.s32 @!p0 $0x100000, s0  }
0xcf: {  	[sflag:s0] =	ssyncadd.tile.s32 @!p0 $0x1;
	_ =	shalt  }
.Lfunc_end2:
_tile_overlayer_lowered:
.L_overlay_start_2:
0xd0: {  	(tag) =	ssettag $0x2  }
0xd1: {  	s0 =	rddreg [dreg:$0x0];
	s2 =	stileid.u32  }
0xd2: {  	s1 =	rddreg [dreg:$0x1];
	p0 =	sne.s32 s2, $0x0  }
0xd3: {  	s3 =	rddreg [dreg:$0x2];
	[bflag:$0x3] =	sbarrier.arrive $0xFFFF;
	s2 =	simm.s32 @!p0 $0x1C09  }
0xd4: {  	[timem:s3], [sflag:s2] =	dma.local @!p0 [hbm:s0], s1  }
0xd5: {  	s0 =	simm.s32 @!p0 $0x9  }
0xd6: {  	_ =	swait.ge @!p0 [sflag:s0], s1  }
0xd7: {  	s1 =	ssub.s32 @!p0 $0x0, s1;
	[sflag:s0] =	ssyncset.done @!p0 $0x0  }
0xd8: {  	[sflag:s0] =	ssyncadd.s32 @!p0 s1  }
0xd9: {  	[bflag:$0x3] =	sbarrier.arrive $0xFFFF  }
0xda: {  	_ =	shalt  }

// kernel: kernel.16.cloned.1.call-start
scs
__scs_entry_jumppad:
0x0: {  	(pc) =	sbr.rel $0x88, $3  }
0x1: {  	(tag) =	ssettag $0x0;
	lr =	simm.s32 $0x1  }
0x2: {  	[smem:$0x3F8C] =	sst lr;
	_ =	strace $0xD0000000  }
0x3: {  	_ = 	snop  }
0x4: {  	_ = 	snop  }
0x5: {  	_ = 	snop  }
0x6: {  	_ = 	snop  }
0x7: {  	_ = 	snop  }
__scs_overlays_trampoline_lowered:
0x8: {  	[smem:$0x3F9B] =	sst s0  }
0x9: {  	[smem:$0x3F9C] =	sst s1  }
0xa: {  	[smem:$0x3F9D] =	sst s2  }
0xb: {  	[smem:$0x3F9E] =	sst s3  }
0xc: {  	[smem:$0x3F9F] =	sst s4  }
0xd: {  	[smem:$0x3FA0] =	sst s5  }
0xe: {  	[smem:$0x3FA1] =	sst s6  }
0xf: {  	[smem:$0x3FA2] =	sst s7  }
0x10: {  	[smem:$0x3FA3] =	sst s8  }
0x11: {  	[smem:$0x3FA4] =	sst s9;
	s0 =	simm.s32 @!p0 $0x0  }
0x12: {  	s1 =	sld [smem:$0x3F8A];
	s0 =	simm.s32 @p0 $0x1  }
0x13: {  	[smem:$0x3FA5] =	sst s0;
	s0 =	simm.s32 @!p1 $0x0  }
0x14: {  	s2 =	sld [smem:$0x3F89];
	s0 =	simm.s32 @p1 $0x1  }
0x15: {  	[smem:$0x3FA6] =	sst s0;
	s0 =	simm.s32 @!p2 $0x0  }
0x16: {  	s3 =	sld [smem:$0x3FDB];
	s0 =	simm.s32 @p2 $0x1  }
0x17: {  	s4 =	simm.s32 $0x1BF5;
	[smem:$0x3FA8] =	sst s0  }
0x18: {  	s0 =	sld [smem:$0x3F8B];
	_ =	swait.ge [sflag:s4], $0x0  }
0x19: {  	s7 =	sld [smem:$0x3F8C]  }
0x1a: {  	s8 =	sadd.s32 $0xFFFFE003, lr  }
0x1b: {  	s9 =	sadd.s32 $0xFFFFFEF7, lr;
	s5 =	simm.s32 $0xFFFFFFFF;
	p2 =	slt.u32 s8, $0xFFFFF086  }
0x1c: {  	p1 =	slt.u32 s9, $0xF7A;
	s5 =	simm.s32 @!p2 $0x0  }
0x1d: {  	s5 =	simm.s32 @p1 $0x1;
	p0 =	seq.s32 s7, s2  }
0x1e: {  	s7 =	smul.u32 @!p0 $0xF7A, s2;
	p2 =	seq.s32 @!p0 s5, $0x0  }
0x1f: {  	s9 =	smul.u32 $0xF7A, s1;
	s8 =	simm.s32 @!p0 $0x1BF5;
	p2 =	por !p2, p0  }
0x20: {  	[sflag:s8] =	ssyncset.s32 @!p0 $0xFFFFF086;
	s6 =	sadd.s32 @!p0 s3, s7;
	s7 =	simm.s32 @!p0 $0x108  }
0x21: {  	s3 =	sadd.s32 s3, s9;
	s6 =	sadd.s32 @!p0 $0x88, s6;
	s7 =	simm.s32 @p2 $0x1082  }
0x22: {  	[simem:s7], [sflag:s8] =	dma.local @!p0 [hbm:s6], $0xF7A  }
0x23: {  	s9 =	sor.u32 $0xD0000000, s2;
	s6 =	simm.s32 $0x108;
	_ =	swait.ge @!p0 [sflag:s8], $0x0  }
0x24: {  	s3 =	sadd.s32 $0x88, s3;
	s6 =	simm.s32 @!p1 $0x1082;
	[sflag:s4] =	ssyncset.s32 $0xFFFFF086  }
0x25: {  	[simem:s6], [sflag:s4] =	dma.local [hbm:s3], $0xF7A  }
0x26: {  	[smem:$0x3F8C] =	sst s1;
	(tag) =	ssettag s2;
	_ =	strace s9  }
0x27: {  	s1 =	sld [smem:$0x3F9C]  }
0x28: {  	s2 =	sld [smem:$0x3F9D]  }
0x29: {  	s4 =	sld [smem:$0x3F9F]  }
0x2a: {  	p0 =	seq.s32 s5, $0x0;
	s5 =	sld [smem:$0x3FA0]  }
0x2b: {  	s6 =	sld [smem:$0x3FA1]  }
0x2c: {  	s7 =	sld [smem:$0x3FA2]  }
0x2d: {  	s3 =	simm.s32 $0x108;
	s8 =	sld [smem:$0x3FA3]  }
0x2e: {  	s3 =	simm.s32 @!p0 $0x1082;
	s9 =	sld [smem:$0x3FA4]  }
0x2f: {  	lr =	sadd.s32 s0, s3;
	s0 =	sld [smem:$0x3F9B]  }
0x30: {  	s3 =	sld [smem:$0x3F9E]  }
0x31: {  	[smem:$0x3FA7] =	sst s10  }
0x32: {  	s10 =	sld [smem:$0x3FA5];
	_ =	sdelay $0x3  }
0x33: {  	p0 =	seq.s32 s10, $0x1;
	s10 =	sld [smem:$0x3FA7];
	_ =	sdelay $0x3  }
0x34: {  	[smem:$0x3FA7] =	sst s10  }
0x35: {  	s10 =	sld [smem:$0x3FA6];
	_ =	sdelay $0x3  }
0x36: {  	p1 =	seq.s32 s10, $0x1;
	s10 =	sld [smem:$0x3FA7];
	_ =	sdelay $0x3  }
0x37: {  	[smem:$0x3FA7] =	sst s10  }
0x38: {  	s10 =	sld [smem:$0x3FA8]  }
0x39: {  	_ = 	snop;
	(pc) =	sbr.ind lr, $3  }
0x3a: {  	_ = 	snop  }
0x3b: {  	_ = 	snop  }
0x3c: {  	p2 =	seq.s32 s10, $0x1;
	s10 =	sld [smem:$0x3FA7]  }
0x3d: {  	_ =	shalt  }
0x3e: {  	_ =	shalt  }
0x3f: {  	_ =	shalt  }
0x40: {  	_ =	shalt  }
0x41: {  	_ =	shalt  }
0x42: {  	_ =	shalt  }
0x43: {  	_ =	shalt  }
0x44: {  	_ =	shalt  }
0x45: {  	_ =	shalt  }
0x46: {  	_ =	shalt  }
0x47: {  	_ =	shalt  }
0x48: {  	_ =	shalt  }
0x49: {  	_ =	shalt  }
0x4a: {  	_ =	shalt  }
0x4b: {  	_ =	shalt  }
0x4c: {  	_ =	shalt  }
0x4d: {  	_ =	shalt  }
0x4e: {  	_ =	shalt  }
0x4f: {  	_ =	shalt  }
0x50: {  	_ =	shalt  }
0x51: {  	_ =	shalt  }
0x52: {  	_ =	shalt  }
0x53: {  	_ =	shalt  }
0x54: {  	_ =	shalt  }
0x55: {  	_ =	shalt  }
0x56: {  	_ =	shalt  }
0x57: {  	_ =	shalt  }
0x58: {  	_ =	shalt  }
0x59: {  	_ =	shalt  }
0x5a: {  	_ =	shalt  }
0x5b: {  	_ =	shalt  }
0x5c: {  	_ =	shalt  }
0x5d: {  	_ =	shalt  }
0x5e: {  	_ =	shalt  }
0x5f: {  	_ =	shalt  }
0x60: {  	_ =	shalt  }
0x61: {  	_ =	shalt  }
0x62: {  	_ =	shalt  }
0x63: {  	_ =	shalt  }
0x64: {  	_ =	shalt  }
0x65: {  	_ =	shalt  }
0x66: {  	_ =	shalt  }
0x67: {  	_ =	shalt  }
0x68: {  	_ =	shalt  }
0x69: {  	_ =	shalt  }
0x6a: {  	_ =	shalt  }
0x6b: {  	_ =	shalt  }
0x6c: {  	_ =	shalt  }
0x6d: {  	_ =	shalt  }
0x6e: {  	_ =	shalt  }
0x6f: {  	_ =	shalt  }
0x70: {  	_ =	shalt  }
0x71: {  	_ =	shalt  }
0x72: {  	_ =	shalt  }
0x73: {  	_ =	shalt  }
0x74: {  	_ =	shalt  }
0x75: {  	_ =	shalt  }
0x76: {  	_ =	shalt  }
0x77: {  	_ =	shalt  }
0x78: {  	_ =	shalt  }
0x79: {  	_ =	shalt  }
0x7a: {  	_ =	shalt  }
0x7b: {  	_ =	shalt  }
0x7c: {  	_ =	shalt  }
0x7d: {  	_ =	shalt  }
0x7e: {  	_ =	shalt  }
0x7f: {  	_ =	shalt  }
0x80: {  	_ =	shalt  }
0x81: {  	_ =	shalt  }
0x82: {  	_ =	shalt  }
0x83: {  	_ =	shalt  }
0x84: {  	_ =	shalt  }
0x85: {  	_ =	shalt  }
0x86: {  	_ =	shalt  }
0x87: {  	_ =	shalt  }
.Lfunc_end0:
.L_simem_size_0:
called_computation.2_lowered:
.L_overlay_start_0:
0x88: {  	s2 =	sld [smem:$0x3FD9]  }
0x89: {  	s3 =	sld [smem:$0x3FFE];
	_ =	sdelay $0x1  }
0x8a: {  	s1 =	srdreg.scid  }
0x8b: {  	s0 =	sand.u32 $0x1, s1  }
0x8c: {  	s16 =	sshll.u32 s0, $0xA;
	s2 =	sadd.s32 s3, s2  }
0x8d: {  	s2 =	sadd.s32 s2, s16  }
0x8e: {  	[smem:$0x3FB3] =	sst s2  }
0x8f: {  	_ = 	snop  }
0x90: {  	(tm) =	ssettm $0x1  }
0x91: {  	s17 =	sld [smem:$0x3FFB];
	_ =	sdelay $0x3  }
0x92: {  	_ =	strace s17  }
0x93: {  	s2 =	sld [smem:$0x3FFC];
	_ =	sdelay $0x3  }
0x94: {  	_ =	strace s2  }
0x95: {  	s2 =	sld [smem:$0x3FFD];
	_ =	sdelay $0x3  }
0x96: {  	_ =	strace s2  }
0x97: {  	_ =	strace $0x8FFFFFFF  }
0x98: {  	s18 =	sld [smem:$0x3FDB];
	_ =	sdelay $0x1  }
0x99: {  	s19 =	simm.s32 $_scs_section_size  }
0x9a: {  	s4 =	simm.s32 $_size__tile_overlayer_lowered;
	s5 =	simm.s32 $_tile_overlayer_lowered  }
0x9b: {  	s22 =	simm.s32 $0x1BFF;
	s21 =	sshll.u32 s5, $0x1;
	s2 =	sadd.s32 s19, s18  }
0x9c: {  	s6 =	simm.s32 $0x0;
	s20 =	sshll.u32 s4, $0x1;
	s4 =	sadd.s32 s21, s2  }
0x9d: {  	[timem:s6], [sflag:s22] =	dma.local [hbm:s4], s20  }
0x9e: {  	_ =	swait.ge [sflag:s22], s20  }
0x9f: {  	s3 =	ssub.s32 $0x0, s20;
	[sflag:s22] =	ssyncset.done $0x0  }
0xa0: {  	[sflag:s22] =	ssyncadd.s32 s3;
	_ =	sdelay $0x1  }
0xa1: {  	s23 =	simm.s32 $0x1B8B  }
0xa2: {  	_ =	swait.ge [sflag:s23], $0x1  }
0xa3: {  	[sflag:s23] =	ssyncset.done $0x0  }
0xa4: {  	s25 =	simm.s32 $0x1B8E;
	s24 =	sld [smem:$0x3FFE];
	[sflag:s23] =	ssyncadd.s32 $0xFFFFFFFF  }
0xa5: {  	s26 =	simm.s32 $execute0_lowered;
	[smem:$0x3FD2] =	sst s25  }
0xa6: {  	s4 =	sshll.u32 s26, $0x1;
	_ =	strace $0x8000004C;
	[dreg:$0x1] =	wrdreg $0xFFFFFFFF  }
0xa7: {  	s28 =	simm.s32 $_size_execute0_lowered;
	s2 =	sadd.s32 s2, s4;
	[dreg:$0x0] =	wrdreg $0x0  }
0xa8: {  	s4 =	sshll.u32 s28, $0x1;
	[dreg:$0x2] =	wrdreg s2  }
0xa9: {  	[dreg:$0x3] =	wrdreg s4  }
0xaa: {  	[dreg:$0x4] =	wrdreg $0xC0  }
0xab: {  	_ =	task [dreg:s6], $0x5FFFF  }
0xac: {  	[dreg:$0x1] =	wrdreg $0xFFFFFFFF  }
0xad: {  	[dreg:$0x0] =	wrdreg $0x60  }
0xae: {  	[dreg:$0x2] =	wrdreg s24  }
0xaf: {  	[dreg:$0x3] =	wrdreg $0x0  }
0xb0: {  	[dreg:$0x4] =	wrdreg $0x9  }
0xb1: {  	_ =	task.clear_ibuf [dreg:s6], $0x5FFFF;
	_ =	strace $0x9000004C  }
0xb2: {  	s29 =	simm.s32 $0x9;
	_ =	strace $0x8000004E  }
0xb3: {  	_ =	swait.ge [sflag:s29], $0x1  }
0xb4: {  	[sflag:s29] =	ssyncadd.s32 $0xFFFFFFFF  }
0xb5: {  	_ =	strace $0x9000004E  }
0xb6: {  	_ =	sfence  }
0xb7: {  	s30 =	sld [smem:$0x0];
	_ =	sdelay $0x2  }
0xb8: {  	s31 =	sshll.u32 s1, $0xD;
	s1 =	sshrl.u32 s1, $0x2  }
0xb9: {  	s3 =	sand.u32 $0x4000, s31;
	s1 =	sadd.s32 s1, s30  }
0xba: {  	s0 =	sor.u32 s3, s0;
	s1 =	sshll.u32 s1, $0x11  }
0xbb: {  	s0 =	sor.u32 s1, s0  }
0xbc: {  	s0 =	sadd.s32 $0x8F2B, s0  }
0xbd: {  	[sflag:s0] =	ssyncadd.remote.s32 $0x1  }
0xbe: {  	_ =	sfence.sel $0xFFFF  }
0xbf: {  	[dreg:$0x0] =	wrdreg $0xFFFFFFFF;
	(pc) =	sbr.abs _section_cstart, $3  }
0xc0: {  	[dreg:$0x1] =	wrdreg $0xFFFFFFFF  }
0xc1: {  	_ =	task.clear_ibuf [dreg:s6], $0x2FFFF;
	_ =	strace $0x9FFFFFFF  }
0xc2: {  	(tm) =	ssettm $0x7FFFFFFF  }
0xc3: {  	_ =	shalt  }
tec
execute0_lowered:
.L_overlay_start_1:
0x0: {  	(tag) =	ssettag $0x1  }
0x1: {  	s0 =	rddreg [dreg:$0x0]  }
0x2: {  	s1 =	rddreg [dreg:$0x1];
	s2 =	srdreg.scid;
	s10 =	simm.s32 $0x0  }
0x3: {  	s9 =	stileid.u32;
	s13 =	simm.s32 $0x9;
	s14 =	simm.s32 $0x14000  }
0x4: {  	s16 =	simm.s32 $0x40;
	s17 =	simm.s32 $0x16800;
	s19 =	simm.s32 $0x18800  }
0x5: {  	s28 =	simm.s32 $0x4;
	s29 =	simm.s32 $0x5;
	s30 =	simm.s32 $0x6  }
0x6: {  	s31 =	simm.s32 $0x7;
	s12 =	simm.s32 $0x15280;
	s15 =	simm.s32 $0x15380  }
0x7: {  	s18 =	simm.s32 $0x16600;
	s20 =	simm.s32 $0x16680;
	s2 =	sand.u32 $0x1, s2  }
0x8: {  	[smem:$0x7FF] =	sst s10;
	s7 =	smul.u32 $0x14000, s9;
	s4 =	sadd.s32 $0x41E00, s0  }
0x9: {  	s5 =	sadd.s32 $0x19E00, s0;
	s6 =	sadd.s32 $0x2DE00, s0;
	s8 =	smul.u32 $0x50000, s9  }
0xa: {  	s11 =	sadd.s32 $0x4800, s0;
	s23 =	sshll.u32 s9, $0x1;
	s25 =	sshll.u32 s9, $0x6  }
0xb: {  	s3 =	smul.u32 $0x140000, s2;
	_ =	strace $0x8000004D;
	s21 =	ssub.s32 $0x2, s2  }
0xc: {  	[dreg:$0x4] =	wrdreg s11;
	s2 =	sor.u32 s2, s23;
	s23 =	simm.s32 $0x1C800  }
0xd: {  	s22 =	sshrl.u32 s21, $0x1;
	s8 =	sshrl.u32 s8, $0x2;
	s9 =	smul.u32 $0x5000, s2  }
0xe: {  	s2 =	simm.s32 $0x16780;
	s3 =	sadd.s32 s7, s3;
	s24 =	sadd.s32 s8, s1  }
0xf: {  	s8 =	sor.u32 $0x1C09, s25;
	s25 =	simm.s32 $0x2;
	s3 =	sshrl.u32 s3, $0x3  }
0x10: {  	s11 =	sshrl.u32 s24, $0x3;
	s24 =	simm.s32 $0x1;
	[dreg:$0x5] =	wrdreg s8  }
0x11: {  	s0 =	sadd.s32 s3, s0;
	s3 =	ssub.s32 s21, s22;
	s21 =	simm.s32 $0x1A800  }
0x12: {  	s22 =	simm.s32 $0x16700;
	[dreg:$0x8] =	wrdreg s11;
	s0 =	sadd.s32 $0x69E00, s0  }
0x13: {  	s26 =	smax.u32 s3, $0x1;
	s3 =	simm.s32 $0x15300;
	[dreg:$0x6] =	wrdreg s0  }
0x14: {  	[dreg:$0x7] =	wrdreg s26;
	s26 =	simm.s32 $0x3;
	s0 =	simm.s32 $0x8  }
.LBB2_1:
0x15: {  	[dreg:$0x3] =	wrdreg s10  }
0x16: {  	s7 =	rddreg [dreg:$0x4]  }
0x17: {  	[spmem:s11], [sflag:s8] =	dma.local [hbm:s7], $0x2800  }
0x18: {  	_ =	swait.ge [sflag:s13], $0x2800  }
0x19: {  	[sflag:s13] =	ssyncset.done $0x0  }
0x1a: {  	[sflag:s13] =	ssyncadd.s32 $0xFFFFD800  }
0x1b: {  	s7 =	simm.s32 $0x0;
	[bflag:$0x0] =	sbarrier.arrive $0xFFFF  }
.LBB2_2:
0x1c: {  	s10 =	smul.u32 $0x1400, s7;
	_ =	sdelay $0x1  }
0x1d: {  	s10 =	sadd.s32 s9, s10  }
0x1e: {  	s10 =	sshrl.u32 s10, $0x3  }
0x1f: {  	s8 =	simm.s32 $0x0;
	s11 =	sadd.s32 s5, s10  }
0x20: {  	[tilespmem:s14], [sflag:$0x9] =	stream.linear.gather [hbm4b:s11+s8], $0x1400, $0x38;
	[tilespmem:$0x1E800] =	vst v63  }
0x21: {  	_ =	swait.ge [sflag:s13], $0x1400  }
0x22: {  	[sflag:s13] =	ssyncset.done $0x0  }
0x23: {  	s10 =	sadd.s32 s6, s10;
	s11 =	simm.s32 $0x15400;
	[sflag:s13] =	ssyncadd.s32 $0xFFFFEC00  }
0x24: {  	[tilespmem:s11], [sflag:$0x9] =	stream.linear.gather [hbm4b:s10+s8], $0x1400, $0x38;
	[tilespmem:$0x1E800] =	vst v63  }
0x25: {  	_ =	swait.ge [sflag:s13], $0x1400  }
0x26: {  	[sflag:s13] =	ssyncset.done $0x0  }
0x27: {  	[sflag:s13] =	ssyncadd.s32 $0xFFFFEC00  }
0x28: {  	[tilespmem:s17], [sflag:$0x1] =	stream.indirect.gather [hbm4b:s4+s16], $0x80, s14, s16, $0xb8;
	[tilespmem:$0x1E800] =	vst v63  }
0x29: {  	s10 =	simm.s32 $0x14080  }
0x2a: {  	[tilespmem:s19], [sflag:$0x2] =	stream.indirect.gather [hbm4b:s4+s16], $0x80, s10, s16, $0xb8;
	[tilespmem:$0x1E800] =	vst v63  }
0x2b: {  	s11 =	simm.s32 $0x14100  }
0x2c: {  	[tilespmem:s21], [sflag:$0x3] =	stream.indirect.gather [hbm4b:s4+s16], $0x80, s11, s16, $0xb8;
	[tilespmem:$0x1E800] =	vst v63  }
0x2d: {  	s10 =	simm.s32 $0x14180  }
0x2e: {  	[tilespmem:s23], [sflag:$0x4] =	stream.indirect.gather [hbm4b:s4+s16], $0x80, s10, s16, $0xb8;
	[tilespmem:$0x1E800] =	vst v63  }
0x2f: {  	_ =	swait.ge [sflag:s24], $0x2000  }
0x30: {  	[sflag:s24] =	ssyncset.done $0x0  }
0x31: {  	s11 =	simm.s32 $0x15400;
	[sflag:s24] =	ssyncadd.s32 $0xFFFFE000  }
0x32: {  	[spmem:s1] =	stream.indirect.scatter.add.f32 [tilespmem:s17], [sflag:$0x5], $0x80, s11, s16, $0xb8;
	[tilespmem:$0x1E800] =	vst v63  }
0x33: {  	_ =	swait.ge [sflag:s25], $0x2000  }
0x34: {  	[sflag:s25] =	ssyncset.done $0x0  }
0x35: {  	s10 =	simm.s32 $0x15480;
	[sflag:s25] =	ssyncadd.s32 $0xFFFFE000  }
0x36: {  	[spmem:s1] =	stream.indirect.scatter.add.f32 [tilespmem:s19], [sflag:$0x6], $0x80, s10, s16, $0xb8;
	[tilespmem:$0x1E800] =	vst v63  }
0x37: {  	_ =	swait.ge [sflag:s26], $0x2000  }
0x38: {  	[sflag:s26] =	ssyncset.done $0x0  }
0x39: {  	s11 =	simm.s32 $0x15500;
	[sflag:s26] =	ssyncadd.s32 $0xFFFFE000  }
0x3a: {  	[spmem:s1] =	stream.indirect.scatter.add.f32 [tilespmem:s21], [sflag:$0x7], $0x80, s11, s16, $0xb8;
	[tilespmem:$0x1E800] =	vst v63  }
0x3b: {  	_ =	swait.ge [sflag:s28], $0x2000  }
0x3c: {  	[sflag:s28] =	ssyncset.done $0x0  }
0x3d: {  	s10 =	simm.s32 $0x15580;
	[sflag:s28] =	ssyncadd.s32 $0xFFFFE000  }
0x3e: {  	[spmem:s1] =	stream.indirect.scatter.add.f32 [tilespmem:s23], [sflag:$0x8], $0x80, s10, s16, $0xb8;
	[tilespmem:$0x1E800] =	vst v63  }
0x3f: {  	_ =	swait.ge [sflag:s29], $0x2000  }
0x40: {  	[sflag:s29] =	ssyncset.done $0x0  }
0x41: {  	s11 =	simm.s32 $0x14200;
	[sflag:s29] =	ssyncadd.s32 $0xFFFFE000  }
0x42: {  	[tilespmem:s17], [sflag:$0x1] =	stream.indirect.gather [hbm4b:s4+s16], $0x80, s11, s16, $0xb8;
	[tilespmem:$0x1E800] =	vst v63  }
0x43: {  	_ =	swait.ge [sflag:s30], $0x2000  }
0x44: {  	[sflag:s30] =	ssyncset.done $0x0  }
0x45: {  	s10 =	simm.s32 $0x14280;
	[sflag:s30] =	ssyncadd.s32 $0xFFFFE000  }
0x46: {  	[tilespmem:s19], [sflag:$0x2] =	stream.indirect.gather [hbm4b:s4+s16], $0x80, s10, s16, $0xb8;
	[tilespmem:$0x1E800] =	vst v63  }
0x47: {  	_ =	swait.ge [sflag:s31], $0x2000  }
0x48: {  	[sflag:s31] =	ssyncset.done $0x0  }
0x49: {  	s11 =	simm.s32 $0x14300;
	[sflag:s31] =	ssyncadd.s32 $0xFFFFE000  }
0x4a: {  	[tilespmem:s21], [sflag:$0x3] =	stream.indirect.gather [hbm4b:s4+s16], $0x80, s11, s16, $0xb8;
	[tilespmem:$0x1E800] =	vst v63  }
0x4b: {  	_ =	swait.ge [sflag:s0], $0x2000  }
0x4c: {  	[sflag:s0] =	ssyncset.done $0x0  }
0x4d: {  	s10 =	simm.s32 $0x800;
	s11 =	simm.s32 $0x14380;
	[sflag:s0] =	ssyncadd.s32 $0xFFFFE000  }
.LBB2_3:
0x4e: {  	[tilespmem:s23], [sflag:$0x4] =	stream.indirect.gather [hbm4b:s4+s16], $0x80, s11, s16, $0xb8;
	[tilespmem:$0x1E800] =	vst v63  }
0x4f: {  	s8 =	smov.u32 s10  }
0x50: {  	p0 =	sne.s32 s10, $0x3800;
	s10 =	sadd.s32 $0x800, s10;
	_ =	swait.ge [sflag:s24], $0x2000  }
0x51: {  	s11 =	sshra.s32 s8, $0x2;
	[sflag:s24] =	ssyncset.done $0x0  }
0x52: {  	s8 =	sadd.s32 $0x15400, s11;
	[sflag:s24] =	ssyncadd.s32 $0xFFFFE000  }
0x53: {  	[spmem:s1] =	stream.indirect.scatter.add.f32 [tilespmem:s17], [sflag:$0x5], $0x80, s8, s16, $0xb8;
	[tilespmem:$0x1E800] =	vst v63  }
0x54: {  	_ =	swait.ge [sflag:s25], $0x2000  }
0x55: {  	[sflag:s25] =	ssyncset.done $0x0  }
0x56: {  	s8 =	sadd.s32 $0x15480, s11;
	[sflag:s25] =	ssyncadd.s32 $0xFFFFE000  }
0x57: {  	[spmem:s1] =	stream.indirect.scatter.add.f32 [tilespmem:s19], [sflag:$0x6], $0x80, s8, s16, $0xb8;
	[tilespmem:$0x1E800] =	vst v63  }
0x58: {  	_ =	swait.ge [sflag:s26], $0x2000  }
0x59: {  	[sflag:s26] =	ssyncset.done $0x0  }
0x5a: {  	s8 =	sadd.s32 $0x15500, s11;
	[sflag:s26] =	ssyncadd.s32 $0xFFFFE000  }
0x5b: {  	[spmem:s1] =	stream.indirect.scatter.add.f32 [tilespmem:s21], [sflag:$0x7], $0x80, s8, s16, $0xb8;
	[tilespmem:$0x1E800] =	vst v63  }
0x5c: {  	_ =	swait.ge [sflag:s28], $0x2000  }
0x5d: {  	[sflag:s28] =	ssyncset.done $0x0  }
0x5e: {  	s8 =	sadd.s32 $0x15580, s11;
	[sflag:s28] =	ssyncadd.s32 $0xFFFFE000  }
0x5f: {  	[spmem:s1] =	stream.indirect.scatter.add.f32 [tilespmem:s23], [sflag:$0x8], $0x80, s8, s16, $0xb8;
	[tilespmem:$0x1E800] =	vst v63  }
0x60: {  	_ =	swait.ge [sflag:s29], $0x2000  }
0x61: {  	[sflag:s29] =	ssyncset.done $0x0  }
0x62: {  	s8 =	sadd.s32 $0x14200, s11;
	[sflag:s29] =	ssyncadd.s32 $0xFFFFE000  }
0x63: {  	[tilespmem:s17], [sflag:$0x1] =	stream.indirect.gather [hbm4b:s4+s16], $0x80, s8, s16, $0xb8;
	[tilespmem:$0x1E800] =	vst v63  }
0x64: {  	_ =	swait.ge [sflag:s30], $0x2000  }
0x65: {  	[sflag:s30] =	ssyncset.done $0x0  }
0x66: {  	s8 =	sadd.s32 $0x14280, s11;
	[sflag:s30] =	ssyncadd.s32 $0xFFFFE000  }
0x67: {  	[tilespmem:s19], [sflag:$0x2] =	stream.indirect.gather [hbm4b:s4+s16], $0x80, s8, s16, $0xb8;
	[tilespmem:$0x1E800] =	vst v63  }
0x68: {  	_ =	swait.ge [sflag:s31], $0x2000  }
0x69: {  	[sflag:s31] =	ssyncset.done $0x0  }
.Ltmp0:
0x6a: {  	s8 =	sadd.s32 $0x14300, s11;
	[sflag:s31] =	ssyncadd.s32 $0xFFFFE000;
	(pc) =	sbr.rel @p0 .LBB2_3-.Ltmp0, $4  }
0x6b: {  	[tilespmem:s21], [sflag:$0x3] =	stream.indirect.gather [hbm4b:s4+s16], $0x80, s8, s16, $0xb8;
	[tilespmem:$0x1E800] =	vst v63  }
0x6c: {  	_ =	swait.ge [sflag:s0], $0x2000  }
0x6d: {  	[sflag:s0] =	ssyncset.done $0x0  }
0x6e: {  	s11 =	sadd.s32 $0x14380, s11;
	[sflag:s0] =	ssyncadd.s32 $0xFFFFE000  }
0x6f: {  	[tilespmem:s23], [sflag:$0x4] =	stream.indirect.gather [hbm4b:s4+s16], $0x80, s11, s16, $0xb8;
	[tilespmem:$0x1E800] =	vst v63  }
0x70: {  	_ =	swait.ge [sflag:s24], $0x2000  }
0x71: {  	[sflag:s24] =	ssyncset.done $0x0  }
0x72: {  	s8 =	simm.s32 $0x16400;
	[sflag:s24] =	ssyncadd.s32 $0xFFFFE000  }
0x73: {  	[spmem:s1] =	stream.indirect.scatter.add.f32 [tilespmem:s17], [sflag:$0x5], $0x80, s8, s16, $0xb8;
	[tilespmem:$0x1E800] =	vst v63  }
0x74: {  	_ =	swait.ge [sflag:s25], $0x2000  }
0x75: {  	[sflag:s25] =	ssyncset.done $0x0  }
0x76: {  	s10 =	simm.s32 $0x16480;
	[sflag:s25] =	ssyncadd.s32 $0xFFFFE000  }
0x77: {  	[spmem:s1] =	stream.indirect.scatter.add.f32 [tilespmem:s19], [sflag:$0x6], $0x80, s10, s16, $0xb8;
	[tilespmem:$0x1E800] =	vst v63  }
0x78: {  	_ =	swait.ge [sflag:s26], $0x2000  }
0x79: {  	[sflag:s26] =	ssyncset.done $0x0  }
0x7a: {  	s11 =	simm.s32 $0x16500;
	[sflag:s26] =	ssyncadd.s32 $0xFFFFE000  }
0x7b: {  	[spmem:s1] =	stream.indirect.scatter.add.f32 [tilespmem:s21], [sflag:$0x7], $0x80, s11, s16, $0xb8;
	[tilespmem:$0x1E800] =	vst v63  }
0x7c: {  	_ =	swait.ge [sflag:s28], $0x2000  }
0x7d: {  	[sflag:s28] =	ssyncset.done $0x0  }
0x7e: {  	s10 =	simm.s32 $0x16580;
	[sflag:s28] =	ssyncadd.s32 $0xFFFFE000  }
0x7f: {  	[spmem:s1] =	stream.indirect.scatter.add.f32 [tilespmem:s23], [sflag:$0x8], $0x80, s10, s16, $0xb8;
	[tilespmem:$0x1E800] =	vst v63  }
0x80: {  	_ =	swait.ge [sflag:s29], $0x2000  }
0x81: {  	[sflag:s29] =	ssyncset.done $0x0  }
0x82: {  	s11 =	simm.s32 $0x15200;
	[sflag:s29] =	ssyncadd.s32 $0xFFFFE000  }
0x83: {  	[tilespmem:s17], [sflag:$0x1] =	stream.indirect.gather [hbm4b:s4+s16], $0x80, s11, s16, $0xb8;
	[tilespmem:$0x1E800] =	vst v63  }
0x84: {  	_ =	swait.ge [sflag:s30], $0x2000  }
0x85: {  	[sflag:s30] =	ssyncset.done $0x0  }
0x86: {  	[sflag:s30] =	ssyncadd.s32 $0xFFFFE000  }
0x87: {  	[tilespmem:s19], [sflag:$0x2] =	stream.indirect.gather [hbm4b:s4+s16], $0x80, s12, s16, $0xb8;
	[tilespmem:$0x1E800] =	vst v63  }
0x88: {  	_ =	swait.ge [sflag:s31], $0x2000  }
0x89: {  	[sflag:s31] =	ssyncset.done $0x0  }
0x8a: {  	[sflag:s31] =	ssyncadd.s32 $0xFFFFE000  }
0x8b: {  	[tilespmem:s21], [sflag:$0x3] =	stream.indirect.gather [hbm4b:s4+s16], $0x80, s3, s16, $0xb8;
	[tilespmem:$0x1E800] =	vst v63  }
0x8c: {  	_ =	swait.ge [sflag:s0], $0x2000  }
0x8d: {  	[sflag:s0] =	ssyncset.done $0x0  }
0x8e: {  	[sflag:s0] =	ssyncadd.s32 $0xFFFFE000  }
0x8f: {  	[tilespmem:s23], [sflag:$0x4] =	stream.indirect.gather [hbm4b:s4+s16], $0x80, s15, s16, $0xb8;
	[tilespmem:$0x1E800] =	vst v63  }
0x90: {  	_ =	swait.ge [sflag:s24], $0x2000  }
0x91: {  	[sflag:s24] =	ssyncset.done $0x0  }
0x92: {  	[sflag:s24] =	ssyncadd.s32 $0xFFFFE000  }
0x93: {  	[spmem:s1] =	stream.indirect.scatter.add.f32 [tilespmem:s17], [sflag:$0x5], $0x80, s18, s16, $0xb8;
	[tilespmem:$0x1E800] =	vst v63  }
0x94: {  	_ =	swait.ge [sflag:s25], $0x2000  }
0x95: {  	[sflag:s25] =	ssyncset.done $0x0  }
0x96: {  	[sflag:s25] =	ssyncadd.s32 $0xFFFFE000  }
0x97: {  	[spmem:s1] =	stream.indirect.scatter.add.f32 [tilespmem:s19], [sflag:$0x6], $0x80, s20, s16, $0xb8;
	[tilespmem:$0x1E800] =	vst v63  }
0x98: {  	_ =	swait.ge [sflag:s26], $0x2000  }
0x99: {  	[sflag:s26] =	ssyncset.done $0x0  }
0x9a: {  	[sflag:s26] =	ssyncadd.s32 $0xFFFFE000  }
0x9b: {  	[spmem:s1] =	stream.indirect.scatter.add.f32 [tilespmem:s21], [sflag:$0x7], $0x80, s22, s16, $0xb8;
	[tilespmem:$0x1E800] =	vst v63  }
0x9c: {  	_ =	swait.ge [sflag:s28], $0x2000  }
0x9d: {  	[sflag:s28] =	ssyncset.done $0x0  }
0x9e: {  	[sflag:s28] =	ssyncadd.s32 $0xFFFFE000  }
0x9f: {  	[spmem:s1] =	stream.indirect.scatter.add.f32 [tilespmem:s23], [sflag:$0x8], $0x80, s2, s16, $0xb8;
	[tilespmem:$0x1E800] =	vst v63  }
0xa0: {  	_ =	swait.ge [sflag:s29], $0x2000  }
0xa1: {  	[sflag:s29] =	ssyncset.done $0x0  }
0xa2: {  	[sflag:s29] =	ssyncadd.s32 $0xFFFFE000  }
0xa3: {  	[tilespmem:s17], [sflag:$0x1] =	stream.indirect.gather [hbm4b:s4+s16], $0x80, s15, s16, $0xb8;
	[tilespmem:$0x1E800] =	vst v63  }
0xa4: {  	_ =	swait.ge [sflag:s30], $0x2000  }
0xa5: {  	[sflag:s30] =	ssyncset.done $0x0  }
0xa6: {  	[sflag:s30] =	ssyncadd.s32 $0xFFFFE000  }
0xa7: {  	[tilespmem:s19], [sflag:$0x2] =	stream.indirect.gather [hbm4b:s4+s16], $0x80, s15, s16, $0xb8;
	[tilespmem:$0x1E800] =	vst v63  }
0xa8: {  	_ =	swait.ge [sflag:s31], $0x2000  }
0xa9: {  	[sflag:s31] =	ssyncset.done $0x0  }
0xaa: {  	[sflag:s31] =	ssyncadd.s32 $0xFFFFE000  }
0xab: {  	[tilespmem:s21], [sflag:$0x3] =	stream.indirect.gather [hbm4b:s4+s16], $0x80, s15, s16, $0xb8;
	[tilespmem:$0x1E800] =	vst v63  }
0xac: {  	_ =	swait.ge [sflag:s0], $0x2000  }
0xad: {  	[sflag:s0] =	ssyncset.done $0x0  }
0xae: {  	[sflag:s0] =	ssyncadd.s32 $0xFFFFE000  }
0xaf: {  	[tilespmem:s23], [sflag:$0x4] =	stream.indirect.gather [hbm4b:s4+s16], $0x80, s15, s16, $0xb8;
	[tilespmem:$0x1E800] =	vst v63  }
0xb0: {  	_ =	swait.ge [sflag:s24], $0x2000  }
0xb1: {  	[sflag:s24] =	ssyncset.done $0x0  }
0xb2: {  	[sflag:s24] =	ssyncadd.s32 $0xFFFFE000  }
0xb3: {  	_ =	swait.ge [sflag:s25], $0x2000  }
0xb4: {  	[sflag:s25] =	ssyncset.done $0x0  }
0xb5: {  	s7 =	sadd.s32 $0x1, s7;
	[sflag:s25] =	ssyncadd.s32 $0xFFFFE000  }
0xb6: {  	p0 =	sne.s32 s7, $0x4;
	_ =	swait.ge [sflag:s26], $0x2000  }
.Ltmp1:
0xb7: {  	[sflag:s26] =	ssyncset.done $0x0;
	(pc) =	sbr.rel @p0 .LBB2_2-.Ltmp1, $4  }
0xb8: {  	[sflag:s26] =	ssyncadd.s32 $0xFFFFE000  }
0xb9: {  	_ =	swait.ge [sflag:s28], $0x2000  }
0xba: {  	[sflag:s28] =	ssyncset.done $0x0  }
0xbb: {  	[sflag:s28] =	ssyncadd.s32 $0xFFFFE000  }
0xbc: {  	[bflag:$0x0] =	sbarrier.arrive $0xFFFF  }
0xbd: {  	s8 =	rddreg [dreg:$0x5]  }
0xbe: {  	s7 =	rddreg [dreg:$0x6]  }
0xbf: {  	s11 =	rddreg [dreg:$0x8]  }
0xc0: {  	[hbm:s7], [sflag:s8] =	dma.local [spmem:s11], $0x2800  }
0xc1: {  	_ =	swait.ge [sflag:s13], $0x2800  }
0xc2: {  	s10 =	rddreg [dreg:$0x3]  }
0xc3: {  	s7 =	rddreg [dreg:$0x7];
	s10 =	sadd.s32 $0x1, s10  }
0xc4: {  	p0 =	sne.s32 s10, s7  }
.Ltmp2:
0xc5: {  	_ = 	snop;
	(pc) =	sbr.rel @p0 .LBB2_1-.Ltmp2, $3  }
0xc6: {  	_ =	sdelay $0x1  }
0xc7: {  	[sflag:s13] =	ssyncset.done $0x0  }
0xc8: {  	[sflag:s13] =	ssyncadd.s32 $0xFFFFD800  }
0xc9: {  	_ =	sfence.sel $0x180000  }
0xca: {  	[bflag:$0x0] =	sbarrier.arrive $0xFFFF  }
0xcb: {  	_ =	strace $0x9000004D  }
0xcc: {  	s0 =	stileid.u32;
	[bflag:$0x2] =	sbarrier.arrive $0xFFFF  }
0xcd: {  	p0 =	sne.s32 s0, $0x0;
	s0 =	rddreg [dreg:$0x2]  }
0xce: {  	s0 =	sadd.s32 @!p0 $0x100000, s0  }
0xcf: {  	[sflag:s0] =	ssyncadd.tile.s32 @!p0 $0x1;
	_ =	shalt  }
.Lfunc_end2:
_tile_overlayer_lowered:
.L_overlay_start_2:
0xd0: {  	(tag) =	ssettag $0x2  }
0xd1: {  	s0 =	rddreg [dreg:$0x0];
	s2 =	stileid.u32  }
0xd2: {  	s1 =	rddreg [dreg:$0x1];
	p0 =	sne.s32 s2, $0x0  }
0xd3: {  	s3 =	rddreg [dreg:$0x2];
	[bflag:$0x3] =	sbarrier.arrive $0xFFFF;
	s2 =	simm.s32 @!p0 $0x1C09  }
0xd4: {  	[timem:s3], [sflag:s2] =	dma.local @!p0 [hbm:s0], s1  }
0xd5: {  	s0 =	simm.s32 @!p0 $0x9  }
0xd6: {  	_ =	swait.ge @!p0 [sflag:s0], s1  }
0xd7: {  	s1 =	ssub.s32 @!p0 $0x0, s1;
	[sflag:s0] =	ssyncset.done @!p0 $0x0  }
0xd8: {  	[sflag:s0] =	ssyncadd.s32 @!p0 s1  }
0xd9: {  	[bflag:$0x3] =	sbarrier.arrive $0xFFFF  }
0xda: {  	_ =	shalt  }

// kernel: kernel.19.cloned.1.call-start
scs
__scs_entry_jumppad:
0x0: {  	(pc) =	sbr.rel $0x88, $3  }
0x1: {  	(tag) =	ssettag $0x0;
	lr =	simm.s32 $0x1  }
0x2: {  	[smem:$0x3F8C] =	sst lr;
	_ =	strace $0xD0000000  }
0x3: {  	_ = 	snop  }
0x4: {  	_ = 	snop  }
0x5: {  	_ = 	snop  }
0x6: {  	_ = 	snop  }
0x7: {  	_ = 	snop  }
__scs_overlays_trampoline_lowered:
0x8: {  	[smem:$0x3F9B] =	sst s0  }
0x9: {  	[smem:$0x3F9C] =	sst s1  }
0xa: {  	[smem:$0x3F9D] =	sst s2  }
0xb: {  	[smem:$0x3F9E] =	sst s3  }
0xc: {  	[smem:$0x3F9F] =	sst s4  }
0xd: {  	[smem:$0x3FA0] =	sst s5  }
0xe: {  	[smem:$0x3FA1] =	sst s6  }
0xf: {  	[smem:$0x3FA2] =	sst s7  }
0x10: {  	[smem:$0x3FA3] =	sst s8  }
0x11: {  	[smem:$0x3FA4] =	sst s9;
	s0 =	simm.s32 @!p0 $0x0  }
0x12: {  	s1 =	sld [smem:$0x3F8A];
	s0 =	simm.s32 @p0 $0x1  }
0x13: {  	[smem:$0x3FA5] =	sst s0;
	s0 =	simm.s32 @!p1 $0x0  }
0x14: {  	s2 =	sld [smem:$0x3F89];
	s0 =	simm.s32 @p1 $0x1  }
0x15: {  	[smem:$0x3FA6] =	sst s0;
	s0 =	simm.s32 @!p2 $0x0  }
0x16: {  	s3 =	sld [smem:$0x3FDB];
	s0 =	simm.s32 @p2 $0x1  }
0x17: {  	s4 =	simm.s32 $0x1BF5;
	[smem:$0x3FA8] =	sst s0  }
0x18: {  	s0 =	sld [smem:$0x3F8B];
	_ =	swait.ge [sflag:s4], $0x0  }
0x19: {  	s7 =	sld [smem:$0x3F8C]  }
0x1a: {  	s8 =	sadd.s32 $0xFFFFE003, lr  }
0x1b: {  	s9 =	sadd.s32 $0xFFFFFEF7, lr;
	s5 =	simm.s32 $0xFFFFFFFF;
	p2 =	slt.u32 s8, $0xFFFFF086  }
0x1c: {  	p1 =	slt.u32 s9, $0xF7A;
	s5 =	simm.s32 @!p2 $0x0  }
0x1d: {  	s5 =	simm.s32 @p1 $0x1;
	p0 =	seq.s32 s7, s2  }
0x1e: {  	s7 =	smul.u32 @!p0 $0xF7A, s2;
	p2 =	seq.s32 @!p0 s5, $0x0  }
0x1f: {  	s9 =	smul.u32 $0xF7A, s1;
	s8 =	simm.s32 @!p0 $0x1BF5;
	p2 =	por !p2, p0  }
0x20: {  	[sflag:s8] =	ssyncset.s32 @!p0 $0xFFFFF086;
	s6 =	sadd.s32 @!p0 s3, s7;
	s7 =	simm.s32 @!p0 $0x108  }
0x21: {  	s3 =	sadd.s32 s3, s9;
	s6 =	sadd.s32 @!p0 $0x88, s6;
	s7 =	simm.s32 @p2 $0x1082  }
0x22: {  	[simem:s7], [sflag:s8] =	dma.local @!p0 [hbm:s6], $0xF7A  }
0x23: {  	s9 =	sor.u32 $0xD0000000, s2;
	s6 =	simm.s32 $0x108;
	_ =	swait.ge @!p0 [sflag:s8], $0x0  }
0x24: {  	s3 =	sadd.s32 $0x88, s3;
	s6 =	simm.s32 @!p1 $0x1082;
	[sflag:s4] =	ssyncset.s32 $0xFFFFF086  }
0x25: {  	[simem:s6], [sflag:s4] =	dma.local [hbm:s3], $0xF7A  }
0x26: {  	[smem:$0x3F8C] =	sst s1;
	(tag) =	ssettag s2;
	_ =	strace s9  }
0x27: {  	s1 =	sld [smem:$0x3F9C]  }
0x28: {  	s2 =	sld [smem:$0x3F9D]  }
0x29: {  	s4 =	sld [smem:$0x3F9F]  }
0x2a: {  	p0 =	seq.s32 s5, $0x0;
	s5 =	sld [smem:$0x3FA0]  }
0x2b: {  	s6 =	sld [smem:$0x3FA1]  }
0x2c: {  	s7 =	sld [smem:$0x3FA2]  }
0x2d: {  	s3 =	simm.s32 $0x108;
	s8 =	sld [smem:$0x3FA3]  }
0x2e: {  	s3 =	simm.s32 @!p0 $0x1082;
	s9 =	sld [smem:$0x3FA4]  }
0x2f: {  	lr =	sadd.s32 s0, s3;
	s0 =	sld [smem:$0x3F9B]  }
0x30: {  	s3 =	sld [smem:$0x3F9E]  }
0x31: {  	[smem:$0x3FA7] =	sst s10  }
0x32: {  	s10 =	sld [smem:$0x3FA5];
	_ =	sdelay $0x3  }
0x33: {  	p0 =	seq.s32 s10, $0x1;
	s10 =	sld [smem:$0x3FA7];
	_ =	sdelay $0x3  }
0x34: {  	[smem:$0x3FA7] =	sst s10  }
0x35: {  	s10 =	sld [smem:$0x3FA6];
	_ =	sdelay $0x3  }
0x36: {  	p1 =	seq.s32 s10, $0x1;
	s10 =	sld [smem:$0x3FA7];
	_ =	sdelay $0x3  }
0x37: {  	[smem:$0x3FA7] =	sst s10  }
0x38: {  	s10 =	sld [smem:$0x3FA8]  }
0x39: {  	_ = 	snop;
	(pc) =	sbr.ind lr, $3  }
0x3a: {  	_ = 	snop  }
0x3b: {  	_ = 	snop  }
0x3c: {  	p2 =	seq.s32 s10, $0x1;
	s10 =	sld [smem:$0x3FA7]  }
0x3d: {  	_ =	shalt  }
0x3e: {  	_ =	shalt  }
0x3f: {  	_ =	shalt  }
0x40: {  	_ =	shalt  }
0x41: {  	_ =	shalt  }
0x42: {  	_ =	shalt  }
0x43: {  	_ =	shalt  }
0x44: {  	_ =	shalt  }
0x45: {  	_ =	shalt  }
0x46: {  	_ =	shalt  }
0x47: {  	_ =	shalt  }
0x48: {  	_ =	shalt  }
0x49: {  	_ =	shalt  }
0x4a: {  	_ =	shalt  }
0x4b: {  	_ =	shalt  }
0x4c: {  	_ =	shalt  }
0x4d: {  	_ =	shalt  }
0x4e: {  	_ =	shalt  }
0x4f: {  	_ =	shalt  }
0x50: {  	_ =	shalt  }
0x51: {  	_ =	shalt  }
0x52: {  	_ =	shalt  }
0x53: {  	_ =	shalt  }
0x54: {  	_ =	shalt  }
0x55: {  	_ =	shalt  }
0x56: {  	_ =	shalt  }
0x57: {  	_ =	shalt  }
0x58: {  	_ =	shalt  }
0x59: {  	_ =	shalt  }
0x5a: {  	_ =	shalt  }
0x5b: {  	_ =	shalt  }
0x5c: {  	_ =	shalt  }
0x5d: {  	_ =	shalt  }
0x5e: {  	_ =	shalt  }
0x5f: {  	_ =	shalt  }
0x60: {  	_ =	shalt  }
0x61: {  	_ =	shalt  }
0x62: {  	_ =	shalt  }
0x63: {  	_ =	shalt  }
0x64: {  	_ =	shalt  }
0x65: {  	_ =	shalt  }
0x66: {  	_ =	shalt  }
0x67: {  	_ =	shalt  }
0x68: {  	_ =	shalt  }
0x69: {  	_ =	shalt  }
0x6a: {  	_ =	shalt  }
0x6b: {  	_ =	shalt  }
0x6c: {  	_ =	shalt  }
0x6d: {  	_ =	shalt  }
0x6e: {  	_ =	shalt  }
0x6f: {  	_ =	shalt  }
0x70: {  	_ =	shalt  }
0x71: {  	_ =	shalt  }
0x72: {  	_ =	shalt  }
0x73: {  	_ =	shalt  }
0x74: {  	_ =	shalt  }
0x75: {  	_ =	shalt  }
0x76: {  	_ =	shalt  }
0x77: {  	_ =	shalt  }
0x78: {  	_ =	shalt  }
0x79: {  	_ =	shalt  }
0x7a: {  	_ =	shalt  }
0x7b: {  	_ =	shalt  }
0x7c: {  	_ =	shalt  }
0x7d: {  	_ =	shalt  }
0x7e: {  	_ =	shalt  }
0x7f: {  	_ =	shalt  }
0x80: {  	_ =	shalt  }
0x81: {  	_ =	shalt  }
0x82: {  	_ =	shalt  }
0x83: {  	_ =	shalt  }
0x84: {  	_ =	shalt  }
0x85: {  	_ =	shalt  }
0x86: {  	_ =	shalt  }
0x87: {  	_ =	shalt  }
.Lfunc_end0:
.L_simem_size_0:
called_computation.3_lowered:
.L_overlay_start_0:
0x88: {  	s2 =	sld [smem:$0x3FD9]  }
0x89: {  	s3 =	sld [smem:$0x3FFE];
	_ =	sdelay $0x1  }
0x8a: {  	s1 =	srdreg.scid  }
0x8b: {  	s0 =	sand.u32 $0x1, s1  }
0x8c: {  	s16 =	sshll.u32 s0, $0xA;
	s2 =	sadd.s32 s3, s2  }
0x8d: {  	s2 =	sadd.s32 s2, s16  }
0x8e: {  	[smem:$0x3FB3] =	sst s2  }
0x8f: {  	_ = 	snop  }
0x90: {  	(tm) =	ssettm $0x1  }
0x91: {  	s17 =	sld [smem:$0x3FFB];
	_ =	sdelay $0x3  }
0x92: {  	_ =	strace s17  }
0x93: {  	s2 =	sld [smem:$0x3FFC];
	_ =	sdelay $0x3  }
0x94: {  	_ =	strace s2  }
0x95: {  	s2 =	sld [smem:$0x3FFD];
	_ =	sdelay $0x3  }
0x96: {  	_ =	strace s2  }
0x97: {  	_ =	strace $0x8FFFFFFF  }
0x98: {  	s18 =	sld [smem:$0x3FDB];
	_ =	sdelay $0x1  }
0x99: {  	s19 =	simm.s32 $_scs_section_size  }
0x9a: {  	s4 =	simm.s32 $_size__tile_overlayer_lowered;
	s5 =	simm.s32 $_tile_overlayer_lowered  }
0x9b: {  	s22 =	simm.s32 $0x1BFF;
	s21 =	sshll.u32 s5, $0x1;
	s2 =	sadd.s32 s19, s18  }
0x9c: {  	s6 =	simm.s32 $0x0;
	s20 =	sshll.u32 s4, $0x1;
	s4 =	sadd.s32 s21, s2  }
0x9d: {  	[timem:s6], [sflag:s22] =	dma.local [hbm:s4], s20  }
0x9e: {  	_ =	swait.ge [sflag:s22], s20  }
0x9f: {  	s3 =	ssub.s32 $0x0, s20;
	[sflag:s22] =	ssyncset.done $0x0  }
0xa0: {  	[sflag:s22] =	ssyncadd.s32 s3;
	_ =	sdelay $0x1  }
0xa1: {  	s23 =	simm.s32 $0x1B8B  }
0xa2: {  	_ =	swait.ge [sflag:s23], $0x1  }
0xa3: {  	[sflag:s23] =	ssyncset.done $0x0  }
0xa4: {  	s25 =	simm.s32 $0x1B8E;
	s24 =	sld [smem:$0x3FFE];
	[sflag:s23] =	ssyncadd.s32 $0xFFFFFFFF  }
0xa5: {  	s26 =	simm.s32 $execute0_lowered;
	[smem:$0x3FD2] =	sst s25  }
0xa6: {  	s4 =	sshll.u32 s26, $0x1;
	_ =	strace $0x8000004F;
	[dreg:$0x1] =	wrdreg $0xFFFFFFFF  }
0xa7: {  	s28 =	simm.s32 $_size_execute0_lowered;
	s2 =	sadd.s32 s2, s4;
	[dreg:$0x0] =	wrdreg $0x0  }
0xa8: {  	s4 =	sshll.u32 s28, $0x1;
	[dreg:$0x2] =	wrdreg s2  }
0xa9: {  	[dreg:$0x3] =	wrdreg s4  }
0xaa: {  	[dreg:$0x4] =	wrdreg $0xC0  }
0xab: {  	_ =	task [dreg:s6], $0x5FFFF  }
0xac: {  	[dreg:$0x1] =	wrdreg $0xFFFFFFFF  }
0xad: {  	[dreg:$0x0] =	wrdreg $0x60  }
0xae: {  	[dreg:$0x2] =	wrdreg s24  }
0xaf: {  	[dreg:$0x3] =	wrdreg $0x9  }
0xb0: {  	_ =	task.clear_ibuf [dreg:s6], $0x4FFFF;
	_ =	strace $0x9000004F  }
0xb1: {  	s29 =	simm.s32 $0x9;
	_ =	strace $0x80000051  }
0xb2: {  	_ =	swait.ge [sflag:s29], $0x1  }
0xb3: {  	[sflag:s29] =	ssyncadd.s32 $0xFFFFFFFF  }
0xb4: {  	_ =	strace $0x90000051  }
0xb5: {  	_ =	sfence  }
0xb6: {  	s30 =	sld [smem:$0x0];
	_ =	sdelay $0x2  }
0xb7: {  	s31 =	sshll.u32 s1, $0xD;
	s1 =	sshrl.u32 s1, $0x2  }
0xb8: {  	s3 =	sand.u32 $0x4000, s31;
	s1 =	sadd.s32 s1, s30  }
0xb9: {  	s0 =	sor.u32 s3, s0;
	s1 =	sshll.u32 s1, $0x11  }
0xba: {  	s0 =	sor.u32 s1, s0  }
0xbb: {  	s0 =	sadd.s32 $0x8F2B, s0  }
0xbc: {  	[sflag:s0] =	ssyncadd.remote.s32 $0x1  }
0xbd: {  	_ =	sfence.sel $0xFFFF  }
0xbe: {  	[dreg:$0x0] =	wrdreg $0xFFFFFFFF;
	(pc) =	sbr.abs _section_cstart, $3  }
0xbf: {  	[dreg:$0x1] =	wrdreg $0xFFFFFFFF  }
0xc0: {  	_ =	task.clear_ibuf [dreg:s6], $0x2FFFF;
	_ =	strace $0x9FFFFFFF  }
0xc1: {  	(tm) =	ssettm $0x7FFFFFFF  }
tec
execute0_lowered:
.L_overlay_start_1:
0x0: {  	(tag) =	ssettag $0x1  }
0x1: {  	s1 =	srdreg.scid  }
0x2: {  	s0 =	stileid.u32;
	s4 =	rddreg [dreg:$0x0];
	s2 =	simm.s32 $0x0  }
0x3: {  	s10 =	simm.s32 $0xA180;
	s3 =	sand.u32 $0x1, s1;
	s30 =	sshll.u32 s0, $0x1  }
0x4: {  	s11 =	simm.s32 $0x0;
	[smem:$0x7FF] =	sst s2;
	s5 =	sor.u32 s3, s30  }
0x5: {  	s1 =	rddreg [dreg:$0x1];
	_ =	strace $0x80000050;
	s6 =	smul.u32 $0x1400, s5  }
0x6: {  	s8 =	ssub.s32 $0x2, s3;
	s7 =	smul.u32 $0x28, s5;
	s5 =	sshll.u32 s5, $0xB  }
0x7: {  	v0 =	vlaneseq.u32;
	s3 =	sadd.s32 $0x4800, s4;
	s31 =	sshrl.u32 s8, $0x1;
	s9 =	sadd.s32 s5, s4  }
0x8: {  	v1 =	vor.u32 $0x10, v0;
	s8 =	ssub.s32 s8, s31;
	s6 =	sadd.s32 s6, s4;
	s7 =	sadd.s32 s7, s4  }
0x9: {  	v2 =	vor.u32 $0x20, v0;
	v3 =	vor.u32 $0x30, v0;
	v4 =	vor.u32 $0x40, v0;
	s4 =	sadd.s32 $0x7600, s6;
	s5 =	sadd.s32 $0x7000, s7;
	s6 =	sadd.s32 $0x2F600, s9  }
0xa: {  	v5 =	vor.u32 $0x50, v0;
	v6 =	vor.u32 $0x60, v0;
	v7 =	vor.u32 $0x70, v0;
	s7 =	smax.u32 s8, $0x1;
	s8 =	simm.s32 $0x1;
	s9 =	simm.s32 $0xA000  }
.LBB2_1:
0xb: {  	[tilespmem:s2], [sflag:$0x1] =	stream.linear.gather [hbm4b:s4+s2], $0xA000, $0x38;
	[tilespmem:$0xE580] =	vst v63  }
0xc: {  	_ =	swait.ge [sflag:s8], $0xA000  }
0xd: {  	[sflag:s8] =	ssyncset.done $0x0  }
0xe: {  	[sflag:s8] =	ssyncadd.s32 $0xFFFF6000  }
0xf: {  	[tilespmem:s9], [sflag:$0x1] =	stream.linear.gather [hbm4b:s5+s2], $0x140, $0x38;
	[tilespmem:$0xE580] =	vst v63  }
0x10: {  	_ =	swait.ge [sflag:s8], $0x140  }
0x11: {  	[sflag:s8] =	ssyncset.done $0x0  }
0x12: {  	[sflag:s8] =	ssyncadd.s32 $0xFFFFFEC0  }
0x13: {  	[tilespmem:s10], [sflag:$0x1] =	stream.linear.gather [hbm4b:s3+s2], $0x4400, $0x38;
	[tilespmem:$0xE580] =	vst v63  }
0x14: {  	_ =	swait.ge [sflag:s8], $0x4400  }
0x15: {  	[sflag:s8] =	ssyncset.done $0x0  }
0x16: {  	s12 =	simm.s32 $0xF;
	s13 =	simm.s32 $0x400;
	[sflag:s8] =	ssyncadd.s32 $0xFFFFBC00  }
.LBB2_2:
0x17: {  	s14 =	sadd.s32 $0xFFFFFFF1, s12  }
0x18: {  	v8 =	vmov s14  }
0x19: {  	v8 =	vand.u32 $0xFFFFFFF0, v8  }
0x1a: {  	v8 =	vbroadcast v8, $0x0;
	_ =	sdelay $0x5  }
0x1b: {  	v8 =	vld.idx.msk [tilespmem:v8+s9+$0x0], $0xffff;
	_ =	sdelay $0x4  }
0x1c: {  	vm0 =	vlt.s32 v8, $0x0;
	v8 =	vshll.u32 v8, $0x7  }
0x1d: {  	v8 =	vsel vm0, $0x4000, v8  }
0x1e: {  	v9 =	vor.u32 v0, v8;
	_ =	sdelay $0x3  }
0x1f: {  	v11 =	vld [tilespmem:s13+$0xFFFFFC00]  }
0x20: {  	v10 =	vld.idx.msk [tilespmem:v9+s10+$0x0], $0xffff;
	_ =	sdelay $0x1  }
0x21: {  	v12 =	vor.u32 v1, v8;
	_ =	sdelay $0x2  }
0x22: {  	v10 =	vmax.f32 v10, v11  }
0x23: {  	[tilespmem:v9+s10+$0x0] =	vst.idx.msk $0xffff, v10  }
0x24: {  	v9 =	vld.idx.msk [tilespmem:v12+s10+$0x0], $0xffff  }
0x25: {  	v10 =	vld [tilespmem:s13+$0xFFFFFC10];
	_ =	sdelay $0x1  }
0x26: {  	v22 =	vor.u32 v2, v8;
	_ =	sdelay $0x2  }
0x27: {  	v9 =	vmax.f32 v9, v10  }
0x28: {  	[tilespmem:v12+s10+$0x0] =	vst.idx.msk $0xffff, v9  }
0x29: {  	v9 =	vld.idx.msk [tilespmem:v22+s10+$0x0], $0xffff  }
0x2a: {  	v23 =	vld [tilespmem:s13+$0xFFFFFC20];
	_ =	sdelay $0x1  }
0x2b: {  	v24 =	vor.u32 v3, v8;
	_ =	sdelay $0x2  }
0x2c: {  	v9 =	vmax.f32 v9, v23  }
0x2d: {  	[tilespmem:v22+s10+$0x0] =	vst.idx.msk $0xffff, v9  }
0x2e: {  	v9 =	vld.idx.msk [tilespmem:v24+s10+$0x0], $0xffff  }
0x2f: {  	v25 =	vld [tilespmem:s13+$0xFFFFFC30];
	_ =	sdelay $0x1  }
0x30: {  	v26 =	vor.u32 v4, v8;
	_ =	sdelay $0x2  }
0x31: {  	v9 =	vmax.f32 v9, v25  }
0x32: {  	[tilespmem:v24+s10+$0x0] =	vst.idx.msk $0xffff, v9  }
0x33: {  	v9 =	vld.idx.msk [tilespmem:v26+s10+$0x0], $0xffff  }
0x34: {  	v27 =	vld [tilespmem:s13+$0xFFFFFC40];
	_ =	sdelay $0x1  }
0x35: {  	v28 =	vor.u32 v5, v8;
	_ =	sdelay $0x2  }
0x36: {  	v9 =	vmax.f32 v9, v27  }
0x37: {  	[tilespmem:v26+s10+$0x0] =	vst.idx.msk $0xffff, v9  }
0x38: {  	v9 =	vld.idx.msk [tilespmem:v28+s10+$0x0], $0xffff  }
0x39: {  	v29 =	vld [tilespmem:s13+$0xFFFFFC50];
	_ =	sdelay $0x1  }
0x3a: {  	v30 =	vor.u32 v6, v8;
	_ =	sdelay $0x2  }
0x3b: {  	v9 =	vmax.f32 v9, v29  }
0x3c: {  	[tilespmem:v28+s10+$0x0] =	vst.idx.msk $0xffff, v9  }
0x3d: {  	v9 =	vld.idx.msk [tilespmem:v30+s10+$0x0], $0xffff  }
0x3e: {  	v31 =	vld [tilespmem:s13+$0xFFFFFC60];
	_ =	sdelay $0x1  }
0x3f: {  	v8 =	vor.u32 v7, v8;
	_ =	sdelay $0x2  }
0x40: {  	v9 =	vmax.f32 v9, v31  }
0x41: {  	s17 =	sadd.s32 $0xFFFFFFF2, s12;
	[tilespmem:v30+s10+$0x0] =	vst.idx.msk $0xffff, v9  }
0x42: {  	v32 =	vmov s17;
	v9 =	vld.idx.msk [tilespmem:v8+s10+$0x0], $0xffff  }
0x43: {  	v10 =	vand.u32 $0xFFFFFFF1, v32;
	v11 =	vld [tilespmem:s13+$0xFFFFFC70]  }
0x44: {  	v10 =	vbroadcast v10, $0x0;
	_ =	sdelay $0x3  }
0x45: {  	v9 =	vmax.f32 v9, v11  }
0x46: {  	[tilespmem:v8+s10+$0x0] =	vst.idx.msk $0xffff, v9  }
0x47: {  	v8 =	vld.idx.msk [tilespmem:v10+s9+$0x0], $0xffff;
	_ =	sdelay $0x4  }
0x48: {  	vm13 =	vlt.s32 v8, $0x0;
	v8 =	vshll.u32 v8, $0x7  }
0x49: {  	v8 =	vsel vm13, $0x4000, v8  }
0x4a: {  	v33 =	vor.u32 v0, v8;
	_ =	sdelay $0x3  }
0x4b: {  	v35 =	vld [tilespmem:s13+$0xFFFFFC80]  }
0x4c: {  	v34 =	vld.idx.msk [tilespmem:v33+s10+$0x0], $0xffff;
	_ =	sdelay $0x1  }
0x4d: {  	v36 =	vor.u32 v1, v8;
	_ =	sdelay $0x2  }
0x4e: {  	v10 =	vmax.f32 v34, v35  }
0x4f: {  	[tilespmem:v33+s10+$0x0] =	vst.idx.msk $0xffff, v10  }
0x50: {  	v9 =	vld.idx.msk [tilespmem:v36+s10+$0x0], $0xffff  }
0x51: {  	v10 =	vld [tilespmem:s13+$0xFFFFFC90];
	_ =	sdelay $0x1  }
0x52: {  	v37 =	vor.u32 v2, v8;
	_ =	sdelay $0x2  }
0x53: {  	v9 =	vmax.f32 v9, v10  }
0x54: {  	[tilespmem:v36+s10+$0x0] =	vst.idx.msk $0xffff, v9  }
0x55: {  	v9 =	vld.idx.msk [tilespmem:v37+s10+$0x0], $0xffff  }
0x56: {  	v38 =	vld [tilespmem:s13+$0xFFFFFCA0];
	_ =	sdelay $0x1  }
0x57: {  	v39 =	vor.u32 v3, v8;
	_ =	sdelay $0x2  }
0x58: {  	v9 =	vmax.f32 v9, v38  }
0x59: {  	[tilespmem:v37+s10+$0x0] =	vst.idx.msk $0xffff, v9  }
0x5a: {  	v9 =	vld.idx.msk [tilespmem:v39+s10+$0x0], $0xffff  }
0x5b: {  	v40 =	vld [tilespmem:s13+$0xFFFFFCB0];
	_ =	sdelay $0x1  }
0x5c: {  	v41 =	vor.u32 v4, v8;
	_ =	sdelay $0x2  }
0x5d: {  	v9 =	vmax.f32 v9, v40  }
0x5e: {  	[tilespmem:v39+s10+$0x0] =	vst.idx.msk $0xffff, v9  }
0x5f: {  	v9 =	vld.idx.msk [tilespmem:v41+s10+$0x0], $0xffff  }
0x60: {  	v42 =	vld [tilespmem:s13+$0xFFFFFCC0];
	_ =	sdelay $0x1  }
0x61: {  	v43 =	vor.u32 v5, v8;
	_ =	sdelay $0x2  }
0x62: {  	v9 =	vmax.f32 v9, v42  }
0x63: {  	[tilespmem:v41+s10+$0x0] =	vst.idx.msk $0xffff, v9  }
0x64: {  	v9 =	vld.idx.msk [tilespmem:v43+s10+$0x0], $0xffff  }
0x65: {  	v44 =	vld [tilespmem:s13+$0xFFFFFCD0];
	_ =	sdelay $0x1  }
0x66: {  	v45 =	vor.u32 v6, v8;
	_ =	sdelay $0x2  }
0x67: {  	v9 =	vmax.f32 v9, v44  }
0x68: {  	[tilespmem:v43+s10+$0x0] =	vst.idx.msk $0xffff, v9  }
0x69: {  	v9 =	vld.idx.msk [tilespmem:v45+s10+$0x0], $0xffff  }
0x6a: {  	v46 =	vld [tilespmem:s13+$0xFFFFFCE0];
	_ =	sdelay $0x1  }
0x6b: {  	v8 =	vor.u32 v7, v8;
	_ =	sdelay $0x2  }
0x6c: {  	v9 =	vmax.f32 v9, v46  }
0x6d: {  	s18 =	sadd.s32 $0xFFFFFFF3, s12;
	[tilespmem:v45+s10+$0x0] =	vst.idx.msk $0xffff, v9  }
0x6e: {  	v47 =	vmov s18;
	v9 =	vld.idx.msk [tilespmem:v8+s10+$0x0], $0xffff  }
0x6f: {  	v10 =	vand.u32 $0xFFFFFFF2, v47;
	v11 =	vld [tilespmem:s13+$0xFFFFFCF0]  }
0x70: {  	v10 =	vbroadcast v10, $0x0;
	_ =	sdelay $0x3  }
0x71: {  	v9 =	vmax.f32 v9, v11  }
0x72: {  	[tilespmem:v8+s10+$0x0] =	vst.idx.msk $0xffff, v9  }
0x73: {  	v8 =	vld.idx.msk [tilespmem:v10+s9+$0x0], $0xffff;
	_ =	sdelay $0x4  }
0x74: {  	vm14 =	vlt.s32 v8, $0x0;
	v8 =	vshll.u32 v8, $0x7  }
0x75: {  	v8 =	vsel vm14, $0x4000, v8  }
0x76: {  	v48 =	vor.u32 v0, v8;
	_ =	sdelay $0x3  }
0x77: {  	v50 =	vld [tilespmem:s13+$0xFFFFFD00]  }
0x78: {  	v49 =	vld.idx.msk [tilespmem:v48+s10+$0x0], $0xffff;
	_ =	sdelay $0x1  }
0x79: {  	v51 =	vor.u32 v1, v8;
	_ =	sdelay $0x2  }
0x7a: {  	v10 =	vmax.f32 v49, v50  }
0x7b: {  	[tilespmem:v48+s10+$0x0] =	vst.idx.msk $0xffff, v10  }
0x7c: {  	v9 =	vld.idx.msk [tilespmem:v51+s10+$0x0], $0xffff  }
0x7d: {  	v10 =	vld [tilespmem:s13+$0xFFFFFD10];
	_ =	sdelay $0x1  }
0x7e: {  	v52 =	vor.u32 v2, v8;
	_ =	sdelay $0x2  }
0x7f: {  	v9 =	vmax.f32 v9, v10  }
0x80: {  	[tilespmem:v51+s10+$0x0] =	vst.idx.msk $0xffff, v9  }
0x81: {  	v9 =	vld.idx.msk [tilespmem:v52+s10+$0x0], $0xffff  }
0x82: {  	v53 =	vld [tilespmem:s13+$0xFFFFFD20];
	_ =	sdelay $0x1  }
0x83: {  	v54 =	vor.u32 v3, v8;
	_ =	sdelay $0x2  }
0x84: {  	v9 =	vmax.f32 v9, v53  }
0x85: {  	[tilespmem:v52+s10+$0x0] =	vst.idx.msk $0xffff, v9  }
0x86: {  	v9 =	vld.idx.msk [tilespmem:v54+s10+$0x0], $0xffff  }
0x87: {  	v55 =	vld [tilespmem:s13+$0xFFFFFD30];
	_ =	sdelay $0x1  }
0x88: {  	v56 =	vor.u32 v4, v8;
	_ =	sdelay $0x2  }
0x89: {  	v9 =	vmax.f32 v9, v55  }
0x8a: {  	[tilespmem:v54+s10+$0x0] =	vst.idx.msk $0xffff, v9  }
0x8b: {  	v9 =	vld.idx.msk [tilespmem:v56+s10+$0x0], $0xffff  }
0x8c: {  	v57 =	vld [tilespmem:s13+$0xFFFFFD40];
	_ =	sdelay $0x1  }
0x8d: {  	v58 =	vor.u32 v5, v8;
	_ =	sdelay $0x2  }
0x8e: {  	v9 =	vmax.f32 v9, v57  }
0x8f: {  	[tilespmem:v56+s10+$0x0] =	vst.idx.msk $0xffff, v9  }
0x90: {  	v9 =	vld.idx.msk [tilespmem:v58+s10+$0x0], $0xffff  }
0x91: {  	v59 =	vld [tilespmem:s13+$0xFFFFFD50];
	_ =	sdelay $0x1  }
0x92: {  	v60 =	vor.u32 v6, v8;
	_ =	sdelay $0x2  }
0x93: {  	v9 =	vmax.f32 v9, v59  }
0x94: {  	[tilespmem:v58+s10+$0x0] =	vst.idx.msk $0xffff, v9  }
0x95: {  	v9 =	vld.idx.msk [tilespmem:v60+s10+$0x0], $0xffff  }
0x96: {  	v61 =	vld [tilespmem:s13+$0xFFFFFD60];
	_ =	sdelay $0x1  }
0x97: {  	v8 =	vor.u32 v7, v8;
	_ =	sdelay $0x2  }
0x98: {  	v9 =	vmax.f32 v9, v61  }
0x99: {  	s19 =	sadd.s32 $0xFFFFFFF4, s12;
	[tilespmem:v60+s10+$0x0] =	vst.idx.msk $0xffff, v9  }
0x9a: {  	v62 =	vmov s19;
	v9 =	vld.idx.msk [tilespmem:v8+s10+$0x0], $0xffff  }
0x9b: {  	v10 =	vand.u32 $0xFFFFFFF3, v62;
	v11 =	vld [tilespmem:s13+$0xFFFFFD70]  }
0x9c: {  	v10 =	vbroadcast v10, $0x0;
	_ =	sdelay $0x3  }
0x9d: {  	v9 =	vmax.f32 v9, v11  }
0x9e: {  	[tilespmem:v8+s10+$0x0] =	vst.idx.msk $0xffff, v9  }
0x9f: {  	v8 =	vld.idx.msk [tilespmem:v10+s9+$0x0], $0xffff;
	_ =	sdelay $0x4  }
0xa0: {  	vm15 =	vlt.s32 v8, $0x0;
	v8 =	vshll.u32 v8, $0x7  }
0xa1: {  	v8 =	vsel vm15, $0x4000, v8  }
0xa2: {  	v63 =	vor.u32 v0, v8;
	_ =	sdelay $0x3  }
0xa3: {  	v17 =	vld [tilespmem:s13+$0xFFFFFD80]  }
0xa4: {  	v16 =	vld.idx.msk [tilespmem:v63+s10+$0x0], $0xffff;
	_ =	sdelay $0x1  }
0xa5: {  	v18 =	vor.u32 v1, v8;
	_ =	sdelay $0x2  }
0xa6: {  	v10 =	vmax.f32 v16, v17  }
0xa7: {  	[tilespmem:v63+s10+$0x0] =	vst.idx.msk $0xffff, v10  }
0xa8: {  	v9 =	vld.idx.msk [tilespmem:v18+s10+$0x0], $0xffff  }
0xa9: {  	v10 =	vld [tilespmem:s13+$0xFFFFFD90];
	_ =	sdelay $0x1  }
0xaa: {  	v19 =	vor.u32 v2, v8;
	_ =	sdelay $0x2  }
0xab: {  	v9 =	vmax.f32 v9, v10  }
0xac: {  	[tilespmem:v18+s10+$0x0] =	vst.idx.msk $0xffff, v9  }
0xad: {  	v9 =	vld.idx.msk [tilespmem:v19+s10+$0x0], $0xffff  }
0xae: {  	v20 =	vld [tilespmem:s13+$0xFFFFFDA0];
	_ =	sdelay $0x1  }
0xaf: {  	v21 =	vor.u32 v3, v8;
	_ =	sdelay $0x2  }
0xb0: {  	v9 =	vmax.f32 v9, v20  }
0xb1: {  	[tilespmem:v19+s10+$0x0] =	vst.idx.msk $0xffff, v9  }
0xb2: {  	v9 =	vld.idx.msk [tilespmem:v21+s10+$0x0], $0xffff  }
0xb3: {  	v22 =	vld [tilespmem:s13+$0xFFFFFDB0];
	_ =	sdelay $0x1  }
0xb4: {  	v23 =	vor.u32 v4, v8;
	_ =	sdelay $0x2  }
0xb5: {  	v9 =	vmax.f32 v9, v22  }
0xb6: {  	[tilespmem:v21+s10+$0x0] =	vst.idx.msk $0xffff, v9  }
0xb7: {  	v9 =	vld.idx.msk [tilespmem:v23+s10+$0x0], $0xffff  }
0xb8: {  	v24 =	vld [tilespmem:s13+$0xFFFFFDC0];
	_ =	sdelay $0x1  }
0xb9: {  	v25 =	vor.u32 v5, v8;
	_ =	sdelay $0x2  }
0xba: {  	v9 =	vmax.f32 v9, v24  }
0xbb: {  	[tilespmem:v23+s10+$0x0] =	vst.idx.msk $0xffff, v9  }
0xbc: {  	v9 =	vld.idx.msk [tilespmem:v25+s10+$0x0], $0xffff  }
0xbd: {  	v26 =	vld [tilespmem:s13+$0xFFFFFDD0];
	_ =	sdelay $0x1  }
0xbe: {  	v27 =	vor.u32 v6, v8;
	_ =	sdelay $0x2  }
0xbf: {  	v9 =	vmax.f32 v9, v26  }
0xc0: {  	[tilespmem:v25+s10+$0x0] =	vst.idx.msk $0xffff, v9  }
0xc1: {  	v9 =	vld.idx.msk [tilespmem:v27+s10+$0x0], $0xffff  }
0xc2: {  	v28 =	vld [tilespmem:s13+$0xFFFFFDE0];
	_ =	sdelay $0x1  }
0xc3: {  	v8 =	vor.u32 v7, v8;
	_ =	sdelay $0x2  }
0xc4: {  	v9 =	vmax.f32 v9, v28  }
0xc5: {  	s20 =	sadd.s32 $0xFFFFFFF5, s12;
	[tilespmem:v27+s10+$0x0] =	vst.idx.msk $0xffff, v9  }
0xc6: {  	v29 =	vmov s20;
	v9 =	vld.idx.msk [tilespmem:v8+s10+$0x0], $0xffff  }
0xc7: {  	v10 =	vand.u32 $0xFFFFFFF4, v29;
	v11 =	vld [tilespmem:s13+$0xFFFFFDF0]  }
0xc8: {  	v10 =	vbroadcast v10, $0x0;
	_ =	sdelay $0x3  }
0xc9: {  	v9 =	vmax.f32 v9, v11  }
0xca: {  	[tilespmem:v8+s10+$0x0] =	vst.idx.msk $0xffff, v9  }
0xcb: {  	v8 =	vld.idx.msk [tilespmem:v10+s9+$0x0], $0xffff;
	_ =	sdelay $0x4  }
0xcc: {  	vm4 =	vlt.s32 v8, $0x0;
	v8 =	vshll.u32 v8, $0x7  }
0xcd: {  	v8 =	vsel vm4, $0x4000, v8  }
0xce: {  	v30 =	vor.u32 v0, v8;
	_ =	sdelay $0x3  }
0xcf: {  	v32 =	vld [tilespmem:s13+$0xFFFFFE00]  }
0xd0: {  	v31 =	vld.idx.msk [tilespmem:v30+s10+$0x0], $0xffff;
	_ =	sdelay $0x1  }
0xd1: {  	v33 =	vor.u32 v1, v8;
	_ =	sdelay $0x2  }
0xd2: {  	v10 =	vmax.f32 v31, v32  }
0xd3: {  	[tilespmem:v30+s10+$0x0] =	vst.idx.msk $0xffff, v10  }
0xd4: {  	v9 =	vld.idx.msk [tilespmem:v33+s10+$0x0], $0xffff  }
0xd5: {  	v10 =	vld [tilespmem:s13+$0xFFFFFE10];
	_ =	sdelay $0x1  }
0xd6: {  	v34 =	vor.u32 v2, v8;
	_ =	sdelay $0x2  }
0xd7: {  	v9 =	vmax.f32 v9, v10  }
0xd8: {  	[tilespmem:v33+s10+$0x0] =	vst.idx.msk $0xffff, v9  }
0xd9: {  	v9 =	vld.idx.msk [tilespmem:v34+s10+$0x0], $0xffff  }
0xda: {  	v35 =	vld [tilespmem:s13+$0xFFFFFE20];
	_ =	sdelay $0x1  }
0xdb: {  	v36 =	vor.u32 v3, v8;
	_ =	sdelay $0x2  }
0xdc: {  	v9 =	vmax.f32 v9, v35  }
0xdd: {  	[tilespmem:v34+s10+$0x0] =	vst.idx.msk $0xffff, v9  }
0xde: {  	v9 =	vld.idx.msk [tilespmem:v36+s10+$0x0], $0xffff  }
0xdf: {  	v37 =	vld [tilespmem:s13+$0xFFFFFE30];
	_ =	sdelay $0x1  }
0xe0: {  	v38 =	vor.u32 v4, v8;
	_ =	sdelay $0x2  }
0xe1: {  	v9 =	vmax.f32 v9, v37  }
0xe2: {  	[tilespmem:v36+s10+$0x0] =	vst.idx.msk $0xffff, v9  }
0xe3: {  	v9 =	vld.idx.msk [tilespmem:v38+s10+$0x0], $0xffff  }
0xe4: {  	v39 =	vld [tilespmem:s13+$0xFFFFFE40];
	_ =	sdelay $0x1  }
0xe5: {  	v40 =	vor.u32 v5, v8;
	_ =	sdelay $0x2  }
0xe6: {  	v9 =	vmax.f32 v9, v39  }
0xe7: {  	[tilespmem:v38+s10+$0x0] =	vst.idx.msk $0xffff, v9  }
0xe8: {  	v9 =	vld.idx.msk [tilespmem:v40+s10+$0x0], $0xffff  }
0xe9: {  	v41 =	vld [tilespmem:s13+$0xFFFFFE50];
	_ =	sdelay $0x1  }
0xea: {  	v42 =	vor.u32 v6, v8;
	_ =	sdelay $0x2  }
0xeb: {  	v9 =	vmax.f32 v9, v41  }
0xec: {  	[tilespmem:v40+s10+$0x0] =	vst.idx.msk $0xffff, v9  }
0xed: {  	v9 =	vld.idx.msk [tilespmem:v42+s10+$0x0], $0xffff  }
0xee: {  	v43 =	vld [tilespmem:s13+$0xFFFFFE60];
	_ =	sdelay $0x1  }
0xef: {  	v8 =	vor.u32 v7, v8;
	_ =	sdelay $0x2  }
0xf0: {  	v9 =	vmax.f32 v9, v43  }
0xf1: {  	s21 =	sadd.s32 $0xFFFFFFF6, s12;
	[tilespmem:v42+s10+$0x0] =	vst.idx.msk $0xffff, v9  }
0xf2: {  	v44 =	vmov s21;
	v9 =	vld.idx.msk [tilespmem:v8+s10+$0x0], $0xffff  }
0xf3: {  	v10 =	vand.u32 $0xFFFFFFF5, v44;
	v11 =	vld [tilespmem:s13+$0xFFFFFE70]  }
0xf4: {  	v10 =	vbroadcast v10, $0x0;
	_ =	sdelay $0x3  }
0xf5: {  	v9 =	vmax.f32 v9, v11  }
0xf6: {  	[tilespmem:v8+s10+$0x0] =	vst.idx.msk $0xffff, v9  }
0xf7: {  	v8 =	vld.idx.msk [tilespmem:v10+s9+$0x0], $0xffff;
	_ =	sdelay $0x4  }
0xf8: {  	vm5 =	vlt.s32 v8, $0x0;
	v8 =	vshll.u32 v8, $0x7  }
0xf9: {  	v8 =	vsel vm5, $0x4000, v8  }
0xfa: {  	v45 =	vor.u32 v0, v8;
	_ =	sdelay $0x3  }
0xfb: {  	v47 =	vld [tilespmem:s13+$0xFFFFFE80]  }
0xfc: {  	v46 =	vld.idx.msk [tilespmem:v45+s10+$0x0], $0xffff;
	_ =	sdelay $0x1  }
0xfd: {  	v48 =	vor.u32 v1, v8;
	_ =	sdelay $0x2  }
0xfe: {  	v10 =	vmax.f32 v46, v47  }
0xff: {  	[tilespmem:v45+s10+$0x0] =	vst.idx.msk $0xffff, v10  }
0x100: {  	v9 =	vld.idx.msk [tilespmem:v48+s10+$0x0], $0xffff  }
0x101: {  	v10 =	vld [tilespmem:s13+$0xFFFFFE90];
	_ =	sdelay $0x1  }
0x102: {  	v49 =	vor.u32 v2, v8;
	_ =	sdelay $0x2  }
0x103: {  	v9 =	vmax.f32 v9, v10  }
0x104: {  	[tilespmem:v48+s10+$0x0] =	vst.idx.msk $0xffff, v9  }
0x105: {  	v9 =	vld.idx.msk [tilespmem:v49+s10+$0x0], $0xffff  }
0x106: {  	v50 =	vld [tilespmem:s13+$0xFFFFFEA0];
	_ =	sdelay $0x1  }
0x107: {  	v51 =	vor.u32 v3, v8;
	_ =	sdelay $0x2  }
0x108: {  	v9 =	vmax.f32 v9, v50  }
0x109: {  	[tilespmem:v49+s10+$0x0] =	vst.idx.msk $0xffff, v9  }
0x10a: {  	v9 =	vld.idx.msk [tilespmem:v51+s10+$0x0], $0xffff  }
0x10b: {  	v52 =	vld [tilespmem:s13+$0xFFFFFEB0];
	_ =	sdelay $0x1  }
0x10c: {  	v53 =	vor.u32 v4, v8;
	_ =	sdelay $0x2  }
0x10d: {  	v9 =	vmax.f32 v9, v52  }
0x10e: {  	[tilespmem:v51+s10+$0x0] =	vst.idx.msk $0xffff, v9  }
0x10f: {  	v9 =	vld.idx.msk [tilespmem:v53+s10+$0x0], $0xffff  }
0x110: {  	v54 =	vld [tilespmem:s13+$0xFFFFFEC0];
	_ =	sdelay $0x1  }
0x111: {  	v55 =	vor.u32 v5, v8;
	_ =	sdelay $0x2  }
0x112: {  	v9 =	vmax.f32 v9, v54  }
0x113: {  	[tilespmem:v53+s10+$0x0] =	vst.idx.msk $0xffff, v9  }
0x114: {  	v9 =	vld.idx.msk [tilespmem:v55+s10+$0x0], $0xffff  }
0x115: {  	v56 =	vld [tilespmem:s13+$0xFFFFFED0];
	_ =	sdelay $0x1  }
0x116: {  	v57 =	vor.u32 v6, v8;
	_ =	sdelay $0x2  }
0x117: {  	v9 =	vmax.f32 v9, v56  }
0x118: {  	[tilespmem:v55+s10+$0x0] =	vst.idx.msk $0xffff, v9  }
0x119: {  	v9 =	vld.idx.msk [tilespmem:v57+s10+$0x0], $0xffff  }
0x11a: {  	v58 =	vld [tilespmem:s13+$0xFFFFFEE0];
	_ =	sdelay $0x1  }
0x11b: {  	v8 =	vor.u32 v7, v8;
	_ =	sdelay $0x2  }
0x11c: {  	v9 =	vmax.f32 v9, v58  }
0x11d: {  	s22 =	sadd.s32 $0xFFFFFFF7, s12;
	[tilespmem:v57+s10+$0x0] =	vst.idx.msk $0xffff, v9  }
0x11e: {  	v59 =	vmov s22;
	v9 =	vld.idx.msk [tilespmem:v8+s10+$0x0], $0xffff  }
0x11f: {  	v10 =	vand.u32 $0xFFFFFFF6, v59;
	v11 =	vld [tilespmem:s13+$0xFFFFFEF0]  }
0x120: {  	v10 =	vbroadcast v10, $0x0;
	_ =	sdelay $0x3  }
0x121: {  	v9 =	vmax.f32 v9, v11  }
0x122: {  	[tilespmem:v8+s10+$0x0] =	vst.idx.msk $0xffff, v9  }
0x123: {  	v8 =	vld.idx.msk [tilespmem:v10+s9+$0x0], $0xffff;
	_ =	sdelay $0x4  }
0x124: {  	vm6 =	vlt.s32 v8, $0x0;
	v8 =	vshll.u32 v8, $0x7  }
0x125: {  	v8 =	vsel vm6, $0x4000, v8  }
0x126: {  	v60 =	vor.u32 v0, v8;
	_ =	sdelay $0x3  }
0x127: {  	v62 =	vld [tilespmem:s13+$0xFFFFFF00]  }
0x128: {  	v61 =	vld.idx.msk [tilespmem:v60+s10+$0x0], $0xffff;
	_ =	sdelay $0x1  }
0x129: {  	v63 =	vor.u32 v1, v8;
	_ =	sdelay $0x2  }
0x12a: {  	v10 =	vmax.f32 v61, v62  }
0x12b: {  	[tilespmem:v60+s10+$0x0] =	vst.idx.msk $0xffff, v10  }
0x12c: {  	v9 =	vld.idx.msk [tilespmem:v63+s10+$0x0], $0xffff  }
0x12d: {  	v10 =	vld [tilespmem:s13+$0xFFFFFF10];
	_ =	sdelay $0x1  }
0x12e: {  	v16 =	vor.u32 v2, v8;
	_ =	sdelay $0x2  }
0x12f: {  	v9 =	vmax.f32 v9, v10  }
0x130: {  	[tilespmem:v63+s10+$0x0] =	vst.idx.msk $0xffff, v9  }
0x131: {  	v9 =	vld.idx.msk [tilespmem:v16+s10+$0x0], $0xffff  }
0x132: {  	v17 =	vld [tilespmem:s13+$0xFFFFFF20];
	_ =	sdelay $0x1  }
0x133: {  	v18 =	vor.u32 v3, v8;
	_ =	sdelay $0x2  }
0x134: {  	v9 =	vmax.f32 v9, v17  }
0x135: {  	[tilespmem:v16+s10+$0x0] =	vst.idx.msk $0xffff, v9  }
0x136: {  	v9 =	vld.idx.msk [tilespmem:v18+s10+$0x0], $0xffff  }
0x137: {  	v19 =	vld [tilespmem:s13+$0xFFFFFF30];
	_ =	sdelay $0x1  }
0x138: {  	v20 =	vor.u32 v4, v8;
	_ =	sdelay $0x2  }
0x139: {  	v9 =	vmax.f32 v9, v19  }
0x13a: {  	[tilespmem:v18+s10+$0x0] =	vst.idx.msk $0xffff, v9  }
0x13b: {  	v9 =	vld.idx.msk [tilespmem:v20+s10+$0x0], $0xffff  }
0x13c: {  	v21 =	vld [tilespmem:s13+$0xFFFFFF40];
	_ =	sdelay $0x1  }
0x13d: {  	v22 =	vor.u32 v5, v8;
	_ =	sdelay $0x2  }
0x13e: {  	v9 =	vmax.f32 v9, v21  }
0x13f: {  	[tilespmem:v20+s10+$0x0] =	vst.idx.msk $0xffff, v9  }
0x140: {  	v9 =	vld.idx.msk [tilespmem:v22+s10+$0x0], $0xffff  }
0x141: {  	v23 =	vld [tilespmem:s13+$0xFFFFFF50];
	_ =	sdelay $0x1  }
0x142: {  	v24 =	vor.u32 v6, v8;
	_ =	sdelay $0x2  }
0x143: {  	v9 =	vmax.f32 v9, v23  }
0x144: {  	[tilespmem:v22+s10+$0x0] =	vst.idx.msk $0xffff, v9  }
0x145: {  	v9 =	vld.idx.msk [tilespmem:v24+s10+$0x0], $0xffff  }
0x146: {  	v25 =	vld [tilespmem:s13+$0xFFFFFF60];
	_ =	sdelay $0x1  }
0x147: {  	v8 =	vor.u32 v7, v8;
	_ =	sdelay $0x2  }
0x148: {  	v9 =	vmax.f32 v9, v25  }
0x149: {  	s23 =	sadd.s32 $0xFFFFFFF8, s12;
	[tilespmem:v24+s10+$0x0] =	vst.idx.msk $0xffff, v9  }
0x14a: {  	v26 =	vmov s23;
	v9 =	vld.idx.msk [tilespmem:v8+s10+$0x0], $0xffff  }
0x14b: {  	v10 =	vand.u32 $0xFFFFFFF7, v26;
	v11 =	vld [tilespmem:s13+$0xFFFFFF70]  }
0x14c: {  	v10 =	vbroadcast v10, $0x0;
	_ =	sdelay $0x3  }
0x14d: {  	v9 =	vmax.f32 v9, v11  }
0x14e: {  	[tilespmem:v8+s10+$0x0] =	vst.idx.msk $0xffff, v9  }
0x14f: {  	v8 =	vld.idx.msk [tilespmem:v10+s9+$0x0], $0xffff;
	_ =	sdelay $0x4  }
0x150: {  	vm7 =	vlt.s32 v8, $0x0;
	v8 =	vshll.u32 v8, $0x7  }
0x151: {  	v8 =	vsel vm7, $0x4000, v8  }
0x152: {  	v27 =	vor.u32 v0, v8;
	_ =	sdelay $0x3  }
0x153: {  	v29 =	vld [tilespmem:s13+$0xFFFFFF80]  }
0x154: {  	v28 =	vld.idx.msk [tilespmem:v27+s10+$0x0], $0xffff;
	_ =	sdelay $0x1  }
0x155: {  	v30 =	vor.u32 v1, v8;
	_ =	sdelay $0x2  }
0x156: {  	v10 =	vmax.f32 v28, v29  }
0x157: {  	[tilespmem:v27+s10+$0x0] =	vst.idx.msk $0xffff, v10  }
0x158: {  	v9 =	vld.idx.msk [tilespmem:v30+s10+$0x0], $0xffff  }
0x159: {  	v10 =	vld [tilespmem:s13+$0xFFFFFF90];
	_ =	sdelay $0x1  }
0x15a: {  	v31 =	vor.u32 v2, v8;
	_ =	sdelay $0x2  }
0x15b: {  	v9 =	vmax.f32 v9, v10  }
0x15c: {  	[tilespmem:v30+s10+$0x0] =	vst.idx.msk $0xffff, v9  }
0x15d: {  	v9 =	vld.idx.msk [tilespmem:v31+s10+$0x0], $0xffff  }
0x15e: {  	v32 =	vld [tilespmem:s13+$0xFFFFFFA0];
	_ =	sdelay $0x1  }
0x15f: {  	v33 =	vor.u32 v3, v8;
	_ =	sdelay $0x2  }
0x160: {  	v9 =	vmax.f32 v9, v32  }
0x161: {  	[tilespmem:v31+s10+$0x0] =	vst.idx.msk $0xffff, v9  }
0x162: {  	v9 =	vld.idx.msk [tilespmem:v33+s10+$0x0], $0xffff  }
0x163: {  	v34 =	vld [tilespmem:s13+$0xFFFFFFB0];
	_ =	sdelay $0x1  }
0x164: {  	v35 =	vor.u32 v4, v8;
	_ =	sdelay $0x2  }
0x165: {  	v9 =	vmax.f32 v9, v34  }
0x166: {  	[tilespmem:v33+s10+$0x0] =	vst.idx.msk $0xffff, v9  }
0x167: {  	v9 =	vld.idx.msk [tilespmem:v35+s10+$0x0], $0xffff  }
0x168: {  	v36 =	vld [tilespmem:s13+$0xFFFFFFC0];
	_ =	sdelay $0x1  }
0x169: {  	v37 =	vor.u32 v5, v8;
	_ =	sdelay $0x2  }
0x16a: {  	v9 =	vmax.f32 v9, v36  }
0x16b: {  	[tilespmem:v35+s10+$0x0] =	vst.idx.msk $0xffff, v9  }
0x16c: {  	v9 =	vld.idx.msk [tilespmem:v37+s10+$0x0], $0xffff  }
0x16d: {  	v38 =	vld [tilespmem:s13+$0xFFFFFFD0];
	_ =	sdelay $0x1  }
0x16e: {  	v39 =	vor.u32 v6, v8;
	_ =	sdelay $0x2  }
0x16f: {  	v9 =	vmax.f32 v9, v38  }
0x170: {  	[tilespmem:v37+s10+$0x0] =	vst.idx.msk $0xffff, v9  }
0x171: {  	v9 =	vld.idx.msk [tilespmem:v39+s10+$0x0], $0xffff  }
0x172: {  	v40 =	vld [tilespmem:s13+$0xFFFFFFE0];
	_ =	sdelay $0x1  }
0x173: {  	v8 =	vor.u32 v7, v8;
	_ =	sdelay $0x2  }
0x174: {  	v9 =	vmax.f32 v9, v40  }
0x175: {  	s24 =	sadd.s32 $0xFFFFFFF9, s12;
	[tilespmem:v39+s10+$0x0] =	vst.idx.msk $0xffff, v9  }
0x176: {  	v41 =	vmov s24;
	v9 =	vld.idx.msk [tilespmem:v8+s10+$0x0], $0xffff  }
0x177: {  	v10 =	vand.u32 $0xFFFFFFF8, v41;
	v11 =	vld [tilespmem:s13+$0xFFFFFFF0]  }
0x178: {  	v10 =	vbroadcast v10, $0x0;
	_ =	sdelay $0x3  }
0x179: {  	v9 =	vmax.f32 v9, v11  }
0x17a: {  	[tilespmem:v8+s10+$0x0] =	vst.idx.msk $0xffff, v9  }
0x17b: {  	v8 =	vld.idx.msk [tilespmem:v10+s9+$0x0], $0xffff;
	_ =	sdelay $0x4  }
0x17c: {  	vm8 =	vlt.s32 v8, $0x0;
	v8 =	vshll.u32 v8, $0x7  }
0x17d: {  	v8 =	vsel vm8, $0x4000, v8  }
0x17e: {  	v42 =	vor.u32 v0, v8;
	_ =	sdelay $0x3  }
0x17f: {  	v44 =	vld [tilespmem:s13+$0x0]  }
0x180: {  	v43 =	vld.idx.msk [tilespmem:v42+s10+$0x0], $0xffff;
	_ =	sdelay $0x1  }
0x181: {  	v45 =	vor.u32 v1, v8;
	_ =	sdelay $0x2  }
0x182: {  	v10 =	vmax.f32 v43, v44  }
0x183: {  	[tilespmem:v42+s10+$0x0] =	vst.idx.msk $0xffff, v10  }
0x184: {  	v9 =	vld.idx.msk [tilespmem:v45+s10+$0x0], $0xffff  }
0x185: {  	v10 =	vld [tilespmem:s13+$0x10];
	_ =	sdelay $0x1  }
0x186: {  	v46 =	vor.u32 v2, v8;
	_ =	sdelay $0x2  }
0x187: {  	v9 =	vmax.f32 v9, v10  }
0x188: {  	[tilespmem:v45+s10+$0x0] =	vst.idx.msk $0xffff, v9  }
0x189: {  	v9 =	vld.idx.msk [tilespmem:v46+s10+$0x0], $0xffff  }
0x18a: {  	v47 =	vld [tilespmem:s13+$0x20];
	_ =	sdelay $0x1  }
0x18b: {  	v48 =	vor.u32 v3, v8;
	_ =	sdelay $0x2  }
0x18c: {  	v9 =	vmax.f32 v9, v47  }
0x18d: {  	[tilespmem:v46+s10+$0x0] =	vst.idx.msk $0xffff, v9  }
0x18e: {  	v9 =	vld.idx.msk [tilespmem:v48+s10+$0x0], $0xffff  }
0x18f: {  	v49 =	vld [tilespmem:s13+$0x30];
	_ =	sdelay $0x1  }
0x190: {  	v50 =	vor.u32 v4, v8;
	_ =	sdelay $0x2  }
0x191: {  	v9 =	vmax.f32 v9, v49  }
0x192: {  	[tilespmem:v48+s10+$0x0] =	vst.idx.msk $0xffff, v9  }
0x193: {  	v9 =	vld.idx.msk [tilespmem:v50+s10+$0x0], $0xffff  }
0x194: {  	v51 =	vld [tilespmem:s13+$0x40];
	_ =	sdelay $0x1  }
0x195: {  	v52 =	vor.u32 v5, v8;
	_ =	sdelay $0x2  }
0x196: {  	v9 =	vmax.f32 v9, v51  }
0x197: {  	[tilespmem:v50+s10+$0x0] =	vst.idx.msk $0xffff, v9  }
0x198: {  	v9 =	vld.idx.msk [tilespmem:v52+s10+$0x0], $0xffff  }
0x199: {  	v53 =	vld [tilespmem:s13+$0x50];
	_ =	sdelay $0x1  }
0x19a: {  	v54 =	vor.u32 v6, v8;
	_ =	sdelay $0x2  }
0x19b: {  	v9 =	vmax.f32 v9, v53  }
0x19c: {  	[tilespmem:v52+s10+$0x0] =	vst.idx.msk $0xffff, v9  }
0x19d: {  	v9 =	vld.idx.msk [tilespmem:v54+s10+$0x0], $0xffff  }
0x19e: {  	v55 =	vld [tilespmem:s13+$0x60];
	_ =	sdelay $0x1  }
0x19f: {  	v8 =	vor.u32 v7, v8;
	_ =	sdelay $0x2  }
0x1a0: {  	v9 =	vmax.f32 v9, v55  }
0x1a1: {  	s25 =	sadd.s32 $0xFFFFFFFA, s12;
	[tilespmem:v54+s10+$0x0] =	vst.idx.msk $0xffff, v9  }
0x1a2: {  	v56 =	vmov s25;
	v9 =	vld.idx.msk [tilespmem:v8+s10+$0x0], $0xffff  }
0x1a3: {  	v10 =	vand.u32 $0xFFFFFFF9, v56;
	v11 =	vld [tilespmem:s13+$0x70]  }
0x1a4: {  	v10 =	vbroadcast v10, $0x0;
	_ =	sdelay $0x3  }
0x1a5: {  	v9 =	vmax.f32 v9, v11  }
0x1a6: {  	[tilespmem:v8+s10+$0x0] =	vst.idx.msk $0xffff, v9  }
0x1a7: {  	v8 =	vld.idx.msk [tilespmem:v10+s9+$0x0], $0xffff;
	_ =	sdelay $0x4  }
0x1a8: {  	vm9 =	vlt.s32 v8, $0x0;
	v8 =	vshll.u32 v8, $0x7  }
0x1a9: {  	v8 =	vsel vm9, $0x4000, v8  }
0x1aa: {  	v57 =	vor.u32 v0, v8;
	_ =	sdelay $0x3  }
0x1ab: {  	v59 =	vld [tilespmem:s13+$0x80]  }
0x1ac: {  	v58 =	vld.idx.msk [tilespmem:v57+s10+$0x0], $0xffff;
	_ =	sdelay $0x1  }
0x1ad: {  	v60 =	vor.u32 v1, v8;
	_ =	sdelay $0x2  }
0x1ae: {  	v10 =	vmax.f32 v58, v59  }
0x1af: {  	[tilespmem:v57+s10+$0x0] =	vst.idx.msk $0xffff, v10  }
0x1b0: {  	v9 =	vld.idx.msk [tilespmem:v60+s10+$0x0], $0xffff  }
0x1b1: {  	v10 =	vld [tilespmem:s13+$0x90];
	_ =	sdelay $0x1  }
0x1b2: {  	v61 =	vor.u32 v2, v8;
	_ =	sdelay $0x2  }
0x1b3: {  	v9 =	vmax.f32 v9, v10  }
0x1b4: {  	[tilespmem:v60+s10+$0x0] =	vst.idx.msk $0xffff, v9  }
0x1b5: {  	v9 =	vld.idx.msk [tilespmem:v61+s10+$0x0], $0xffff  }
0x1b6: {  	v62 =	vld [tilespmem:s13+$0xA0];
	_ =	sdelay $0x1  }
0x1b7: {  	v63 =	vor.u32 v3, v8;
	_ =	sdelay $0x2  }
0x1b8: {  	v9 =	vmax.f32 v9, v62  }
0x1b9: {  	[tilespmem:v61+s10+$0x0] =	vst.idx.msk $0xffff, v9  }
0x1ba: {  	v9 =	vld.idx.msk [tilespmem:v63+s10+$0x0], $0xffff  }
0x1bb: {  	v15 =	vld [tilespmem:s13+$0xB0];
	_ =	sdelay $0x1  }
0x1bc: {  	v16 =	vor.u32 v4, v8;
	_ =	sdelay $0x2  }
0x1bd: {  	v9 =	vmax.f32 v9, v15  }
0x1be: {  	[tilespmem:v63+s10+$0x0] =	vst.idx.msk $0xffff, v9  }
0x1bf: {  	v9 =	vld.idx.msk [tilespmem:v16+s10+$0x0], $0xffff  }
0x1c0: {  	v17 =	vld [tilespmem:s13+$0xC0];
	_ =	sdelay $0x1  }
0x1c1: {  	v18 =	vor.u32 v5, v8;
	_ =	sdelay $0x2  }
0x1c2: {  	v9 =	vmax.f32 v9, v17  }
0x1c3: {  	[tilespmem:v16+s10+$0x0] =	vst.idx.msk $0xffff, v9  }
0x1c4: {  	v9 =	vld.idx.msk [tilespmem:v18+s10+$0x0], $0xffff  }
0x1c5: {  	v19 =	vld [tilespmem:s13+$0xD0];
	_ =	sdelay $0x1  }
0x1c6: {  	v20 =	vor.u32 v6, v8;
	_ =	sdelay $0x2  }
0x1c7: {  	v9 =	vmax.f32 v9, v19  }
0x1c8: {  	[tilespmem:v18+s10+$0x0] =	vst.idx.msk $0xffff, v9  }
0x1c9: {  	v9 =	vld.idx.msk [tilespmem:v20+s10+$0x0], $0xffff  }
0x1ca: {  	v21 =	vld [tilespmem:s13+$0xE0];
	_ =	sdelay $0x1  }
0x1cb: {  	v8 =	vor.u32 v7, v8;
	_ =	sdelay $0x2  }
0x1cc: {  	v9 =	vmax.f32 v9, v21  }
0x1cd: {  	s26 =	sadd.s32 $0xFFFFFFFB, s12;
	[tilespmem:v20+s10+$0x0] =	vst.idx.msk $0xffff, v9  }
0x1ce: {  	v22 =	vmov s26;
	v9 =	vld.idx.msk [tilespmem:v8+s10+$0x0], $0xffff  }
0x1cf: {  	v10 =	vand.u32 $0xFFFFFFFA, v22;
	v11 =	vld [tilespmem:s13+$0xF0]  }
0x1d0: {  	v10 =	vbroadcast v10, $0x0;
	_ =	sdelay $0x3  }
0x1d1: {  	v9 =	vmax.f32 v9, v11  }
0x1d2: {  	[tilespmem:v8+s10+$0x0] =	vst.idx.msk $0xffff, v9  }
0x1d3: {  	v8 =	vld.idx.msk [tilespmem:v10+s9+$0x0], $0xffff;
	_ =	sdelay $0x4  }
0x1d4: {  	vm10 =	vlt.s32 v8, $0x0;
	v8 =	vshll.u32 v8, $0x7  }
0x1d5: {  	v8 =	vsel vm10, $0x4000, v8  }
0x1d6: {  	v23 =	vor.u32 v0, v8;
	_ =	sdelay $0x3  }
0x1d7: {  	v25 =	vld [tilespmem:s13+$0x100]  }
0x1d8: {  	v24 =	vld.idx.msk [tilespmem:v23+s10+$0x0], $0xffff;
	_ =	sdelay $0x1  }
0x1d9: {  	v26 =	vor.u32 v1, v8;
	_ =	sdelay $0x2  }
0x1da: {  	v10 =	vmax.f32 v24, v25  }
0x1db: {  	[tilespmem:v23+s10+$0x0] =	vst.idx.msk $0xffff, v10  }
0x1dc: {  	v9 =	vld.idx.msk [tilespmem:v26+s10+$0x0], $0xffff  }
0x1dd: {  	v10 =	vld [tilespmem:s13+$0x110];
	_ =	sdelay $0x1  }
0x1de: {  	v27 =	vor.u32 v2, v8;
	_ =	sdelay $0x2  }
0x1df: {  	v9 =	vmax.f32 v9, v10  }
0x1e0: {  	[tilespmem:v26+s10+$0x0] =	vst.idx.msk $0xffff, v9  }
0x1e1: {  	v9 =	vld.idx.msk [tilespmem:v27+s10+$0x0], $0xffff  }
0x1e2: {  	v28 =	vld [tilespmem:s13+$0x120];
	_ =	sdelay $0x1  }
0x1e3: {  	v29 =	vor.u32 v3, v8;
	_ =	sdelay $0x2  }
0x1e4: {  	v9 =	vmax.f32 v9, v28  }
0x1e5: {  	[tilespmem:v27+s10+$0x0] =	vst.idx.msk $0xffff, v9  }
0x1e6: {  	v9 =	vld.idx.msk [tilespmem:v29+s10+$0x0], $0xffff  }
0x1e7: {  	v30 =	vld [tilespmem:s13+$0x130];
	_ =	sdelay $0x1  }
0x1e8: {  	v31 =	vor.u32 v4, v8;
	_ =	sdelay $0x2  }
0x1e9: {  	v9 =	vmax.f32 v9, v30  }
0x1ea: {  	[tilespmem:v29+s10+$0x0] =	vst.idx.msk $0xffff, v9  }
0x1eb: {  	v9 =	vld.idx.msk [tilespmem:v31+s10+$0x0], $0xffff  }
0x1ec: {  	v32 =	vld [tilespmem:s13+$0x140];
	_ =	sdelay $0x1  }
0x1ed: {  	v33 =	vor.u32 v5, v8;
	_ =	sdelay $0x2  }
0x1ee: {  	v9 =	vmax.f32 v9, v32  }
0x1ef: {  	[tilespmem:v31+s10+$0x0] =	vst.idx.msk $0xffff, v9  }
0x1f0: {  	v9 =	vld.idx.msk [tilespmem:v33+s10+$0x0], $0xffff  }
0x1f1: {  	v34 =	vld [tilespmem:s13+$0x150];
	_ =	sdelay $0x1  }
0x1f2: {  	v35 =	vor.u32 v6, v8;
	_ =	sdelay $0x2  }
0x1f3: {  	v9 =	vmax.f32 v9, v34  }
0x1f4: {  	[tilespmem:v33+s10+$0x0] =	vst.idx.msk $0xffff, v9  }
0x1f5: {  	v9 =	vld.idx.msk [tilespmem:v35+s10+$0x0], $0xffff  }
0x1f6: {  	v36 =	vld [tilespmem:s13+$0x160];
	_ =	sdelay $0x1  }
0x1f7: {  	v8 =	vor.u32 v7, v8;
	_ =	sdelay $0x2  }
0x1f8: {  	v9 =	vmax.f32 v9, v36  }
0x1f9: {  	s28 =	sadd.s32 $0xFFFFFFFC, s12;
	[tilespmem:v35+s10+$0x0] =	vst.idx.msk $0xffff, v9  }
0x1fa: {  	v37 =	vmov s28;
	v9 =	vld.idx.msk [tilespmem:v8+s10+$0x0], $0xffff  }
0x1fb: {  	v10 =	vand.u32 $0xFFFFFFFB, v37;
	v11 =	vld [tilespmem:s13+$0x170]  }
0x1fc: {  	v10 =	vbroadcast v10, $0x0;
	_ =	sdelay $0x3  }
0x1fd: {  	v9 =	vmax.f32 v9, v11  }
0x1fe: {  	[tilespmem:v8+s10+$0x0] =	vst.idx.msk $0xffff, v9  }
0x1ff: {  	v8 =	vld.idx.msk [tilespmem:v10+s9+$0x0], $0xffff;
	_ =	sdelay $0x4  }
0x200: {  	vm11 =	vlt.s32 v8, $0x0;
	v8 =	vshll.u32 v8, $0x7  }
0x201: {  	v8 =	vsel vm11, $0x4000, v8  }
0x202: {  	v38 =	vor.u32 v0, v8;
	_ =	sdelay $0x3  }
0x203: {  	v40 =	vld [tilespmem:s13+$0x180]  }
0x204: {  	v39 =	vld.idx.msk [tilespmem:v38+s10+$0x0], $0xffff;
	_ =	sdelay $0x1  }
0x205: {  	v41 =	vor.u32 v1, v8;
	_ =	sdelay $0x2  }
0x206: {  	v10 =	vmax.f32 v39, v40  }
0x207: {  	[tilespmem:v38+s10+$0x0] =	vst.idx.msk $0xffff, v10  }
0x208: {  	v9 =	vld.idx.msk [tilespmem:v41+s10+$0x0], $0xffff  }
0x209: {  	v10 =	vld [tilespmem:s13+$0x190];
	_ =	sdelay $0x1  }
0x20a: {  	v42 =	vor.u32 v2, v8;
	_ =	sdelay $0x2  }
0x20b: {  	v9 =	vmax.f32 v9, v10  }
0x20c: {  	[tilespmem:v41+s10+$0x0] =	vst.idx.msk $0xffff, v9  }
0x20d: {  	v9 =	vld.idx.msk [tilespmem:v42+s10+$0x0], $0xffff  }
0x20e: {  	v43 =	vld [tilespmem:s13+$0x1A0];
	_ =	sdelay $0x1  }
0x20f: {  	v44 =	vor.u32 v3, v8;
	_ =	sdelay $0x2  }
0x210: {  	v9 =	vmax.f32 v9, v43  }
0x211: {  	[tilespmem:v42+s10+$0x0] =	vst.idx.msk $0xffff, v9  }
0x212: {  	v9 =	vld.idx.msk [tilespmem:v44+s10+$0x0], $0xffff  }
0x213: {  	v45 =	vld [tilespmem:s13+$0x1B0];
	_ =	sdelay $0x1  }
0x214: {  	v46 =	vor.u32 v4, v8;
	_ =	sdelay $0x2  }
0x215: {  	v9 =	vmax.f32 v9, v45  }
0x216: {  	[tilespmem:v44+s10+$0x0] =	vst.idx.msk $0xffff, v9  }
0x217: {  	v9 =	vld.idx.msk [tilespmem:v46+s10+$0x0], $0xffff  }
0x218: {  	v47 =	vld [tilespmem:s13+$0x1C0];
	_ =	sdelay $0x1  }
0x219: {  	v48 =	vor.u32 v5, v8;
	_ =	sdelay $0x2  }
0x21a: {  	v9 =	vmax.f32 v9, v47  }
0x21b: {  	[tilespmem:v46+s10+$0x0] =	vst.idx.msk $0xffff, v9  }
0x21c: {  	v9 =	vld.idx.msk [tilespmem:v48+s10+$0x0], $0xffff  }
0x21d: {  	v49 =	vld [tilespmem:s13+$0x1D0];
	_ =	sdelay $0x1  }
0x21e: {  	v50 =	vor.u32 v6, v8;
	_ =	sdelay $0x2  }
0x21f: {  	v9 =	vmax.f32 v9, v49  }
0x220: {  	[tilespmem:v48+s10+$0x0] =	vst.idx.msk $0xffff, v9  }
0x221: {  	v9 =	vld.idx.msk [tilespmem:v50+s10+$0x0], $0xffff  }
0x222: {  	v51 =	vld [tilespmem:s13+$0x1E0];
	_ =	sdelay $0x1  }
0x223: {  	v8 =	vor.u32 v7, v8;
	_ =	sdelay $0x2  }
0x224: {  	v9 =	vmax.f32 v9, v51  }
0x225: {  	s29 =	sadd.s32 $0xFFFFFFFD, s12;
	[tilespmem:v50+s10+$0x0] =	vst.idx.msk $0xffff, v9  }
0x226: {  	v52 =	vmov s29;
	v9 =	vld.idx.msk [tilespmem:v8+s10+$0x0], $0xffff  }
0x227: {  	v10 =	vand.u32 $0xFFFFFFFC, v52;
	v11 =	vld [tilespmem:s13+$0x1F0]  }
0x228: {  	v10 =	vbroadcast v10, $0x0;
	_ =	sdelay $0x3  }
0x229: {  	v9 =	vmax.f32 v9, v11  }
0x22a: {  	[tilespmem:v8+s10+$0x0] =	vst.idx.msk $0xffff, v9  }
0x22b: {  	v8 =	vld.idx.msk [tilespmem:v10+s9+$0x0], $0xffff;
	_ =	sdelay $0x4  }
0x22c: {  	vm12 =	vlt.s32 v8, $0x0;
	v8 =	vshll.u32 v8, $0x7  }
0x22d: {  	v8 =	vsel vm12, $0x4000, v8  }
0x22e: {  	v53 =	vor.u32 v0, v8;
	_ =	sdelay $0x3  }
0x22f: {  	v55 =	vld [tilespmem:s13+$0x200]  }
0x230: {  	v54 =	vld.idx.msk [tilespmem:v53+s10+$0x0], $0xffff;
	_ =	sdelay $0x1  }
0x231: {  	v56 =	vor.u32 v1, v8;
	_ =	sdelay $0x2  }
0x232: {  	v10 =	vmax.f32 v54, v55  }
0x233: {  	[tilespmem:v53+s10+$0x0] =	vst.idx.msk $0xffff, v10  }
0x234: {  	v9 =	vld.idx.msk [tilespmem:v56+s10+$0x0], $0xffff  }
0x235: {  	v10 =	vld [tilespmem:s13+$0x210];
	_ =	sdelay $0x1  }
0x236: {  	v57 =	vor.u32 v2, v8;
	_ =	sdelay $0x2  }
0x237: {  	v9 =	vmax.f32 v9, v10  }
0x238: {  	[tilespmem:v56+s10+$0x0] =	vst.idx.msk $0xffff, v9  }
0x239: {  	v9 =	vld.idx.msk [tilespmem:v57+s10+$0x0], $0xffff  }
0x23a: {  	v58 =	vld [tilespmem:s13+$0x220];
	_ =	sdelay $0x1  }
0x23b: {  	v59 =	vor.u32 v3, v8;
	_ =	sdelay $0x2  }
0x23c: {  	v9 =	vmax.f32 v9, v58  }
0x23d: {  	[tilespmem:v57+s10+$0x0] =	vst.idx.msk $0xffff, v9  }
0x23e: {  	v9 =	vld.idx.msk [tilespmem:v59+s10+$0x0], $0xffff  }
0x23f: {  	v60 =	vld [tilespmem:s13+$0x230];
	_ =	sdelay $0x1  }
0x240: {  	v61 =	vor.u32 v4, v8;
	_ =	sdelay $0x2  }
0x241: {  	v9 =	vmax.f32 v9, v60  }
0x242: {  	[tilespmem:v59+s10+$0x0] =	vst.idx.msk $0xffff, v9  }
0x243: {  	v9 =	vld.idx.msk [tilespmem:v61+s10+$0x0], $0xffff  }
0x244: {  	v62 =	vld [tilespmem:s13+$0x240];
	_ =	sdelay $0x1  }
0x245: {  	v63 =	vor.u32 v5, v8;
	_ =	sdelay $0x2  }
0x246: {  	v9 =	vmax.f32 v9, v62  }
0x247: {  	[tilespmem:v61+s10+$0x0] =	vst.idx.msk $0xffff, v9  }
0x248: {  	v9 =	vld.idx.msk [tilespmem:v63+s10+$0x0], $0xffff  }
0x249: {  	v14 =	vld [tilespmem:s13+$0x250];
	_ =	sdelay $0x1  }
0x24a: {  	v15 =	vor.u32 v6, v8;
	_ =	sdelay $0x2  }
0x24b: {  	v9 =	vmax.f32 v9, v14  }
0x24c: {  	[tilespmem:v63+s10+$0x0] =	vst.idx.msk $0xffff, v9  }
0x24d: {  	v9 =	vld.idx.msk [tilespmem:v15+s10+$0x0], $0xffff  }
0x24e: {  	v16 =	vld [tilespmem:s13+$0x260];
	_ =	sdelay $0x1  }
0x24f: {  	v8 =	vor.u32 v7, v8;
	_ =	sdelay $0x2  }
0x250: {  	v9 =	vmax.f32 v9, v16  }
0x251: {  	s30 =	sadd.s32 $0xFFFFFFFE, s12;
	[tilespmem:v15+s10+$0x0] =	vst.idx.msk $0xffff, v9  }
0x252: {  	v17 =	vmov s30;
	v9 =	vld.idx.msk [tilespmem:v8+s10+$0x0], $0xffff  }
0x253: {  	v10 =	vand.u32 $0xFFFFFFFD, v17;
	v11 =	vld [tilespmem:s13+$0x270]  }
0x254: {  	v10 =	vbroadcast v10, $0x0;
	_ =	sdelay $0x3  }
0x255: {  	v9 =	vmax.f32 v9, v11  }
0x256: {  	[tilespmem:v8+s10+$0x0] =	vst.idx.msk $0xffff, v9  }
0x257: {  	v8 =	vld.idx.msk [tilespmem:v10+s9+$0x0], $0xffff;
	_ =	sdelay $0x4  }
0x258: {  	vm13 =	vlt.s32 v8, $0x0;
	v8 =	vshll.u32 v8, $0x7  }
0x259: {  	v8 =	vsel vm13, $0x4000, v8  }
0x25a: {  	v18 =	vor.u32 v0, v8;
	_ =	sdelay $0x3  }
0x25b: {  	v20 =	vld [tilespmem:s13+$0x280]  }
0x25c: {  	v19 =	vld.idx.msk [tilespmem:v18+s10+$0x0], $0xffff;
	_ =	sdelay $0x1  }
0x25d: {  	v21 =	vor.u32 v1, v8;
	_ =	sdelay $0x2  }
0x25e: {  	v10 =	vmax.f32 v19, v20  }
0x25f: {  	[tilespmem:v18+s10+$0x0] =	vst.idx.msk $0xffff, v10  }
0x260: {  	v9 =	vld.idx.msk [tilespmem:v21+s10+$0x0], $0xffff  }
0x261: {  	v10 =	vld [tilespmem:s13+$0x290];
	_ =	sdelay $0x1  }
0x262: {  	v22 =	vor.u32 v2, v8;
	_ =	sdelay $0x2  }
0x263: {  	v9 =	vmax.f32 v9, v10  }
0x264: {  	[tilespmem:v21+s10+$0x0] =	vst.idx.msk $0xffff, v9  }
0x265: {  	v9 =	vld.idx.msk [tilespmem:v22+s10+$0x0], $0xffff  }
0x266: {  	v23 =	vld [tilespmem:s13+$0x2A0];
	_ =	sdelay $0x1  }
0x267: {  	v24 =	vor.u32 v3, v8;
	_ =	sdelay $0x2  }
0x268: {  	v9 =	vmax.f32 v9, v23  }
0x269: {  	[tilespmem:v22+s10+$0x0] =	vst.idx.msk $0xffff, v9  }
0x26a: {  	v9 =	vld.idx.msk [tilespmem:v24+s10+$0x0], $0xffff  }
0x26b: {  	v25 =	vld [tilespmem:s13+$0x2B0];
	_ =	sdelay $0x1  }
0x26c: {  	v26 =	vor.u32 v4, v8;
	_ =	sdelay $0x2  }
0x26d: {  	v9 =	vmax.f32 v9, v25  }
0x26e: {  	[tilespmem:v24+s10+$0x0] =	vst.idx.msk $0xffff, v9  }
0x26f: {  	v9 =	vld.idx.msk [tilespmem:v26+s10+$0x0], $0xffff  }
0x270: {  	v27 =	vld [tilespmem:s13+$0x2C0];
	_ =	sdelay $0x1  }
0x271: {  	v28 =	vor.u32 v5, v8;
	_ =	sdelay $0x2  }
0x272: {  	v9 =	vmax.f32 v9, v27  }
0x273: {  	[tilespmem:v26+s10+$0x0] =	vst.idx.msk $0xffff, v9  }
0x274: {  	v9 =	vld.idx.msk [tilespmem:v28+s10+$0x0], $0xffff  }
0x275: {  	v29 =	vld [tilespmem:s13+$0x2D0];
	_ =	sdelay $0x1  }
0x276: {  	v30 =	vor.u32 v6, v8;
	_ =	sdelay $0x2  }
0x277: {  	v9 =	vmax.f32 v9, v29  }
0x278: {  	[tilespmem:v28+s10+$0x0] =	vst.idx.msk $0xffff, v9  }
0x279: {  	v9 =	vld.idx.msk [tilespmem:v30+s10+$0x0], $0xffff  }
0x27a: {  	v31 =	vld [tilespmem:s13+$0x2E0];
	_ =	sdelay $0x1  }
0x27b: {  	v8 =	vor.u32 v7, v8;
	_ =	sdelay $0x2  }
0x27c: {  	v9 =	vmax.f32 v9, v31  }
0x27d: {  	s31 =	sadd.s32 $0xFFFFFFFF, s12;
	[tilespmem:v30+s10+$0x0] =	vst.idx.msk $0xffff, v9  }
0x27e: {  	v32 =	vmov s31;
	v9 =	vld.idx.msk [tilespmem:v8+s10+$0x0], $0xffff  }
0x27f: {  	v10 =	vand.u32 $0xFFFFFFFE, v32;
	v11 =	vld [tilespmem:s13+$0x2F0]  }
0x280: {  	v10 =	vbroadcast v10, $0x0;
	_ =	sdelay $0x3  }
0x281: {  	v9 =	vmax.f32 v9, v11  }
0x282: {  	[tilespmem:v8+s10+$0x0] =	vst.idx.msk $0xffff, v9  }
0x283: {  	v8 =	vld.idx.msk [tilespmem:v10+s9+$0x0], $0xffff;
	_ =	sdelay $0x4  }
0x284: {  	vm14 =	vlt.s32 v8, $0x0;
	v8 =	vshll.u32 v8, $0x7  }
0x285: {  	v8 =	vsel vm14, $0x4000, v8  }
0x286: {  	v33 =	vor.u32 v0, v8;
	_ =	sdelay $0x3  }
0x287: {  	v35 =	vld [tilespmem:s13+$0x300]  }
0x288: {  	v34 =	vld.idx.msk [tilespmem:v33+s10+$0x0], $0xffff;
	_ =	sdelay $0x1  }
0x289: {  	v36 =	vor.u32 v1, v8;
	_ =	sdelay $0x2  }
0x28a: {  	v10 =	vmax.f32 v34, v35  }
0x28b: {  	[tilespmem:v33+s10+$0x0] =	vst.idx.msk $0xffff, v10  }
0x28c: {  	v9 =	vld.idx.msk [tilespmem:v36+s10+$0x0], $0xffff  }
0x28d: {  	v10 =	vld [tilespmem:s13+$0x310];
	_ =	sdelay $0x1  }
0x28e: {  	v37 =	vor.u32 v2, v8;
	_ =	sdelay $0x2  }
0x28f: {  	v9 =	vmax.f32 v9, v10  }
0x290: {  	[tilespmem:v36+s10+$0x0] =	vst.idx.msk $0xffff, v9  }
0x291: {  	v9 =	vld.idx.msk [tilespmem:v37+s10+$0x0], $0xffff  }
0x292: {  	v38 =	vld [tilespmem:s13+$0x320];
	_ =	sdelay $0x1  }
0x293: {  	v39 =	vor.u32 v3, v8;
	_ =	sdelay $0x2  }
0x294: {  	v9 =	vmax.f32 v9, v38  }
0x295: {  	[tilespmem:v37+s10+$0x0] =	vst.idx.msk $0xffff, v9  }
0x296: {  	v9 =	vld.idx.msk [tilespmem:v39+s10+$0x0], $0xffff  }
0x297: {  	v40 =	vld [tilespmem:s13+$0x330];
	_ =	sdelay $0x1  }
0x298: {  	v41 =	vor.u32 v4, v8;
	_ =	sdelay $0x2  }
0x299: {  	v9 =	vmax.f32 v9, v40  }
0x29a: {  	[tilespmem:v39+s10+$0x0] =	vst.idx.msk $0xffff, v9  }
0x29b: {  	v9 =	vld.idx.msk [tilespmem:v41+s10+$0x0], $0xffff  }
0x29c: {  	v42 =	vld [tilespmem:s13+$0x340];
	_ =	sdelay $0x1  }
0x29d: {  	v43 =	vor.u32 v5, v8;
	_ =	sdelay $0x2  }
0x29e: {  	v9 =	vmax.f32 v9, v42  }
0x29f: {  	[tilespmem:v41+s10+$0x0] =	vst.idx.msk $0xffff, v9  }
0x2a0: {  	v9 =	vld.idx.msk [tilespmem:v43+s10+$0x0], $0xffff  }
0x2a1: {  	v44 =	vld [tilespmem:s13+$0x350];
	_ =	sdelay $0x1  }
0x2a2: {  	v45 =	vor.u32 v6, v8;
	_ =	sdelay $0x2  }
0x2a3: {  	v9 =	vmax.f32 v9, v44  }
0x2a4: {  	[tilespmem:v43+s10+$0x0] =	vst.idx.msk $0xffff, v9  }
0x2a5: {  	v9 =	vld.idx.msk [tilespmem:v45+s10+$0x0], $0xffff  }
0x2a6: {  	v46 =	vld [tilespmem:s13+$0x360];
	_ =	sdelay $0x1  }
0x2a7: {  	v8 =	vor.u32 v7, v8;
	_ =	sdelay $0x2  }
0x2a8: {  	v9 =	vmax.f32 v9, v46  }
0x2a9: {  	[tilespmem:v45+s10+$0x0] =	vst.idx.msk $0xffff, v9  }
0x2aa: {  	v9 =	vld.idx.msk [tilespmem:v8+s10+$0x0], $0xffff  }
0x2ab: {  	v47 =	vld [tilespmem:s13+$0x370];
	_ =	sdelay $0x1  }
0x2ac: {  	v48 =	vmov s12;
	_ =	sdelay $0x2  }
0x2ad: {  	v9 =	vmax.f32 v9, v47  }
0x2ae: {  	[tilespmem:v8+s10+$0x0] =	vst.idx.msk $0xffff, v9  }
0x2af: {  	v8 =	vld.idx.msk [tilespmem:v48+s9+$0x0], $0xffff;
	_ =	sdelay $0x4  }
0x2b0: {  	vm15 =	vlt.s32 v8, $0x0;
	v8 =	vshll.u32 v8, $0x7  }
0x2b1: {  	v8 =	vsel vm15, $0x4000, v8  }
0x2b2: {  	v49 =	vor.u32 v0, v8;
	_ =	sdelay $0x3  }
0x2b3: {  	v51 =	vld [tilespmem:s13+$0x380]  }
0x2b4: {  	v50 =	vld.idx.msk [tilespmem:v49+s10+$0x0], $0xffff;
	_ =	sdelay $0x1  }
0x2b5: {  	v52 =	vor.u32 v1, v8;
	_ =	sdelay $0x2  }
0x2b6: {  	v10 =	vmax.f32 v50, v51  }
0x2b7: {  	[tilespmem:v49+s10+$0x0] =	vst.idx.msk $0xffff, v10  }
0x2b8: {  	v9 =	vld.idx.msk [tilespmem:v52+s10+$0x0], $0xffff  }
0x2b9: {  	v10 =	vld [tilespmem:s13+$0x390];
	_ =	sdelay $0x1  }
0x2ba: {  	v53 =	vor.u32 v2, v8;
	_ =	sdelay $0x2  }
0x2bb: {  	v9 =	vmax.f32 v9, v10  }
0x2bc: {  	[tilespmem:v52+s10+$0x0] =	vst.idx.msk $0xffff, v9  }
0x2bd: {  	v9 =	vld.idx.msk [tilespmem:v53+s10+$0x0], $0xffff  }
0x2be: {  	v54 =	vld [tilespmem:s13+$0x3A0];
	_ =	sdelay $0x1  }
0x2bf: {  	v55 =	vor.u32 v3, v8;
	_ =	sdelay $0x2  }
0x2c0: {  	v9 =	vmax.f32 v9, v54  }
0x2c1: {  	[tilespmem:v53+s10+$0x0] =	vst.idx.msk $0xffff, v9  }
0x2c2: {  	v9 =	vld.idx.msk [tilespmem:v55+s10+$0x0], $0xffff  }
0x2c3: {  	v56 =	vld [tilespmem:s13+$0x3B0];
	_ =	sdelay $0x1  }
0x2c4: {  	v57 =	vor.u32 v4, v8;
	_ =	sdelay $0x2  }
0x2c5: {  	v9 =	vmax.f32 v9, v56  }
0x2c6: {  	[tilespmem:v55+s10+$0x0] =	vst.idx.msk $0xffff, v9  }
0x2c7: {  	v9 =	vld.idx.msk [tilespmem:v57+s10+$0x0], $0xffff  }
0x2c8: {  	v58 =	vld [tilespmem:s13+$0x3C0];
	_ =	sdelay $0x1  }
0x2c9: {  	v59 =	vor.u32 v5, v8;
	_ =	sdelay $0x2  }
0x2ca: {  	v9 =	vmax.f32 v9, v58  }
0x2cb: {  	[tilespmem:v57+s10+$0x0] =	vst.idx.msk $0xffff, v9  }
0x2cc: {  	v9 =	vld.idx.msk [tilespmem:v59+s10+$0x0], $0xffff  }
0x2cd: {  	v60 =	vld [tilespmem:s13+$0x3D0];
	_ =	sdelay $0x1  }
0x2ce: {  	v61 =	vor.u32 v6, v8;
	_ =	sdelay $0x2  }
0x2cf: {  	v9 =	vmax.f32 v9, v60  }
0x2d0: {  	[tilespmem:v59+s10+$0x0] =	vst.idx.msk $0xffff, v9  }
0x2d1: {  	v9 =	vld.idx.msk [tilespmem:v61+s10+$0x0], $0xffff  }
0x2d2: {  	v62 =	vld [tilespmem:s13+$0x3E0];
	_ =	sdelay $0x1  }
0x2d3: {  	v8 =	vor.u32 v7, v8;
	_ =	sdelay $0x2  }
0x2d4: {  	v9 =	vmax.f32 v9, v62  }
0x2d5: {  	[tilespmem:v61+s10+$0x0] =	vst.idx.msk $0xffff, v9  }
0x2d6: {  	v9 =	vld.idx.msk [tilespmem:v8+s10+$0x0], $0xffff  }
0x2d7: {  	v63 =	vld [tilespmem:s13+$0x3F0]  }
0x2d8: {  	p0 =	sne.s32 s12, $0x13F  }
.Ltmp0:
0x2d9: {  	_ = 	snop;
	(pc) =	sbr.rel @p0 .LBB2_2-.Ltmp0, $3  }
0x2da: {  	_ =	sdelay $0x1  }
0x2db: {  	v9 =	vmax.f32 v9, v63  }
0x2dc: {  	s12 =	sadd.s32 $0x10, s12;
	s13 =	sadd.s32 $0x800, s13;
	[tilespmem:v8+s10+$0x0] =	vst.idx.msk $0xffff, v9  }
0x2dd: {  	s11 =	sadd.s32 $0x1, s11  }
0x2de: {  	p0 =	sne.s32 s11, s7  }
.Ltmp1:
0x2df: {  	_ = 	snop;
	(pc) =	sbr.rel @p0 .LBB2_1-.Ltmp1, $4  }
0x2e0: {  	[hbm4b:s6+s2] =	stream.linear.scatter [tilespmem:s10], [sflag:$0x1], $0x4000, $0x38;
	[tilespmem:$0xE580] =	vst v63  }
0x2e1: {  	_ =	swait.ge [sflag:s8], $0x4000  }
0x2e2: {  	[sflag:s8] =	ssyncset.done $0x0  }
0x2e3: {  	[sflag:s8] =	ssyncadd.s32 $0xFFFFC000  }
0x2e4: {  	_ =	sfence.sel $0x180000  }
0x2e5: {  	[bflag:$0x0] =	sbarrier.arrive $0xFFFF  }
0x2e6: {  	p0 =	sne.s32 s0, $0x0;
	_ =	strace $0x90000050  }
0x2e7: {  	s0 =	sadd.s32 @!p0 $0x100000, s1;
	[bflag:$0x2] =	sbarrier.arrive $0xFFFF  }
0x2e8: {  	[sflag:s0] =	ssyncadd.tile.s32 @!p0 $0x1;
	_ =	shalt  }
.Lfunc_end2:
_tile_overlayer_lowered:
.L_overlay_start_2:
0x2e9: {  	(tag) =	ssettag $0x2  }
0x2ea: {  	s0 =	rddreg [dreg:$0x0];
	s2 =	stileid.u32  }
0x2eb: {  	s1 =	rddreg [dreg:$0x1];
	p0 =	sne.s32 s2, $0x0  }
0x2ec: {  	s3 =	rddreg [dreg:$0x2];
	[bflag:$0x3] =	sbarrier.arrive $0xFFFF;
	s2 =	simm.s32 @!p0 $0x1C01  }
0x2ed: {  	[timem:s3], [sflag:s2] =	dma.local @!p0 [hbm:s0], s1  }
0x2ee: {  	s0 =	simm.s32 @!p0 $0x1  }
0x2ef: {  	_ =	swait.ge @!p0 [sflag:s0], s1  }
0x2f0: {  	s1 =	ssub.s32 @!p0 $0x0, s1;
	[sflag:s0] =	ssyncset.done @!p0 $0x0  }
0x2f1: {  	[sflag:s0] =	ssyncadd.s32 @!p0 s1  }
0x2f2: {  	[bflag:$0x3] =	sbarrier.arrive $0xFFFF  }
0x2f3: {  	_ =	shalt  }

</sc_bundles>
